<compile_context>
chip_gen: v7x
topology: tpu7x:2x2x1
jax: 0.10.2.dev20260603
libtpu: 0.0.44.dev20260713+nightly
codegen_flags: <defaults>
</compile_context>

<pallas_src>
import dataclasses
import functools

import jax
import jax.numpy as jnp
from jax import lax
from jax.experimental import pallas as pl
from jax.experimental.pallas import tpu as pltpu
from jax.experimental.pallas import tpu_sc as plsc

N_NODES = 10000
N_RELS = 500
N_EDGES = 320000
IN_FEATS = 128
OUT_FEATS = 128
H = 8
DH = 16
ALPHA = 0.15
HOP_NUM = 3
NEG_SLOPE = 0.2

L = 16
NC = 2
NS = 16
NW = NC * NS

NT = 10240
RPAD = 512
EPAD = 327680
BLK = 128
NBLK = EPAD // BLK
BPW = NBLK // NW
BPS = NBLK // NS
NPASS = 4
BPH = BPS // NPASS
NPAIR = BPH // 2
RPS = NT // NS
CHUNKS = RPS // BLK

_mesh = plsc.VectorSubcoreMesh(core_axis_name="c", subcore_axis_name="s")

_sc_params = pltpu.CompilerParams(use_tc_tiling_on_sc=False)
if "needs_layout_passes" in pltpu.CompilerParams.__dataclass_fields__:
    _sc_params = dataclasses.replace(_sc_params, needs_layout_passes=False)

_f32 = jnp.float32
_i32 = jnp.int32



def _tc_ent_body(x_ref, wt_ref, m1_ref, m2_ref, f_ref, t_ref, ts_ref):
    f = jnp.dot(x_ref[...], wt_ref[...], preferred_element_type=_f32)
    f_ref[...] = f
    t_ref[...] = jnp.dot(f, m1_ref[...], preferred_element_type=_f32)
    ts_ref[...] = jnp.dot(f, m2_ref[...], preferred_element_type=_f32)


def _tc_rel_body(x_ref, wt_ref, mr_ref, wts_ref, er_ref, rst_ref):
    f = jnp.dot(x_ref[...], wt_ref[...], preferred_element_type=_f32)
    er_ref[...] = jnp.dot(f, mr_ref[...], preferred_element_type=_f32)
    rst_ref[...] = x_ref[...] + jnp.dot(x_ref[...], wts_ref[...],
                                        preferred_element_type=_f32)


def _tc_out_body(f0_ref, f1_ref, ent_ref, wo_ref, w1_ref, b1_ref, w2_ref,
                 b2_ref, o_ref):
    feat = jnp.concatenate([f0_ref[0], f1_ref[0]], axis=-1)
    y = jnp.dot(feat, wo_ref[...],
                preferred_element_type=_f32) + ent_ref[...]
    ff = jnp.maximum(
        jnp.dot(y, w1_ref[...], preferred_element_type=_f32) + b1_ref[...],
        0.0)
    o_ref[...] = y + jnp.dot(ff, w2_ref[...],
                             preferred_element_type=_f32) + b2_ref[...]


def _tc_ent(x, wt, m1, m2, block=512):
    n = x.shape[0]
    grid = (n // block,)
    full = lambda a: pl.BlockSpec(a.shape, lambda i: (0,) * a.ndim)
    return pl.pallas_call(
        _tc_ent_body,
        grid=grid,
        in_specs=[pl.BlockSpec((block, IN_FEATS), lambda i: (i, 0)),
                  full(wt), full(m1), full(m2)],
        out_specs=[pl.BlockSpec((block, OUT_FEATS), lambda i: (i, 0)),
                   pl.BlockSpec((block, L), lambda i: (i, 0)),
                   pl.BlockSpec((block, L), lambda i: (i, 0))],
        out_shape=[jax.ShapeDtypeStruct((n, OUT_FEATS), _f32),
                   jax.ShapeDtypeStruct((n, L), _f32),
                   jax.ShapeDtypeStruct((n, L), _f32)],
    )(x, wt, m1, m2)


def _tc_rel(x, wt, mr, wts):
    n = x.shape[0]
    full = lambda a: pl.BlockSpec(a.shape, lambda: (0,) * a.ndim)
    return pl.pallas_call(
        _tc_rel_body,
        in_specs=[full(x), full(wt), full(mr), full(wts)],
        out_specs=[pl.BlockSpec((n, L), lambda: (0, 0)),
                   pl.BlockSpec((n, IN_FEATS), lambda: (0, 0))],
        out_shape=[jax.ShapeDtypeStruct((n, L), _f32),
                   jax.ShapeDtypeStruct((n, IN_FEATS), _f32)],
    )(x, wt, mr, wts)


def _tc_out(halves, ent, wo, w1t, b1, w2t, b2, block=512):
    n = ent.shape[0]
    full = lambda a: pl.BlockSpec(a.shape, lambda i: (0,) * a.ndim)
    return pl.pallas_call(
        _tc_out_body,
        grid=(n // block,),
        in_specs=[pl.BlockSpec((1, block, 64), lambda i: (0, i, 0)),
                  pl.BlockSpec((1, block, 64), lambda i: (1, i, 0)),
                  pl.BlockSpec((block, IN_FEATS), lambda i: (i, 0)),
                  full(wo), full(w1t), full(b1), full(w2t), full(b2)],
        out_specs=pl.BlockSpec((block, OUT_FEATS), lambda i: (i, 0)),
        out_shape=jax.ShapeDtypeStruct((n, OUT_FEATS), _f32),
    )(halves, halves, ent, wo, w1t, b1, w2t, b2)



def _sc_a_body(t_hbm, er_hbm, src_hbm, dst_hbm, lbl_hbm, z16_hbm,
               w_hbm, spart_hbm,
               s_s,
               src_t, dst_t, lbl_t,
               tsrc0, tsrc1, tdst0, tdst1, erb0, erb1, wb0, wb1,
               g10, g11, g20, g21, g30, g31, ss0, ss1, ws0, ws1):
    c = lax.axis_index("c")
    s = lax.axis_index("s")
    wid = s * NC + c
    r0 = s * RPS

    @pl.loop(0, CHUNKS)
    def _(i):
        pltpu.sync_copy(z16_hbm, s_s.at[pl.ds(r0 + i * BLK, BLK)])

    b0 = wid * BPW
    pltpu.sync_copy(src_hbm.at[pl.ds(b0, BPW)], src_t)
    pltpu.sync_copy(dst_hbm.at[pl.ds(b0, BPW)], dst_t)
    pltpu.sync_copy(lbl_hbm.at[pl.ds(b0, BPW)], lbl_t)
    plsc.subcore_barrier()

    swap_idx = jnp.bitwise_xor(lax.iota(_i32, L), 8)
    tsrcs = (tsrc0, tsrc1)
    tdsts = (tdst0, tdst1)
    erbs = (erb0, erb1)
    wbs = (wb0, wb1)
    g1s, g2s, g3s = (g10, g11), (g20, g21), (g30, g31)
    ssems, wsems = (ss0, ss1), (ws0, ws1)

    for b in range(2):
        pltpu.async_copy(t_hbm.at[src_t.at[b]], tsrcs[b], g1s[b])
        pltpu.async_copy(t_hbm.at[dst_t.at[b]], tdsts[b], g2s[b])
        pltpu.async_copy(er_hbm.at[lbl_t.at[b]], erbs[b], g3s[b])

    @pl.loop(0, BPW // 2)
    def _(q):
        for b in range(2):
            j = 2 * q + b

            @pl.when(q > 0)
            def _():
                pltpu.make_async_copy(z16_hbm, wbs[b], ssems[b]).wait()
                pltpu.make_async_copy(z16_hbm, wbs[b], wsems[b]).wait()

            pltpu.make_async_copy(z16_hbm, tsrcs[b], g1s[b]).wait()
            pltpu.make_async_copy(z16_hbm, tdsts[b], g2s[b]).wait()
            pltpu.make_async_copy(z16_hbm, erbs[b], g3s[b]).wait()
            tsrc, tdst, erb, wb = tsrcs[b], tdsts[b], erbs[b], wbs[b]

            @plsc.parallel_loop(0, BLK, unroll=4)
            def _(e):
                row_idx = jnp.full((L,), e, _i32)
                td = plsc.load_gather(tdst, [row_idx, swap_idx])
                x = tsrc[e] + td + erb[e]
                x = jnp.where(x >= 0.0, x, NEG_SLOPE * x)
                wb[e] = jnp.exp(x)

            @pl.when(q < BPW // 2 - 1)
            def _():
                pltpu.async_copy(t_hbm.at[src_t.at[j + 2]], tsrcs[b],
                                 g1s[b])
                pltpu.async_copy(t_hbm.at[dst_t.at[j + 2]], tdsts[b],
                                 g2s[b])
                pltpu.async_copy(er_hbm.at[lbl_t.at[j + 2]], erbs[b],
                                 g3s[b])

            pltpu.async_copy(wb, s_s.at[dst_t.at[j]], ssems[b], add=True)
            pltpu.async_copy(wb, w_hbm.at[pl.ds((b0 + j) * BLK, BLK)],
                             wsems[b])

    for b in range(2):
        pltpu.make_async_copy(z16_hbm, wbs[b], ssems[b]).wait()
        pltpu.make_async_copy(z16_hbm, wbs[b], wsems[b]).wait()

    plsc.subcore_barrier()
    pltpu.sync_copy(s_s.at[pl.ds(r0, RPS)],
                    spart_hbm.at[c].at[pl.ds(r0, RPS)])


def _sc_a(t_p, er_p, srcb, dstb, lblb, z16):
    f = pl.kernel(
        _sc_a_body,
        out_type=[jax.ShapeDtypeStruct((EPAD, L), _f32),
                  jax.ShapeDtypeStruct((NC, NT, L), _f32)],
        mesh=_mesh,
        compiler_params=_sc_params,
        scratch_types=([pltpu.VMEM_SHARED((NT, L), _f32)]
                       + [pltpu.VMEM((BPW, BLK), _i32)] * 3
                       + [pltpu.VMEM((BLK, L), _f32)] * 8
                       + [pltpu.SemaphoreType.DMA] * 10),
    )
    return f(t_p, er_p, srcb, dstb, lblb, z16)



def _sc_b_body(w_hbm, spart_hbm, dst_hbm, z16_hbm, a_hbm, s_hbm,
               dst_t, wb0, wb1, sb0, sb1, ab0, ab1, m0, m1,
               l0, l1, g0, g1, o0, o1):
    c = lax.axis_index("c")
    s = lax.axis_index("s")
    wid = s * NC + c
    r0 = s * RPS
    pltpu.sync_copy(spart_hbm.at[0].at[pl.ds(r0, RPS)], m0)
    pltpu.sync_copy(spart_hbm.at[1].at[pl.ds(r0, RPS)], m1)

    @plsc.parallel_loop(0, RPS, unroll=8)
    def _(i):
        m0[i] = m0[i] + m1[i]

    pltpu.sync_copy(m0, s_hbm.at[pl.ds(r0, RPS)])
    b0 = wid * BPW
    pltpu.sync_copy(dst_hbm.at[pl.ds(b0, BPW)], dst_t)
    plsc.subcore_barrier()

    wbs, sbs, abs_ = (wb0, wb1), (sb0, sb1), (ab0, ab1)
    lsems, gsems, osems = (l0, l1), (g0, g1), (o0, o1)

    for b in range(2):
        pltpu.async_copy(w_hbm.at[pl.ds((b0 + b) * BLK, BLK)], wbs[b],
                         lsems[b])
        pltpu.async_copy(s_hbm.at[dst_t.at[b]], sbs[b], gsems[b])

    @pl.loop(0, BPW // 2)
    def _(q):
        for b in range(2):
            j = 2 * q + b

            @pl.when(q > 0)
            def _():
                pltpu.make_async_copy(z16_hbm, abs_[b], osems[b]).wait()

            pltpu.make_async_copy(z16_hbm, wbs[b], lsems[b]).wait()
            pltpu.make_async_copy(z16_hbm, sbs[b], gsems[b]).wait()
            wb, sb, ab = wbs[b], sbs[b], abs_[b]

            @plsc.parallel_loop(0, BLK, unroll=8)
            def _(e):
                ab[e] = wb[e] / (sb[e] + 1e-16)

            pltpu.async_copy(ab, a_hbm.at[pl.ds((b0 + j) * BLK, BLK)],
                             osems[b])

            @pl.when(q < BPW // 2 - 1)
            def _():
                pltpu.async_copy(w_hbm.at[pl.ds((b0 + j + 2) * BLK, BLK)],
                                 wbs[b], lsems[b])
                pltpu.async_copy(s_hbm.at[dst_t.at[j + 2]], sbs[b],
                                 gsems[b])

    for b in range(2):
        pltpu.make_async_copy(z16_hbm, abs_[b], osems[b]).wait()


def _sc_b(w_h, spart, dstb, z16):
    f = pl.kernel(
        _sc_b_body,
        out_type=[jax.ShapeDtypeStruct((EPAD, L), _f32),
                  jax.ShapeDtypeStruct((NT, L), _f32)],
        mesh=_mesh,
        compiler_params=_sc_params,
        scratch_types=([pltpu.VMEM((BPW, BLK), _i32)]
                       + [pltpu.VMEM((BLK, L), _f32)] * 6
                       + [pltpu.VMEM((RPS, L), _f32)] * 2
                       + [pltpu.SemaphoreType.DMA] * 6),
    )
    return f(w_h, spart, dstb, z16)[0]



def _sc_c_body(feat0_hbm, a_hbm, src_hbm, dst_hbm, z64_hbm, out_hbm,
               fc_s, ag_s,
               src_t, dst_t, gat0, gat1, msg0, msg1, ab0, ab1,
               gsem0, gsem1, asem0, asem1, ssem0, ssem1):
    c = lax.axis_index("c")
    s = lax.axis_index("s")
    r0 = s * RPS
    col0 = c * 64
    pltpu.sync_copy(feat0_hbm.at[pl.ds(r0, RPS), pl.ds(col0, 64)],
                    fc_s.at[pl.ds(r0, RPS)])

    @pl.loop(0, CHUNKS)
    def _(i):
        pltpu.sync_copy(z64_hbm, ag_s.at[pl.ds(r0 + i * BLK, BLK)])

    plsc.subcore_barrier()

    lane_vecs = [jnp.full((L,), c * 4 + hh, _i32) for hh in range(4)]
    gats = (gat0, gat1)
    msgs = (msg0, msg1)
    abs_ = (ab0, ab1)
    gsems = (gsem0, gsem1)
    asems = (asem0, asem1)
    ssems = (ssem0, ssem1)

    for _hop in range(HOP_NUM):
        @pl.loop(0, NPASS)
        def _(p):
            b0 = s * BPS + p * BPH
            pltpu.sync_copy(src_hbm.at[pl.ds(b0, BPH)], src_t)
            pltpu.sync_copy(dst_hbm.at[pl.ds(b0, BPH)], dst_t)
            for b in range(2):
                pltpu.async_copy(fc_s.at[src_t.at[b]], gats[b], gsems[b])
                pltpu.async_copy(a_hbm.at[pl.ds((b0 + b) * BLK, BLK)],
                                 abs_[b], asems[b])

            @pl.loop(0, NPAIR)
            def _(q):
                for b in range(2):
                    j = 2 * q + b
                    @pl.when(q > 0)
                    def _():
                        pltpu.make_async_copy(z64_hbm, msgs[b],
                                              ssems[b]).wait()
                    pltpu.make_async_copy(z64_hbm, gats[b], gsems[b]).wait()
                    pltpu.make_async_copy(z64_hbm.at[:, pl.ds(0, L)],
                                          abs_[b], asems[b]).wait()

                    gat = gats[b]
                    msg = msgs[b]
                    ab = abs_[b]

                    @plsc.parallel_loop(0, BLK, unroll=4)
                    def _(e):
                        row_idx = jnp.full((L,), e, _i32)
                        for hh in range(4):
                            av = plsc.load_gather(ab,
                                                  [row_idx, lane_vecs[hh]])
                            sl = pl.ds(hh * L, L)
                            msg[e, sl] = gat[e, sl] * av

                    @pl.when(q < NPAIR - 1)
                    def _():
                        pltpu.async_copy(fc_s.at[src_t.at[j + 2]],
                                         gats[b], gsems[b])
                        pltpu.async_copy(
                            a_hbm.at[pl.ds((b0 + j + 2) * BLK, BLK)],
                            abs_[b], asems[b])

                    pltpu.async_copy(msg, ag_s.at[dst_t.at[j]], ssems[b],
                                     add=True)

            for b in range(2):
                pltpu.make_async_copy(z64_hbm, msgs[b], ssems[b]).wait()

        plsc.subcore_barrier()

        @pl.loop(0, CHUNKS)
        def _(i):
            rr = r0 + i * BLK
            pltpu.sync_copy(ag_s.at[pl.ds(rr, BLK)], gat0)
            pltpu.sync_copy(feat0_hbm.at[pl.ds(rr, BLK), pl.ds(col0, 64)],
                            msg0)

            @plsc.parallel_loop(0, BLK, unroll=4)
            def _(e):
                for hh in range(4):
                    sl = pl.ds(hh * L, L)
                    gat0[e, sl] = ((1.0 - ALPHA) * gat0[e, sl]
                                   + ALPHA * msg0[e, sl])

            pltpu.sync_copy(gat0, fc_s.at[pl.ds(rr, BLK)])
            pltpu.sync_copy(z64_hbm, ag_s.at[pl.ds(rr, BLK)])

        plsc.subcore_barrier()

    pltpu.sync_copy(fc_s.at[pl.ds(r0, RPS)],
                    out_hbm.at[c].at[pl.ds(r0, RPS)])


def _sc_c(feat0_p, a_h, srcb, dstb, z64):
    f = pl.kernel(
        _sc_c_body,
        out_type=jax.ShapeDtypeStruct((NC, NT, 64), _f32),
        mesh=_mesh,
        compiler_params=_sc_params,
        scratch_types=([pltpu.VMEM_SHARED((NT, 64), _f32)] * 2
                       + [pltpu.VMEM((BPH, BLK), _i32)] * 2
                       + [pltpu.VMEM((BLK, 64), _f32)] * 4
                       + [pltpu.VMEM((BLK, L), _f32)] * 2
                       + [pltpu.SemaphoreType.DMA] * 6),
    )
    return f(feat0_p, a_h, srcb, dstb, z64)



def kernel(ent_embed, rel_embed, edge_index, e_label, W_ent, W_rel, W_ent_out,
           attn_h, attn_t, attn_r, w1, b1, w2, b2, rw_ent_1, rw_ent_2, rw_rel):
    src = edge_index[0].astype(_i32)
    dst = edge_index[1].astype(_i32)
    lbl = e_label.astype(_i32)

    eye = jnp.eye(H, dtype=_f32)
    mk = lambda a: (eye[:, None, :] * a[0][:, :, None]).reshape(IN_FEATS, H)
    mh, mt, mr = mk(attn_h), mk(attn_t), mk(attn_r)
    m1 = jnp.concatenate([mh, mt], axis=1)
    m2 = jnp.concatenate([mt, mh], axis=1)
    mrp = jnp.concatenate([mr, jnp.zeros((IN_FEATS, H), _f32)], axis=1)

    ent_p = jnp.pad(ent_embed, ((0, NT - N_NODES), (0, 0)))
    feat0_p, t_p, _ = _tc_ent(ent_p, W_ent.T, m1, m2)

    rel_p = jnp.pad(rel_embed, ((0, RPAD - N_RELS), (0, 0)))
    er_p, rel_rst_p = _tc_rel(rel_p, W_rel.T, mrp, W_rel.T * rw_rel[0])
    rel_rst = rel_rst_p[:N_RELS]

    npad = EPAD - N_EDGES
    srcb = jnp.concatenate([src, jnp.full((npad,), N_NODES, _i32)]
                           ).reshape(NBLK, BLK)
    dstb = jnp.concatenate([dst, jnp.full((npad,), N_NODES, _i32)]
                           ).reshape(NBLK, BLK)
    lblb = jnp.concatenate([lbl, jnp.zeros((npad,), _i32)]).reshape(NBLK, BLK)

    z16 = jnp.zeros((BLK, L), _f32)
    z64 = jnp.zeros((BLK, 64), _f32)
    w_h, spart = _sc_a(t_p, er_p, srcb, dstb, lblb, z16)
    a_h = _sc_b(w_h, spart, dstb, z16)
    halves = _sc_c(feat0_p, a_h, srcb, dstb, z64)

    ent_rst_p = _tc_out(halves, ent_p, W_ent_out.T * rw_ent_1[0],
                        w1.T, b1.reshape(1, -1),
                        w2.T * rw_ent_2[0], (b2 * rw_ent_2[0]).reshape(1, -1))
    return ent_rst_p[:N_NODES], rel_rst

# --- scband reference (transcript-rebuilt; emitter-appended) ---
"""Pipeline reference for scband-gtransformerlayer-19859928777156 (READ-ONLY COPY).

The authoritative reference and input builder live on the scoring server;
editing this copy changes nothing except your own understanding.
"""

import jax, jax.numpy as jnp
import numpy as np

N_NODES = 10000
N_RELS = 500
N_EDGES = 320000
IN_FEATS = 128
OUT_FEATS = 128
H = 8
DH = OUT_FEATS // H
ALPHA = 0.15
HOP_NUM = 3
NEG_SLOPE = 0.2


def setup_inputs(seed: int = 0) -> dict:
    key = jax.random.key(seed)
    ks = jax.random.split(key, 16)
    ent_embed = jax.random.normal(ks[0], (N_NODES, IN_FEATS), dtype=jnp.float32)
    rel_embed = jax.random.normal(ks[1], (N_RELS, IN_FEATS), dtype=jnp.float32)
    edge_index = jax.random.randint(ks[2], (2, N_EDGES), 0, N_NODES, dtype=jnp.int64 if jax.config.jax_enable_x64 else jnp.int32)
    e_label = jax.random.randint(ks[3], (N_EDGES,), 0, N_RELS, dtype=jnp.int64 if jax.config.jax_enable_x64 else jnp.int32)
    # learned params (torch nn.Linear convention: W is [out, in], y = x @ W.T)
    W_ent = jax.random.normal(ks[4], (OUT_FEATS, IN_FEATS), dtype=jnp.float32) * 0.05
    W_rel = jax.random.normal(ks[5], (OUT_FEATS, IN_FEATS), dtype=jnp.float32) * 0.05
    W_ent_out = jax.random.normal(ks[6], (OUT_FEATS, OUT_FEATS), dtype=jnp.float32) * 0.05
    attn_h = jax.random.normal(ks[7], (1, H, DH), dtype=jnp.float32) * 0.1
    attn_t = jax.random.normal(ks[8], (1, H, DH), dtype=jnp.float32) * 0.1
    attn_r = jax.random.normal(ks[9], (1, H, DH), dtype=jnp.float32) * 0.1
    w1 = jax.random.normal(ks[10], (4 * OUT_FEATS, OUT_FEATS), dtype=jnp.float32) * 0.05
    b1 = jnp.zeros((4 * OUT_FEATS,), dtype=jnp.float32)
    w2 = jax.random.normal(ks[11], (OUT_FEATS, 4 * OUT_FEATS), dtype=jnp.float32) * 0.05
    b2 = jnp.zeros((OUT_FEATS,), dtype=jnp.float32)
    # resweights are 0.0 at torch init; use small nonzero to avoid degenerate DCE
    rw_ent_1 = jnp.asarray([0.1], dtype=jnp.float32)
    rw_ent_2 = jnp.asarray([0.1], dtype=jnp.float32)
    rw_rel = jnp.asarray([0.1], dtype=jnp.float32)
    return {
        'ent_embed': ent_embed, 'rel_embed': rel_embed,
        'edge_index': edge_index, 'e_label': e_label,
        'W_ent': W_ent, 'W_rel': W_rel, 'W_ent_out': W_ent_out,
        'attn_h': attn_h, 'attn_t': attn_t, 'attn_r': attn_r,
        'w1': w1, 'b1': b1, 'w2': w2, 'b2': b2,
        'rw_ent_1': rw_ent_1, 'rw_ent_2': rw_ent_2, 'rw_rel': rw_rel,
    }


def _leaky_relu(x, slope):
    return jnp.where(x >= 0, x, slope * x)


def reference(ent_embed, rel_embed, edge_index, e_label, W_ent, W_rel, W_ent_out,
              attn_h, attn_t, attn_r, w1, b1, w2, b2, rw_ent_1, rw_ent_2, rw_rel):
    src = edge_index[0]
    dst = edge_index[1]
    N = ent_embed.shape[0]
    # linear projections (dropout layers are identity in eval / p=0)
    rel_feat = (rel_embed @ W_rel.T).reshape(-1, H, DH)
    ent_feat = (ent_embed @ W_ent.T).reshape(-1, H, DH)
    eh = jnp.sum(ent_feat * attn_h, axis=-1)      # [N, H]
    et = jnp.sum(ent_feat * attn_t, axis=-1)      # [N, H]
    er_rel = jnp.sum(rel_feat * attn_r, axis=-1)  # [R, H]
    er = er_rel[e_label]                           # [E, H] gather by relation id
    # edge attention logits
    e = _leaky_relu(eh[src] + et[dst] + er, NEG_SLOPE)  # [E, H]
    # edge_softmax over incoming edges of each dst node
    e_max = jax.ops.segment_max(e, dst, num_segments=N)  # [N, H]
    e_exp = jnp.exp(e - e_max[dst])
    e_sum = jax.ops.segment_sum(e_exp, dst, num_segments=N)
    a = e_exp / (e_sum[dst] + 1e-16)               # [E, H]
    a = a[:, :, None]                              # [E, H, 1]
    # personalized page-rank style propagation
    feat_0 = ent_feat
    feat = feat_0
    for _ in range(HOP_NUM):
        msg = feat[src] * a                        # gather + weight
        agg = jax.ops.segment_sum(msg, dst, num_segments=N)  # scatter-add
        feat = (1.0 - ALPHA) * agg + ALPHA * feat_0
    ent_rst = feat.reshape(N, -1)
    rel_rst = rel_feat.reshape(rel_embed.shape[0], -1)
    ent_rst = (ent_rst @ W_ent_out.T) * rw_ent_1[0]
    ent_rst = ent_embed + ent_rst                  # res_fc_ent is Identity (in==out)
    rel_rst = rel_embed + rw_rel[0] * rel_rst      # res_fc_rel is Identity (in==out)
    ff = (jax.nn.relu(ent_rst @ w1.T + b1) @ w2.T + b2) * rw_ent_2[0]
    ent_rst = ent_rst + ff
    return (ent_rst, rel_rst)

if __name__ == "__main__":
    import jax
    _d = setup_inputs()
    print(jax.jit(kernel)(*tuple(_d.values())))

</pallas_src>

<mosaic_0001>
#map = affine_map<(d0, d1) -> (0, 0)>
#map1 = affine_map<(d0, d1) -> (0, 0, 0)>
module attributes {stable_mosaic.version = 14 : i64} {
  func.func @_sc_b_body(%arg0: i32, %arg1: i32, %arg2: memref<327680x16xf32, #tpu.memory_space<hbm>>, %arg3: memref<2x10240x16xf32, #tpu.memory_space<hbm>>, %arg4: memref<2560x128xi32, #tpu.memory_space<hbm>>, %arg5: memref<128x16xf32, #tpu.memory_space<hbm>>, %arg6: memref<327680x16xf32, #tpu.memory_space<hbm>>, %arg7: memref<10240x16xf32, #tpu.memory_space<hbm>>, %arg8: memref<80x128xi32, #tpu.memory_space<vmem>>, %arg9: memref<128x16xf32, #tpu.memory_space<vmem>>, %arg10: memref<128x16xf32, #tpu.memory_space<vmem>>, %arg11: memref<128x16xf32, #tpu.memory_space<vmem>>, %arg12: memref<128x16xf32, #tpu.memory_space<vmem>>, %arg13: memref<128x16xf32, #tpu.memory_space<vmem>>, %arg14: memref<128x16xf32, #tpu.memory_space<vmem>>, %arg15: memref<640x16xf32, #tpu.memory_space<vmem>>, %arg16: memref<640x16xf32, #tpu.memory_space<vmem>>, %arg17: memref<!tpu.dma_semaphore, #tpu.memory_space<semaphore_mem>>, %arg18: memref<!tpu.dma_semaphore, #tpu.memory_space<semaphore_mem>>, %arg19: memref<!tpu.dma_semaphore, #tpu.memory_space<semaphore_mem>>, %arg20: memref<!tpu.dma_semaphore, #tpu.memory_space<semaphore_mem>>, %arg21: memref<!tpu.dma_semaphore, #tpu.memory_space<semaphore_mem>>, %arg22: memref<!tpu.dma_semaphore, #tpu.memory_space<semaphore_mem>>) attributes {dimension_semantics = [#tpu.dimension_semantics<core_parallel>, #tpu.dimension_semantics<subcore_parallel>], iteration_bounds = array<i64: 2, 16>, scalar_prefetch = 0 : i64, scratch_operands = 15 : i64, tpu.core_type = #tpu.core_type<sc_vector_subcore>, window_params = [{transform_indices = #map}, {transform_indices = #map1}, {transform_indices = #map}, {transform_indices = #map}, {transform_indices = #map}, {transform_indices = #map}]} {
    %mul3A = arith.constant 2 : i32
    %mul3A_0 = arith.muli %arg1, %mul3A : i32
    %add3A = arith.addi %mul3A_0, %arg0 : i32
    %mul3A_1 = arith.constant 640 : i32
    %mul3A_2 = arith.muli %arg1, %mul3A_1 : i32
    %run_scoped3A = arith.constant 0 : i32
    "tpu.region"() ({
      %run_scoped3A_41 = tpu.sem_alloc : memref<!tpu.dma_semaphore, #tpu.memory_space<semaphore_mem>>
      %dma_start3A_42 = arith.constant 0 : i32
      %dma_start3A_43 = arith.constant 0 : i32
      %dma_start3A_44 = tpu.memref_slice %arg3[%run_scoped3A, %dma_start3A_42, %dma_start3A_43] : memref<2x10240x16xf32, #tpu.memory_space<hbm>> -> memref<1x10240x16xf32, #tpu.memory_space<hbm>>
      %dma_start3A_45 = tpu.memref_squeeze %dma_start3A_44 : memref<1x10240x16xf32, #tpu.memory_space<hbm>> -> memref<10240x16xf32, #tpu.memory_space<hbm>>
      %dma_start3A_46 = arith.constant 0 : i32
      %dma_start3A_47 = tpu.memref_slice %dma_start3A_45[%mul3A_2, %dma_start3A_46] : memref<10240x16xf32, #tpu.memory_space<hbm>> -> memref<640x16xf32, #tpu.memory_space<hbm>>
      %dma_start3A_48 = arith.constant 0 : i32
      %dma_start3A_49 = arith.constant 0 : i32
      %dma_start3A_50 = tpu.memref_slice %arg3[%run_scoped3A, %dma_start3A_48, %dma_start3A_49] : memref<2x10240x16xf32, #tpu.memory_space<hbm>> -> memref<1x10240x16xf32, #tpu.memory_space<hbm>>
      %dma_start3A_51 = tpu.memref_squeeze %dma_start3A_50 : memref<1x10240x16xf32, #tpu.memory_space<hbm>> -> memref<10240x16xf32, #tpu.memory_space<hbm>>
      %dma_start3A_52 = arith.constant 0 : i32
      %dma_start3A_53 = tpu.memref_slice %dma_start3A_51[%mul3A_2, %dma_start3A_52] : memref<10240x16xf32, #tpu.memory_space<hbm>> -> memref<640x16xf32, #tpu.memory_space<hbm>>
      tpu.enqueue_dma source(%dma_start3A_53 : memref<640x16xf32, #tpu.memory_space<hbm>>) target(%arg15 : memref<640x16xf32, #tpu.memory_space<vmem>>) target_semaphore(%run_scoped3A_41 : memref<!tpu.dma_semaphore, #tpu.memory_space<semaphore_mem>>)
      %dma_wait3A = arith.constant 0 : i32
      %dma_wait3A_54 = arith.constant 0 : i32
      %dma_wait3A_55 = tpu.memref_slice %arg3[%run_scoped3A, %dma_wait3A, %dma_wait3A_54] : memref<2x10240x16xf32, #tpu.memory_space<hbm>> -> memref<1x10240x16xf32, #tpu.memory_space<hbm>>
      %dma_wait3A_56 = tpu.memref_squeeze %dma_wait3A_55 : memref<1x10240x16xf32, #tpu.memory_space<hbm>> -> memref<10240x16xf32, #tpu.memory_space<hbm>>
      %dma_wait3A_57 = arith.constant 0 : i32
      %dma_wait3A_58 = tpu.memref_slice %dma_wait3A_56[%mul3A_2, %dma_wait3A_57] : memref<10240x16xf32, #tpu.memory_space<hbm>> -> memref<640x16xf32, #tpu.memory_space<hbm>>
      %dma_wait3A_59 = arith.constant 0 : i32
      %dma_wait3A_60 = arith.constant 0 : i32
      %dma_wait3A_61 = tpu.memref_slice %arg3[%run_scoped3A, %dma_wait3A_59, %dma_wait3A_60] : memref<2x10240x16xf32, #tpu.memory_space<hbm>> -> memref<1x10240x16xf32, #tpu.memory_space<hbm>>
      %dma_wait3A_62 = tpu.memref_squeeze %dma_wait3A_61 : memref<1x10240x16xf32, #tpu.memory_space<hbm>> -> memref<10240x16xf32, #tpu.memory_space<hbm>>
      %dma_wait3A_63 = arith.constant 0 : i32
      %dma_wait3A_64 = tpu.memref_slice %dma_wait3A_62[%mul3A_2, %dma_wait3A_63] : memref<10240x16xf32, #tpu.memory_space<hbm>> -> memref<640x16xf32, #tpu.memory_space<hbm>>
      tpu.wait_dma2 semaphore(%run_scoped3A_41 : memref<!tpu.dma_semaphore, #tpu.memory_space<semaphore_mem>>) src(%dma_wait3A_64 : memref<640x16xf32, #tpu.memory_space<hbm>>) dst(%arg15 : memref<640x16xf32, #tpu.memory_space<vmem>>)
      tpu.yield
    }) : () -> ()
    %run_scoped3A_3 = arith.constant 1 : i32
    "tpu.region"() ({
      %run_scoped3A_41 = tpu.sem_alloc : memref<!tpu.dma_semaphore, #tpu.memory_space<semaphore_mem>>
      %dma_start3A_42 = arith.constant 0 : i32
      %dma_start3A_43 = arith.constant 0 : i32
      %dma_start3A_44 = tpu.memref_slice %arg3[%run_scoped3A_3, %dma_start3A_42, %dma_start3A_43] : memref<2x10240x16xf32, #tpu.memory_space<hbm>> -> memref<1x10240x16xf32, #tpu.memory_space<hbm>>
      %dma_start3A_45 = tpu.memref_squeeze %dma_start3A_44 : memref<1x10240x16xf32, #tpu.memory_space<hbm>> -> memref<10240x16xf32, #tpu.memory_space<hbm>>
      %dma_start3A_46 = arith.constant 0 : i32
      %dma_start3A_47 = tpu.memref_slice %dma_start3A_45[%mul3A_2, %dma_start3A_46] : memref<10240x16xf32, #tpu.memory_space<hbm>> -> memref<640x16xf32, #tpu.memory_space<hbm>>
      %dma_start3A_48 = arith.constant 0 : i32
      %dma_start3A_49 = arith.constant 0 : i32
      %dma_start3A_50 = tpu.memref_slice %arg3[%run_scoped3A_3, %dma_start3A_48, %dma_start3A_49] : memref<2x10240x16xf32, #tpu.memory_space<hbm>> -> memref<1x10240x16xf32, #tpu.memory_space<hbm>>
      %dma_start3A_51 = tpu.memref_squeeze %dma_start3A_50 : memref<1x10240x16xf32, #tpu.memory_space<hbm>> -> memref<10240x16xf32, #tpu.memory_space<hbm>>
      %dma_start3A_52 = arith.constant 0 : i32
      %dma_start3A_53 = tpu.memref_slice %dma_start3A_51[%mul3A_2, %dma_start3A_52] : memref<10240x16xf32, #tpu.memory_space<hbm>> -> memref<640x16xf32, #tpu.memory_space<hbm>>
      tpu.enqueue_dma source(%dma_start3A_53 : memref<640x16xf32, #tpu.memory_space<hbm>>) target(%arg16 : memref<640x16xf32, #tpu.memory_space<vmem>>) target_semaphore(%run_scoped3A_41 : memref<!tpu.dma_semaphore, #tpu.memory_space<semaphore_mem>>)
      %dma_wait3A = arith.constant 0 : i32
      %dma_wait3A_54 = arith.constant 0 : i32
      %dma_wait3A_55 = tpu.memref_slice %arg3[%run_scoped3A_3, %dma_wait3A, %dma_wait3A_54] : memref<2x10240x16xf32, #tpu.memory_space<hbm>> -> memref<1x10240x16xf32, #tpu.memory_space<hbm>>
      %dma_wait3A_56 = tpu.memref_squeeze %dma_wait3A_55 : memref<1x10240x16xf32, #tpu.memory_space<hbm>> -> memref<10240x16xf32, #tpu.memory_space<hbm>>
      %dma_wait3A_57 = arith.constant 0 : i32
      %dma_wait3A_58 = tpu.memref_slice %dma_wait3A_56[%mul3A_2, %dma_wait3A_57] : memref<10240x16xf32, #tpu.memory_space<hbm>> -> memref<640x16xf32, #tpu.memory_space<hbm>>
      %dma_wait3A_59 = arith.constant 0 : i32
      %dma_wait3A_60 = arith.constant 0 : i32
      %dma_wait3A_61 = tpu.memref_slice %arg3[%run_scoped3A_3, %dma_wait3A_59, %dma_wait3A_60] : memref<2x10240x16xf32, #tpu.memory_space<hbm>> -> memref<1x10240x16xf32, #tpu.memory_space<hbm>>
      %dma_wait3A_62 = tpu.memref_squeeze %dma_wait3A_61 : memref<1x10240x16xf32, #tpu.memory_space<hbm>> -> memref<10240x16xf32, #tpu.memory_space<hbm>>
      %dma_wait3A_63 = arith.constant 0 : i32
      %dma_wait3A_64 = tpu.memref_slice %dma_wait3A_62[%mul3A_2, %dma_wait3A_63] : memref<10240x16xf32, #tpu.memory_space<hbm>> -> memref<640x16xf32, #tpu.memory_space<hbm>>
      tpu.wait_dma2 semaphore(%run_scoped3A_41 : memref<!tpu.dma_semaphore, #tpu.memory_space<semaphore_mem>>) src(%dma_wait3A_64 : memref<640x16xf32, #tpu.memory_space<hbm>>) dst(%arg16 : memref<640x16xf32, #tpu.memory_space<vmem>>)
      tpu.yield
    }) : () -> ()
    %parallel_loop3A = arith.constant 0 : i32
    %parallel_loop3A_4 = arith.constant 640 : i32
    %parallel_loop3A_5 = arith.constant 1 : i32
    scf.for %parallel_loop3A_41 = %parallel_loop3A to %parallel_loop3A_4 step %parallel_loop3A_5  : i32 {
      %parallel_loop3A_42 = arith.index_cast %parallel_loop3A_41 : i32 to index
      %parallel_loop3A_43 = arith.constant 0 : index
      %parallel_loop3A_44 = tpu.vector_load %arg15[%parallel_loop3A_42, %parallel_loop3A_43] {strides = array<i32>} : memref<640x16xf32, #tpu.memory_space<vmem>>, vector<16xf32>,
      %parallel_loop3A_45 = arith.index_cast %parallel_loop3A_41 : i32 to index
      %parallel_loop3A_46 = arith.constant 0 : index
      %parallel_loop3A_47 = tpu.vector_load %arg16[%parallel_loop3A_45, %parallel_loop3A_46] {strides = array<i32>} : memref<640x16xf32, #tpu.memory_space<vmem>>, vector<16xf32>,
      %parallel_loop3A_48 = arith.addf %parallel_loop3A_44, %parallel_loop3A_47 : vector<16xf32>
      %parallel_loop3A_49 = arith.index_cast %parallel_loop3A_41 : i32 to index
      %parallel_loop3A_50 = arith.constant 0 : index
      %parallel_loop3A_51 = tpu.vector_load %arg15[%parallel_loop3A_49, %parallel_loop3A_50] {strides = array<i32>} : memref<640x16xf32, #tpu.memory_space<vmem>>, vector<16xf32>,
      tpu.vector_store %arg15[%parallel_loop3A_49, %parallel_loop3A_50], %parallel_loop3A_48 {strides = array<i32>} : memref<640x16xf32, #tpu.memory_space<vmem>>, vector<16xf32>,
    } {sc.loop_unroll_factor = 8 : i64, sc.parallel_access}
    "tpu.region"() ({
      %run_scoped3A_41 = tpu.sem_alloc : memref<!tpu.dma_semaphore, #tpu.memory_space<semaphore_mem>>
      %dma_start3A_42 = arith.constant 0 : i32
      %dma_start3A_43 = tpu.memref_slice %arg7[%mul3A_2, %dma_start3A_42] : memref<10240x16xf32, #tpu.memory_space<hbm>> -> memref<640x16xf32, #tpu.memory_space<hbm>>
      %dma_start3A_44 = arith.constant 0 : i32
      %dma_start3A_45 = tpu.memref_slice %arg7[%mul3A_2, %dma_start3A_44] : memref<10240x16xf32, #tpu.memory_space<hbm>> -> memref<640x16xf32, #tpu.memory_space<hbm>>
      tpu.enqueue_dma source(%arg15 : memref<640x16xf32, #tpu.memory_space<vmem>>) target(%dma_start3A_45 : memref<640x16xf32, #tpu.memory_space<hbm>>) target_semaphore(%run_scoped3A_41 : memref<!tpu.dma_semaphore, #tpu.memory_space<semaphore_mem>>)
      %dma_wait3A = arith.constant 0 : i32
      %dma_wait3A_46 = tpu.memref_slice %arg7[%mul3A_2, %dma_wait3A] : memref<10240x16xf32, #tpu.memory_space<hbm>> -> memref<640x16xf32, #tpu.memory_space<hbm>>
      %dma_wait3A_47 = arith.constant 0 : i32
      %dma_wait3A_48 = tpu.memref_slice %arg7[%mul3A_2, %dma_wait3A_47] : memref<10240x16xf32, #tpu.memory_space<hbm>> -> memref<640x16xf32, #tpu.memory_space<hbm>>
      tpu.wait_dma2 semaphore(%run_scoped3A_41 : memref<!tpu.dma_semaphore, #tpu.memory_space<semaphore_mem>>) src(%arg15 : memref<640x16xf32, #tpu.memory_space<vmem>>) dst(%dma_wait3A_48 : memref<640x16xf32, #tpu.memory_space<hbm>>)
      tpu.yield
    }) : () -> ()
    %mul3A_6 = arith.constant 80 : i32
    %mul3A_7 = arith.muli %add3A, %mul3A_6 : i32
    "tpu.region"() ({
      %run_scoped3A_41 = tpu.sem_alloc : memref<!tpu.dma_semaphore, #tpu.memory_space<semaphore_mem>>
      %dma_start3A_42 = arith.constant 0 : i32
      %dma_start3A_43 = tpu.memref_slice %arg4[%mul3A_7, %dma_start3A_42] : memref<2560x128xi32, #tpu.memory_space<hbm>> -> memref<80x128xi32, #tpu.memory_space<hbm>>
      %dma_start3A_44 = arith.constant 0 : i32
      %dma_start3A_45 = tpu.memref_slice %arg4[%mul3A_7, %dma_start3A_44] : memref<2560x128xi32, #tpu.memory_space<hbm>> -> memref<80x128xi32, #tpu.memory_space<hbm>>
      tpu.enqueue_dma source(%dma_start3A_45 : memref<80x128xi32, #tpu.memory_space<hbm>>) target(%arg8 : memref<80x128xi32, #tpu.memory_space<vmem>>) target_semaphore(%run_scoped3A_41 : memref<!tpu.dma_semaphore, #tpu.memory_space<semaphore_mem>>)
      %dma_wait3A = arith.constant 0 : i32
      %dma_wait3A_46 = tpu.memref_slice %arg4[%mul3A_7, %dma_wait3A] : memref<2560x128xi32, #tpu.memory_space<hbm>> -> memref<80x128xi32, #tpu.memory_space<hbm>>
      %dma_wait3A_47 = arith.constant 0 : i32
      %dma_wait3A_48 = tpu.memref_slice %arg4[%mul3A_7, %dma_wait3A_47] : memref<2560x128xi32, #tpu.memory_space<hbm>> -> memref<80x128xi32, #tpu.memory_space<hbm>>
      tpu.wait_dma2 semaphore(%run_scoped3A_41 : memref<!tpu.dma_semaphore, #tpu.memory_space<semaphore_mem>>) src(%dma_wait3A_48 : memref<80x128xi32, #tpu.memory_space<hbm>>) dst(%arg8 : memref<80x128xi32, #tpu.memory_space<vmem>>)
      tpu.yield
    }) : () -> ()
    %barrier3A = arith.constant 0 : index
    tpu.barrier barrier_id(%barrier3A)
    %add3A_8 = arith.constant 0 : i32
    %add3A_9 = arith.addi %mul3A_7, %add3A_8 : i32
    %mul3A_10 = arith.constant 128 : i32
    %mul3A_11 = arith.muli %add3A_9, %mul3A_10 : i32
    %dma_start3A = arith.constant 0 : i32
    %dma_start3A_12 = tpu.memref_slice %arg2[%mul3A_11, %dma_start3A] : memref<327680x16xf32, #tpu.memory_space<hbm>> -> memref<128x16xf32, #tpu.memory_space<hbm>>
    %dma_start3A_13 = arith.constant 0 : i32
    %dma_start3A_14 = tpu.memref_slice %arg2[%mul3A_11, %dma_start3A_13] : memref<327680x16xf32, #tpu.memory_space<hbm>> -> memref<128x16xf32, #tpu.memory_space<hbm>>
    tpu.enqueue_dma source(%dma_start3A_14 : memref<128x16xf32, #tpu.memory_space<hbm>>) target(%arg9 : memref<128x16xf32, #tpu.memory_space<vmem>>) target_semaphore(%arg17 : memref<!tpu.dma_semaphore, #tpu.memory_space<semaphore_mem>>)
    %dma_start3A_15 = arith.constant 0 : i32
    %dma_start3A_16 = arith.constant 0 : i32
    %dma_start3A_17 = tpu.memref_slice %arg8[%dma_start3A_15, %dma_start3A_16] : memref<80x128xi32, #tpu.memory_space<vmem>> -> memref<1x128xi32, #tpu.memory_space<vmem>>
    %dma_start3A_18 = tpu.memref_squeeze %dma_start3A_17 : memref<1x128xi32, #tpu.memory_space<vmem>> -> memref<128xi32, #tpu.memory_space<vmem>>
    %dma_start3A_19 = arith.constant 0 : i32
    %dma_start3A_20 = arith.constant 0 : i32
    %dma_start3A_21 = tpu.memref_slice %arg7[%dma_start3A_19, %dma_start3A_20] : memref<10240x16xf32, #tpu.memory_space<hbm>> -> memref<10240x16xf32, #tpu.memory_space<hbm>>
    tpu.enqueue_indirect_dma source(%dma_start3A_21 : memref<10240x16xf32, #tpu.memory_space<hbm>>) target(%arg11 : memref<128x16xf32, #tpu.memory_space<vmem>>) offsets(%dma_start3A_18 : memref<128xi32, #tpu.memory_space<vmem>>) semaphore(%arg19 : memref<!tpu.dma_semaphore, #tpu.memory_space<semaphore_mem>>)
    %add3A_22 = arith.constant 1 : i32
    %add3A_23 = arith.addi %mul3A_7, %add3A_22 : i32
    %mul3A_24 = arith.constant 128 : i32
    %mul3A_25 = arith.muli %add3A_23, %mul3A_24 : i32
    %dma_start3A_26 = arith.constant 0 : i32
    %dma_start3A_27 = tpu.memref_slice %arg2[%mul3A_25, %dma_start3A_26] : memref<327680x16xf32, #tpu.memory_space<hbm>> -> memref<128x16xf32, #tpu.memory_space<hbm>>
    %dma_start3A_28 = arith.constant 0 : i32
    %dma_start3A_29 = tpu.memref_slice %arg2[%mul3A_25, %dma_start3A_28] : memref<327680x16xf32, #tpu.memory_space<hbm>> -> memref<128x16xf32, #tpu.memory_space<hbm>>
    tpu.enqueue_dma source(%dma_start3A_29 : memref<128x16xf32, #tpu.memory_space<hbm>>) target(%arg10 : memref<128x16xf32, #tpu.memory_space<vmem>>) target_semaphore(%arg18 : memref<!tpu.dma_semaphore, #tpu.memory_space<semaphore_mem>>)
    %dma_start3A_30 = arith.constant 1 : i32
    %dma_start3A_31 = arith.constant 0 : i32
    %dma_start3A_32 = tpu.memref_slice %arg8[%dma_start3A_30, %dma_start3A_31] : memref<80x128xi32, #tpu.memory_space<vmem>> -> memref<1x128xi32, #tpu.memory_space<vmem>>
    %dma_start3A_33 = tpu.memref_squeeze %dma_start3A_32 : memref<1x128xi32, #tpu.memory_space<vmem>> -> memref<128xi32, #tpu.memory_space<vmem>>
    %dma_start3A_34 = arith.constant 0 : i32
    %dma_start3A_35 = arith.constant 0 : i32
    %dma_start3A_36 = tpu.memref_slice %arg7[%dma_start3A_34, %dma_start3A_35] : memref<10240x16xf32, #tpu.memory_space<hbm>> -> memref<10240x16xf32, #tpu.memory_space<hbm>>
    tpu.enqueue_indirect_dma source(%dma_start3A_36 : memref<10240x16xf32, #tpu.memory_space<hbm>>) target(%arg12 : memref<128x16xf32, #tpu.memory_space<vmem>>) offsets(%dma_start3A_33 : memref<128xi32, #tpu.memory_space<vmem>>) semaphore(%arg20 : memref<!tpu.dma_semaphore, #tpu.memory_space<semaphore_mem>>)
    %scan3A = arith.constant 0 : i32
    %scan3A_37 = arith.constant 40 : i32
    %scan3A_38 = arith.addi %scan3A, %scan3A_37 : i32
    %scan3A_39 = arith.constant 1 : i32
    scf.for %scan3A_41 = %scan3A to %scan3A_38 step %scan3A_39  : i32 {
      %mul3A_42 = arith.constant 1 : i32
      %mul3A_43 = arith.muli %scan3A_41, %mul3A_42 : i32
      %add3A_44 = arith.constant 0 : i32
      %add3A_45 = arith.addi %add3A_44, %mul3A_43 : i32
      %mul3A_46 = arith.constant 2 : i32
      %mul3A_47 = arith.muli %mul3A_46, %add3A_45 : i32
      %add3A_48 = arith.constant 0 : i32
      %add3A_49 = arith.addi %mul3A_47, %add3A_48 : i32
      %gt3A = arith.constant 0 : i32
      %gt3A_50 = arith.cmpi sgt, %add3A_45, %gt3A : i32
      %convert_element_type3A = arith.extui %gt3A_50 : i1 to i32
      %cond3A = arith.constant 0 : i32
      %cond3A_51 = arith.cmpi ne, %convert_element_type3A, %cond3A : i32
      scf.if %cond3A_51 {
        tpu.wait_dma2 semaphore(%arg21 : memref<!tpu.dma_semaphore, #tpu.memory_space<semaphore_mem>>) src(%arg5 : memref<128x16xf32, #tpu.memory_space<hbm>>) dst(%arg13 : memref<128x16xf32, #tpu.memory_space<vmem>>)
      } else {
      }
      tpu.wait_dma2 semaphore(%arg17 : memref<!tpu.dma_semaphore, #tpu.memory_space<semaphore_mem>>) src(%arg5 : memref<128x16xf32, #tpu.memory_space<hbm>>) dst(%arg9 : memref<128x16xf32, #tpu.memory_space<vmem>>)
      tpu.wait_dma2 semaphore(%arg19 : memref<!tpu.dma_semaphore, #tpu.memory_space<semaphore_mem>>) src(%arg5 : memref<128x16xf32, #tpu.memory_space<hbm>>) dst(%arg11 : memref<128x16xf32, #tpu.memory_space<vmem>>)
      %parallel_loop3A_52 = arith.constant 0 : i32
      %parallel_loop3A_53 = arith.constant 128 : i32
      %parallel_loop3A_54 = arith.constant 1 : i32
      scf.for %parallel_loop3A_90 = %parallel_loop3A_52 to %parallel_loop3A_53 step %parallel_loop3A_54  : i32 {
        %parallel_loop3A_91 = arith.index_cast %parallel_loop3A_90 : i32 to index
        %parallel_loop3A_92 = arith.constant 0 : index
        %parallel_loop3A_93 = tpu.vector_load %arg9[%parallel_loop3A_91, %parallel_loop3A_92] {strides = array<i32>} : memref<128x16xf32, #tpu.memory_space<vmem>>, vector<16xf32>,
        %parallel_loop3A_94 = arith.index_cast %parallel_loop3A_90 : i32 to index
        %parallel_loop3A_95 = arith.constant 0 : index
        %parallel_loop3A_96 = tpu.vector_load %arg11[%parallel_loop3A_94, %parallel_loop3A_95] {strides = array<i32>} : memref<128x16xf32, #tpu.memory_space<vmem>>, vector<16xf32>,
        %parallel_loop3A_97 = arith.constant 1.000000e-16 : f32
        %parallel_loop3A_98 = vector.broadcast %parallel_loop3A_97 : f32 to vector<16xf32>
        %parallel_loop3A_99 = arith.addf %parallel_loop3A_96, %parallel_loop3A_98 : vector<16xf32>
        %parallel_loop3A_100 = arith.divf %parallel_loop3A_93, %parallel_loop3A_99 : vector<16xf32>
        %parallel_loop3A_101 = arith.index_cast %parallel_loop3A_90 : i32 to index
        %parallel_loop3A_102 = arith.constant 0 : index
        %parallel_loop3A_103 = tpu.vector_load %arg13[%parallel_loop3A_101, %parallel_loop3A_102] {strides = array<i32>} : memref<128x16xf32, #tpu.memory_space<vmem>>, vector<16xf32>,
        tpu.vector_store %arg13[%parallel_loop3A_101, %parallel_loop3A_102], %parallel_loop3A_100 {strides = array<i32>} : memref<128x16xf32, #tpu.memory_space<vmem>>, vector<16xf32>,
      } {sc.loop_unroll_factor = 8 : i64, sc.parallel_access}
      %add3A_55 = arith.addi %mul3A_7, %add3A_49 : i32
      %mul3A_56 = arith.constant 128 : i32
      %mul3A_57 = arith.muli %add3A_55, %mul3A_56 : i32
      %dma_start3A_58 = arith.constant 0 : i32
      %dma_start3A_59 = tpu.memref_slice %arg6[%mul3A_57, %dma_start3A_58] : memref<327680x16xf32, #tpu.memory_space<hbm>> -> memref<128x16xf32, #tpu.memory_space<hbm>>
      %dma_start3A_60 = arith.constant 0 : i32
      %dma_start3A_61 = tpu.memref_slice %arg6[%mul3A_57, %dma_start3A_60] : memref<327680x16xf32, #tpu.memory_space<hbm>> -> memref<128x16xf32, #tpu.memory_space<hbm>>
      tpu.enqueue_dma source(%arg13 : memref<128x16xf32, #tpu.memory_space<vmem>>) target(%dma_start3A_61 : memref<128x16xf32, #tpu.memory_space<hbm>>) target_semaphore(%arg21 : memref<!tpu.dma_semaphore, #tpu.memory_space<semaphore_mem>>)
      %lt3A = arith.constant 39 : i32
      %lt3A_62 = arith.cmpi slt, %add3A_45, %lt3A : i32
      %convert_element_type3A_63 = arith.extui %lt3A_62 : i1 to i32
      %cond3A_64 = arith.constant 0 : i32
      %cond3A_65 = arith.cmpi ne, %convert_element_type3A_63, %cond3A_64 : i32
      scf.if %cond3A_65 {
        %add3A_90 = arith.addi %mul3A_7, %add3A_49 : i32
        %add3A_91 = arith.constant 2 : i32
        %add3A_92 = arith.addi %add3A_90, %add3A_91 : i32
        %mul3A_93 = arith.constant 128 : i32
        %mul3A_94 = arith.muli %add3A_92, %mul3A_93 : i32
        %dma_start3A_95 = arith.constant 0 : i32
        %dma_start3A_96 = tpu.memref_slice %arg2[%mul3A_94, %dma_start3A_95] : memref<327680x16xf32, #tpu.memory_space<hbm>> -> memref<128x16xf32, #tpu.memory_space<hbm>>
        %dma_start3A_97 = arith.constant 0 : i32
        %dma_start3A_98 = tpu.memref_slice %arg2[%mul3A_94, %dma_start3A_97] : memref<327680x16xf32, #tpu.memory_space<hbm>> -> memref<128x16xf32, #tpu.memory_space<hbm>>
        tpu.enqueue_dma source(%dma_start3A_98 : memref<128x16xf32, #tpu.memory_space<hbm>>) target(%arg9 : memref<128x16xf32, #tpu.memory_space<vmem>>) target_semaphore(%arg17 : memref<!tpu.dma_semaphore, #tpu.memory_space<semaphore_mem>>)
        %add3A_99 = arith.constant 2 : i32
        %add3A_100 = arith.addi %add3A_49, %add3A_99 : i32
        %dma_start3A_101 = arith.constant 0 : i32
        %dma_start3A_102 = tpu.memref_slice %arg8[%add3A_100, %dma_start3A_101] : memref<80x128xi32, #tpu.memory_space<vmem>> -> memref<1x128xi32, #tpu.memory_space<vmem>>
        %dma_start3A_103 = tpu.memref_squeeze %dma_start3A_102 : memref<1x128xi32, #tpu.memory_space<vmem>> -> memref<128xi32, #tpu.memory_space<vmem>>
        %dma_start3A_104 = arith.constant 0 : i32
        %dma_start3A_105 = arith.constant 0 : i32
        %dma_start3A_106 = tpu.memref_slice %arg7[%dma_start3A_104, %dma_start3A_105] : memref<10240x16xf32, #tpu.memory_space<hbm>> -> memref<10240x16xf32, #tpu.memory_space<hbm>>
        tpu.enqueue_indirect_dma source(%dma_start3A_106 : memref<10240x16xf32, #tpu.memory_space<hbm>>) target(%arg11 : memref<128x16xf32, #tpu.memory_space<vmem>>) offsets(%dma_start3A_103 : memref<128xi32, #tpu.memory_space<vmem>>) semaphore(%arg19 : memref<!tpu.dma_semaphore, #tpu.memory_space<semaphore_mem>>)
      } else {
      }
      %mul3A_66 = arith.constant 2 : i32
      %mul3A_67 = arith.muli %mul3A_66, %add3A_45 : i32
      %add3A_68 = arith.constant 1 : i32
      %add3A_69 = arith.addi %mul3A_67, %add3A_68 : i32
      %gt3A_70 = arith.constant 0 : i32
      %gt3A_71 = arith.cmpi sgt, %add3A_45, %gt3A_70 : i32
      %convert_element_type3A_72 = arith.extui %gt3A_71 : i1 to i32
      %cond3A_73 = arith.constant 0 : i32
      %cond3A_74 = arith.cmpi ne, %convert_element_type3A_72, %cond3A_73 : i32
      scf.if %cond3A_74 {
        tpu.wait_dma2 semaphore(%arg22 : memref<!tpu.dma_semaphore, #tpu.memory_space<semaphore_mem>>) src(%arg5 : memref<128x16xf32, #tpu.memory_space<hbm>>) dst(%arg14 : memref<128x16xf32, #tpu.memory_space<vmem>>)
      } else {
      }
      tpu.wait_dma2 semaphore(%arg18 : memref<!tpu.dma_semaphore, #tpu.memory_space<semaphore_mem>>) src(%arg5 : memref<128x16xf32, #tpu.memory_space<hbm>>) dst(%arg10 : memref<128x16xf32, #tpu.memory_space<vmem>>)
      tpu.wait_dma2 semaphore(%arg20 : memref<!tpu.dma_semaphore, #tpu.memory_space<semaphore_mem>>) src(%arg5 : memref<128x16xf32, #tpu.memory_space<hbm>>) dst(%arg12 : memref<128x16xf32, #tpu.memory_space<vmem>>)
      %parallel_loop3A_75 = arith.constant 0 : i32
      %parallel_loop3A_76 = arith.constant 128 : i32
      %parallel_loop3A_77 = arith.constant 1 : i32
      scf.for %parallel_loop3A_90 = %parallel_loop3A_75 to %parallel_loop3A_76 step %parallel_loop3A_77  : i32 {
        %parallel_loop3A_91 = arith.index_cast %parallel_loop3A_90 : i32 to index
        %parallel_loop3A_92 = arith.constant 0 : index
        %parallel_loop3A_93 = tpu.vector_load %arg10[%parallel_loop3A_91, %parallel_loop3A_92] {strides = array<i32>} : memref<128x16xf32, #tpu.memory_space<vmem>>, vector<16xf32>,
        %parallel_loop3A_94 = arith.index_cast %parallel_loop3A_90 : i32 to index
        %parallel_loop3A_95 = arith.constant 0 : index
        %parallel_loop3A_96 = tpu.vector_load %arg12[%parallel_loop3A_94, %parallel_loop3A_95] {strides = array<i32>} : memref<128x16xf32, #tpu.memory_space<vmem>>, vector<16xf32>,
        %parallel_loop3A_97 = arith.constant 1.000000e-16 : f32
        %parallel_loop3A_98 = vector.broadcast %parallel_loop3A_97 : f32 to vector<16xf32>
        %parallel_loop3A_99 = arith.addf %parallel_loop3A_96, %parallel_loop3A_98 : vector<16xf32>
        %parallel_loop3A_100 = arith.divf %parallel_loop3A_93, %parallel_loop3A_99 : vector<16xf32>
        %parallel_loop3A_101 = arith.index_cast %parallel_loop3A_90 : i32 to index
        %parallel_loop3A_102 = arith.constant 0 : index
        %parallel_loop3A_103 = tpu.vector_load %arg14[%parallel_loop3A_101, %parallel_loop3A_102] {strides = array<i32>} : memref<128x16xf32, #tpu.memory_space<vmem>>, vector<16xf32>,
        tpu.vector_store %arg14[%parallel_loop3A_101, %parallel_loop3A_102], %parallel_loop3A_100 {strides = array<i32>} : memref<128x16xf32, #tpu.memory_space<vmem>>, vector<16xf32>,
      } {sc.loop_unroll_factor = 8 : i64, sc.parallel_access}
      %add3A_78 = arith.addi %mul3A_7, %add3A_69 : i32
      %mul3A_79 = arith.constant 128 : i32
      %mul3A_80 = arith.muli %add3A_78, %mul3A_79 : i32
      %dma_start3A_81 = arith.constant 0 : i32
      %dma_start3A_82 = tpu.memref_slice %arg6[%mul3A_80, %dma_start3A_81] : memref<327680x16xf32, #tpu.memory_space<hbm>> -> memref<128x16xf32, #tpu.memory_space<hbm>>
      %dma_start3A_83 = arith.constant 0 : i32
      %dma_start3A_84 = tpu.memref_slice %arg6[%mul3A_80, %dma_start3A_83] : memref<327680x16xf32, #tpu.memory_space<hbm>> -> memref<128x16xf32, #tpu.memory_space<hbm>>
      tpu.enqueue_dma source(%arg14 : memref<128x16xf32, #tpu.memory_space<vmem>>) target(%dma_start3A_84 : memref<128x16xf32, #tpu.memory_space<hbm>>) target_semaphore(%arg22 : memref<!tpu.dma_semaphore, #tpu.memory_space<semaphore_mem>>)
      %lt3A_85 = arith.constant 39 : i32
      %lt3A_86 = arith.cmpi slt, %add3A_45, %lt3A_85 : i32
      %convert_element_type3A_87 = arith.extui %lt3A_86 : i1 to i32
      %cond3A_88 = arith.constant 0 : i32
      %cond3A_89 = arith.cmpi ne, %convert_element_type3A_87, %cond3A_88 : i32
      scf.if %cond3A_89 {
        %add3A_90 = arith.addi %mul3A_7, %add3A_69 : i32
        %add3A_91 = arith.constant 2 : i32
        %add3A_92 = arith.addi %add3A_90, %add3A_91 : i32
        %mul3A_93 = arith.constant 128 : i32
        %mul3A_94 = arith.muli %add3A_92, %mul3A_93 : i32
        %dma_start3A_95 = arith.constant 0 : i32
        %dma_start3A_96 = tpu.memref_slice %arg2[%mul3A_94, %dma_start3A_95] : memref<327680x16xf32, #tpu.memory_space<hbm>> -> memref<128x16xf32, #tpu.memory_space<hbm>>
        %dma_start3A_97 = arith.constant 0 : i32
        %dma_start3A_98 = tpu.memref_slice %arg2[%mul3A_94, %dma_start3A_97] : memref<327680x16xf32, #tpu.memory_space<hbm>> -> memref<128x16xf32, #tpu.memory_space<hbm>>
        tpu.enqueue_dma source(%dma_start3A_98 : memref<128x16xf32, #tpu.memory_space<hbm>>) target(%arg10 : memref<128x16xf32, #tpu.memory_space<vmem>>) target_semaphore(%arg18 : memref<!tpu.dma_semaphore, #tpu.memory_space<semaphore_mem>>)
        %add3A_99 = arith.constant 2 : i32
        %add3A_100 = arith.addi %add3A_69, %add3A_99 : i32
        %dma_start3A_101 = arith.constant 0 : i32
        %dma_start3A_102 = tpu.memref_slice %arg8[%add3A_100, %dma_start3A_101] : memref<80x128xi32, #tpu.memory_space<vmem>> -> memref<1x128xi32, #tpu.memory_space<vmem>>
        %dma_start3A_103 = tpu.memref_squeeze %dma_start3A_102 : memref<1x128xi32, #tpu.memory_space<vmem>> -> memref<128xi32, #tpu.memory_space<vmem>>
        %dma_start3A_104 = arith.constant 0 : i32
        %dma_start3A_105 = arith.constant 0 : i32
        %dma_start3A_106 = tpu.memref_slice %arg7[%dma_start3A_104, %dma_start3A_105] : memref<10240x16xf32, #tpu.memory_space<hbm>> -> memref<10240x16xf32, #tpu.memory_space<hbm>>
        tpu.enqueue_indirect_dma source(%dma_start3A_106 : memref<10240x16xf32, #tpu.memory_space<hbm>>) target(%arg12 : memref<128x16xf32, #tpu.memory_space<vmem>>) offsets(%dma_start3A_103 : memref<128xi32, #tpu.memory_space<vmem>>) semaphore(%arg20 : memref<!tpu.dma_semaphore, #tpu.memory_space<semaphore_mem>>)
      } else {
      }
    }
    %scan3A_40 = arith.constant 40 : i32
    tpu.wait_dma2 semaphore(%arg21 : memref<!tpu.dma_semaphore, #tpu.memory_space<semaphore_mem>>) src(%arg5 : memref<128x16xf32, #tpu.memory_space<hbm>>) dst(%arg13 : memref<128x16xf32, #tpu.memory_space<vmem>>)
    tpu.wait_dma2 semaphore(%arg22 : memref<!tpu.dma_semaphore, #tpu.memory_space<semaphore_mem>>) src(%arg5 : memref<128x16xf32, #tpu.memory_space<hbm>>) dst(%arg14 : memref<128x16xf32, #tpu.memory_space<vmem>>)
    return
  }
}

#map = affine_map<(d0, d1) -> (0, 0)>
#map1 = affine_map<(d0, d1) -> (0, 0, 0)>
module attributes {stable_mosaic.version = 14 : i64} {
  func.func @_sc_a_body(%arg0: i32, %arg1: i32, %arg2: memref<10240x16xf32, #tpu.memory_space<hbm>>, %arg3: memref<512x16xf32, #tpu.memory_space<hbm>>, %arg4: memref<2560x128xi32, #tpu.memory_space<hbm>>, %arg5: memref<2560x128xi32, #tpu.memory_space<hbm>>, %arg6: memref<2560x128xi32, #tpu.memory_space<hbm>>, %arg7: memref<128x16xf32, #tpu.memory_space<hbm>>, %arg8: memref<327680x16xf32, #tpu.memory_space<hbm>>, %arg9: memref<2x10240x16xf32, #tpu.memory_space<hbm>>, %arg10: memref<10240x16xf32, #tpu.memory_space<vmem_shared>>, %arg11: memref<80x128xi32, #tpu.memory_space<vmem>>, %arg12: memref<80x128xi32, #tpu.memory_space<vmem>>, %arg13: memref<80x128xi32, #tpu.memory_space<vmem>>, %arg14: memref<128x16xf32, #tpu.memory_space<vmem>>, %arg15: memref<128x16xf32, #tpu.memory_space<vmem>>, %arg16: memref<128x16xf32, #tpu.memory_space<vmem>>, %arg17: memref<128x16xf32, #tpu.memory_space<vmem>>, %arg18: memref<128x16xf32, #tpu.memory_space<vmem>>, %arg19: memref<128x16xf32, #tpu.memory_space<vmem>>, %arg20: memref<128x16xf32, #tpu.memory_space<vmem>>, %arg21: memref<128x16xf32, #tpu.memory_space<vmem>>, %arg22: memref<!tpu.dma_semaphore, #tpu.memory_space<semaphore_mem>>, %arg23: memref<!tpu.dma_semaphore, #tpu.memory_space<semaphore_mem>>, %arg24: memref<!tpu.dma_semaphore, #tpu.memory_space<semaphore_mem>>, %arg25: memref<!tpu.dma_semaphore, #tpu.memory_space<semaphore_mem>>, %arg26: memref<!tpu.dma_semaphore, #tpu.memory_space<semaphore_mem>>, %arg27: memref<!tpu.dma_semaphore, #tpu.memory_space<semaphore_mem>>, %arg28: memref<!tpu.dma_semaphore, #tpu.memory_space<semaphore_mem>>, %arg29: memref<!tpu.dma_semaphore, #tpu.memory_space<semaphore_mem>>, %arg30: memref<!tpu.dma_semaphore, #tpu.memory_space<semaphore_mem>>, %arg31: memref<!tpu.dma_semaphore, #tpu.memory_space<semaphore_mem>>) attributes {dimension_semantics = [#tpu.dimension_semantics<core_parallel>, #tpu.dimension_semantics<subcore_parallel>], iteration_bounds = array<i64: 2, 16>, scalar_prefetch = 0 : i64, scratch_operands = 22 : i64, tpu.core_type = #tpu.core_type<sc_vector_subcore>, window_params = [{transform_indices = #map}, {transform_indices = #map}, {transform_indices = #map}, {transform_indices = #map}, {transform_indices = #map}, {transform_indices = #map}, {transform_indices = #map}, {transform_indices = #map1}]} {
    %mul3A = arith.constant 2 : i32
    %mul3A_0 = arith.muli %arg1, %mul3A : i32
    %add3A = arith.addi %mul3A_0, %arg0 : i32
    %mul3A_1 = arith.constant 640 : i32
    %mul3A_2 = arith.muli %arg1, %mul3A_1 : i32
    %scan3A = arith.constant 0 : i32
    %scan3A_3 = arith.constant 5 : i32
    %scan3A_4 = arith.addi %scan3A, %scan3A_3 : i32
    %scan3A_5 = arith.constant 1 : i32
    scf.for %scan3A_58 = %scan3A to %scan3A_4 step %scan3A_5  : i32 {
      %mul3A_59 = arith.constant 1 : i32
      %mul3A_60 = arith.muli %scan3A_58, %mul3A_59 : i32
      %add3A_61 = arith.constant 0 : i32
      %add3A_62 = arith.addi %add3A_61, %mul3A_60 : i32
      %mul3A_63 = arith.constant 128 : i32
      %mul3A_64 = arith.muli %add3A_62, %mul3A_63 : i32
      %add3A_65 = arith.addi %mul3A_2, %mul3A_64 : i32
      "tpu.region"() ({
        %run_scoped3A = tpu.sem_alloc : memref<!tpu.dma_semaphore, #tpu.memory_space<semaphore_mem>>
        %dma_start3A_66 = arith.constant 0 : i32
        %dma_start3A_67 = tpu.memref_slice %arg10[%add3A_65, %dma_start3A_66] : memref<10240x16xf32, #tpu.memory_space<vmem_shared>> -> memref<128x16xf32, #tpu.memory_space<vmem_shared>>
        tpu.enqueue_dma source(%arg7 : memref<128x16xf32, #tpu.memory_space<hbm>>) target(%dma_start3A_67 : memref<128x16xf32, #tpu.memory_space<vmem_shared>>) target_semaphore(%run_scoped3A : memref<!tpu.dma_semaphore, #tpu.memory_space<semaphore_mem>>)
        %dma_wait3A = arith.constant 0 : i32
        %dma_wait3A_68 = tpu.memref_slice %arg10[%add3A_65, %dma_wait3A] : memref<10240x16xf32, #tpu.memory_space<vmem_shared>> -> memref<128x16xf32, #tpu.memory_space<vmem_shared>>
        tpu.wait_dma2 semaphore(%run_scoped3A : memref<!tpu.dma_semaphore, #tpu.memory_space<semaphore_mem>>) src(%arg7 : memref<128x16xf32, #tpu.memory_space<hbm>>) dst(%dma_wait3A_68 : memref<128x16xf32, #tpu.memory_space<vmem_shared>>)
        tpu.yield
      }) : () -> ()
    }
    %scan3A_6 = arith.constant 5 : i32
    %mul3A_7 = arith.constant 80 : i32
    %mul3A_8 = arith.muli %add3A, %mul3A_7 : i32
    "tpu.region"() ({
      %run_scoped3A = tpu.sem_alloc : memref<!tpu.dma_semaphore, #tpu.memory_space<semaphore_mem>>
      %dma_start3A_58 = arith.constant 0 : i32
      %dma_start3A_59 = tpu.memref_slice %arg4[%mul3A_8, %dma_start3A_58] : memref<2560x128xi32, #tpu.memory_space<hbm>> -> memref<80x128xi32, #tpu.memory_space<hbm>>
      %dma_start3A_60 = arith.constant 0 : i32
      %dma_start3A_61 = tpu.memref_slice %arg4[%mul3A_8, %dma_start3A_60] : memref<2560x128xi32, #tpu.memory_space<hbm>> -> memref<80x128xi32, #tpu.memory_space<hbm>>
      tpu.enqueue_dma source(%dma_start3A_61 : memref<80x128xi32, #tpu.memory_space<hbm>>) target(%arg11 : memref<80x128xi32, #tpu.memory_space<vmem>>) target_semaphore(%run_scoped3A : memref<!tpu.dma_semaphore, #tpu.memory_space<semaphore_mem>>)
      %dma_wait3A = arith.constant 0 : i32
      %dma_wait3A_62 = tpu.memref_slice %arg4[%mul3A_8, %dma_wait3A] : memref<2560x128xi32, #tpu.memory_space<hbm>> -> memref<80x128xi32, #tpu.memory_space<hbm>>
      %dma_wait3A_63 = arith.constant 0 : i32
      %dma_wait3A_64 = tpu.memref_slice %arg4[%mul3A_8, %dma_wait3A_63] : memref<2560x128xi32, #tpu.memory_space<hbm>> -> memref<80x128xi32, #tpu.memory_space<hbm>>
      tpu.wait_dma2 semaphore(%run_scoped3A : memref<!tpu.dma_semaphore, #tpu.memory_space<semaphore_mem>>) src(%dma_wait3A_64 : memref<80x128xi32, #tpu.memory_space<hbm>>) dst(%arg11 : memref<80x128xi32, #tpu.memory_space<vmem>>)
      tpu.yield
    }) : () -> ()
    "tpu.region"() ({
      %run_scoped3A = tpu.sem_alloc : memref<!tpu.dma_semaphore, #tpu.memory_space<semaphore_mem>>
      %dma_start3A_58 = arith.constant 0 : i32
      %dma_start3A_59 = tpu.memref_slice %arg5[%mul3A_8, %dma_start3A_58] : memref<2560x128xi32, #tpu.memory_space<hbm>> -> memref<80x128xi32, #tpu.memory_space<hbm>>
      %dma_start3A_60 = arith.constant 0 : i32
      %dma_start3A_61 = tpu.memref_slice %arg5[%mul3A_8, %dma_start3A_60] : memref<2560x128xi32, #tpu.memory_space<hbm>> -> memref<80x128xi32, #tpu.memory_space<hbm>>
      tpu.enqueue_dma source(%dma_start3A_61 : memref<80x128xi32, #tpu.memory_space<hbm>>) target(%arg12 : memref<80x128xi32, #tpu.memory_space<vmem>>) target_semaphore(%run_scoped3A : memref<!tpu.dma_semaphore, #tpu.memory_space<semaphore_mem>>)
      %dma_wait3A = arith.constant 0 : i32
      %dma_wait3A_62 = tpu.memref_slice %arg5[%mul3A_8, %dma_wait3A] : memref<2560x128xi32, #tpu.memory_space<hbm>> -> memref<80x128xi32, #tpu.memory_space<hbm>>
      %dma_wait3A_63 = arith.constant 0 : i32
      %dma_wait3A_64 = tpu.memref_slice %arg5[%mul3A_8, %dma_wait3A_63] : memref<2560x128xi32, #tpu.memory_space<hbm>> -> memref<80x128xi32, #tpu.memory_space<hbm>>
      tpu.wait_dma2 semaphore(%run_scoped3A : memref<!tpu.dma_semaphore, #tpu.memory_space<semaphore_mem>>) src(%dma_wait3A_64 : memref<80x128xi32, #tpu.memory_space<hbm>>) dst(%arg12 : memref<80x128xi32, #tpu.memory_space<vmem>>)
      tpu.yield
    }) : () -> ()
    "tpu.region"() ({
      %run_scoped3A = tpu.sem_alloc : memref<!tpu.dma_semaphore, #tpu.memory_space<semaphore_mem>>
      %dma_start3A_58 = arith.constant 0 : i32
      %dma_start3A_59 = tpu.memref_slice %arg6[%mul3A_8, %dma_start3A_58] : memref<2560x128xi32, #tpu.memory_space<hbm>> -> memref<80x128xi32, #tpu.memory_space<hbm>>
      %dma_start3A_60 = arith.constant 0 : i32
      %dma_start3A_61 = tpu.memref_slice %arg6[%mul3A_8, %dma_start3A_60] : memref<2560x128xi32, #tpu.memory_space<hbm>> -> memref<80x128xi32, #tpu.memory_space<hbm>>
      tpu.enqueue_dma source(%dma_start3A_61 : memref<80x128xi32, #tpu.memory_space<hbm>>) target(%arg13 : memref<80x128xi32, #tpu.memory_space<vmem>>) target_semaphore(%run_scoped3A : memref<!tpu.dma_semaphore, #tpu.memory_space<semaphore_mem>>)
      %dma_wait3A = arith.constant 0 : i32
      %dma_wait3A_62 = tpu.memref_slice %arg6[%mul3A_8, %dma_wait3A] : memref<2560x128xi32, #tpu.memory_space<hbm>> -> memref<80x128xi32, #tpu.memory_space<hbm>>
      %dma_wait3A_63 = arith.constant 0 : i32
      %dma_wait3A_64 = tpu.memref_slice %arg6[%mul3A_8, %dma_wait3A_63] : memref<2560x128xi32, #tpu.memory_space<hbm>> -> memref<80x128xi32, #tpu.memory_space<hbm>>
      tpu.wait_dma2 semaphore(%run_scoped3A : memref<!tpu.dma_semaphore, #tpu.memory_space<semaphore_mem>>) src(%dma_wait3A_64 : memref<80x128xi32, #tpu.memory_space<hbm>>) dst(%arg13 : memref<80x128xi32, #tpu.memory_space<vmem>>)
      tpu.yield
    }) : () -> ()
    %barrier3A = arith.constant 0 : index
    tpu.barrier barrier_id(%barrier3A)
    %iota3A = tpu.iota {dimensions = array<i32: 0>} : vector<16xi32>
    %xor3A = arith.constant 8 : i32
    %xor3A_9 = vector.broadcast %xor3A : i32 to vector<16xi32>
    %xor3A_10 = arith.xori %iota3A, %xor3A_9 : vector<16xi32>
    %dma_start3A = arith.constant 0 : i32
    %dma_start3A_11 = arith.constant 0 : i32
    %dma_start3A_12 = tpu.memref_slice %arg11[%dma_start3A, %dma_start3A_11] : memref<80x128xi32, #tpu.memory_space<vmem>> -> memref<1x128xi32, #tpu.memory_space<vmem>>
    %dma_start3A_13 = tpu.memref_squeeze %dma_start3A_12 : memref<1x128xi32, #tpu.memory_space<vmem>> -> memref<128xi32, #tpu.memory_space<vmem>>
    %dma_start3A_14 = arith.constant 0 : i32
    %dma_start3A_15 = arith.constant 0 : i32
    %dma_start3A_16 = tpu.memref_slice %arg2[%dma_start3A_14, %dma_start3A_15] : memref<10240x16xf32, #tpu.memory_space<hbm>> -> memref<10240x16xf32, #tpu.memory_space<hbm>>
    tpu.enqueue_indirect_dma source(%dma_start3A_16 : memref<10240x16xf32, #tpu.memory_space<hbm>>) target(%arg14 : memref<128x16xf32, #tpu.memory_space<vmem>>) offsets(%dma_start3A_13 : memref<128xi32, #tpu.memory_space<vmem>>) semaphore(%arg22 : memref<!tpu.dma_semaphore, #tpu.memory_space<semaphore_mem>>)
    %dma_start3A_17 = arith.constant 0 : i32
    %dma_start3A_18 = arith.constant 0 : i32
    %dma_start3A_19 = tpu.memref_slice %arg12[%dma_start3A_17, %dma_start3A_18] : memref<80x128xi32, #tpu.memory_space<vmem>> -> memref<1x128xi32, #tpu.memory_space<vmem>>
    %dma_start3A_20 = tpu.memref_squeeze %dma_start3A_19 : memref<1x128xi32, #tpu.memory_space<vmem>> -> memref<128xi32, #tpu.memory_space<vmem>>
    %dma_start3A_21 = arith.constant 0 : i32
    %dma_start3A_22 = arith.constant 0 : i32
    %dma_start3A_23 = tpu.memref_slice %arg2[%dma_start3A_21, %dma_start3A_22] : memref<10240x16xf32, #tpu.memory_space<hbm>> -> memref<10240x16xf32, #tpu.memory_space<hbm>>
    tpu.enqueue_indirect_dma source(%dma_start3A_23 : memref<10240x16xf32, #tpu.memory_space<hbm>>) target(%arg16 : memref<128x16xf32, #tpu.memory_space<vmem>>) offsets(%dma_start3A_20 : memref<128xi32, #tpu.memory_space<vmem>>) semaphore(%arg24 : memref<!tpu.dma_semaphore, #tpu.memory_space<semaphore_mem>>)
    %dma_start3A_24 = arith.constant 0 : i32
    %dma_start3A_25 = arith.constant 0 : i32
    %dma_start3A_26 = tpu.memref_slice %arg13[%dma_start3A_24, %dma_start3A_25] : memref<80x128xi32, #tpu.memory_space<vmem>> -> memref<1x128xi32, #tpu.memory_space<vmem>>
    %dma_start3A_27 = tpu.memref_squeeze %dma_start3A_26 : memref<1x128xi32, #tpu.memory_space<vmem>> -> memref<128xi32, #tpu.memory_space<vmem>>
    %dma_start3A_28 = arith.constant 0 : i32
    %dma_start3A_29 = arith.constant 0 : i32
    %dma_start3A_30 = tpu.memref_slice %arg3[%dma_start3A_28, %dma_start3A_29] : memref<512x16xf32, #tpu.memory_space<hbm>> -> memref<512x16xf32, #tpu.memory_space<hbm>>
    tpu.enqueue_indirect_dma source(%dma_start3A_30 : memref<512x16xf32, #tpu.memory_space<hbm>>) target(%arg18 : memref<128x16xf32, #tpu.memory_space<vmem>>) offsets(%dma_start3A_27 : memref<128xi32, #tpu.memory_space<vmem>>) semaphore(%arg26 : memref<!tpu.dma_semaphore, #tpu.memory_space<semaphore_mem>>)
    %dma_start3A_31 = arith.constant 1 : i32
    %dma_start3A_32 = arith.constant 0 : i32
    %dma_start3A_33 = tpu.memref_slice %arg11[%dma_start3A_31, %dma_start3A_32] : memref<80x128xi32, #tpu.memory_space<vmem>> -> memref<1x128xi32, #tpu.memory_space<vmem>>
    %dma_start3A_34 = tpu.memref_squeeze %dma_start3A_33 : memref<1x128xi32, #tpu.memory_space<vmem>> -> memref<128xi32, #tpu.memory_space<vmem>>
    %dma_start3A_35 = arith.constant 0 : i32
    %dma_start3A_36 = arith.constant 0 : i32
    %dma_start3A_37 = tpu.memref_slice %arg2[%dma_start3A_35, %dma_start3A_36] : memref<10240x16xf32, #tpu.memory_space<hbm>> -> memref<10240x16xf32, #tpu.memory_space<hbm>>
    tpu.enqueue_indirect_dma source(%dma_start3A_37 : memref<10240x16xf32, #tpu.memory_space<hbm>>) target(%arg15 : memref<128x16xf32, #tpu.memory_space<vmem>>) offsets(%dma_start3A_34 : memref<128xi32, #tpu.memory_space<vmem>>) semaphore(%arg23 : memref<!tpu.dma_semaphore, #tpu.memory_space<semaphore_mem>>)
    %dma_start3A_38 = arith.constant 1 : i32
    %dma_start3A_39 = arith.constant 0 : i32
    %dma_start3A_40 = tpu.memref_slice %arg12[%dma_start3A_38, %dma_start3A_39] : memref<80x128xi32, #tpu.memory_space<vmem>> -> memref<1x128xi32, #tpu.memory_space<vmem>>
    %dma_start3A_41 = tpu.memref_squeeze %dma_start3A_40 : memref<1x128xi32, #tpu.memory_space<vmem>> -> memref<128xi32, #tpu.memory_space<vmem>>
    %dma_start3A_42 = arith.constant 0 : i32
    %dma_start3A_43 = arith.constant 0 : i32
    %dma_start3A_44 = tpu.memref_slice %arg2[%dma_start3A_42, %dma_start3A_43] : memref<10240x16xf32, #tpu.memory_space<hbm>> -> memref<10240x16xf32, #tpu.memory_space<hbm>>
    tpu.enqueue_indirect_dma source(%dma_start3A_44 : memref<10240x16xf32, #tpu.memory_space<hbm>>) target(%arg17 : memref<128x16xf32, #tpu.memory_space<vmem>>) offsets(%dma_start3A_41 : memref<128xi32, #tpu.memory_space<vmem>>) semaphore(%arg25 : memref<!tpu.dma_semaphore, #tpu.memory_space<semaphore_mem>>)
    %dma_start3A_45 = arith.constant 1 : i32
    %dma_start3A_46 = arith.constant 0 : i32
    %dma_start3A_47 = tpu.memref_slice %arg13[%dma_start3A_45, %dma_start3A_46] : memref<80x128xi32, #tpu.memory_space<vmem>> -> memref<1x128xi32, #tpu.memory_space<vmem>>
    %dma_start3A_48 = tpu.memref_squeeze %dma_start3A_47 : memref<1x128xi32, #tpu.memory_space<vmem>> -> memref<128xi32, #tpu.memory_space<vmem>>
    %dma_start3A_49 = arith.constant 0 : i32
    %dma_start3A_50 = arith.constant 0 : i32
    %dma_start3A_51 = tpu.memref_slice %arg3[%dma_start3A_49, %dma_start3A_50] : memref<512x16xf32, #tpu.memory_space<hbm>> -> memref<512x16xf32, #tpu.memory_space<hbm>>
    tpu.enqueue_indirect_dma source(%dma_start3A_51 : memref<512x16xf32, #tpu.memory_space<hbm>>) target(%arg19 : memref<128x16xf32, #tpu.memory_space<vmem>>) offsets(%dma_start3A_48 : memref<128xi32, #tpu.memory_space<vmem>>) semaphore(%arg27 : memref<!tpu.dma_semaphore, #tpu.memory_space<semaphore_mem>>)
    %scan3A_52 = arith.constant 0 : i32
    %scan3A_53 = arith.constant 40 : i32
    %scan3A_54 = arith.addi %scan3A_52, %scan3A_53 : i32
    %scan3A_55 = arith.constant 1 : i32
    scf.for %scan3A_58 = %scan3A_52 to %scan3A_54 step %scan3A_55  : i32 {
      %mul3A_59 = arith.constant 1 : i32
      %mul3A_60 = arith.muli %scan3A_58, %mul3A_59 : i32
      %add3A_61 = arith.constant 0 : i32
      %add3A_62 = arith.addi %add3A_61, %mul3A_60 : i32
      %mul3A_63 = arith.constant 2 : i32
      %mul3A_64 = arith.muli %mul3A_63, %add3A_62 : i32
      %add3A_65 = arith.constant 0 : i32
      %add3A_66 = arith.addi %mul3A_64, %add3A_65 : i32
      %gt3A = arith.constant 0 : i32
      %gt3A_67 = arith.cmpi sgt, %add3A_62, %gt3A : i32
      %convert_element_type3A = arith.extui %gt3A_67 : i1 to i32
      %cond3A = arith.constant 0 : i32
      %cond3A_68 = arith.cmpi ne, %convert_element_type3A, %cond3A : i32
      scf.if %cond3A_68 {
        tpu.wait_dma2 semaphore(%arg28 : memref<!tpu.dma_semaphore, #tpu.memory_space<semaphore_mem>>) src(%arg7 : memref<128x16xf32, #tpu.memory_space<hbm>>) dst(%arg20 : memref<128x16xf32, #tpu.memory_space<vmem>>)
        tpu.wait_dma2 semaphore(%arg30 : memref<!tpu.dma_semaphore, #tpu.memory_space<semaphore_mem>>) src(%arg7 : memref<128x16xf32, #tpu.memory_space<hbm>>) dst(%arg20 : memref<128x16xf32, #tpu.memory_space<vmem>>)
      } else {
      }
      tpu.wait_dma2 semaphore(%arg22 : memref<!tpu.dma_semaphore, #tpu.memory_space<semaphore_mem>>) src(%arg7 : memref<128x16xf32, #tpu.memory_space<hbm>>) dst(%arg14 : memref<128x16xf32, #tpu.memory_space<vmem>>)
      tpu.wait_dma2 semaphore(%arg24 : memref<!tpu.dma_semaphore, #tpu.memory_space<semaphore_mem>>) src(%arg7 : memref<128x16xf32, #tpu.memory_space<hbm>>) dst(%arg16 : memref<128x16xf32, #tpu.memory_space<vmem>>)
      tpu.wait_dma2 semaphore(%arg26 : memref<!tpu.dma_semaphore, #tpu.memory_space<semaphore_mem>>) src(%arg7 : memref<128x16xf32, #tpu.memory_space<hbm>>) dst(%arg18 : memref<128x16xf32, #tpu.memory_space<vmem>>)
      %parallel_loop3A = arith.constant 0 : i32
      %parallel_loop3A_69 = arith.constant 128 : i32
      %parallel_loop3A_70 = arith.constant 1 : i32
      scf.for %parallel_loop3A_118 = %parallel_loop3A to %parallel_loop3A_69 step %parallel_loop3A_70  : i32 {
        %parallel_loop3A_119 = vector.broadcast %parallel_loop3A_118 : i32 to vector<16xi32>
        %parallel_loop3A_120 = tpu.vector_load_idx %arg16[%parallel_loop3A_119, %xor3A_10] : memref<128x16xf32, #tpu.memory_space<vmem>>[vector<16xi32>, vector<16xi32>], vector<16xf32>,
        %parallel_loop3A_121 = arith.index_cast %parallel_loop3A_118 : i32 to index
        %parallel_loop3A_122 = arith.constant 0 : index
        %parallel_loop3A_123 = tpu.vector_load %arg14[%parallel_loop3A_121, %parallel_loop3A_122] {strides = array<i32>} : memref<128x16xf32, #tpu.memory_space<vmem>>, vector<16xf32>,
        %parallel_loop3A_124 = arith.addf %parallel_loop3A_123, %parallel_loop3A_120 : vector<16xf32>
        %parallel_loop3A_125 = arith.index_cast %parallel_loop3A_118 : i32 to index
        %parallel_loop3A_126 = arith.constant 0 : index
        %parallel_loop3A_127 = tpu.vector_load %arg18[%parallel_loop3A_125, %parallel_loop3A_126] {strides = array<i32>} : memref<128x16xf32, #tpu.memory_space<vmem>>, vector<16xf32>,
        %parallel_loop3A_128 = arith.addf %parallel_loop3A_124, %parallel_loop3A_127 : vector<16xf32>
        %parallel_loop3A_129 = arith.constant 0.000000e+00 : f32
        %parallel_loop3A_130 = vector.broadcast %parallel_loop3A_129 : f32 to vector<16xf32>
        %parallel_loop3A_131 = arith.cmpf oge, %parallel_loop3A_128, %parallel_loop3A_130 : vector<16xf32>
        %parallel_loop3A_132 = arith.constant 2.000000e-01 : f32
        %parallel_loop3A_133 = vector.broadcast %parallel_loop3A_132 : f32 to vector<16xf32>
        %parallel_loop3A_134 = arith.mulf %parallel_loop3A_133, %parallel_loop3A_128 : vector<16xf32>
        %parallel_loop3A_135 = arith.select %parallel_loop3A_131, %parallel_loop3A_128, %parallel_loop3A_134 : vector<16xi1>, vector<16xf32>
        %parallel_loop3A_136 = math.exp %parallel_loop3A_135 : vector<16xf32>
        %parallel_loop3A_137 = arith.index_cast %parallel_loop3A_118 : i32 to index
        %parallel_loop3A_138 = arith.constant 0 : index
        %parallel_loop3A_139 = tpu.vector_load %arg20[%parallel_loop3A_137, %parallel_loop3A_138] {strides = array<i32>} : memref<128x16xf32, #tpu.memory_space<vmem>>, vector<16xf32>,
        tpu.vector_store %arg20[%parallel_loop3A_137, %parallel_loop3A_138], %parallel_loop3A_136 {strides = array<i32>} : memref<128x16xf32, #tpu.memory_space<vmem>>, vector<16xf32>,
      } {sc.loop_unroll_factor = 4 : i64, sc.parallel_access}
      %lt3A = arith.constant 39 : i32
      %lt3A_71 = arith.cmpi slt, %add3A_62, %lt3A : i32
      %convert_element_type3A_72 = arith.extui %lt3A_71 : i1 to i32
      %cond3A_73 = arith.constant 0 : i32
      %cond3A_74 = arith.cmpi ne, %convert_element_type3A_72, %cond3A_73 : i32
      scf.if %cond3A_74 {
        %add3A_118 = arith.constant 2 : i32
        %add3A_119 = arith.addi %add3A_66, %add3A_118 : i32
        %dma_start3A_120 = arith.constant 0 : i32
        %dma_start3A_121 = tpu.memref_slice %arg11[%add3A_119, %dma_start3A_120] : memref<80x128xi32, #tpu.memory_space<vmem>> -> memref<1x128xi32, #tpu.memory_space<vmem>>
        %dma_start3A_122 = tpu.memref_squeeze %dma_start3A_121 : memref<1x128xi32, #tpu.memory_space<vmem>> -> memref<128xi32, #tpu.memory_space<vmem>>
        %dma_start3A_123 = arith.constant 0 : i32
        %dma_start3A_124 = arith.constant 0 : i32
        %dma_start3A_125 = tpu.memref_slice %arg2[%dma_start3A_123, %dma_start3A_124] : memref<10240x16xf32, #tpu.memory_space<hbm>> -> memref<10240x16xf32, #tpu.memory_space<hbm>>
        tpu.enqueue_indirect_dma source(%dma_start3A_125 : memref<10240x16xf32, #tpu.memory_space<hbm>>) target(%arg14 : memref<128x16xf32, #tpu.memory_space<vmem>>) offsets(%dma_start3A_122 : memref<128xi32, #tpu.memory_space<vmem>>) semaphore(%arg22 : memref<!tpu.dma_semaphore, #tpu.memory_space<semaphore_mem>>)
        %add3A_126 = arith.constant 2 : i32
        %add3A_127 = arith.addi %add3A_66, %add3A_126 : i32
        %dma_start3A_128 = arith.constant 0 : i32
        %dma_start3A_129 = tpu.memref_slice %arg12[%add3A_127, %dma_start3A_128] : memref<80x128xi32, #tpu.memory_space<vmem>> -> memref<1x128xi32, #tpu.memory_space<vmem>>
        %dma_start3A_130 = tpu.memref_squeeze %dma_start3A_129 : memref<1x128xi32, #tpu.memory_space<vmem>> -> memref<128xi32, #tpu.memory_space<vmem>>
        %dma_start3A_131 = arith.constant 0 : i32
        %dma_start3A_132 = arith.constant 0 : i32
        %dma_start3A_133 = tpu.memref_slice %arg2[%dma_start3A_131, %dma_start3A_132] : memref<10240x16xf32, #tpu.memory_space<hbm>> -> memref<10240x16xf32, #tpu.memory_space<hbm>>
        tpu.enqueue_indirect_dma source(%dma_start3A_133 : memref<10240x16xf32, #tpu.memory_space<hbm>>) target(%arg16 : memref<128x16xf32, #tpu.memory_space<vmem>>) offsets(%dma_start3A_130 : memref<128xi32, #tpu.memory_space<vmem>>) semaphore(%arg24 : memref<!tpu.dma_semaphore, #tpu.memory_space<semaphore_mem>>)
        %add3A_134 = arith.constant 2 : i32
        %add3A_135 = arith.addi %add3A_66, %add3A_134 : i32
        %dma_start3A_136 = arith.constant 0 : i32
        %dma_start3A_137 = tpu.memref_slice %arg13[%add3A_135, %dma_start3A_136] : memref<80x128xi32, #tpu.memory_space<vmem>> -> memref<1x128xi32, #tpu.memory_space<vmem>>
        %dma_start3A_138 = tpu.memref_squeeze %dma_start3A_137 : memref<1x128xi32, #tpu.memory_space<vmem>> -> memref<128xi32, #tpu.memory_space<vmem>>
        %dma_start3A_139 = arith.constant 0 : i32
        %dma_start3A_140 = arith.constant 0 : i32
        %dma_start3A_141 = tpu.memref_slice %arg3[%dma_start3A_139, %dma_start3A_140] : memref<512x16xf32, #tpu.memory_space<hbm>> -> memref<512x16xf32, #tpu.memory_space<hbm>>
        tpu.enqueue_indirect_dma source(%dma_start3A_141 : memref<512x16xf32, #tpu.memory_space<hbm>>) target(%arg18 : memref<128x16xf32, #tpu.memory_space<vmem>>) offsets(%dma_start3A_138 : memref<128xi32, #tpu.memory_space<vmem>>) semaphore(%arg26 : memref<!tpu.dma_semaphore, #tpu.memory_space<semaphore_mem>>)
      } else {
      }
      %dma_start3A_75 = arith.constant 0 : i32
      %dma_start3A_76 = tpu.memref_slice %arg12[%add3A_66, %dma_start3A_75] : memref<80x128xi32, #tpu.memory_space<vmem>> -> memref<1x128xi32, #tpu.memory_space<vmem>>
      %dma_start3A_77 = tpu.memref_squeeze %dma_start3A_76 : memref<1x128xi32, #tpu.memory_space<vmem>> -> memref<128xi32, #tpu.memory_space<vmem>>
      %dma_start3A_78 = arith.constant 0 : i32
      %dma_start3A_79 = arith.constant 0 : i32
      %dma_start3A_80 = tpu.memref_slice %arg10[%dma_start3A_78, %dma_start3A_79] : memref<10240x16xf32, #tpu.memory_space<vmem_shared>> -> memref<10240x16xf32, #tpu.memory_space<vmem_shared>>
      tpu.enqueue_indirect_dma source(%arg20 : memref<128x16xf32, #tpu.memory_space<vmem>>) target(%dma_start3A_80 : memref<10240x16xf32, #tpu.memory_space<vmem_shared>>) offsets(%dma_start3A_77 : memref<128xi32, #tpu.memory_space<vmem>>) semaphore(%arg28 : memref<!tpu.dma_semaphore, #tpu.memory_space<semaphore_mem>>) {add = true}
      %add3A_81 = arith.addi %mul3A_8, %add3A_66 : i32
      %mul3A_82 = arith.constant 128 : i32
      %mul3A_83 = arith.muli %add3A_81, %mul3A_82 : i32
      %dma_start3A_84 = arith.constant 0 : i32
      %dma_start3A_85 = tpu.memref_slice %arg8[%mul3A_83, %dma_start3A_84] : memref<327680x16xf32, #tpu.memory_space<hbm>> -> memref<128x16xf32, #tpu.memory_space<hbm>>
      %dma_start3A_86 = arith.constant 0 : i32
      %dma_start3A_87 = tpu.memref_slice %arg8[%mul3A_83, %dma_start3A_86] : memref<327680x16xf32, #tpu.memory_space<hbm>> -> memref<128x16xf32, #tpu.memory_space<hbm>>
      tpu.enqueue_dma source(%arg20 : memref<128x16xf32, #tpu.memory_space<vmem>>) target(%dma_start3A_87 : memref<128x16xf32, #tpu.memory_space<hbm>>) target_semaphore(%arg30 : memref<!tpu.dma_semaphore, #tpu.memory_space<semaphore_mem>>)
      %mul3A_88 = arith.constant 2 : i32
      %mul3A_89 = arith.muli %mul3A_88, %add3A_62 : i32
      %add3A_90 = arith.constant 1 : i32
      %add3A_91 = arith.addi %mul3A_89, %add3A_90 : i32
      %gt3A_92 = arith.constant 0 : i32
      %gt3A_93 = arith.cmpi sgt, %add3A_62, %gt3A_92 : i32
      %convert_element_type3A_94 = arith.extui %gt3A_93 : i1 to i32
      %cond3A_95 = arith.constant 0 : i32
      %cond3A_96 = arith.cmpi ne, %convert_element_type3A_94, %cond3A_95 : i32
      scf.if %cond3A_96 {
        tpu.wait_dma2 semaphore(%arg29 : memref<!tpu.dma_semaphore, #tpu.memory_space<semaphore_mem>>) src(%arg7 : memref<128x16xf32, #tpu.memory_space<hbm>>) dst(%arg21 : memref<128x16xf32, #tpu.memory_space<vmem>>)
        tpu.wait_dma2 semaphore(%arg31 : memref<!tpu.dma_semaphore, #tpu.memory_space<semaphore_mem>>) src(%arg7 : memref<128x16xf32, #tpu.memory_space<hbm>>) dst(%arg21 : memref<128x16xf32, #tpu.memory_space<vmem>>)
      } else {
      }
      tpu.wait_dma2 semaphore(%arg23 : memref<!tpu.dma_semaphore, #tpu.memory_space<semaphore_mem>>) src(%arg7 : memref<128x16xf32, #tpu.memory_space<hbm>>) dst(%arg15 : memref<128x16xf32, #tpu.memory_space<vmem>>)
      tpu.wait_dma2 semaphore(%arg25 : memref<!tpu.dma_semaphore, #tpu.memory_space<semaphore_mem>>) src(%arg7 : memref<128x16xf32, #tpu.memory_space<hbm>>) dst(%arg17 : memref<128x16xf32, #tpu.memory_space<vmem>>)
      tpu.wait_dma2 semaphore(%arg27 : memref<!tpu.dma_semaphore, #tpu.memory_space<semaphore_mem>>) src(%arg7 : memref<128x16xf32, #tpu.memory_space<hbm>>) dst(%arg19 : memref<128x16xf32, #tpu.memory_space<vmem>>)
      %parallel_loop3A_97 = arith.constant 0 : i32
      %parallel_loop3A_98 = arith.constant 128 : i32
      %parallel_loop3A_99 = arith.constant 1 : i32
      scf.for %parallel_loop3A_118 = %parallel_loop3A_97 to %parallel_loop3A_98 step %parallel_loop3A_99  : i32 {
        %parallel_loop3A_119 = vector.broadcast %parallel_loop3A_118 : i32 to vector<16xi32>
        %parallel_loop3A_120 = tpu.vector_load_idx %arg17[%parallel_loop3A_119, %xor3A_10] : memref<128x16xf32, #tpu.memory_space<vmem>>[vector<16xi32>, vector<16xi32>], vector<16xf32>,
        %parallel_loop3A_121 = arith.index_cast %parallel_loop3A_118 : i32 to index
        %parallel_loop3A_122 = arith.constant 0 : index
        %parallel_loop3A_123 = tpu.vector_load %arg15[%parallel_loop3A_121, %parallel_loop3A_122] {strides = array<i32>} : memref<128x16xf32, #tpu.memory_space<vmem>>, vector<16xf32>,
        %parallel_loop3A_124 = arith.addf %parallel_loop3A_123, %parallel_loop3A_120 : vector<16xf32>
        %parallel_loop3A_125 = arith.index_cast %parallel_loop3A_118 : i32 to index
        %parallel_loop3A_126 = arith.constant 0 : index
        %parallel_loop3A_127 = tpu.vector_load %arg19[%parallel_loop3A_125, %parallel_loop3A_126] {strides = array<i32>} : memref<128x16xf32, #tpu.memory_space<vmem>>, vector<16xf32>,
        %parallel_loop3A_128 = arith.addf %parallel_loop3A_124, %parallel_loop3A_127 : vector<16xf32>
        %parallel_loop3A_129 = arith.constant 0.000000e+00 : f32
        %parallel_loop3A_130 = vector.broadcast %parallel_loop3A_129 : f32 to vector<16xf32>
        %parallel_loop3A_131 = arith.cmpf oge, %parallel_loop3A_128, %parallel_loop3A_130 : vector<16xf32>
        %parallel_loop3A_132 = arith.constant 2.000000e-01 : f32
        %parallel_loop3A_133 = vector.broadcast %parallel_loop3A_132 : f32 to vector<16xf32>
        %parallel_loop3A_134 = arith.mulf %parallel_loop3A_133, %parallel_loop3A_128 : vector<16xf32>
        %parallel_loop3A_135 = arith.select %parallel_loop3A_131, %parallel_loop3A_128, %parallel_loop3A_134 : vector<16xi1>, vector<16xf32>
        %parallel_loop3A_136 = math.exp %parallel_loop3A_135 : vector<16xf32>
        %parallel_loop3A_137 = arith.index_cast %parallel_loop3A_118 : i32 to index
        %parallel_loop3A_138 = arith.constant 0 : index
        %parallel_loop3A_139 = tpu.vector_load %arg21[%parallel_loop3A_137, %parallel_loop3A_138] {strides = array<i32>} : memref<128x16xf32, #tpu.memory_space<vmem>>, vector<16xf32>,
        tpu.vector_store %arg21[%parallel_loop3A_137, %parallel_loop3A_138], %parallel_loop3A_136 {strides = array<i32>} : memref<128x16xf32, #tpu.memory_space<vmem>>, vector<16xf32>,
      } {sc.loop_unroll_factor = 4 : i64, sc.parallel_access}
      %lt3A_100 = arith.constant 39 : i32
      %lt3A_101 = arith.cmpi slt, %add3A_62, %lt3A_100 : i32
      %convert_element_type3A_102 = arith.extui %lt3A_101 : i1 to i32
      %cond3A_103 = arith.constant 0 : i32
      %cond3A_104 = arith.cmpi ne, %convert_element_type3A_102, %cond3A_103 : i32
      scf.if %cond3A_104 {
        %add3A_118 = arith.constant 2 : i32
        %add3A_119 = arith.addi %add3A_91, %add3A_118 : i32
        %dma_start3A_120 = arith.constant 0 : i32
        %dma_start3A_121 = tpu.memref_slice %arg11[%add3A_119, %dma_start3A_120] : memref<80x128xi32, #tpu.memory_space<vmem>> -> memref<1x128xi32, #tpu.memory_space<vmem>>
        %dma_start3A_122 = tpu.memref_squeeze %dma_start3A_121 : memref<1x128xi32, #tpu.memory_space<vmem>> -> memref<128xi32, #tpu.memory_space<vmem>>
        %dma_start3A_123 = arith.constant 0 : i32
        %dma_start3A_124 = arith.constant 0 : i32
        %dma_start3A_125 = tpu.memref_slice %arg2[%dma_start3A_123, %dma_start3A_124] : memref<10240x16xf32, #tpu.memory_space<hbm>> -> memref<10240x16xf32, #tpu.memory_space<hbm>>
        tpu.enqueue_indirect_dma source(%dma_start3A_125 : memref<10240x16xf32, #tpu.memory_space<hbm>>) target(%arg15 : memref<128x16xf32, #tpu.memory_space<vmem>>) offsets(%dma_start3A_122 : memref<128xi32, #tpu.memory_space<vmem>>) semaphore(%arg23 : memref<!tpu.dma_semaphore, #tpu.memory_space<semaphore_mem>>)
        %add3A_126 = arith.constant 2 : i32
        %add3A_127 = arith.addi %add3A_91, %add3A_126 : i32
        %dma_start3A_128 = arith.constant 0 : i32
        %dma_start3A_129 = tpu.memref_slice %arg12[%add3A_127, %dma_start3A_128] : memref<80x128xi32, #tpu.memory_space<vmem>> -> memref<1x128xi32, #tpu.memory_space<vmem>>
        %dma_start3A_130 = tpu.memref_squeeze %dma_start3A_129 : memref<1x128xi32, #tpu.memory_space<vmem>> -> memref<128xi32, #tpu.memory_space<vmem>>
        %dma_start3A_131 = arith.constant 0 : i32
        %dma_start3A_132 = arith.constant 0 : i32
        %dma_start3A_133 = tpu.memref_slice %arg2[%dma_start3A_131, %dma_start3A_132] : memref<10240x16xf32, #tpu.memory_space<hbm>> -> memref<10240x16xf32, #tpu.memory_space<hbm>>
        tpu.enqueue_indirect_dma source(%dma_start3A_133 : memref<10240x16xf32, #tpu.memory_space<hbm>>) target(%arg17 : memref<128x16xf32, #tpu.memory_space<vmem>>) offsets(%dma_start3A_130 : memref<128xi32, #tpu.memory_space<vmem>>) semaphore(%arg25 : memref<!tpu.dma_semaphore, #tpu.memory_space<semaphore_mem>>)
        %add3A_134 = arith.constant 2 : i32
        %add3A_135 = arith.addi %add3A_91, %add3A_134 : i32
        %dma_start3A_136 = arith.constant 0 : i32
        %dma_start3A_137 = tpu.memref_slice %arg13[%add3A_135, %dma_start3A_136] : memref<80x128xi32, #tpu.memory_space<vmem>> -> memref<1x128xi32, #tpu.memory_space<vmem>>
        %dma_start3A_138 = tpu.memref_squeeze %dma_start3A_137 : memref<1x128xi32, #tpu.memory_space<vmem>> -> memref<128xi32, #tpu.memory_space<vmem>>
        %dma_start3A_139 = arith.constant 0 : i32
        %dma_start3A_140 = arith.constant 0 : i32
        %dma_start3A_141 = tpu.memref_slice %arg3[%dma_start3A_139, %dma_start3A_140] : memref<512x16xf32, #tpu.memory_space<hbm>> -> memref<512x16xf32, #tpu.memory_space<hbm>>
        tpu.enqueue_indirect_dma source(%dma_start3A_141 : memref<512x16xf32, #tpu.memory_space<hbm>>) target(%arg19 : memref<128x16xf32, #tpu.memory_space<vmem>>) offsets(%dma_start3A_138 : memref<128xi32, #tpu.memory_space<vmem>>) semaphore(%arg27 : memref<!tpu.dma_semaphore, #tpu.memory_space<semaphore_mem>>)
      } else {
      }
      %dma_start3A_105 = arith.constant 0 : i32
      %dma_start3A_106 = tpu.memref_slice %arg12[%add3A_91, %dma_start3A_105] : memref<80x128xi32, #tpu.memory_space<vmem>> -> memref<1x128xi32, #tpu.memory_space<vmem>>
      %dma_start3A_107 = tpu.memref_squeeze %dma_start3A_106 : memref<1x128xi32, #tpu.memory_space<vmem>> -> memref<128xi32, #tpu.memory_space<vmem>>
      %dma_start3A_108 = arith.constant 0 : i32
      %dma_start3A_109 = arith.constant 0 : i32
      %dma_start3A_110 = tpu.memref_slice %arg10[%dma_start3A_108, %dma_start3A_109] : memref<10240x16xf32, #tpu.memory_space<vmem_shared>> -> memref<10240x16xf32, #tpu.memory_space<vmem_shared>>
      tpu.enqueue_indirect_dma source(%arg21 : memref<128x16xf32, #tpu.memory_space<vmem>>) target(%dma_start3A_110 : memref<10240x16xf32, #tpu.memory_space<vmem_shared>>) offsets(%dma_start3A_107 : memref<128xi32, #tpu.memory_space<vmem>>) semaphore(%arg29 : memref<!tpu.dma_semaphore, #tpu.memory_space<semaphore_mem>>) {add = true}
      %add3A_111 = arith.addi %mul3A_8, %add3A_91 : i32
      %mul3A_112 = arith.constant 128 : i32
      %mul3A_113 = arith.muli %add3A_111, %mul3A_112 : i32
      %dma_start3A_114 = arith.constant 0 : i32
      %dma_start3A_115 = tpu.memref_slice %arg8[%mul3A_113, %dma_start3A_114] : memref<327680x16xf32, #tpu.memory_space<hbm>> -> memref<128x16xf32, #tpu.memory_space<hbm>>
      %dma_start3A_116 = arith.constant 0 : i32
      %dma_start3A_117 = tpu.memref_slice %arg8[%mul3A_113, %dma_start3A_116] : memref<327680x16xf32, #tpu.memory_space<hbm>> -> memref<128x16xf32, #tpu.memory_space<hbm>>
      tpu.enqueue_dma source(%arg21 : memref<128x16xf32, #tpu.memory_space<vmem>>) target(%dma_start3A_117 : memref<128x16xf32, #tpu.memory_space<hbm>>) target_semaphore(%arg31 : memref<!tpu.dma_semaphore, #tpu.memory_space<semaphore_mem>>)
    }
    %scan3A_56 = arith.constant 40 : i32
    tpu.wait_dma2 semaphore(%arg28 : memref<!tpu.dma_semaphore, #tpu.memory_space<semaphore_mem>>) src(%arg7 : memref<128x16xf32, #tpu.memory_space<hbm>>) dst(%arg20 : memref<128x16xf32, #tpu.memory_space<vmem>>)
    tpu.wait_dma2 semaphore(%arg30 : memref<!tpu.dma_semaphore, #tpu.memory_space<semaphore_mem>>) src(%arg7 : memref<128x16xf32, #tpu.memory_space<hbm>>) dst(%arg20 : memref<128x16xf32, #tpu.memory_space<vmem>>)
    tpu.wait_dma2 semaphore(%arg29 : memref<!tpu.dma_semaphore, #tpu.memory_space<semaphore_mem>>) src(%arg7 : memref<128x16xf32, #tpu.memory_space<hbm>>) dst(%arg21 : memref<128x16xf32, #tpu.memory_space<vmem>>)
    tpu.wait_dma2 semaphore(%arg31 : memref<!tpu.dma_semaphore, #tpu.memory_space<semaphore_mem>>) src(%arg7 : memref<128x16xf32, #tpu.memory_space<hbm>>) dst(%arg21 : memref<128x16xf32, #tpu.memory_space<vmem>>)
    %barrier3A_57 = arith.constant 0 : index
    tpu.barrier barrier_id(%barrier3A_57)
    "tpu.region"() ({
      %run_scoped3A = tpu.sem_alloc : memref<!tpu.dma_semaphore, #tpu.memory_space<semaphore_mem>>
      %dma_start3A_58 = arith.constant 0 : i32
      %dma_start3A_59 = arith.constant 0 : i32
      %dma_start3A_60 = tpu.memref_slice %arg9[%arg0, %dma_start3A_58, %dma_start3A_59] : memref<2x10240x16xf32, #tpu.memory_space<hbm>> -> memref<1x10240x16xf32, #tpu.memory_space<hbm>>
      %dma_start3A_61 = tpu.memref_squeeze %dma_start3A_60 : memref<1x10240x16xf32, #tpu.memory_space<hbm>> -> memref<10240x16xf32, #tpu.memory_space<hbm>>
      %dma_start3A_62 = arith.constant 0 : i32
      %dma_start3A_63 = tpu.memref_slice %dma_start3A_61[%mul3A_2, %dma_start3A_62] : memref<10240x16xf32, #tpu.memory_space<hbm>> -> memref<640x16xf32, #tpu.memory_space<hbm>>
      %dma_start3A_64 = arith.constant 0 : i32
      %dma_start3A_65 = tpu.memref_slice %arg10[%mul3A_2, %dma_start3A_64] : memref<10240x16xf32, #tpu.memory_space<vmem_shared>> -> memref<640x16xf32, #tpu.memory_space<vmem_shared>>
      tpu.enqueue_dma source(%dma_start3A_65 : memref<640x16xf32, #tpu.memory_space<vmem_shared>>) target(%dma_start3A_63 : memref<640x16xf32, #tpu.memory_space<hbm>>) target_semaphore(%run_scoped3A : memref<!tpu.dma_semaphore, #tpu.memory_space<semaphore_mem>>)
      %dma_wait3A = arith.constant 0 : i32
      %dma_wait3A_66 = arith.constant 0 : i32
      %dma_wait3A_67 = tpu.memref_slice %arg9[%arg0, %dma_wait3A, %dma_wait3A_66] : memref<2x10240x16xf32, #tpu.memory_space<hbm>> -> memref<1x10240x16xf32, #tpu.memory_space<hbm>>
      %dma_wait3A_68 = tpu.memref_squeeze %dma_wait3A_67 : memref<1x10240x16xf32, #tpu.memory_space<hbm>> -> memref<10240x16xf32, #tpu.memory_space<hbm>>
      %dma_wait3A_69 = arith.constant 0 : i32
      %dma_wait3A_70 = tpu.memref_slice %dma_wait3A_68[%mul3A_2, %dma_wait3A_69] : memref<10240x16xf32, #tpu.memory_space<hbm>> -> memref<640x16xf32, #tpu.memory_space<hbm>>
      %dma_wait3A_71 = arith.constant 0 : i32
      %dma_wait3A_72 = tpu.memref_slice %arg10[%mul3A_2, %dma_wait3A_71] : memref<10240x16xf32, #tpu.memory_space<vmem_shared>> -> memref<640x16xf32, #tpu.memory_space<vmem_shared>>
      tpu.wait_dma2 semaphore(%run_scoped3A : memref<!tpu.dma_semaphore, #tpu.memory_space<semaphore_mem>>) src(%dma_wait3A_72 : memref<640x16xf32, #tpu.memory_space<vmem_shared>>) dst(%dma_wait3A_70 : memref<640x16xf32, #tpu.memory_space<hbm>>)
      tpu.yield
    }) : () -> ()
    return
  }
}

#map = affine_map<(d0, d1) -> (0, 0)>
#map1 = affine_map<(d0, d1) -> (0, 0, 0)>
module attributes {stable_mosaic.version = 14 : i64} {
  func.func @_sc_c_body(%arg0: i32, %arg1: i32, %arg2: memref<10240x128xf32, #tpu.memory_space<hbm>>, %arg3: memref<327680x16xf32, #tpu.memory_space<hbm>>, %arg4: memref<2560x128xi32, #tpu.memory_space<hbm>>, %arg5: memref<2560x128xi32, #tpu.memory_space<hbm>>, %arg6: memref<128x64xf32, #tpu.memory_space<hbm>>, %arg7: memref<2x10240x64xf32, #tpu.memory_space<hbm>>, %arg8: memref<10240x64xf32, #tpu.memory_space<vmem_shared>>, %arg9: memref<10240x64xf32, #tpu.memory_space<vmem_shared>>, %arg10: memref<40x128xi32, #tpu.memory_space<vmem>>, %arg11: memref<40x128xi32, #tpu.memory_space<vmem>>, %arg12: memref<128x64xf32, #tpu.memory_space<vmem>>, %arg13: memref<128x64xf32, #tpu.memory_space<vmem>>, %arg14: memref<128x64xf32, #tpu.memory_space<vmem>>, %arg15: memref<128x64xf32, #tpu.memory_space<vmem>>, %arg16: memref<128x16xf32, #tpu.memory_space<vmem>>, %arg17: memref<128x16xf32, #tpu.memory_space<vmem>>, %arg18: memref<!tpu.dma_semaphore, #tpu.memory_space<semaphore_mem>>, %arg19: memref<!tpu.dma_semaphore, #tpu.memory_space<semaphore_mem>>, %arg20: memref<!tpu.dma_semaphore, #tpu.memory_space<semaphore_mem>>, %arg21: memref<!tpu.dma_semaphore, #tpu.memory_space<semaphore_mem>>, %arg22: memref<!tpu.dma_semaphore, #tpu.memory_space<semaphore_mem>>, %arg23: memref<!tpu.dma_semaphore, #tpu.memory_space<semaphore_mem>>) attributes {dimension_semantics = [#tpu.dimension_semantics<core_parallel>, #tpu.dimension_semantics<subcore_parallel>], iteration_bounds = array<i64: 2, 16>, scalar_prefetch = 0 : i64, scratch_operands = 16 : i64, tpu.core_type = #tpu.core_type<sc_vector_subcore>, window_params = [{transform_indices = #map}, {transform_indices = #map}, {transform_indices = #map}, {transform_indices = #map}, {transform_indices = #map}, {transform_indices = #map1}]} {
    %mul3A = arith.constant 640 : i32
    %mul3A_0 = arith.muli %arg1, %mul3A : i32
    %mul3A_1 = arith.constant 64 : i32
    %mul3A_2 = arith.muli %arg0, %mul3A_1 : i32
    "tpu.region"() ({
      %run_scoped3A = tpu.sem_alloc : memref<!tpu.dma_semaphore, #tpu.memory_space<semaphore_mem>>
      %dma_start3A = arith.constant 0 : i32
      %dma_start3A_61 = tpu.memref_slice %arg8[%mul3A_0, %dma_start3A] : memref<10240x64xf32, #tpu.memory_space<vmem_shared>> -> memref<640x64xf32, #tpu.memory_space<vmem_shared>>
      %dma_start3A_62 = tpu.memref_slice %arg2[%mul3A_0, %mul3A_2] : memref<10240x128xf32, #tpu.memory_space<hbm>> -> memref<640x64xf32, #tpu.memory_space<hbm>>
      tpu.enqueue_dma source(%dma_start3A_62 : memref<640x64xf32, #tpu.memory_space<hbm>>) target(%dma_start3A_61 : memref<640x64xf32, #tpu.memory_space<vmem_shared>>) target_semaphore(%run_scoped3A : memref<!tpu.dma_semaphore, #tpu.memory_space<semaphore_mem>>)
      %dma_wait3A = arith.constant 0 : i32
      %dma_wait3A_63 = tpu.memref_slice %arg8[%mul3A_0, %dma_wait3A] : memref<10240x64xf32, #tpu.memory_space<vmem_shared>> -> memref<640x64xf32, #tpu.memory_space<vmem_shared>>
      %dma_wait3A_64 = tpu.memref_slice %arg2[%mul3A_0, %mul3A_2] : memref<10240x128xf32, #tpu.memory_space<hbm>> -> memref<640x64xf32, #tpu.memory_space<hbm>>
      tpu.wait_dma2 semaphore(%run_scoped3A : memref<!tpu.dma_semaphore, #tpu.memory_space<semaphore_mem>>) src(%dma_wait3A_64 : memref<640x64xf32, #tpu.memory_space<hbm>>) dst(%dma_wait3A_63 : memref<640x64xf32, #tpu.memory_space<vmem_shared>>)
      tpu.yield
    }) : () -> ()
    %scan3A = arith.constant 0 : i32
    %scan3A_3 = arith.constant 5 : i32
    %scan3A_4 = arith.addi %scan3A, %scan3A_3 : i32
    %scan3A_5 = arith.constant 1 : i32
    scf.for %scan3A_61 = %scan3A to %scan3A_4 step %scan3A_5  : i32 {
      %mul3A_62 = arith.constant 1 : i32
      %mul3A_63 = arith.muli %scan3A_61, %mul3A_62 : i32
      %add3A_64 = arith.constant 0 : i32
      %add3A_65 = arith.addi %add3A_64, %mul3A_63 : i32
      %mul3A_66 = arith.constant 128 : i32
      %mul3A_67 = arith.muli %add3A_65, %mul3A_66 : i32
      %add3A_68 = arith.addi %mul3A_0, %mul3A_67 : i32
      "tpu.region"() ({
        %run_scoped3A = tpu.sem_alloc : memref<!tpu.dma_semaphore, #tpu.memory_space<semaphore_mem>>
        %dma_start3A = arith.constant 0 : i32
        %dma_start3A_69 = tpu.memref_slice %arg9[%add3A_68, %dma_start3A] : memref<10240x64xf32, #tpu.memory_space<vmem_shared>> -> memref<128x64xf32, #tpu.memory_space<vmem_shared>>
        tpu.enqueue_dma source(%arg6 : memref<128x64xf32, #tpu.memory_space<hbm>>) target(%dma_start3A_69 : memref<128x64xf32, #tpu.memory_space<vmem_shared>>) target_semaphore(%run_scoped3A : memref<!tpu.dma_semaphore, #tpu.memory_space<semaphore_mem>>)
        %dma_wait3A = arith.constant 0 : i32
        %dma_wait3A_70 = tpu.memref_slice %arg9[%add3A_68, %dma_wait3A] : memref<10240x64xf32, #tpu.memory_space<vmem_shared>> -> memref<128x64xf32, #tpu.memory_space<vmem_shared>>
        tpu.wait_dma2 semaphore(%run_scoped3A : memref<!tpu.dma_semaphore, #tpu.memory_space<semaphore_mem>>) src(%arg6 : memref<128x64xf32, #tpu.memory_space<hbm>>) dst(%dma_wait3A_70 : memref<128x64xf32, #tpu.memory_space<vmem_shared>>)
        tpu.yield
      }) : () -> ()
    }
    %scan3A_6 = arith.constant 5 : i32
    %barrier3A = arith.constant 0 : index
    tpu.barrier barrier_id(%barrier3A)
    %mul3A_7 = arith.constant 4 : i32
    %mul3A_8 = arith.muli %arg0, %mul3A_7 : i32
    %add3A = arith.constant 0 : i32
    %add3A_9 = arith.addi %mul3A_8, %add3A : i32
    %broadcast_in_dim3A = vector.broadcast %add3A_9 : i32 to vector<16xi32>
    %mul3A_10 = arith.constant 4 : i32
    %mul3A_11 = arith.muli %arg0, %mul3A_10 : i32
    %add3A_12 = arith.constant 1 : i32
    %add3A_13 = arith.addi %mul3A_11, %add3A_12 : i32
    %broadcast_in_dim3A_14 = vector.broadcast %add3A_13 : i32 to vector<16xi32>
    %mul3A_15 = arith.constant 4 : i32
    %mul3A_16 = arith.muli %arg0, %mul3A_15 : i32
    %add3A_17 = arith.constant 2 : i32
    %add3A_18 = arith.addi %mul3A_16, %add3A_17 : i32
    %broadcast_in_dim3A_19 = vector.broadcast %add3A_18 : i32 to vector<16xi32>
    %mul3A_20 = arith.constant 4 : i32
    %mul3A_21 = arith.muli %arg0, %mul3A_20 : i32
    %add3A_22 = arith.constant 3 : i32
    %add3A_23 = arith.addi %mul3A_21, %add3A_22 : i32
    %broadcast_in_dim3A_24 = vector.broadcast %add3A_23 : i32 to vector<16xi32>
    %scan3A_25 = arith.constant 0 : i32
    %scan3A_26 = arith.constant 4 : i32
    %scan3A_27 = arith.addi %scan3A_25, %scan3A_26 : i32
    %scan3A_28 = arith.constant 1 : i32
    scf.for %scan3A_61 = %scan3A_25 to %scan3A_27 step %scan3A_28  : i32 {
      %mul3A_62 = arith.constant 1 : i32
      %mul3A_63 = arith.muli %scan3A_61, %mul3A_62 : i32
      %add3A_64 = arith.constant 0 : i32
      %add3A_65 = arith.addi %add3A_64, %mul3A_63 : i32
      %mul3A_66 = arith.constant 160 : i32
      %mul3A_67 = arith.muli %arg1, %mul3A_66 : i32
      %mul3A_68 = arith.constant 40 : i32
      %mul3A_69 = arith.muli %add3A_65, %mul3A_68 : i32
      %add3A_70 = arith.addi %mul3A_67, %mul3A_69 : i32
      "tpu.region"() ({
        %run_scoped3A = tpu.sem_alloc : memref<!tpu.dma_semaphore, #tpu.memory_space<semaphore_mem>>
        %dma_start3A_105 = arith.constant 0 : i32
        %dma_start3A_106 = tpu.memref_slice %arg4[%add3A_70, %dma_start3A_105] : memref<2560x128xi32, #tpu.memory_space<hbm>> -> memref<40x128xi32, #tpu.memory_space<hbm>>
        %dma_start3A_107 = arith.constant 0 : i32
        %dma_start3A_108 = tpu.memref_slice %arg4[%add3A_70, %dma_start3A_107] : memref<2560x128xi32, #tpu.memory_space<hbm>> -> memref<40x128xi32, #tpu.memory_space<hbm>>
        tpu.enqueue_dma source(%dma_start3A_108 : memref<40x128xi32, #tpu.memory_space<hbm>>) target(%arg10 : memref<40x128xi32, #tpu.memory_space<vmem>>) target_semaphore(%run_scoped3A : memref<!tpu.dma_semaphore, #tpu.memory_space<semaphore_mem>>)
        %dma_wait3A = arith.constant 0 : i32
        %dma_wait3A_109 = tpu.memref_slice %arg4[%add3A_70, %dma_wait3A] : memref<2560x128xi32, #tpu.memory_space<hbm>> -> memref<40x128xi32, #tpu.memory_space<hbm>>
        %dma_wait3A_110 = arith.constant 0 : i32
        %dma_wait3A_111 = tpu.memref_slice %arg4[%add3A_70, %dma_wait3A_110] : memref<2560x128xi32, #tpu.memory_space<hbm>> -> memref<40x128xi32, #tpu.memory_space<hbm>>
        tpu.wait_dma2 semaphore(%run_scoped3A : memref<!tpu.dma_semaphore, #tpu.memory_space<semaphore_mem>>) src(%dma_wait3A_111 : memref<40x128xi32, #tpu.memory_space<hbm>>) dst(%arg10 : memref<40x128xi32, #tpu.memory_space<vmem>>)
        tpu.yield
      }) : () -> ()
      "tpu.region"() ({
        %run_scoped3A = tpu.sem_alloc : memref<!tpu.dma_semaphore, #tpu.memory_space<semaphore_mem>>
        %dma_start3A_105 = arith.constant 0 : i32
        %dma_start3A_106 = tpu.memref_slice %arg5[%add3A_70, %dma_start3A_105] : memref<2560x128xi32, #tpu.memory_space<hbm>> -> memref<40x128xi32, #tpu.memory_space<hbm>>
        %dma_start3A_107 = arith.constant 0 : i32
        %dma_start3A_108 = tpu.memref_slice %arg5[%add3A_70, %dma_start3A_107] : memref<2560x128xi32, #tpu.memory_space<hbm>> -> memref<40x128xi32, #tpu.memory_space<hbm>>
        tpu.enqueue_dma source(%dma_start3A_108 : memref<40x128xi32, #tpu.memory_space<hbm>>) target(%arg11 : memref<40x128xi32, #tpu.memory_space<vmem>>) target_semaphore(%run_scoped3A : memref<!tpu.dma_semaphore, #tpu.memory_space<semaphore_mem>>)
        %dma_wait3A = arith.constant 0 : i32
        %dma_wait3A_109 = tpu.memref_slice %arg5[%add3A_70, %dma_wait3A] : memref<2560x128xi32, #tpu.memory_space<hbm>> -> memref<40x128xi32, #tpu.memory_space<hbm>>
        %dma_wait3A_110 = arith.constant 0 : i32
        %dma_wait3A_111 = tpu.memref_slice %arg5[%add3A_70, %dma_wait3A_110] : memref<2560x128xi32, #tpu.memory_space<hbm>> -> memref<40x128xi32, #tpu.memory_space<hbm>>
        tpu.wait_dma2 semaphore(%run_scoped3A : memref<!tpu.dma_semaphore, #tpu.memory_space<semaphore_mem>>) src(%dma_wait3A_111 : memref<40x128xi32, #tpu.memory_space<hbm>>) dst(%arg11 : memref<40x128xi32, #tpu.memory_space<vmem>>)
        tpu.yield
      }) : () -> ()
      %dma_start3A = arith.constant 0 : i32
      %dma_start3A_71 = arith.constant 0 : i32
      %dma_start3A_72 = tpu.memref_slice %arg10[%dma_start3A, %dma_start3A_71] : memref<40x128xi32, #tpu.memory_space<vmem>> -> memref<1x128xi32, #tpu.memory_space<vmem>>
      %dma_start3A_73 = tpu.memref_squeeze %dma_start3A_72 : memref<1x128xi32, #tpu.memory_space<vmem>> -> memref<128xi32, #tpu.memory_space<vmem>>
      %dma_start3A_74 = arith.constant 0 : i32
      %dma_start3A_75 = arith.constant 0 : i32
      %dma_start3A_76 = tpu.memref_slice %arg8[%dma_start3A_74, %dma_start3A_75] : memref<10240x64xf32, #tpu.memory_space<vmem_shared>> -> memref<10240x64xf32, #tpu.memory_space<vmem_shared>>
      tpu.enqueue_indirect_dma source(%dma_start3A_76 : memref<10240x64xf32, #tpu.memory_space<vmem_shared>>) target(%arg12 : memref<128x64xf32, #tpu.memory_space<vmem>>) offsets(%dma_start3A_73 : memref<128xi32, #tpu.memory_space<vmem>>) semaphore(%arg18 : memref<!tpu.dma_semaphore, #tpu.memory_space<semaphore_mem>>)
      %add3A_77 = arith.constant 0 : i32
      %add3A_78 = arith.addi %add3A_70, %add3A_77 : i32
      %mul3A_79 = arith.constant 128 : i32
      %mul3A_80 = arith.muli %add3A_78, %mul3A_79 : i32
      %dma_start3A_81 = arith.constant 0 : i32
      %dma_start3A_82 = tpu.memref_slice %arg3[%mul3A_80, %dma_start3A_81] : memref<327680x16xf32, #tpu.memory_space<hbm>> -> memref<128x16xf32, #tpu.memory_space<hbm>>
      %dma_start3A_83 = arith.constant 0 : i32
      %dma_start3A_84 = tpu.memref_slice %arg3[%mul3A_80, %dma_start3A_83] : memref<327680x16xf32, #tpu.memory_space<hbm>> -> memref<128x16xf32, #tpu.memory_space<hbm>>
      tpu.enqueue_dma source(%dma_start3A_84 : memref<128x16xf32, #tpu.memory_space<hbm>>) target(%arg16 : memref<128x16xf32, #tpu.memory_space<vmem>>) target_semaphore(%arg20 : memref<!tpu.dma_semaphore, #tpu.memory_space<semaphore_mem>>)
      %dma_start3A_85 = arith.constant 1 : i32
      %dma_start3A_86 = arith.constant 0 : i32
      %dma_start3A_87 = tpu.memref_slice %arg10[%dma_start3A_85, %dma_start3A_86] : memref<40x128xi32, #tpu.memory_space<vmem>> -> memref<1x128xi32, #tpu.memory_space<vmem>>
      %dma_start3A_88 = tpu.memref_squeeze %dma_start3A_87 : memref<1x128xi32, #tpu.memory_space<vmem>> -> memref<128xi32, #tpu.memory_space<vmem>>
      %dma_start3A_89 = arith.constant 0 : i32
      %dma_start3A_90 = arith.constant 0 : i32
      %dma_start3A_91 = tpu.memref_slice %arg8[%dma_start3A_89, %dma_start3A_90] : memref<10240x64xf32, #tpu.memory_space<vmem_shared>> -> memref<10240x64xf32, #tpu.memory_space<vmem_shared>>
      tpu.enqueue_indirect_dma source(%dma_start3A_91 : memref<10240x64xf32, #tpu.memory_space<vmem_shared>>) target(%arg13 : memref<128x64xf32, #tpu.memory_space<vmem>>) offsets(%dma_start3A_88 : memref<128xi32, #tpu.memory_space<vmem>>) semaphore(%arg19 : memref<!tpu.dma_semaphore, #tpu.memory_space<semaphore_mem>>)
      %add3A_92 = arith.constant 1 : i32
      %add3A_93 = arith.addi %add3A_70, %add3A_92 : i32
      %mul3A_94 = arith.constant 128 : i32
      %mul3A_95 = arith.muli %add3A_93, %mul3A_94 : i32
      %dma_start3A_96 = arith.constant 0 : i32
      %dma_start3A_97 = tpu.memref_slice %arg3[%mul3A_95, %dma_start3A_96] : memref<327680x16xf32, #tpu.memory_space<hbm>> -> memref<128x16xf32, #tpu.memory_space<hbm>>
      %dma_start3A_98 = arith.constant 0 : i32
      %dma_start3A_99 = tpu.memref_slice %arg3[%mul3A_95, %dma_start3A_98] : memref<327680x16xf32, #tpu.memory_space<hbm>> -> memref<128x16xf32, #tpu.memory_space<hbm>>
      tpu.enqueue_dma source(%dma_start3A_99 : memref<128x16xf32, #tpu.memory_space<hbm>>) target(%arg17 : memref<128x16xf32, #tpu.memory_space<vmem>>) target_semaphore(%arg21 : memref<!tpu.dma_semaphore, #tpu.memory_space<semaphore_mem>>)
      %scan3A_100 = arith.constant 0 : i32
      %scan3A_101 = arith.constant 20 : i32
      %scan3A_102 = arith.addi %scan3A_100, %scan3A_101 : i32
      %scan3A_103 = arith.constant 1 : i32
      scf.for %scan3A_105 = %scan3A_100 to %scan3A_102 step %scan3A_103  : i32 {
        %mul3A_106 = arith.constant 1 : i32
        %mul3A_107 = arith.muli %scan3A_105, %mul3A_106 : i32
        %add3A_108 = arith.constant 0 : i32
        %add3A_109 = arith.addi %add3A_108, %mul3A_107 : i32
        %mul3A_110 = arith.constant 2 : i32
        %mul3A_111 = arith.muli %mul3A_110, %add3A_109 : i32
        %add3A_112 = arith.constant 0 : i32
        %add3A_113 = arith.addi %mul3A_111, %add3A_112 : i32
        %gt3A = arith.constant 0 : i32
        %gt3A_114 = arith.cmpi sgt, %add3A_109, %gt3A : i32
        %convert_element_type3A = arith.extui %gt3A_114 : i1 to i32
        %cond3A = arith.constant 0 : i32
        %cond3A_115 = arith.cmpi ne, %convert_element_type3A, %cond3A : i32
        scf.if %cond3A_115 {
          tpu.wait_dma2 semaphore(%arg22 : memref<!tpu.dma_semaphore, #tpu.memory_space<semaphore_mem>>) src(%arg6 : memref<128x64xf32, #tpu.memory_space<hbm>>) dst(%arg14 : memref<128x64xf32, #tpu.memory_space<vmem>>)
        } else {
        }
        tpu.wait_dma2 semaphore(%arg18 : memref<!tpu.dma_semaphore, #tpu.memory_space<semaphore_mem>>) src(%arg6 : memref<128x64xf32, #tpu.memory_space<hbm>>) dst(%arg12 : memref<128x64xf32, #tpu.memory_space<vmem>>)
        %dma_wait3A = arith.constant 0 : i32
        %dma_wait3A_116 = arith.constant 0 : i32
        %dma_wait3A_117 = tpu.memref_slice %arg6[%dma_wait3A, %dma_wait3A_116] : memref<128x64xf32, #tpu.memory_space<hbm>> -> memref<128x16xf32, #tpu.memory_space<hbm>>
        %dma_wait3A_118 = arith.constant 0 : i32
        %dma_wait3A_119 = arith.constant 0 : i32
        %dma_wait3A_120 = tpu.memref_slice %arg6[%dma_wait3A_118, %dma_wait3A_119] : memref<128x64xf32, #tpu.memory_space<hbm>> -> memref<128x16xf32, #tpu.memory_space<hbm>>
        tpu.wait_dma2 semaphore(%arg20 : memref<!tpu.dma_semaphore, #tpu.memory_space<semaphore_mem>>) src(%dma_wait3A_120 : memref<128x16xf32, #tpu.memory_space<hbm>>) dst(%arg16 : memref<128x16xf32, #tpu.memory_space<vmem>>)
        %parallel_loop3A = arith.constant 0 : i32
        %parallel_loop3A_121 = arith.constant 128 : i32
        %parallel_loop3A_122 = arith.constant 1 : i32
        scf.for %parallel_loop3A_162 = %parallel_loop3A to %parallel_loop3A_121 step %parallel_loop3A_122  : i32 {
          %parallel_loop3A_163 = vector.broadcast %parallel_loop3A_162 : i32 to vector<16xi32>
          %parallel_loop3A_164 = tpu.vector_load_idx %arg16[%parallel_loop3A_163, %broadcast_in_dim3A] : memref<128x16xf32, #tpu.memory_space<vmem>>[vector<16xi32>, vector<16xi32>], vector<16xf32>,
          %parallel_loop3A_165 = arith.index_cast %parallel_loop3A_162 : i32 to index
          %parallel_loop3A_166 = arith.constant 0 : index
          %parallel_loop3A_167 = tpu.vector_load %arg12[%parallel_loop3A_165, %parallel_loop3A_166] {strides = array<i32>} : memref<128x64xf32, #tpu.memory_space<vmem>>, vector<16xf32>,
          %parallel_loop3A_168 = arith.mulf %parallel_loop3A_167, %parallel_loop3A_164 : vector<16xf32>
          %parallel_loop3A_169 = arith.index_cast %parallel_loop3A_162 : i32 to index
          %parallel_loop3A_170 = arith.constant 0 : index
          %parallel_loop3A_171 = tpu.vector_load %arg14[%parallel_loop3A_169, %parallel_loop3A_170] {strides = array<i32>} : memref<128x64xf32, #tpu.memory_space<vmem>>, vector<16xf32>,
          tpu.vector_store %arg14[%parallel_loop3A_169, %parallel_loop3A_170], %parallel_loop3A_168 {strides = array<i32>} : memref<128x64xf32, #tpu.memory_space<vmem>>, vector<16xf32>,
          %parallel_loop3A_172 = tpu.vector_load_idx %arg16[%parallel_loop3A_163, %broadcast_in_dim3A_14] : memref<128x16xf32, #tpu.memory_space<vmem>>[vector<16xi32>, vector<16xi32>], vector<16xf32>,
          %parallel_loop3A_173 = arith.index_cast %parallel_loop3A_162 : i32 to index
          %parallel_loop3A_174 = arith.constant 16 : index
          %parallel_loop3A_175 = tpu.vector_load %arg12[%parallel_loop3A_173, %parallel_loop3A_174] {strides = array<i32>} : memref<128x64xf32, #tpu.memory_space<vmem>>, vector<16xf32>,
          %parallel_loop3A_176 = arith.mulf %parallel_loop3A_175, %parallel_loop3A_172 : vector<16xf32>
          %parallel_loop3A_177 = arith.index_cast %parallel_loop3A_162 : i32 to index
          %parallel_loop3A_178 = arith.constant 16 : index
          %parallel_loop3A_179 = tpu.vector_load %arg14[%parallel_loop3A_177, %parallel_loop3A_178] {strides = array<i32>} : memref<128x64xf32, #tpu.memory_space<vmem>>, vector<16xf32>,
          tpu.vector_store %arg14[%parallel_loop3A_177, %parallel_loop3A_178], %parallel_loop3A_176 {strides = array<i32>} : memref<128x64xf32, #tpu.memory_space<vmem>>, vector<16xf32>,
          %parallel_loop3A_180 = tpu.vector_load_idx %arg16[%parallel_loop3A_163, %broadcast_in_dim3A_19] : memref<128x16xf32, #tpu.memory_space<vmem>>[vector<16xi32>, vector<16xi32>], vector<16xf32>,
          %parallel_loop3A_181 = arith.index_cast %parallel_loop3A_162 : i32 to index
          %parallel_loop3A_182 = arith.constant 32 : index
          %parallel_loop3A_183 = tpu.vector_load %arg12[%parallel_loop3A_181, %parallel_loop3A_182] {strides = array<i32>} : memref<128x64xf32, #tpu.memory_space<vmem>>, vector<16xf32>,
          %parallel_loop3A_184 = arith.mulf %parallel_loop3A_183, %parallel_loop3A_180 : vector<16xf32>
          %parallel_loop3A_185 = arith.index_cast %parallel_loop3A_162 : i32 to index
          %parallel_loop3A_186 = arith.constant 32 : index
          %parallel_loop3A_187 = tpu.vector_load %arg14[%parallel_loop3A_185, %parallel_loop3A_186] {strides = array<i32>} : memref<128x64xf32, #tpu.memory_space<vmem>>, vector<16xf32>,
          tpu.vector_store %arg14[%parallel_loop3A_185, %parallel_loop3A_186], %parallel_loop3A_184 {strides = array<i32>} : memref<128x64xf32, #tpu.memory_space<vmem>>, vector<16xf32>,
          %parallel_loop3A_188 = tpu.vector_load_idx %arg16[%parallel_loop3A_163, %broadcast_in_dim3A_24] : memref<128x16xf32, #tpu.memory_space<vmem>>[vector<16xi32>, vector<16xi32>], vector<16xf32>,
          %parallel_loop3A_189 = arith.index_cast %parallel_loop3A_162 : i32 to index
          %parallel_loop3A_190 = arith.constant 48 : index
          %parallel_loop3A_191 = tpu.vector_load %arg12[%parallel_loop3A_189, %parallel_loop3A_190] {strides = array<i32>} : memref<128x64xf32, #tpu.memory_space<vmem>>, vector<16xf32>,
          %parallel_loop3A_192 = arith.mulf %parallel_loop3A_191, %parallel_loop3A_188 : vector<16xf32>
          %parallel_loop3A_193 = arith.index_cast %parallel_loop3A_162 : i32 to index
          %parallel_loop3A_194 = arith.constant 48 : index
          %parallel_loop3A_195 = tpu.vector_load %arg14[%parallel_loop3A_193, %parallel_loop3A_194] {strides = array<i32>} : memref<128x64xf32, #tpu.memory_space<vmem>>, vector<16xf32>,
          tpu.vector_store %arg14[%parallel_loop3A_193, %parallel_loop3A_194], %parallel_loop3A_192 {strides = array<i32>} : memref<128x64xf32, #tpu.memory_space<vmem>>, vector<16xf32>,
        } {sc.loop_unroll_factor = 4 : i64, sc.parallel_access}
        %lt3A = arith.constant 19 : i32
        %lt3A_123 = arith.cmpi slt, %add3A_109, %lt3A : i32
        %convert_element_type3A_124 = arith.extui %lt3A_123 : i1 to i32
        %cond3A_125 = arith.constant 0 : i32
        %cond3A_126 = arith.cmpi ne, %convert_element_type3A_124, %cond3A_125 : i32
        scf.if %cond3A_126 {
          %add3A_162 = arith.constant 2 : i32
          %add3A_163 = arith.addi %add3A_113, %add3A_162 : i32
          %dma_start3A_164 = arith.constant 0 : i32
          %dma_start3A_165 = tpu.memref_slice %arg10[%add3A_163, %dma_start3A_164] : memref<40x128xi32, #tpu.memory_space<vmem>> -> memref<1x128xi32, #tpu.memory_space<vmem>>
          %dma_start3A_166 = tpu.memref_squeeze %dma_start3A_165 : memref<1x128xi32, #tpu.memory_space<vmem>> -> memref<128xi32, #tpu.memory_space<vmem>>
          %dma_start3A_167 = arith.constant 0 : i32
          %dma_start3A_168 = arith.constant 0 : i32
          %dma_start3A_169 = tpu.memref_slice %arg8[%dma_start3A_167, %dma_start3A_168] : memref<10240x64xf32, #tpu.memory_space<vmem_shared>> -> memref<10240x64xf32, #tpu.memory_space<vmem_shared>>
          tpu.enqueue_indirect_dma source(%dma_start3A_169 : memref<10240x64xf32, #tpu.memory_space<vmem_shared>>) target(%arg12 : memref<128x64xf32, #tpu.memory_space<vmem>>) offsets(%dma_start3A_166 : memref<128xi32, #tpu.memory_space<vmem>>) semaphore(%arg18 : memref<!tpu.dma_semaphore, #tpu.memory_space<semaphore_mem>>)
          %add3A_170 = arith.addi %add3A_70, %add3A_113 : i32
          %add3A_171 = arith.constant 2 : i32
          %add3A_172 = arith.addi %add3A_170, %add3A_171 : i32
          %mul3A_173 = arith.constant 128 : i32
          %mul3A_174 = arith.muli %add3A_172, %mul3A_173 : i32
          %dma_start3A_175 = arith.constant 0 : i32
          %dma_start3A_176 = tpu.memref_slice %arg3[%mul3A_174, %dma_start3A_175] : memref<327680x16xf32, #tpu.memory_space<hbm>> -> memref<128x16xf32, #tpu.memory_space<hbm>>
          %dma_start3A_177 = arith.constant 0 : i32
          %dma_start3A_178 = tpu.memref_slice %arg3[%mul3A_174, %dma_start3A_177] : memref<327680x16xf32, #tpu.memory_space<hbm>> -> memref<128x16xf32, #tpu.memory_space<hbm>>
          tpu.enqueue_dma source(%dma_start3A_178 : memref<128x16xf32, #tpu.memory_space<hbm>>) target(%arg16 : memref<128x16xf32, #tpu.memory_space<vmem>>) target_semaphore(%arg20 : memref<!tpu.dma_semaphore, #tpu.memory_space<semaphore_mem>>)
        } else {
        }
        %dma_start3A_127 = arith.constant 0 : i32
        %dma_start3A_128 = tpu.memref_slice %arg11[%add3A_113, %dma_start3A_127] : memref<40x128xi32, #tpu.memory_space<vmem>> -> memref<1x128xi32, #tpu.memory_space<vmem>>
        %dma_start3A_129 = tpu.memref_squeeze %dma_start3A_128 : memref<1x128xi32, #tpu.memory_space<vmem>> -> memref<128xi32, #tpu.memory_space<vmem>>
        %dma_start3A_130 = arith.constant 0 : i32
        %dma_start3A_131 = arith.constant 0 : i32
        %dma_start3A_132 = tpu.memref_slice %arg9[%dma_start3A_130, %dma_start3A_131] : memref<10240x64xf32, #tpu.memory_space<vmem_shared>> -> memref<10240x64xf32, #tpu.memory_space<vmem_shared>>
        tpu.enqueue_indirect_dma source(%arg14 : memref<128x64xf32, #tpu.memory_space<vmem>>) target(%dma_start3A_132 : memref<10240x64xf32, #tpu.memory_space<vmem_shared>>) offsets(%dma_start3A_129 : memref<128xi32, #tpu.memory_space<vmem>>) semaphore(%arg22 : memref<!tpu.dma_semaphore, #tpu.memory_space<semaphore_mem>>) {add = true}
        %mul3A_133 = arith.constant 2 : i32
        %mul3A_134 = arith.muli %mul3A_133, %add3A_109 : i32
        %add3A_135 = arith.constant 1 : i32
        %add3A_136 = arith.addi %mul3A_134, %add3A_135 : i32
        %gt3A_137 = arith.constant 0 : i32
        %gt3A_138 = arith.cmpi sgt, %add3A_109, %gt3A_137 : i32
        %convert_element_type3A_139 = arith.extui %gt3A_138 : i1 to i32
        %cond3A_140 = arith.constant 0 : i32
        %cond3A_141 = arith.cmpi ne, %convert_element_type3A_139, %cond3A_140 : i32
        scf.if %cond3A_141 {
          tpu.wait_dma2 semaphore(%arg23 : memref<!tpu.dma_semaphore, #tpu.memory_space<semaphore_mem>>) src(%arg6 : memref<128x64xf32, #tpu.memory_space<hbm>>) dst(%arg15 : memref<128x64xf32, #tpu.memory_space<vmem>>)
        } else {
        }
        tpu.wait_dma2 semaphore(%arg19 : memref<!tpu.dma_semaphore, #tpu.memory_space<semaphore_mem>>) src(%arg6 : memref<128x64xf32, #tpu.memory_space<hbm>>) dst(%arg13 : memref<128x64xf32, #tpu.memory_space<vmem>>)
        %dma_wait3A_142 = arith.constant 0 : i32
        %dma_wait3A_143 = arith.constant 0 : i32
        %dma_wait3A_144 = tpu.memref_slice %arg6[%dma_wait3A_142, %dma_wait3A_143] : memref<128x64xf32, #tpu.memory_space<hbm>> -> memref<128x16xf32, #tpu.memory_space<hbm>>
        %dma_wait3A_145 = arith.constant 0 : i32
        %dma_wait3A_146 = arith.constant 0 : i32
        %dma_wait3A_147 = tpu.memref_slice %arg6[%dma_wait3A_145, %dma_wait3A_146] : memref<128x64xf32, #tpu.memory_space<hbm>> -> memref<128x16xf32, #tpu.memory_space<hbm>>
        tpu.wait_dma2 semaphore(%arg21 : memref<!tpu.dma_semaphore, #tpu.memory_space<semaphore_mem>>) src(%dma_wait3A_147 : memref<128x16xf32, #tpu.memory_space<hbm>>) dst(%arg17 : memref<128x16xf32, #tpu.memory_space<vmem>>)
        %parallel_loop3A_148 = arith.constant 0 : i32
        %parallel_loop3A_149 = arith.constant 128 : i32
        %parallel_loop3A_150 = arith.constant 1 : i32
        scf.for %parallel_loop3A_162 = %parallel_loop3A_148 to %parallel_loop3A_149 step %parallel_loop3A_150  : i32 {
          %parallel_loop3A_163 = vector.broadcast %parallel_loop3A_162 : i32 to vector<16xi32>
          %parallel_loop3A_164 = tpu.vector_load_idx %arg17[%parallel_loop3A_163, %broadcast_in_dim3A] : memref<128x16xf32, #tpu.memory_space<vmem>>[vector<16xi32>, vector<16xi32>], vector<16xf32>,
          %parallel_loop3A_165 = arith.index_cast %parallel_loop3A_162 : i32 to index
          %parallel_loop3A_166 = arith.constant 0 : index
          %parallel_loop3A_167 = tpu.vector_load %arg13[%parallel_loop3A_165, %parallel_loop3A_166] {strides = array<i32>} : memref<128x64xf32, #tpu.memory_space<vmem>>, vector<16xf32>,
          %parallel_loop3A_168 = arith.mulf %parallel_loop3A_167, %parallel_loop3A_164 : vector<16xf32>
          %parallel_loop3A_169 = arith.index_cast %parallel_loop3A_162 : i32 to index
          %parallel_loop3A_170 = arith.constant 0 : index
          %parallel_loop3A_171 = tpu.vector_load %arg15[%parallel_loop3A_169, %parallel_loop3A_170] {strides = array<i32>} : memref<128x64xf32, #tpu.memory_space<vmem>>, vector<16xf32>,
          tpu.vector_store %arg15[%parallel_loop3A_169, %parallel_loop3A_170], %parallel_loop3A_168 {strides = array<i32>} : memref<128x64xf32, #tpu.memory_space<vmem>>, vector<16xf32>,
          %parallel_loop3A_172 = tpu.vector_load_idx %arg17[%parallel_loop3A_163, %broadcast_in_dim3A_14] : memref<128x16xf32, #tpu.memory_space<vmem>>[vector<16xi32>, vector<16xi32>], vector<16xf32>,
          %parallel_loop3A_173 = arith.index_cast %parallel_loop3A_162 : i32 to index
          %parallel_loop3A_174 = arith.constant 16 : index
          %parallel_loop3A_175 = tpu.vector_load %arg13[%parallel_loop3A_173, %parallel_loop3A_174] {strides = array<i32>} : memref<128x64xf32, #tpu.memory_space<vmem>>, vector<16xf32>,
          %parallel_loop3A_176 = arith.mulf %parallel_loop3A_175, %parallel_loop3A_172 : vector<16xf32>
          %parallel_loop3A_177 = arith.index_cast %parallel_loop3A_162 : i32 to index
          %parallel_loop3A_178 = arith.constant 16 : index
          %parallel_loop3A_179 = tpu.vector_load %arg15[%parallel_loop3A_177, %parallel_loop3A_178] {strides = array<i32>} : memref<128x64xf32, #tpu.memory_space<vmem>>, vector<16xf32>,
          tpu.vector_store %arg15[%parallel_loop3A_177, %parallel_loop3A_178], %parallel_loop3A_176 {strides = array<i32>} : memref<128x64xf32, #tpu.memory_space<vmem>>, vector<16xf32>,
          %parallel_loop3A_180 = tpu.vector_load_idx %arg17[%parallel_loop3A_163, %broadcast_in_dim3A_19] : memref<128x16xf32, #tpu.memory_space<vmem>>[vector<16xi32>, vector<16xi32>], vector<16xf32>,
          %parallel_loop3A_181 = arith.index_cast %parallel_loop3A_162 : i32 to index
          %parallel_loop3A_182 = arith.constant 32 : index
          %parallel_loop3A_183 = tpu.vector_load %arg13[%parallel_loop3A_181, %parallel_loop3A_182] {strides = array<i32>} : memref<128x64xf32, #tpu.memory_space<vmem>>, vector<16xf32>,
          %parallel_loop3A_184 = arith.mulf %parallel_loop3A_183, %parallel_loop3A_180 : vector<16xf32>
          %parallel_loop3A_185 = arith.index_cast %parallel_loop3A_162 : i32 to index
          %parallel_loop3A_186 = arith.constant 32 : index
          %parallel_loop3A_187 = tpu.vector_load %arg15[%parallel_loop3A_185, %parallel_loop3A_186] {strides = array<i32>} : memref<128x64xf32, #tpu.memory_space<vmem>>, vector<16xf32>,
          tpu.vector_store %arg15[%parallel_loop3A_185, %parallel_loop3A_186], %parallel_loop3A_184 {strides = array<i32>} : memref<128x64xf32, #tpu.memory_space<vmem>>, vector<16xf32>,
          %parallel_loop3A_188 = tpu.vector_load_idx %arg17[%parallel_loop3A_163, %broadcast_in_dim3A_24] : memref<128x16xf32, #tpu.memory_space<vmem>>[vector<16xi32>, vector<16xi32>], vector<16xf32>,
          %parallel_loop3A_189 = arith.index_cast %parallel_loop3A_162 : i32 to index
          %parallel_loop3A_190 = arith.constant 48 : index
          %parallel_loop3A_191 = tpu.vector_load %arg13[%parallel_loop3A_189, %parallel_loop3A_190] {strides = array<i32>} : memref<128x64xf32, #tpu.memory_space<vmem>>, vector<16xf32>,
          %parallel_loop3A_192 = arith.mulf %parallel_loop3A_191, %parallel_loop3A_188 : vector<16xf32>
          %parallel_loop3A_193 = arith.index_cast %parallel_loop3A_162 : i32 to index
          %parallel_loop3A_194 = arith.constant 48 : index
          %parallel_loop3A_195 = tpu.vector_load %arg15[%parallel_loop3A_193, %parallel_loop3A_194] {strides = array<i32>} : memref<128x64xf32, #tpu.memory_space<vmem>>, vector<16xf32>,
          tpu.vector_store %arg15[%parallel_loop3A_193, %parallel_loop3A_194], %parallel_loop3A_192 {strides = array<i32>} : memref<128x64xf32, #tpu.memory_space<vmem>>, vector<16xf32>,
        } {sc.loop_unroll_factor = 4 : i64, sc.parallel_access}
        %lt3A_151 = arith.constant 19 : i32
        %lt3A_152 = arith.cmpi slt, %add3A_109, %lt3A_151 : i32
        %convert_element_type3A_153 = arith.extui %lt3A_152 : i1 to i32
        %cond3A_154 = arith.constant 0 : i32
        %cond3A_155 = arith.cmpi ne, %convert_element_type3A_153, %cond3A_154 : i32
        scf.if %cond3A_155 {
          %add3A_162 = arith.constant 2 : i32
          %add3A_163 = arith.addi %add3A_136, %add3A_162 : i32
          %dma_start3A_164 = arith.constant 0 : i32
          %dma_start3A_165 = tpu.memref_slice %arg10[%add3A_163, %dma_start3A_164] : memref<40x128xi32, #tpu.memory_space<vmem>> -> memref<1x128xi32, #tpu.memory_space<vmem>>
          %dma_start3A_166 = tpu.memref_squeeze %dma_start3A_165 : memref<1x128xi32, #tpu.memory_space<vmem>> -> memref<128xi32, #tpu.memory_space<vmem>>
          %dma_start3A_167 = arith.constant 0 : i32
          %dma_start3A_168 = arith.constant 0 : i32
          %dma_start3A_169 = tpu.memref_slice %arg8[%dma_start3A_167, %dma_start3A_168] : memref<10240x64xf32, #tpu.memory_space<vmem_shared>> -> memref<10240x64xf32, #tpu.memory_space<vmem_shared>>
          tpu.enqueue_indirect_dma source(%dma_start3A_169 : memref<10240x64xf32, #tpu.memory_space<vmem_shared>>) target(%arg13 : memref<128x64xf32, #tpu.memory_space<vmem>>) offsets(%dma_start3A_166 : memref<128xi32, #tpu.memory_space<vmem>>) semaphore(%arg19 : memref<!tpu.dma_semaphore, #tpu.memory_space<semaphore_mem>>)
          %add3A_170 = arith.addi %add3A_70, %add3A_136 : i32
          %add3A_171 = arith.constant 2 : i32
          %add3A_172 = arith.addi %add3A_170, %add3A_171 : i32
          %mul3A_173 = arith.constant 128 : i32
          %mul3A_174 = arith.muli %add3A_172, %mul3A_173 : i32
          %dma_start3A_175 = arith.constant 0 : i32
          %dma_start3A_176 = tpu.memref_slice %arg3[%mul3A_174, %dma_start3A_175] : memref<327680x16xf32, #tpu.memory_space<hbm>> -> memref<128x16xf32, #tpu.memory_space<hbm>>
          %dma_start3A_177 = arith.constant 0 : i32
          %dma_start3A_178 = tpu.memref_slice %arg3[%mul3A_174, %dma_start3A_177] : memref<327680x16xf32, #tpu.memory_space<hbm>> -> memref<128x16xf32, #tpu.memory_space<hbm>>
          tpu.enqueue_dma source(%dma_start3A_178 : memref<128x16xf32, #tpu.memory_space<hbm>>) target(%arg17 : memref<128x16xf32, #tpu.memory_space<vmem>>) target_semaphore(%arg21 : memref<!tpu.dma_semaphore, #tpu.memory_space<semaphore_mem>>)
        } else {
        }
        %dma_start3A_156 = arith.constant 0 : i32
        %dma_start3A_157 = tpu.memref_slice %arg11[%add3A_136, %dma_start3A_156] : memref<40x128xi32, #tpu.memory_space<vmem>> -> memref<1x128xi32, #tpu.memory_space<vmem>>
        %dma_start3A_158 = tpu.memref_squeeze %dma_start3A_157 : memref<1x128xi32, #tpu.memory_space<vmem>> -> memref<128xi32, #tpu.memory_space<vmem>>
        %dma_start3A_159 = arith.constant 0 : i32
        %dma_start3A_160 = arith.constant 0 : i32
        %dma_start3A_161 = tpu.memref_slice %arg9[%dma_start3A_159, %dma_start3A_160] : memref<10240x64xf32, #tpu.memory_space<vmem_shared>> -> memref<10240x64xf32, #tpu.memory_space<vmem_shared>>
        tpu.enqueue_indirect_dma source(%arg15 : memref<128x64xf32, #tpu.memory_space<vmem>>) target(%dma_start3A_161 : memref<10240x64xf32, #tpu.memory_space<vmem_shared>>) offsets(%dma_start3A_158 : memref<128xi32, #tpu.memory_space<vmem>>) semaphore(%arg23 : memref<!tpu.dma_semaphore, #tpu.memory_space<semaphore_mem>>) {add = true}
      }
      %scan3A_104 = arith.constant 20 : i32
      tpu.wait_dma2 semaphore(%arg22 : memref<!tpu.dma_semaphore, #tpu.memory_space<semaphore_mem>>) src(%arg6 : memref<128x64xf32, #tpu.memory_space<hbm>>) dst(%arg14 : memref<128x64xf32, #tpu.memory_space<vmem>>)
      tpu.wait_dma2 semaphore(%arg23 : memref<!tpu.dma_semaphore, #tpu.memory_space<semaphore_mem>>) src(%arg6 : memref<128x64xf32, #tpu.memory_space<hbm>>) dst(%arg15 : memref<128x64xf32, #tpu.memory_space<vmem>>)
    }
    %scan3A_29 = arith.constant 4 : i32
    %barrier3A_30 = arith.constant 0 : index
    tpu.barrier barrier_id(%barrier3A_30)
    %scan3A_31 = arith.constant 0 : i32
    %scan3A_32 = arith.constant 5 : i32
    %scan3A_33 = arith.addi %scan3A_31, %scan3A_32 : i32
    %scan3A_34 = arith.constant 1 : i32
    scf.for %scan3A_61 = %scan3A_31 to %scan3A_33 step %scan3A_34  : i32 {
      %mul3A_62 = arith.constant 1 : i32
      %mul3A_63 = arith.muli %scan3A_61, %mul3A_62 : i32
      %add3A_64 = arith.constant 0 : i32
      %add3A_65 = arith.addi %add3A_64, %mul3A_63 : i32
      %mul3A_66 = arith.constant 128 : i32
      %mul3A_67 = arith.muli %add3A_65, %mul3A_66 : i32
      %add3A_68 = arith.addi %mul3A_0, %mul3A_67 : i32
      "tpu.region"() ({
        %run_scoped3A = tpu.sem_alloc : memref<!tpu.dma_semaphore, #tpu.memory_space<semaphore_mem>>
        %dma_start3A = arith.constant 0 : i32
        %dma_start3A_71 = tpu.memref_slice %arg9[%add3A_68, %dma_start3A] : memref<10240x64xf32, #tpu.memory_space<vmem_shared>> -> memref<128x64xf32, #tpu.memory_space<vmem_shared>>
        %dma_start3A_72 = arith.constant 0 : i32
        %dma_start3A_73 = tpu.memref_slice %arg9[%add3A_68, %dma_start3A_72] : memref<10240x64xf32, #tpu.memory_space<vmem_shared>> -> memref<128x64xf32, #tpu.memory_space<vmem_shared>>
        tpu.enqueue_dma source(%dma_start3A_73 : memref<128x64xf32, #tpu.memory_space<vmem_shared>>) target(%arg12 : memref<128x64xf32, #tpu.memory_space<vmem>>) target_semaphore(%run_scoped3A : memref<!tpu.dma_semaphore, #tpu.memory_space<semaphore_mem>>)
        %dma_wait3A = arith.constant 0 : i32
        %dma_wait3A_74 = tpu.memref_slice %arg9[%add3A_68, %dma_wait3A] : memref<10240x64xf32, #tpu.memory_space<vmem_shared>> -> memref<128x64xf32, #tpu.memory_space<vmem_shared>>
        %dma_wait3A_75 = arith.constant 0 : i32
        %dma_wait3A_76 = tpu.memref_slice %arg9[%add3A_68, %dma_wait3A_75] : memref<10240x64xf32, #tpu.memory_space<vmem_shared>> -> memref<128x64xf32, #tpu.memory_space<vmem_shared>>
        tpu.wait_dma2 semaphore(%run_scoped3A : memref<!tpu.dma_semaphore, #tpu.memory_space<semaphore_mem>>) src(%dma_wait3A_76 : memref<128x64xf32, #tpu.memory_space<vmem_shared>>) dst(%arg12 : memref<128x64xf32, #tpu.memory_space<vmem>>)
        tpu.yield
      }) : () -> ()
      "tpu.region"() ({
        %run_scoped3A = tpu.sem_alloc : memref<!tpu.dma_semaphore, #tpu.memory_space<semaphore_mem>>
        %dma_start3A = tpu.memref_slice %arg2[%add3A_68, %mul3A_2] : memref<10240x128xf32, #tpu.memory_space<hbm>> -> memref<128x64xf32, #tpu.memory_space<hbm>>
        %dma_start3A_71 = tpu.memref_slice %arg2[%add3A_68, %mul3A_2] : memref<10240x128xf32, #tpu.memory_space<hbm>> -> memref<128x64xf32, #tpu.memory_space<hbm>>
        tpu.enqueue_dma source(%dma_start3A_71 : memref<128x64xf32, #tpu.memory_space<hbm>>) target(%arg14 : memref<128x64xf32, #tpu.memory_space<vmem>>) target_semaphore(%run_scoped3A : memref<!tpu.dma_semaphore, #tpu.memory_space<semaphore_mem>>)
        %dma_wait3A = tpu.memref_slice %arg2[%add3A_68, %mul3A_2] : memref<10240x128xf32, #tpu.memory_space<hbm>> -> memref<128x64xf32, #tpu.memory_space<hbm>>
        %dma_wait3A_72 = tpu.memref_slice %arg2[%add3A_68, %mul3A_2] : memref<10240x128xf32, #tpu.memory_space<hbm>> -> memref<128x64xf32, #tpu.memory_space<hbm>>
        tpu.wait_dma2 semaphore(%run_scoped3A : memref<!tpu.dma_semaphore, #tpu.memory_space<semaphore_mem>>) src(%dma_wait3A_72 : memref<128x64xf32, #tpu.memory_space<hbm>>) dst(%arg14 : memref<128x64xf32, #tpu.memory_space<vmem>>)
        tpu.yield
      }) : () -> ()
      %parallel_loop3A = arith.constant 0 : i32
      %parallel_loop3A_69 = arith.constant 128 : i32
      %parallel_loop3A_70 = arith.constant 1 : i32
      scf.for %parallel_loop3A_71 = %parallel_loop3A to %parallel_loop3A_69 step %parallel_loop3A_70  : i32 {
        %parallel_loop3A_72 = arith.index_cast %parallel_loop3A_71 : i32 to index
        %parallel_loop3A_73 = arith.constant 0 : index
        %parallel_loop3A_74 = tpu.vector_load %arg12[%parallel_loop3A_72, %parallel_loop3A_73] {strides = array<i32>} : memref<128x64xf32, #tpu.memory_space<vmem>>, vector<16xf32>,
        %parallel_loop3A_75 = arith.constant 8.500000e-01 : f32
        %parallel_loop3A_76 = vector.broadcast %parallel_loop3A_75 : f32 to vector<16xf32>
        %parallel_loop3A_77 = arith.mulf %parallel_loop3A_76, %parallel_loop3A_74 : vector<16xf32>
        %parallel_loop3A_78 = arith.index_cast %parallel_loop3A_71 : i32 to index
        %parallel_loop3A_79 = arith.constant 0 : index
        %parallel_loop3A_80 = tpu.vector_load %arg14[%parallel_loop3A_78, %parallel_loop3A_79] {strides = array<i32>} : memref<128x64xf32, #tpu.memory_space<vmem>>, vector<16xf32>,
        %parallel_loop3A_81 = arith.constant 1.500000e-01 : f32
        %parallel_loop3A_82 = vector.broadcast %parallel_loop3A_81 : f32 to vector<16xf32>
        %parallel_loop3A_83 = arith.mulf %parallel_loop3A_82, %parallel_loop3A_80 : vector<16xf32>
        %parallel_loop3A_84 = arith.addf %parallel_loop3A_77, %parallel_loop3A_83 : vector<16xf32>
        %parallel_loop3A_85 = arith.index_cast %parallel_loop3A_71 : i32 to index
        %parallel_loop3A_86 = arith.constant 0 : index
        %parallel_loop3A_87 = tpu.vector_load %arg12[%parallel_loop3A_85, %parallel_loop3A_86] {strides = array<i32>} : memref<128x64xf32, #tpu.memory_space<vmem>>, vector<16xf32>,
        tpu.vector_store %arg12[%parallel_loop3A_85, %parallel_loop3A_86], %parallel_loop3A_84 {strides = array<i32>} : memref<128x64xf32, #tpu.memory_space<vmem>>, vector<16xf32>,
        %parallel_loop3A_88 = arith.index_cast %parallel_loop3A_71 : i32 to index
        %parallel_loop3A_89 = arith.constant 16 : index
        %parallel_loop3A_90 = tpu.vector_load %arg12[%parallel_loop3A_88, %parallel_loop3A_89] {strides = array<i32>} : memref<128x64xf32, #tpu.memory_space<vmem>>, vector<16xf32>,
        %parallel_loop3A_91 = arith.constant 8.500000e-01 : f32
        %parallel_loop3A_92 = vector.broadcast %parallel_loop3A_91 : f32 to vector<16xf32>
        %parallel_loop3A_93 = arith.mulf %parallel_loop3A_92, %parallel_loop3A_90 : vector<16xf32>
        %parallel_loop3A_94 = arith.index_cast %parallel_loop3A_71 : i32 to index
        %parallel_loop3A_95 = arith.constant 16 : index
        %parallel_loop3A_96 = tpu.vector_load %arg14[%parallel_loop3A_94, %parallel_loop3A_95] {strides = array<i32>} : memref<128x64xf32, #tpu.memory_space<vmem>>, vector<16xf32>,
        %parallel_loop3A_97 = arith.constant 1.500000e-01 : f32
        %parallel_loop3A_98 = vector.broadcast %parallel_loop3A_97 : f32 to vector<16xf32>
        %parallel_loop3A_99 = arith.mulf %parallel_loop3A_98, %parallel_loop3A_96 : vector<16xf32>
        %parallel_loop3A_100 = arith.addf %parallel_loop3A_93, %parallel_loop3A_99 : vector<16xf32>
        %parallel_loop3A_101 = arith.index_cast %parallel_loop3A_71 : i32 to index
        %parallel_loop3A_102 = arith.constant 16 : index
        %parallel_loop3A_103 = tpu.vector_load %arg12[%parallel_loop3A_101, %parallel_loop3A_102] {strides = array<i32>} : memref<128x64xf32, #tpu.memory_space<vmem>>, vector<16xf32>,
        tpu.vector_store %arg12[%parallel_loop3A_101, %parallel_loop3A_102], %parallel_loop3A_100 {strides = array<i32>} : memref<128x64xf32, #tpu.memory_space<vmem>>, vector<16xf32>,
        %parallel_loop3A_104 = arith.index_cast %parallel_loop3A_71 : i32 to index
        %parallel_loop3A_105 = arith.constant 32 : index
        %parallel_loop3A_106 = tpu.vector_load %arg12[%parallel_loop3A_104, %parallel_loop3A_105] {strides = array<i32>} : memref<128x64xf32, #tpu.memory_space<vmem>>, vector<16xf32>,
        %parallel_loop3A_107 = arith.constant 8.500000e-01 : f32
        %parallel_loop3A_108 = vector.broadcast %parallel_loop3A_107 : f32 to vector<16xf32>
        %parallel_loop3A_109 = arith.mulf %parallel_loop3A_108, %parallel_loop3A_106 : vector<16xf32>
        %parallel_loop3A_110 = arith.index_cast %parallel_loop3A_71 : i32 to index
        %parallel_loop3A_111 = arith.constant 32 : index
        %parallel_loop3A_112 = tpu.vector_load %arg14[%parallel_loop3A_110, %parallel_loop3A_111] {strides = array<i32>} : memref<128x64xf32, #tpu.memory_space<vmem>>, vector<16xf32>,
        %parallel_loop3A_113 = arith.constant 1.500000e-01 : f32
        %parallel_loop3A_114 = vector.broadcast %parallel_loop3A_113 : f32 to vector<16xf32>
        %parallel_loop3A_115 = arith.mulf %parallel_loop3A_114, %parallel_loop3A_112 : vector<16xf32>
        %parallel_loop3A_116 = arith.addf %parallel_loop3A_109, %parallel_loop3A_115 : vector<16xf32>
        %parallel_loop3A_117 = arith.index_cast %parallel_loop3A_71 : i32 to index
        %parallel_loop3A_118 = arith.constant 32 : index
        %parallel_loop3A_119 = tpu.vector_load %arg12[%parallel_loop3A_117, %parallel_loop3A_118] {strides = array<i32>} : memref<128x64xf32, #tpu.memory_space<vmem>>, vector<16xf32>,
        tpu.vector_store %arg12[%parallel_loop3A_117, %parallel_loop3A_118], %parallel_loop3A_116 {strides = array<i32>} : memref<128x64xf32, #tpu.memory_space<vmem>>, vector<16xf32>,
        %parallel_loop3A_120 = arith.index_cast %parallel_loop3A_71 : i32 to index
        %parallel_loop3A_121 = arith.constant 48 : index
        %parallel_loop3A_122 = tpu.vector_load %arg12[%parallel_loop3A_120, %parallel_loop3A_121] {strides = array<i32>} : memref<128x64xf32, #tpu.memory_space<vmem>>, vector<16xf32>,
        %parallel_loop3A_123 = arith.constant 8.500000e-01 : f32
        %parallel_loop3A_124 = vector.broadcast %parallel_loop3A_123 : f32 to vector<16xf32>
        %parallel_loop3A_125 = arith.mulf %parallel_loop3A_124, %parallel_loop3A_122 : vector<16xf32>
        %parallel_loop3A_126 = arith.index_cast %parallel_loop3A_71 : i32 to index
        %parallel_loop3A_127 = arith.constant 48 : index
        %parallel_loop3A_128 = tpu.vector_load %arg14[%parallel_loop3A_126, %parallel_loop3A_127] {strides = array<i32>} : memref<128x64xf32, #tpu.memory_space<vmem>>, vector<16xf32>,
        %parallel_loop3A_129 = arith.constant 1.500000e-01 : f32
        %parallel_loop3A_130 = vector.broadcast %parallel_loop3A_129 : f32 to vector<16xf32>
        %parallel_loop3A_131 = arith.mulf %parallel_loop3A_130, %parallel_loop3A_128 : vector<16xf32>
        %parallel_loop3A_132 = arith.addf %parallel_loop3A_125, %parallel_loop3A_131 : vector<16xf32>
        %parallel_loop3A_133 = arith.index_cast %parallel_loop3A_71 : i32 to index
        %parallel_loop3A_134 = arith.constant 48 : index
        %parallel_loop3A_135 = tpu.vector_load %arg12[%parallel_loop3A_133, %parallel_loop3A_134] {strides = array<i32>} : memref<128x64xf32, #tpu.memory_space<vmem>>, vector<16xf32>,
        tpu.vector_store %arg12[%parallel_loop3A_133, %parallel_loop3A_134], %parallel_loop3A_132 {strides = array<i32>} : memref<128x64xf32, #tpu.memory_space<vmem>>, vector<16xf32>,
      } {sc.loop_unroll_factor = 4 : i64, sc.parallel_access}
      "tpu.region"() ({
        %run_scoped3A = tpu.sem_alloc : memref<!tpu.dma_semaphore, #tpu.memory_space<semaphore_mem>>
        %dma_start3A = arith.constant 0 : i32
        %dma_start3A_71 = tpu.memref_slice %arg8[%add3A_68, %dma_start3A] : memref<10240x64xf32, #tpu.memory_space<vmem_shared>> -> memref<128x64xf32, #tpu.memory_space<vmem_shared>>
        %dma_start3A_72 = arith.constant 0 : i32
        %dma_start3A_73 = tpu.memref_slice %arg8[%add3A_68, %dma_start3A_72] : memref<10240x64xf32, #tpu.memory_space<vmem_shared>> -> memref<128x64xf32, #tpu.memory_space<vmem_shared>>
        tpu.enqueue_dma source(%arg12 : memref<128x64xf32, #tpu.memory_space<vmem>>) target(%dma_start3A_73 : memref<128x64xf32, #tpu.memory_space<vmem_shared>>) target_semaphore(%run_scoped3A : memref<!tpu.dma_semaphore, #tpu.memory_space<semaphore_mem>>)
        %dma_wait3A = arith.constant 0 : i32
        %dma_wait3A_74 = tpu.memref_slice %arg8[%add3A_68, %dma_wait3A] : memref<10240x64xf32, #tpu.memory_space<vmem_shared>> -> memref<128x64xf32, #tpu.memory_space<vmem_shared>>
        %dma_wait3A_75 = arith.constant 0 : i32
        %dma_wait3A_76 = tpu.memref_slice %arg8[%add3A_68, %dma_wait3A_75] : memref<10240x64xf32, #tpu.memory_space<vmem_shared>> -> memref<128x64xf32, #tpu.memory_space<vmem_shared>>
        tpu.wait_dma2 semaphore(%run_scoped3A : memref<!tpu.dma_semaphore, #tpu.memory_space<semaphore_mem>>) src(%arg12 : memref<128x64xf32, #tpu.memory_space<vmem>>) dst(%dma_wait3A_76 : memref<128x64xf32, #tpu.memory_space<vmem_shared>>)
        tpu.yield
      }) : () -> ()
      "tpu.region"() ({
        %run_scoped3A = tpu.sem_alloc : memref<!tpu.dma_semaphore, #tpu.memory_space<semaphore_mem>>
        %dma_start3A = arith.constant 0 : i32
        %dma_start3A_71 = tpu.memref_slice %arg9[%add3A_68, %dma_start3A] : memref<10240x64xf32, #tpu.memory_space<vmem_shared>> -> memref<128x64xf32, #tpu.memory_space<vmem_shared>>
        tpu.enqueue_dma source(%arg6 : memref<128x64xf32, #tpu.memory_space<hbm>>) target(%dma_start3A_71 : memref<128x64xf32, #tpu.memory_space<vmem_shared>>) target_semaphore(%run_scoped3A : memref<!tpu.dma_semaphore, #tpu.memory_space<semaphore_mem>>)
        %dma_wait3A = arith.constant 0 : i32
        %dma_wait3A_72 = tpu.memref_slice %arg9[%add3A_68, %dma_wait3A] : memref<10240x64xf32, #tpu.memory_space<vmem_shared>> -> memref<128x64xf32, #tpu.memory_space<vmem_shared>>
        tpu.wait_dma2 semaphore(%run_scoped3A : memref<!tpu.dma_semaphore, #tpu.memory_space<semaphore_mem>>) src(%arg6 : memref<128x64xf32, #tpu.memory_space<hbm>>) dst(%dma_wait3A_72 : memref<128x64xf32, #tpu.memory_space<vmem_shared>>)
        tpu.yield
      }) : () -> ()
    }
    %scan3A_35 = arith.constant 5 : i32
    %barrier3A_36 = arith.constant 0 : index
    tpu.barrier barrier_id(%barrier3A_36)
    %scan3A_37 = arith.constant 0 : i32
    %scan3A_38 = arith.constant 4 : i32
    %scan3A_39 = arith.addi %scan3A_37, %scan3A_38 : i32
    %scan3A_40 = arith.constant 1 : i32
    scf.for %scan3A_61 = %scan3A_37 to %scan3A_39 step %scan3A_40  : i32 {
      %mul3A_62 = arith.constant 1 : i32
      %mul3A_63 = arith.muli %scan3A_61, %mul3A_62 : i32
      %add3A_64 = arith.constant 0 : i32
      %add3A_65 = arith.addi %add3A_64, %mul3A_63 : i32
      %mul3A_66 = arith.constant 160 : i32
      %mul3A_67 = arith.muli %arg1, %mul3A_66 : i32
      %mul3A_68 = arith.constant 40 : i32
      %mul3A_69 = arith.muli %add3A_65, %mul3A_68 : i32
      %add3A_70 = arith.addi %mul3A_67, %mul3A_69 : i32
      "tpu.region"() ({
        %run_scoped3A = tpu.sem_alloc : memref<!tpu.dma_semaphore, #tpu.memory_space<semaphore_mem>>
        %dma_start3A_105 = arith.constant 0 : i32
        %dma_start3A_106 = tpu.memref_slice %arg4[%add3A_70, %dma_start3A_105] : memref<2560x128xi32, #tpu.memory_space<hbm>> -> memref<40x128xi32, #tpu.memory_space<hbm>>
        %dma_start3A_107 = arith.constant 0 : i32
        %dma_start3A_108 = tpu.memref_slice %arg4[%add3A_70, %dma_start3A_107] : memref<2560x128xi32, #tpu.memory_space<hbm>> -> memref<40x128xi32, #tpu.memory_space<hbm>>
        tpu.enqueue_dma source(%dma_start3A_108 : memref<40x128xi32, #tpu.memory_space<hbm>>) target(%arg10 : memref<40x128xi32, #tpu.memory_space<vmem>>) target_semaphore(%run_scoped3A : memref<!tpu.dma_semaphore, #tpu.memory_space<semaphore_mem>>)
        %dma_wait3A = arith.constant 0 : i32
        %dma_wait3A_109 = tpu.memref_slice %arg4[%add3A_70, %dma_wait3A] : memref<2560x128xi32, #tpu.memory_space<hbm>> -> memref<40x128xi32, #tpu.memory_space<hbm>>
        %dma_wait3A_110 = arith.constant 0 : i32
        %dma_wait3A_111 = tpu.memref_slice %arg4[%add3A_70, %dma_wait3A_110] : memref<2560x128xi32, #tpu.memory_space<hbm>> -> memref<40x128xi32, #tpu.memory_space<hbm>>
        tpu.wait_dma2 semaphore(%run_scoped3A : memref<!tpu.dma_semaphore, #tpu.memory_space<semaphore_mem>>) src(%dma_wait3A_111 : memref<40x128xi32, #tpu.memory_space<hbm>>) dst(%arg10 : memref<40x128xi32, #tpu.memory_space<vmem>>)
        tpu.yield
      }) : () -> ()
      "tpu.region"() ({
        %run_scoped3A = tpu.sem_alloc : memref<!tpu.dma_semaphore, #tpu.memory_space<semaphore_mem>>
        %dma_start3A_105 = arith.constant 0 : i32
        %dma_start3A_106 = tpu.memref_slice %arg5[%add3A_70, %dma_start3A_105] : memref<2560x128xi32, #tpu.memory_space<hbm>> -> memref<40x128xi32, #tpu.memory_space<hbm>>
        %dma_start3A_107 = arith.constant 0 : i32
        %dma_start3A_108 = tpu.memref_slice %arg5[%add3A_70, %dma_start3A_107] : memref<2560x128xi32, #tpu.memory_space<hbm>> -> memref<40x128xi32, #tpu.memory_space<hbm>>
        tpu.enqueue_dma source(%dma_start3A_108 : memref<40x128xi32, #tpu.memory_space<hbm>>) target(%arg11 : memref<40x128xi32, #tpu.memory_space<vmem>>) target_semaphore(%run_scoped3A : memref<!tpu.dma_semaphore, #tpu.memory_space<semaphore_mem>>)
        %dma_wait3A = arith.constant 0 : i32
        %dma_wait3A_109 = tpu.memref_slice %arg5[%add3A_70, %dma_wait3A] : memref<2560x128xi32, #tpu.memory_space<hbm>> -> memref<40x128xi32, #tpu.memory_space<hbm>>
        %dma_wait3A_110 = arith.constant 0 : i32
        %dma_wait3A_111 = tpu.memref_slice %arg5[%add3A_70, %dma_wait3A_110] : memref<2560x128xi32, #tpu.memory_space<hbm>> -> memref<40x128xi32, #tpu.memory_space<hbm>>
        tpu.wait_dma2 semaphore(%run_scoped3A : memref<!tpu.dma_semaphore, #tpu.memory_space<semaphore_mem>>) src(%dma_wait3A_111 : memref<40x128xi32, #tpu.memory_space<hbm>>) dst(%arg11 : memref<40x128xi32, #tpu.memory_space<vmem>>)
        tpu.yield
      }) : () -> ()
      %dma_start3A = arith.constant 0 : i32
      %dma_start3A_71 = arith.constant 0 : i32
      %dma_start3A_72 = tpu.memref_slice %arg10[%dma_start3A, %dma_start3A_71] : memref<40x128xi32, #tpu.memory_space<vmem>> -> memref<1x128xi32, #tpu.memory_space<vmem>>
      %dma_start3A_73 = tpu.memref_squeeze %dma_start3A_72 : memref<1x128xi32, #tpu.memory_space<vmem>> -> memref<128xi32, #tpu.memory_space<vmem>>
      %dma_start3A_74 = arith.constant 0 : i32
      %dma_start3A_75 = arith.constant 0 : i32
      %dma_start3A_76 = tpu.memref_slice %arg8[%dma_start3A_74, %dma_start3A_75] : memref<10240x64xf32, #tpu.memory_space<vmem_shared>> -> memref<10240x64xf32, #tpu.memory_space<vmem_shared>>
      tpu.enqueue_indirect_dma source(%dma_start3A_76 : memref<10240x64xf32, #tpu.memory_space<vmem_shared>>) target(%arg12 : memref<128x64xf32, #tpu.memory_space<vmem>>) offsets(%dma_start3A_73 : memref<128xi32, #tpu.memory_space<vmem>>) semaphore(%arg18 : memref<!tpu.dma_semaphore, #tpu.memory_space<semaphore_mem>>)
      %add3A_77 = arith.constant 0 : i32
      %add3A_78 = arith.addi %add3A_70, %add3A_77 : i32
      %mul3A_79 = arith.constant 128 : i32
      %mul3A_80 = arith.muli %add3A_78, %mul3A_79 : i32
      %dma_start3A_81 = arith.constant 0 : i32
      %dma_start3A_82 = tpu.memref_slice %arg3[%mul3A_80, %dma_start3A_81] : memref<327680x16xf32, #tpu.memory_space<hbm>> -> memref<128x16xf32, #tpu.memory_space<hbm>>
      %dma_start3A_83 = arith.constant 0 : i32
      %dma_start3A_84 = tpu.memref_slice %arg3[%mul3A_80, %dma_start3A_83] : memref<327680x16xf32, #tpu.memory_space<hbm>> -> memref<128x16xf32, #tpu.memory_space<hbm>>
      tpu.enqueue_dma source(%dma_start3A_84 : memref<128x16xf32, #tpu.memory_space<hbm>>) target(%arg16 : memref<128x16xf32, #tpu.memory_space<vmem>>) target_semaphore(%arg20 : memref<!tpu.dma_semaphore, #tpu.memory_space<semaphore_mem>>)
      %dma_start3A_85 = arith.constant 1 : i32
      %dma_start3A_86 = arith.constant 0 : i32
      %dma_start3A_87 = tpu.memref_slice %arg10[%dma_start3A_85, %dma_start3A_86] : memref<40x128xi32, #tpu.memory_space<vmem>> -> memref<1x128xi32, #tpu.memory_space<vmem>>
      %dma_start3A_88 = tpu.memref_squeeze %dma_start3A_87 : memref<1x128xi32, #tpu.memory_space<vmem>> -> memref<128xi32, #tpu.memory_space<vmem>>
      %dma_start3A_89 = arith.constant 0 : i32
      %dma_start3A_90 = arith.constant 0 : i32
      %dma_start3A_91 = tpu.memref_slice %arg8[%dma_start3A_89, %dma_start3A_90] : memref<10240x64xf32, #tpu.memory_space<vmem_shared>> -> memref<10240x64xf32, #tpu.memory_space<vmem_shared>>
      tpu.enqueue_indirect_dma source(%dma_start3A_91 : memref<10240x64xf32, #tpu.memory_space<vmem_shared>>) target(%arg13 : memref<128x64xf32, #tpu.memory_space<vmem>>) offsets(%dma_start3A_88 : memref<128xi32, #tpu.memory_space<vmem>>) semaphore(%arg19 : memref<!tpu.dma_semaphore, #tpu.memory_space<semaphore_mem>>)
      %add3A_92 = arith.constant 1 : i32
      %add3A_93 = arith.addi %add3A_70, %add3A_92 : i32
      %mul3A_94 = arith.constant 128 : i32
      %mul3A_95 = arith.muli %add3A_93, %mul3A_94 : i32
      %dma_start3A_96 = arith.constant 0 : i32
      %dma_start3A_97 = tpu.memref_slice %arg3[%mul3A_95, %dma_start3A_96] : memref<327680x16xf32, #tpu.memory_space<hbm>> -> memref<128x16xf32, #tpu.memory_space<hbm>>
      %dma_start3A_98 = arith.constant 0 : i32
      %dma_start3A_99 = tpu.memref_slice %arg3[%mul3A_95, %dma_start3A_98] : memref<327680x16xf32, #tpu.memory_space<hbm>> -> memref<128x16xf32, #tpu.memory_space<hbm>>
      tpu.enqueue_dma source(%dma_start3A_99 : memref<128x16xf32, #tpu.memory_space<hbm>>) target(%arg17 : memref<128x16xf32, #tpu.memory_space<vmem>>) target_semaphore(%arg21 : memref<!tpu.dma_semaphore, #tpu.memory_space<semaphore_mem>>)
      %scan3A_100 = arith.constant 0 : i32
      %scan3A_101 = arith.constant 20 : i32
      %scan3A_102 = arith.addi %scan3A_100, %scan3A_101 : i32
      %scan3A_103 = arith.constant 1 : i32
      scf.for %scan3A_105 = %scan3A_100 to %scan3A_102 step %scan3A_103  : i32 {
        %mul3A_106 = arith.constant 1 : i32
        %mul3A_107 = arith.muli %scan3A_105, %mul3A_106 : i32
        %add3A_108 = arith.constant 0 : i32
        %add3A_109 = arith.addi %add3A_108, %mul3A_107 : i32
        %mul3A_110 = arith.constant 2 : i32
        %mul3A_111 = arith.muli %mul3A_110, %add3A_109 : i32
        %add3A_112 = arith.constant 0 : i32
        %add3A_113 = arith.addi %mul3A_111, %add3A_112 : i32
        %gt3A = arith.constant 0 : i32
        %gt3A_114 = arith.cmpi sgt, %add3A_109, %gt3A : i32
        %convert_element_type3A = arith.extui %gt3A_114 : i1 to i32
        %cond3A = arith.constant 0 : i32
        %cond3A_115 = arith.cmpi ne, %convert_element_type3A, %cond3A : i32
        scf.if %cond3A_115 {
          tpu.wait_dma2 semaphore(%arg22 : memref<!tpu.dma_semaphore, #tpu.memory_space<semaphore_mem>>) src(%arg6 : memref<128x64xf32, #tpu.memory_space<hbm>>) dst(%arg14 : memref<128x64xf32, #tpu.memory_space<vmem>>)
        } else {
        }
        tpu.wait_dma2 semaphore(%arg18 : memref<!tpu.dma_semaphore, #tpu.memory_space<semaphore_mem>>) src(%arg6 : memref<128x64xf32, #tpu.memory_space<hbm>>) dst(%arg12 : memref<128x64xf32, #tpu.memory_space<vmem>>)
        %dma_wait3A = arith.constant 0 : i32
        %dma_wait3A_116 = arith.constant 0 : i32
        %dma_wait3A_117 = tpu.memref_slice %arg6[%dma_wait3A, %dma_wait3A_116] : memref<128x64xf32, #tpu.memory_space<hbm>> -> memref<128x16xf32, #tpu.memory_space<hbm>>
        %dma_wait3A_118 = arith.constant 0 : i32
        %dma_wait3A_119 = arith.constant 0 : i32
        %dma_wait3A_120 = tpu.memref_slice %arg6[%dma_wait3A_118, %dma_wait3A_119] : memref<128x64xf32, #tpu.memory_space<hbm>> -> memref<128x16xf32, #tpu.memory_space<hbm>>
        tpu.wait_dma2 semaphore(%arg20 : memref<!tpu.dma_semaphore, #tpu.memory_space<semaphore_mem>>) src(%dma_wait3A_120 : memref<128x16xf32, #tpu.memory_space<hbm>>) dst(%arg16 : memref<128x16xf32, #tpu.memory_space<vmem>>)
        %parallel_loop3A = arith.constant 0 : i32
        %parallel_loop3A_121 = arith.constant 128 : i32
        %parallel_loop3A_122 = arith.constant 1 : i32
        scf.for %parallel_loop3A_162 = %parallel_loop3A to %parallel_loop3A_121 step %parallel_loop3A_122  : i32 {
          %parallel_loop3A_163 = vector.broadcast %parallel_loop3A_162 : i32 to vector<16xi32>
          %parallel_loop3A_164 = tpu.vector_load_idx %arg16[%parallel_loop3A_163, %broadcast_in_dim3A] : memref<128x16xf32, #tpu.memory_space<vmem>>[vector<16xi32>, vector<16xi32>], vector<16xf32>,
          %parallel_loop3A_165 = arith.index_cast %parallel_loop3A_162 : i32 to index
          %parallel_loop3A_166 = arith.constant 0 : index
          %parallel_loop3A_167 = tpu.vector_load %arg12[%parallel_loop3A_165, %parallel_loop3A_166] {strides = array<i32>} : memref<128x64xf32, #tpu.memory_space<vmem>>, vector<16xf32>,
          %parallel_loop3A_168 = arith.mulf %parallel_loop3A_167, %parallel_loop3A_164 : vector<16xf32>
          %parallel_loop3A_169 = arith.index_cast %parallel_loop3A_162 : i32 to index
          %parallel_loop3A_170 = arith.constant 0 : index
          %parallel_loop3A_171 = tpu.vector_load %arg14[%parallel_loop3A_169, %parallel_loop3A_170] {strides = array<i32>} : memref<128x64xf32, #tpu.memory_space<vmem>>, vector<16xf32>,
          tpu.vector_store %arg14[%parallel_loop3A_169, %parallel_loop3A_170], %parallel_loop3A_168 {strides = array<i32>} : memref<128x64xf32, #tpu.memory_space<vmem>>, vector<16xf32>,
          %parallel_loop3A_172 = tpu.vector_load_idx %arg16[%parallel_loop3A_163, %broadcast_in_dim3A_14] : memref<128x16xf32, #tpu.memory_space<vmem>>[vector<16xi32>, vector<16xi32>], vector<16xf32>,
          %parallel_loop3A_173 = arith.index_cast %parallel_loop3A_162 : i32 to index
          %parallel_loop3A_174 = arith.constant 16 : index
          %parallel_loop3A_175 = tpu.vector_load %arg12[%parallel_loop3A_173, %parallel_loop3A_174] {strides = array<i32>} : memref<128x64xf32, #tpu.memory_space<vmem>>, vector<16xf32>,
          %parallel_loop3A_176 = arith.mulf %parallel_loop3A_175, %parallel_loop3A_172 : vector<16xf32>
          %parallel_loop3A_177 = arith.index_cast %parallel_loop3A_162 : i32 to index
          %parallel_loop3A_178 = arith.constant 16 : index
          %parallel_loop3A_179 = tpu.vector_load %arg14[%parallel_loop3A_177, %parallel_loop3A_178] {strides = array<i32>} : memref<128x64xf32, #tpu.memory_space<vmem>>, vector<16xf32>,
          tpu.vector_store %arg14[%parallel_loop3A_177, %parallel_loop3A_178], %parallel_loop3A_176 {strides = array<i32>} : memref<128x64xf32, #tpu.memory_space<vmem>>, vector<16xf32>,
          %parallel_loop3A_180 = tpu.vector_load_idx %arg16[%parallel_loop3A_163, %broadcast_in_dim3A_19] : memref<128x16xf32, #tpu.memory_space<vmem>>[vector<16xi32>, vector<16xi32>], vector<16xf32>,
          %parallel_loop3A_181 = arith.index_cast %parallel_loop3A_162 : i32 to index
          %parallel_loop3A_182 = arith.constant 32 : index
          %parallel_loop3A_183 = tpu.vector_load %arg12[%parallel_loop3A_181, %parallel_loop3A_182] {strides = array<i32>} : memref<128x64xf32, #tpu.memory_space<vmem>>, vector<16xf32>,
          %parallel_loop3A_184 = arith.mulf %parallel_loop3A_183, %parallel_loop3A_180 : vector<16xf32>
          %parallel_loop3A_185 = arith.index_cast %parallel_loop3A_162 : i32 to index
          %parallel_loop3A_186 = arith.constant 32 : index
          %parallel_loop3A_187 = tpu.vector_load %arg14[%parallel_loop3A_185, %parallel_loop3A_186] {strides = array<i32>} : memref<128x64xf32, #tpu.memory_space<vmem>>, vector<16xf32>,
          tpu.vector_store %arg14[%parallel_loop3A_185, %parallel_loop3A_186], %parallel_loop3A_184 {strides = array<i32>} : memref<128x64xf32, #tpu.memory_space<vmem>>, vector<16xf32>,
          %parallel_loop3A_188 = tpu.vector_load_idx %arg16[%parallel_loop3A_163, %broadcast_in_dim3A_24] : memref<128x16xf32, #tpu.memory_space<vmem>>[vector<16xi32>, vector<16xi32>], vector<16xf32>,
          %parallel_loop3A_189 = arith.index_cast %parallel_loop3A_162 : i32 to index
          %parallel_loop3A_190 = arith.constant 48 : index
          %parallel_loop3A_191 = tpu.vector_load %arg12[%parallel_loop3A_189, %parallel_loop3A_190] {strides = array<i32>} : memref<128x64xf32, #tpu.memory_space<vmem>>, vector<16xf32>,
          %parallel_loop3A_192 = arith.mulf %parallel_loop3A_191, %parallel_loop3A_188 : vector<16xf32>
          %parallel_loop3A_193 = arith.index_cast %parallel_loop3A_162 : i32 to index
          %parallel_loop3A_194 = arith.constant 48 : index
          %parallel_loop3A_195 = tpu.vector_load %arg14[%parallel_loop3A_193, %parallel_loop3A_194] {strides = array<i32>} : memref<128x64xf32, #tpu.memory_space<vmem>>, vector<16xf32>,
          tpu.vector_store %arg14[%parallel_loop3A_193, %parallel_loop3A_194], %parallel_loop3A_192 {strides = array<i32>} : memref<128x64xf32, #tpu.memory_space<vmem>>, vector<16xf32>,
        } {sc.loop_unroll_factor = 4 : i64, sc.parallel_access}
        %lt3A = arith.constant 19 : i32
        %lt3A_123 = arith.cmpi slt, %add3A_109, %lt3A : i32
        %convert_element_type3A_124 = arith.extui %lt3A_123 : i1 to i32
        %cond3A_125 = arith.constant 0 : i32
        %cond3A_126 = arith.cmpi ne, %convert_element_type3A_124, %cond3A_125 : i32
        scf.if %cond3A_126 {
          %add3A_162 = arith.constant 2 : i32
          %add3A_163 = arith.addi %add3A_113, %add3A_162 : i32
          %dma_start3A_164 = arith.constant 0 : i32
          %dma_start3A_165 = tpu.memref_slice %arg10[%add3A_163, %dma_start3A_164] : memref<40x128xi32, #tpu.memory_space<vmem>> -> memref<1x128xi32, #tpu.memory_space<vmem>>
          %dma_start3A_166 = tpu.memref_squeeze %dma_start3A_165 : memref<1x128xi32, #tpu.memory_space<vmem>> -> memref<128xi32, #tpu.memory_space<vmem>>
          %dma_start3A_167 = arith.constant 0 : i32
          %dma_start3A_168 = arith.constant 0 : i32
          %dma_start3A_169 = tpu.memref_slice %arg8[%dma_start3A_167, %dma_start3A_168] : memref<10240x64xf32, #tpu.memory_space<vmem_shared>> -> memref<10240x64xf32, #tpu.memory_space<vmem_shared>>
          tpu.enqueue_indirect_dma source(%dma_start3A_169 : memref<10240x64xf32, #tpu.memory_space<vmem_shared>>) target(%arg12 : memref<128x64xf32, #tpu.memory_space<vmem>>) offsets(%dma_start3A_166 : memref<128xi32, #tpu.memory_space<vmem>>) semaphore(%arg18 : memref<!tpu.dma_semaphore, #tpu.memory_space<semaphore_mem>>)
          %add3A_170 = arith.addi %add3A_70, %add3A_113 : i32
          %add3A_171 = arith.constant 2 : i32
          %add3A_172 = arith.addi %add3A_170, %add3A_171 : i32
          %mul3A_173 = arith.constant 128 : i32
          %mul3A_174 = arith.muli %add3A_172, %mul3A_173 : i32
          %dma_start3A_175 = arith.constant 0 : i32
          %dma_start3A_176 = tpu.memref_slice %arg3[%mul3A_174, %dma_start3A_175] : memref<327680x16xf32, #tpu.memory_space<hbm>> -> memref<128x16xf32, #tpu.memory_space<hbm>>
          %dma_start3A_177 = arith.constant 0 : i32
          %dma_start3A_178 = tpu.memref_slice %arg3[%mul3A_174, %dma_start3A_177] : memref<327680x16xf32, #tpu.memory_space<hbm>> -> memref<128x16xf32, #tpu.memory_space<hbm>>
          tpu.enqueue_dma source(%dma_start3A_178 : memref<128x16xf32, #tpu.memory_space<hbm>>) target(%arg16 : memref<128x16xf32, #tpu.memory_space<vmem>>) target_semaphore(%arg20 : memref<!tpu.dma_semaphore, #tpu.memory_space<semaphore_mem>>)
        } else {
        }
        %dma_start3A_127 = arith.constant 0 : i32
        %dma_start3A_128 = tpu.memref_slice %arg11[%add3A_113, %dma_start3A_127] : memref<40x128xi32, #tpu.memory_space<vmem>> -> memref<1x128xi32, #tpu.memory_space<vmem>>
        %dma_start3A_129 = tpu.memref_squeeze %dma_start3A_128 : memref<1x128xi32, #tpu.memory_space<vmem>> -> memref<128xi32, #tpu.memory_space<vmem>>
        %dma_start3A_130 = arith.constant 0 : i32
        %dma_start3A_131 = arith.constant 0 : i32
        %dma_start3A_132 = tpu.memref_slice %arg9[%dma_start3A_130, %dma_start3A_131] : memref<10240x64xf32, #tpu.memory_space<vmem_shared>> -> memref<10240x64xf32, #tpu.memory_space<vmem_shared>>
        tpu.enqueue_indirect_dma source(%arg14 : memref<128x64xf32, #tpu.memory_space<vmem>>) target(%dma_start3A_132 : memref<10240x64xf32, #tpu.memory_space<vmem_shared>>) offsets(%dma_start3A_129 : memref<128xi32, #tpu.memory_space<vmem>>) semaphore(%arg22 : memref<!tpu.dma_semaphore, #tpu.memory_space<semaphore_mem>>) {add = true}
        %mul3A_133 = arith.constant 2 : i32
        %mul3A_134 = arith.muli %mul3A_133, %add3A_109 : i32
        %add3A_135 = arith.constant 1 : i32
        %add3A_136 = arith.addi %mul3A_134, %add3A_135 : i32
        %gt3A_137 = arith.constant 0 : i32
        %gt3A_138 = arith.cmpi sgt, %add3A_109, %gt3A_137 : i32
        %convert_element_type3A_139 = arith.extui %gt3A_138 : i1 to i32
        %cond3A_140 = arith.constant 0 : i32
        %cond3A_141 = arith.cmpi ne, %convert_element_type3A_139, %cond3A_140 : i32
        scf.if %cond3A_141 {
          tpu.wait_dma2 semaphore(%arg23 : memref<!tpu.dma_semaphore, #tpu.memory_space<semaphore_mem>>) src(%arg6 : memref<128x64xf32, #tpu.memory_space<hbm>>) dst(%arg15 : memref<128x64xf32, #tpu.memory_space<vmem>>)
        } else {
        }
        tpu.wait_dma2 semaphore(%arg19 : memref<!tpu.dma_semaphore, #tpu.memory_space<semaphore_mem>>) src(%arg6 : memref<128x64xf32, #tpu.memory_space<hbm>>) dst(%arg13 : memref<128x64xf32, #tpu.memory_space<vmem>>)
        %dma_wait3A_142 = arith.constant 0 : i32
        %dma_wait3A_143 = arith.constant 0 : i32
        %dma_wait3A_144 = tpu.memref_slice %arg6[%dma_wait3A_142, %dma_wait3A_143] : memref<128x64xf32, #tpu.memory_space<hbm>> -> memref<128x16xf32, #tpu.memory_space<hbm>>
        %dma_wait3A_145 = arith.constant 0 : i32
        %dma_wait3A_146 = arith.constant 0 : i32
        %dma_wait3A_147 = tpu.memref_slice %arg6[%dma_wait3A_145, %dma_wait3A_146] : memref<128x64xf32, #tpu.memory_space<hbm>> -> memref<128x16xf32, #tpu.memory_space<hbm>>
        tpu.wait_dma2 semaphore(%arg21 : memref<!tpu.dma_semaphore, #tpu.memory_space<semaphore_mem>>) src(%dma_wait3A_147 : memref<128x16xf32, #tpu.memory_space<hbm>>) dst(%arg17 : memref<128x16xf32, #tpu.memory_space<vmem>>)
        %parallel_loop3A_148 = arith.constant 0 : i32
        %parallel_loop3A_149 = arith.constant 128 : i32
        %parallel_loop3A_150 = arith.constant 1 : i32
        scf.for %parallel_loop3A_162 = %parallel_loop3A_148 to %parallel_loop3A_149 step %parallel_loop3A_150  : i32 {
          %parallel_loop3A_163 = vector.broadcast %parallel_loop3A_162 : i32 to vector<16xi32>
          %parallel_loop3A_164 = tpu.vector_load_idx %arg17[%parallel_loop3A_163, %broadcast_in_dim3A] : memref<128x16xf32, #tpu.memory_space<vmem>>[vector<16xi32>, vector<16xi32>], vector<16xf32>,
          %parallel_loop3A_165 = arith.index_cast %parallel_loop3A_162 : i32 to index
          %parallel_loop3A_166 = arith.constant 0 : index
          %parallel_loop3A_167 = tpu.vector_load %arg13[%parallel_loop3A_165, %parallel_loop3A_166] {strides = array<i32>} : memref<128x64xf32, #tpu.memory_space<vmem>>, vector<16xf32>,
          %parallel_loop3A_168 = arith.mulf %parallel_loop3A_167, %parallel_loop3A_164 : vector<16xf32>
          %parallel_loop3A_169 = arith.index_cast %parallel_loop3A_162 : i32 to index
          %parallel_loop3A_170 = arith.constant 0 : index
          %parallel_loop3A_171 = tpu.vector_load %arg15[%parallel_loop3A_169, %parallel_loop3A_170] {strides = array<i32>} : memref<128x64xf32, #tpu.memory_space<vmem>>, vector<16xf32>,
          tpu.vector_store %arg15[%parallel_loop3A_169, %parallel_loop3A_170], %parallel_loop3A_168 {strides = array<i32>} : memref<128x64xf32, #tpu.memory_space<vmem>>, vector<16xf32>,
          %parallel_loop3A_172 = tpu.vector_load_idx %arg17[%parallel_loop3A_163, %broadcast_in_dim3A_14] : memref<128x16xf32, #tpu.memory_space<vmem>>[vector<16xi32>, vector<16xi32>], vector<16xf32>,
          %parallel_loop3A_173 = arith.index_cast %parallel_loop3A_162 : i32 to index
          %parallel_loop3A_174 = arith.constant 16 : index
          %parallel_loop3A_175 = tpu.vector_load %arg13[%parallel_loop3A_173, %parallel_loop3A_174] {strides = array<i32>} : memref<128x64xf32, #tpu.memory_space<vmem>>, vector<16xf32>,
          %parallel_loop3A_176 = arith.mulf %parallel_loop3A_175, %parallel_loop3A_172 : vector<16xf32>
          %parallel_loop3A_177 = arith.index_cast %parallel_loop3A_162 : i32 to index
          %parallel_loop3A_178 = arith.constant 16 : index
          %parallel_loop3A_179 = tpu.vector_load %arg15[%parallel_loop3A_177, %parallel_loop3A_178] {strides = array<i32>} : memref<128x64xf32, #tpu.memory_space<vmem>>, vector<16xf32>,
          tpu.vector_store %arg15[%parallel_loop3A_177, %parallel_loop3A_178], %parallel_loop3A_176 {strides = array<i32>} : memref<128x64xf32, #tpu.memory_space<vmem>>, vector<16xf32>,
          %parallel_loop3A_180 = tpu.vector_load_idx %arg17[%parallel_loop3A_163, %broadcast_in_dim3A_19] : memref<128x16xf32, #tpu.memory_space<vmem>>[vector<16xi32>, vector<16xi32>], vector<16xf32>,
          %parallel_loop3A_181 = arith.index_cast %parallel_loop3A_162 : i32 to index
          %parallel_loop3A_182 = arith.constant 32 : index
          %parallel_loop3A_183 = tpu.vector_load %arg13[%parallel_loop3A_181, %parallel_loop3A_182] {strides = array<i32>} : memref<128x64xf32, #tpu.memory_space<vmem>>, vector<16xf32>,
          %parallel_loop3A_184 = arith.mulf %parallel_loop3A_183, %parallel_loop3A_180 : vector<16xf32>
          %parallel_loop3A_185 = arith.index_cast %parallel_loop3A_162 : i32 to index
          %parallel_loop3A_186 = arith.constant 32 : index
          %parallel_loop3A_187 = tpu.vector_load %arg15[%parallel_loop3A_185, %parallel_loop3A_186] {strides = array<i32>} : memref<128x64xf32, #tpu.memory_space<vmem>>, vector<16xf32>,
          tpu.vector_store %arg15[%parallel_loop3A_185, %parallel_loop3A_186], %parallel_loop3A_184 {strides = array<i32>} : memref<128x64xf32, #tpu.memory_space<vmem>>, vector<16xf32>,
          %parallel_loop3A_188 = tpu.vector_load_idx %arg17[%parallel_loop3A_163, %broadcast_in_dim3A_24] : memref<128x16xf32, #tpu.memory_space<vmem>>[vector<16xi32>, vector<16xi32>], vector<16xf32>,
          %parallel_loop3A_189 = arith.index_cast %parallel_loop3A_162 : i32 to index
          %parallel_loop3A_190 = arith.constant 48 : index
          %parallel_loop3A_191 = tpu.vector_load %arg13[%parallel_loop3A_189, %parallel_loop3A_190] {strides = array<i32>} : memref<128x64xf32, #tpu.memory_space<vmem>>, vector<16xf32>,
          %parallel_loop3A_192 = arith.mulf %parallel_loop3A_191, %parallel_loop3A_188 : vector<16xf32>
          %parallel_loop3A_193 = arith.index_cast %parallel_loop3A_162 : i32 to index
          %parallel_loop3A_194 = arith.constant 48 : index
          %parallel_loop3A_195 = tpu.vector_load %arg15[%parallel_loop3A_193, %parallel_loop3A_194] {strides = array<i32>} : memref<128x64xf32, #tpu.memory_space<vmem>>, vector<16xf32>,
          tpu.vector_store %arg15[%parallel_loop3A_193, %parallel_loop3A_194], %parallel_loop3A_192 {strides = array<i32>} : memref<128x64xf32, #tpu.memory_space<vmem>>, vector<16xf32>,
        } {sc.loop_unroll_factor = 4 : i64, sc.parallel_access}
        %lt3A_151 = arith.constant 19 : i32
        %lt3A_152 = arith.cmpi slt, %add3A_109, %lt3A_151 : i32
        %convert_element_type3A_153 = arith.extui %lt3A_152 : i1 to i32
        %cond3A_154 = arith.constant 0 : i32
        %cond3A_155 = arith.cmpi ne, %convert_element_type3A_153, %cond3A_154 : i32
        scf.if %cond3A_155 {
          %add3A_162 = arith.constant 2 : i32
          %add3A_163 = arith.addi %add3A_136, %add3A_162 : i32
          %dma_start3A_164 = arith.constant 0 : i32
          %dma_start3A_165 = tpu.memref_slice %arg10[%add3A_163, %dma_start3A_164] : memref<40x128xi32, #tpu.memory_space<vmem>> -> memref<1x128xi32, #tpu.memory_space<vmem>>
          %dma_start3A_166 = tpu.memref_squeeze %dma_start3A_165 : memref<1x128xi32, #tpu.memory_space<vmem>> -> memref<128xi32, #tpu.memory_space<vmem>>
          %dma_start3A_167 = arith.constant 0 : i32
          %dma_start3A_168 = arith.constant 0 : i32
          %dma_start3A_169 = tpu.memref_slice %arg8[%dma_start3A_167, %dma_start3A_168] : memref<10240x64xf32, #tpu.memory_space<vmem_shared>> -> memref<10240x64xf32, #tpu.memory_space<vmem_shared>>
          tpu.enqueue_indirect_dma source(%dma_start3A_169 : memref<10240x64xf32, #tpu.memory_space<vmem_shared>>) target(%arg13 : memref<128x64xf32, #tpu.memory_space<vmem>>) offsets(%dma_start3A_166 : memref<128xi32, #tpu.memory_space<vmem>>) semaphore(%arg19 : memref<!tpu.dma_semaphore, #tpu.memory_space<semaphore_mem>>)
          %add3A_170 = arith.addi %add3A_70, %add3A_136 : i32
          %add3A_171 = arith.constant 2 : i32
          %add3A_172 = arith.addi %add3A_170, %add3A_171 : i32
          %mul3A_173 = arith.constant 128 : i32
          %mul3A_174 = arith.muli %add3A_172, %mul3A_173 : i32
          %dma_start3A_175 = arith.constant 0 : i32
          %dma_start3A_176 = tpu.memref_slice %arg3[%mul3A_174, %dma_start3A_175] : memref<327680x16xf32, #tpu.memory_space<hbm>> -> memref<128x16xf32, #tpu.memory_space<hbm>>
          %dma_start3A_177 = arith.constant 0 : i32
          %dma_start3A_178 = tpu.memref_slice %arg3[%mul3A_174, %dma_start3A_177] : memref<327680x16xf32, #tpu.memory_space<hbm>> -> memref<128x16xf32, #tpu.memory_space<hbm>>
          tpu.enqueue_dma source(%dma_start3A_178 : memref<128x16xf32, #tpu.memory_space<hbm>>) target(%arg17 : memref<128x16xf32, #tpu.memory_space<vmem>>) target_semaphore(%arg21 : memref<!tpu.dma_semaphore, #tpu.memory_space<semaphore_mem>>)
        } else {
        }
        %dma_start3A_156 = arith.constant 0 : i32
        %dma_start3A_157 = tpu.memref_slice %arg11[%add3A_136, %dma_start3A_156] : memref<40x128xi32, #tpu.memory_space<vmem>> -> memref<1x128xi32, #tpu.memory_space<vmem>>
        %dma_start3A_158 = tpu.memref_squeeze %dma_start3A_157 : memref<1x128xi32, #tpu.memory_space<vmem>> -> memref<128xi32, #tpu.memory_space<vmem>>
        %dma_start3A_159 = arith.constant 0 : i32
        %dma_start3A_160 = arith.constant 0 : i32
        %dma_start3A_161 = tpu.memref_slice %arg9[%dma_start3A_159, %dma_start3A_160] : memref<10240x64xf32, #tpu.memory_space<vmem_shared>> -> memref<10240x64xf32, #tpu.memory_space<vmem_shared>>
        tpu.enqueue_indirect_dma source(%arg15 : memref<128x64xf32, #tpu.memory_space<vmem>>) target(%dma_start3A_161 : memref<10240x64xf32, #tpu.memory_space<vmem_shared>>) offsets(%dma_start3A_158 : memref<128xi32, #tpu.memory_space<vmem>>) semaphore(%arg23 : memref<!tpu.dma_semaphore, #tpu.memory_space<semaphore_mem>>) {add = true}
      }
      %scan3A_104 = arith.constant 20 : i32
      tpu.wait_dma2 semaphore(%arg22 : memref<!tpu.dma_semaphore, #tpu.memory_space<semaphore_mem>>) src(%arg6 : memref<128x64xf32, #tpu.memory_space<hbm>>) dst(%arg14 : memref<128x64xf32, #tpu.memory_space<vmem>>)
      tpu.wait_dma2 semaphore(%arg23 : memref<!tpu.dma_semaphore, #tpu.memory_space<semaphore_mem>>) src(%arg6 : memref<128x64xf32, #tpu.memory_space<hbm>>) dst(%arg15 : memref<128x64xf32, #tpu.memory_space<vmem>>)
    }
    %scan3A_41 = arith.constant 4 : i32
    %barrier3A_42 = arith.constant 0 : index
    tpu.barrier barrier_id(%barrier3A_42)
    %scan3A_43 = arith.constant 0 : i32
    %scan3A_44 = arith.constant 5 : i32
    %scan3A_45 = arith.addi %scan3A_43, %scan3A_44 : i32
    %scan3A_46 = arith.constant 1 : i32
    scf.for %scan3A_61 = %scan3A_43 to %scan3A_45 step %scan3A_46  : i32 {
      %mul3A_62 = arith.constant 1 : i32
      %mul3A_63 = arith.muli %scan3A_61, %mul3A_62 : i32
      %add3A_64 = arith.constant 0 : i32
      %add3A_65 = arith.addi %add3A_64, %mul3A_63 : i32
      %mul3A_66 = arith.constant 128 : i32
      %mul3A_67 = arith.muli %add3A_65, %mul3A_66 : i32
      %add3A_68 = arith.addi %mul3A_0, %mul3A_67 : i32
      "tpu.region"() ({
        %run_scoped3A = tpu.sem_alloc : memref<!tpu.dma_semaphore, #tpu.memory_space<semaphore_mem>>
        %dma_start3A = arith.constant 0 : i32
        %dma_start3A_71 = tpu.memref_slice %arg9[%add3A_68, %dma_start3A] : memref<10240x64xf32, #tpu.memory_space<vmem_shared>> -> memref<128x64xf32, #tpu.memory_space<vmem_shared>>
        %dma_start3A_72 = arith.constant 0 : i32
        %dma_start3A_73 = tpu.memref_slice %arg9[%add3A_68, %dma_start3A_72] : memref<10240x64xf32, #tpu.memory_space<vmem_shared>> -> memref<128x64xf32, #tpu.memory_space<vmem_shared>>
        tpu.enqueue_dma source(%dma_start3A_73 : memref<128x64xf32, #tpu.memory_space<vmem_shared>>) target(%arg12 : memref<128x64xf32, #tpu.memory_space<vmem>>) target_semaphore(%run_scoped3A : memref<!tpu.dma_semaphore, #tpu.memory_space<semaphore_mem>>)
        %dma_wait3A = arith.constant 0 : i32
        %dma_wait3A_74 = tpu.memref_slice %arg9[%add3A_68, %dma_wait3A] : memref<10240x64xf32, #tpu.memory_space<vmem_shared>> -> memref<128x64xf32, #tpu.memory_space<vmem_shared>>
        %dma_wait3A_75 = arith.constant 0 : i32
        %dma_wait3A_76 = tpu.memref_slice %arg9[%add3A_68, %dma_wait3A_75] : memref<10240x64xf32, #tpu.memory_space<vmem_shared>> -> memref<128x64xf32, #tpu.memory_space<vmem_shared>>
        tpu.wait_dma2 semaphore(%run_scoped3A : memref<!tpu.dma_semaphore, #tpu.memory_space<semaphore_mem>>) src(%dma_wait3A_76 : memref<128x64xf32, #tpu.memory_space<vmem_shared>>) dst(%arg12 : memref<128x64xf32, #tpu.memory_space<vmem>>)
        tpu.yield
      }) : () -> ()
      "tpu.region"() ({
        %run_scoped3A = tpu.sem_alloc : memref<!tpu.dma_semaphore, #tpu.memory_space<semaphore_mem>>
        %dma_start3A = tpu.memref_slice %arg2[%add3A_68, %mul3A_2] : memref<10240x128xf32, #tpu.memory_space<hbm>> -> memref<128x64xf32, #tpu.memory_space<hbm>>
        %dma_start3A_71 = tpu.memref_slice %arg2[%add3A_68, %mul3A_2] : memref<10240x128xf32, #tpu.memory_space<hbm>> -> memref<128x64xf32, #tpu.memory_space<hbm>>
        tpu.enqueue_dma source(%dma_start3A_71 : memref<128x64xf32, #tpu.memory_space<hbm>>) target(%arg14 : memref<128x64xf32, #tpu.memory_space<vmem>>) target_semaphore(%run_scoped3A : memref<!tpu.dma_semaphore, #tpu.memory_space<semaphore_mem>>)
        %dma_wait3A = tpu.memref_slice %arg2[%add3A_68, %mul3A_2] : memref<10240x128xf32, #tpu.memory_space<hbm>> -> memref<128x64xf32, #tpu.memory_space<hbm>>
        %dma_wait3A_72 = tpu.memref_slice %arg2[%add3A_68, %mul3A_2] : memref<10240x128xf32, #tpu.memory_space<hbm>> -> memref<128x64xf32, #tpu.memory_space<hbm>>
        tpu.wait_dma2 semaphore(%run_scoped3A : memref<!tpu.dma_semaphore, #tpu.memory_space<semaphore_mem>>) src(%dma_wait3A_72 : memref<128x64xf32, #tpu.memory_space<hbm>>) dst(%arg14 : memref<128x64xf32, #tpu.memory_space<vmem>>)
        tpu.yield
      }) : () -> ()
      %parallel_loop3A = arith.constant 0 : i32
      %parallel_loop3A_69 = arith.constant 128 : i32
      %parallel_loop3A_70 = arith.constant 1 : i32
      scf.for %parallel_loop3A_71 = %parallel_loop3A to %parallel_loop3A_69 step %parallel_loop3A_70  : i32 {
        %parallel_loop3A_72 = arith.index_cast %parallel_loop3A_71 : i32 to index
        %parallel_loop3A_73 = arith.constant 0 : index
        %parallel_loop3A_74 = tpu.vector_load %arg12[%parallel_loop3A_72, %parallel_loop3A_73] {strides = array<i32>} : memref<128x64xf32, #tpu.memory_space<vmem>>, vector<16xf32>,
        %parallel_loop3A_75 = arith.constant 8.500000e-01 : f32
        %parallel_loop3A_76 = vector.broadcast %parallel_loop3A_75 : f32 to vector<16xf32>
        %parallel_loop3A_77 = arith.mulf %parallel_loop3A_76, %parallel_loop3A_74 : vector<16xf32>
        %parallel_loop3A_78 = arith.index_cast %parallel_loop3A_71 : i32 to index
        %parallel_loop3A_79 = arith.constant 0 : index
        %parallel_loop3A_80 = tpu.vector_load %arg14[%parallel_loop3A_78, %parallel_loop3A_79] {strides = array<i32>} : memref<128x64xf32, #tpu.memory_space<vmem>>, vector<16xf32>,
        %parallel_loop3A_81 = arith.constant 1.500000e-01 : f32
        %parallel_loop3A_82 = vector.broadcast %parallel_loop3A_81 : f32 to vector<16xf32>
        %parallel_loop3A_83 = arith.mulf %parallel_loop3A_82, %parallel_loop3A_80 : vector<16xf32>
        %parallel_loop3A_84 = arith.addf %parallel_loop3A_77, %parallel_loop3A_83 : vector<16xf32>
        %parallel_loop3A_85 = arith.index_cast %parallel_loop3A_71 : i32 to index
        %parallel_loop3A_86 = arith.constant 0 : index
        %parallel_loop3A_87 = tpu.vector_load %arg12[%parallel_loop3A_85, %parallel_loop3A_86] {strides = array<i32>} : memref<128x64xf32, #tpu.memory_space<vmem>>, vector<16xf32>,
        tpu.vector_store %arg12[%parallel_loop3A_85, %parallel_loop3A_86], %parallel_loop3A_84 {strides = array<i32>} : memref<128x64xf32, #tpu.memory_space<vmem>>, vector<16xf32>,
        %parallel_loop3A_88 = arith.index_cast %parallel_loop3A_71 : i32 to index
        %parallel_loop3A_89 = arith.constant 16 : index
        %parallel_loop3A_90 = tpu.vector_load %arg12[%parallel_loop3A_88, %parallel_loop3A_89] {strides = array<i32>} : memref<128x64xf32, #tpu.memory_space<vmem>>, vector<16xf32>,
        %parallel_loop3A_91 = arith.constant 8.500000e-01 : f32
        %parallel_loop3A_92 = vector.broadcast %parallel_loop3A_91 : f32 to vector<16xf32>
        %parallel_loop3A_93 = arith.mulf %parallel_loop3A_92, %parallel_loop3A_90 : vector<16xf32>
        %parallel_loop3A_94 = arith.index_cast %parallel_loop3A_71 : i32 to index
        %parallel_loop3A_95 = arith.constant 16 : index
        %parallel_loop3A_96 = tpu.vector_load %arg14[%parallel_loop3A_94, %parallel_loop3A_95] {strides = array<i32>} : memref<128x64xf32, #tpu.memory_space<vmem>>, vector<16xf32>,
        %parallel_loop3A_97 = arith.constant 1.500000e-01 : f32
        %parallel_loop3A_98 = vector.broadcast %parallel_loop3A_97 : f32 to vector<16xf32>
        %parallel_loop3A_99 = arith.mulf %parallel_loop3A_98, %parallel_loop3A_96 : vector<16xf32>
        %parallel_loop3A_100 = arith.addf %parallel_loop3A_93, %parallel_loop3A_99 : vector<16xf32>
        %parallel_loop3A_101 = arith.index_cast %parallel_loop3A_71 : i32 to index
        %parallel_loop3A_102 = arith.constant 16 : index
        %parallel_loop3A_103 = tpu.vector_load %arg12[%parallel_loop3A_101, %parallel_loop3A_102] {strides = array<i32>} : memref<128x64xf32, #tpu.memory_space<vmem>>, vector<16xf32>,
        tpu.vector_store %arg12[%parallel_loop3A_101, %parallel_loop3A_102], %parallel_loop3A_100 {strides = array<i32>} : memref<128x64xf32, #tpu.memory_space<vmem>>, vector<16xf32>,
        %parallel_loop3A_104 = arith.index_cast %parallel_loop3A_71 : i32 to index
        %parallel_loop3A_105 = arith.constant 32 : index
        %parallel_loop3A_106 = tpu.vector_load %arg12[%parallel_loop3A_104, %parallel_loop3A_105] {strides = array<i32>} : memref<128x64xf32, #tpu.memory_space<vmem>>, vector<16xf32>,
        %parallel_loop3A_107 = arith.constant 8.500000e-01 : f32
        %parallel_loop3A_108 = vector.broadcast %parallel_loop3A_107 : f32 to vector<16xf32>
        %parallel_loop3A_109 = arith.mulf %parallel_loop3A_108, %parallel_loop3A_106 : vector<16xf32>
        %parallel_loop3A_110 = arith.index_cast %parallel_loop3A_71 : i32 to index
        %parallel_loop3A_111 = arith.constant 32 : index
        %parallel_loop3A_112 = tpu.vector_load %arg14[%parallel_loop3A_110, %parallel_loop3A_111] {strides = array<i32>} : memref<128x64xf32, #tpu.memory_space<vmem>>, vector<16xf32>,
        %parallel_loop3A_113 = arith.constant 1.500000e-01 : f32
        %parallel_loop3A_114 = vector.broadcast %parallel_loop3A_113 : f32 to vector<16xf32>
        %parallel_loop3A_115 = arith.mulf %parallel_loop3A_114, %parallel_loop3A_112 : vector<16xf32>
        %parallel_loop3A_116 = arith.addf %parallel_loop3A_109, %parallel_loop3A_115 : vector<16xf32>
        %parallel_loop3A_117 = arith.index_cast %parallel_loop3A_71 : i32 to index
        %parallel_loop3A_118 = arith.constant 32 : index
        %parallel_loop3A_119 = tpu.vector_load %arg12[%parallel_loop3A_117, %parallel_loop3A_118] {strides = array<i32>} : memref<128x64xf32, #tpu.memory_space<vmem>>, vector<16xf32>,
        tpu.vector_store %arg12[%parallel_loop3A_117, %parallel_loop3A_118], %parallel_loop3A_116 {strides = array<i32>} : memref<128x64xf32, #tpu.memory_space<vmem>>, vector<16xf32>,
        %parallel_loop3A_120 = arith.index_cast %parallel_loop3A_71 : i32 to index
        %parallel_loop3A_121 = arith.constant 48 : index
        %parallel_loop3A_122 = tpu.vector_load %arg12[%parallel_loop3A_120, %parallel_loop3A_121] {strides = array<i32>} : memref<128x64xf32, #tpu.memory_space<vmem>>, vector<16xf32>,
        %parallel_loop3A_123 = arith.constant 8.500000e-01 : f32
        %parallel_loop3A_124 = vector.broadcast %parallel_loop3A_123 : f32 to vector<16xf32>
        %parallel_loop3A_125 = arith.mulf %parallel_loop3A_124, %parallel_loop3A_122 : vector<16xf32>
        %parallel_loop3A_126 = arith.index_cast %parallel_loop3A_71 : i32 to index
        %parallel_loop3A_127 = arith.constant 48 : index
        %parallel_loop3A_128 = tpu.vector_load %arg14[%parallel_loop3A_126, %parallel_loop3A_127] {strides = array<i32>} : memref<128x64xf32, #tpu.memory_space<vmem>>, vector<16xf32>,
        %parallel_loop3A_129 = arith.constant 1.500000e-01 : f32
        %parallel_loop3A_130 = vector.broadcast %parallel_loop3A_129 : f32 to vector<16xf32>
        %parallel_loop3A_131 = arith.mulf %parallel_loop3A_130, %parallel_loop3A_128 : vector<16xf32>
        %parallel_loop3A_132 = arith.addf %parallel_loop3A_125, %parallel_loop3A_131 : vector<16xf32>
        %parallel_loop3A_133 = arith.index_cast %parallel_loop3A_71 : i32 to index
        %parallel_loop3A_134 = arith.constant 48 : index
        %parallel_loop3A_135 = tpu.vector_load %arg12[%parallel_loop3A_133, %parallel_loop3A_134] {strides = array<i32>} : memref<128x64xf32, #tpu.memory_space<vmem>>, vector<16xf32>,
        tpu.vector_store %arg12[%parallel_loop3A_133, %parallel_loop3A_134], %parallel_loop3A_132 {strides = array<i32>} : memref<128x64xf32, #tpu.memory_space<vmem>>, vector<16xf32>,
      } {sc.loop_unroll_factor = 4 : i64, sc.parallel_access}
      "tpu.region"() ({
        %run_scoped3A = tpu.sem_alloc : memref<!tpu.dma_semaphore, #tpu.memory_space<semaphore_mem>>
        %dma_start3A = arith.constant 0 : i32
        %dma_start3A_71 = tpu.memref_slice %arg8[%add3A_68, %dma_start3A] : memref<10240x64xf32, #tpu.memory_space<vmem_shared>> -> memref<128x64xf32, #tpu.memory_space<vmem_shared>>
        %dma_start3A_72 = arith.constant 0 : i32
        %dma_start3A_73 = tpu.memref_slice %arg8[%add3A_68, %dma_start3A_72] : memref<10240x64xf32, #tpu.memory_space<vmem_shared>> -> memref<128x64xf32, #tpu.memory_space<vmem_shared>>
        tpu.enqueue_dma source(%arg12 : memref<128x64xf32, #tpu.memory_space<vmem>>) target(%dma_start3A_73 : memref<128x64xf32, #tpu.memory_space<vmem_shared>>) target_semaphore(%run_scoped3A : memref<!tpu.dma_semaphore, #tpu.memory_space<semaphore_mem>>)
        %dma_wait3A = arith.constant 0 : i32
        %dma_wait3A_74 = tpu.memref_slice %arg8[%add3A_68, %dma_wait3A] : memref<10240x64xf32, #tpu.memory_space<vmem_shared>> -> memref<128x64xf32, #tpu.memory_space<vmem_shared>>
        %dma_wait3A_75 = arith.constant 0 : i32
        %dma_wait3A_76 = tpu.memref_slice %arg8[%add3A_68, %dma_wait3A_75] : memref<10240x64xf32, #tpu.memory_space<vmem_shared>> -> memref<128x64xf32, #tpu.memory_space<vmem_shared>>
        tpu.wait_dma2 semaphore(%run_scoped3A : memref<!tpu.dma_semaphore, #tpu.memory_space<semaphore_mem>>) src(%arg12 : memref<128x64xf32, #tpu.memory_space<vmem>>) dst(%dma_wait3A_76 : memref<128x64xf32, #tpu.memory_space<vmem_shared>>)
        tpu.yield
      }) : () -> ()
      "tpu.region"() ({
        %run_scoped3A = tpu.sem_alloc : memref<!tpu.dma_semaphore, #tpu.memory_space<semaphore_mem>>
        %dma_start3A = arith.constant 0 : i32
        %dma_start3A_71 = tpu.memref_slice %arg9[%add3A_68, %dma_start3A] : memref<10240x64xf32, #tpu.memory_space<vmem_shared>> -> memref<128x64xf32, #tpu.memory_space<vmem_shared>>
        tpu.enqueue_dma source(%arg6 : memref<128x64xf32, #tpu.memory_space<hbm>>) target(%dma_start3A_71 : memref<128x64xf32, #tpu.memory_space<vmem_shared>>) target_semaphore(%run_scoped3A : memref<!tpu.dma_semaphore, #tpu.memory_space<semaphore_mem>>)
        %dma_wait3A = arith.constant 0 : i32
        %dma_wait3A_72 = tpu.memref_slice %arg9[%add3A_68, %dma_wait3A] : memref<10240x64xf32, #tpu.memory_space<vmem_shared>> -> memref<128x64xf32, #tpu.memory_space<vmem_shared>>
        tpu.wait_dma2 semaphore(%run_scoped3A : memref<!tpu.dma_semaphore, #tpu.memory_space<semaphore_mem>>) src(%arg6 : memref<128x64xf32, #tpu.memory_space<hbm>>) dst(%dma_wait3A_72 : memref<128x64xf32, #tpu.memory_space<vmem_shared>>)
        tpu.yield
      }) : () -> ()
    }
    %scan3A_47 = arith.constant 5 : i32
    %barrier3A_48 = arith.constant 0 : index
    tpu.barrier barrier_id(%barrier3A_48)
    %scan3A_49 = arith.constant 0 : i32
    %scan3A_50 = arith.constant 4 : i32
    %scan3A_51 = arith.addi %scan3A_49, %scan3A_50 : i32
    %scan3A_52 = arith.constant 1 : i32
    scf.for %scan3A_61 = %scan3A_49 to %scan3A_51 step %scan3A_52  : i32 {
      %mul3A_62 = arith.constant 1 : i32
      %mul3A_63 = arith.muli %scan3A_61, %mul3A_62 : i32
      %add3A_64 = arith.constant 0 : i32
      %add3A_65 = arith.addi %add3A_64, %mul3A_63 : i32
      %mul3A_66 = arith.constant 160 : i32
      %mul3A_67 = arith.muli %arg1, %mul3A_66 : i32
      %mul3A_68 = arith.constant 40 : i32
      %mul3A_69 = arith.muli %add3A_65, %mul3A_68 : i32
      %add3A_70 = arith.addi %mul3A_67, %mul3A_69 : i32
      "tpu.region"() ({
        %run_scoped3A = tpu.sem_alloc : memref<!tpu.dma_semaphore, #tpu.memory_space<semaphore_mem>>
        %dma_start3A_105 = arith.constant 0 : i32
        %dma_start3A_106 = tpu.memref_slice %arg4[%add3A_70, %dma_start3A_105] : memref<2560x128xi32, #tpu.memory_space<hbm>> -> memref<40x128xi32, #tpu.memory_space<hbm>>
        %dma_start3A_107 = arith.constant 0 : i32
        %dma_start3A_108 = tpu.memref_slice %arg4[%add3A_70, %dma_start3A_107] : memref<2560x128xi32, #tpu.memory_space<hbm>> -> memref<40x128xi32, #tpu.memory_space<hbm>>
        tpu.enqueue_dma source(%dma_start3A_108 : memref<40x128xi32, #tpu.memory_space<hbm>>) target(%arg10 : memref<40x128xi32, #tpu.memory_space<vmem>>) target_semaphore(%run_scoped3A : memref<!tpu.dma_semaphore, #tpu.memory_space<semaphore_mem>>)
        %dma_wait3A = arith.constant 0 : i32
        %dma_wait3A_109 = tpu.memref_slice %arg4[%add3A_70, %dma_wait3A] : memref<2560x128xi32, #tpu.memory_space<hbm>> -> memref<40x128xi32, #tpu.memory_space<hbm>>
        %dma_wait3A_110 = arith.constant 0 : i32
        %dma_wait3A_111 = tpu.memref_slice %arg4[%add3A_70, %dma_wait3A_110] : memref<2560x128xi32, #tpu.memory_space<hbm>> -> memref<40x128xi32, #tpu.memory_space<hbm>>
        tpu.wait_dma2 semaphore(%run_scoped3A : memref<!tpu.dma_semaphore, #tpu.memory_space<semaphore_mem>>) src(%dma_wait3A_111 : memref<40x128xi32, #tpu.memory_space<hbm>>) dst(%arg10 : memref<40x128xi32, #tpu.memory_space<vmem>>)
        tpu.yield
      }) : () -> ()
      "tpu.region"() ({
        %run_scoped3A = tpu.sem_alloc : memref<!tpu.dma_semaphore, #tpu.memory_space<semaphore_mem>>
        %dma_start3A_105 = arith.constant 0 : i32
        %dma_start3A_106 = tpu.memref_slice %arg5[%add3A_70, %dma_start3A_105] : memref<2560x128xi32, #tpu.memory_space<hbm>> -> memref<40x128xi32, #tpu.memory_space<hbm>>
        %dma_start3A_107 = arith.constant 0 : i32
        %dma_start3A_108 = tpu.memref_slice %arg5[%add3A_70, %dma_start3A_107] : memref<2560x128xi32, #tpu.memory_space<hbm>> -> memref<40x128xi32, #tpu.memory_space<hbm>>
        tpu.enqueue_dma source(%dma_start3A_108 : memref<40x128xi32, #tpu.memory_space<hbm>>) target(%arg11 : memref<40x128xi32, #tpu.memory_space<vmem>>) target_semaphore(%run_scoped3A : memref<!tpu.dma_semaphore, #tpu.memory_space<semaphore_mem>>)
        %dma_wait3A = arith.constant 0 : i32
        %dma_wait3A_109 = tpu.memref_slice %arg5[%add3A_70, %dma_wait3A] : memref<2560x128xi32, #tpu.memory_space<hbm>> -> memref<40x128xi32, #tpu.memory_space<hbm>>
        %dma_wait3A_110 = arith.constant 0 : i32
        %dma_wait3A_111 = tpu.memref_slice %arg5[%add3A_70, %dma_wait3A_110] : memref<2560x128xi32, #tpu.memory_space<hbm>> -> memref<40x128xi32, #tpu.memory_space<hbm>>
        tpu.wait_dma2 semaphore(%run_scoped3A : memref<!tpu.dma_semaphore, #tpu.memory_space<semaphore_mem>>) src(%dma_wait3A_111 : memref<40x128xi32, #tpu.memory_space<hbm>>) dst(%arg11 : memref<40x128xi32, #tpu.memory_space<vmem>>)
        tpu.yield
      }) : () -> ()
      %dma_start3A = arith.constant 0 : i32
      %dma_start3A_71 = arith.constant 0 : i32
      %dma_start3A_72 = tpu.memref_slice %arg10[%dma_start3A, %dma_start3A_71] : memref<40x128xi32, #tpu.memory_space<vmem>> -> memref<1x128xi32, #tpu.memory_space<vmem>>
      %dma_start3A_73 = tpu.memref_squeeze %dma_start3A_72 : memref<1x128xi32, #tpu.memory_space<vmem>> -> memref<128xi32, #tpu.memory_space<vmem>>
      %dma_start3A_74 = arith.constant 0 : i32
      %dma_start3A_75 = arith.constant 0 : i32
      %dma_start3A_76 = tpu.memref_slice %arg8[%dma_start3A_74, %dma_start3A_75] : memref<10240x64xf32, #tpu.memory_space<vmem_shared>> -> memref<10240x64xf32, #tpu.memory_space<vmem_shared>>
      tpu.enqueue_indirect_dma source(%dma_start3A_76 : memref<10240x64xf32, #tpu.memory_space<vmem_shared>>) target(%arg12 : memref<128x64xf32, #tpu.memory_space<vmem>>) offsets(%dma_start3A_73 : memref<128xi32, #tpu.memory_space<vmem>>) semaphore(%arg18 : memref<!tpu.dma_semaphore, #tpu.memory_space<semaphore_mem>>)
      %add3A_77 = arith.constant 0 : i32
      %add3A_78 = arith.addi %add3A_70, %add3A_77 : i32
      %mul3A_79 = arith.constant 128 : i32
      %mul3A_80 = arith.muli %add3A_78, %mul3A_79 : i32
      %dma_start3A_81 = arith.constant 0 : i32
      %dma_start3A_82 = tpu.memref_slice %arg3[%mul3A_80, %dma_start3A_81] : memref<327680x16xf32, #tpu.memory_space<hbm>> -> memref<128x16xf32, #tpu.memory_space<hbm>>
      %dma_start3A_83 = arith.constant 0 : i32
      %dma_start3A_84 = tpu.memref_slice %arg3[%mul3A_80, %dma_start3A_83] : memref<327680x16xf32, #tpu.memory_space<hbm>> -> memref<128x16xf32, #tpu.memory_space<hbm>>
      tpu.enqueue_dma source(%dma_start3A_84 : memref<128x16xf32, #tpu.memory_space<hbm>>) target(%arg16 : memref<128x16xf32, #tpu.memory_space<vmem>>) target_semaphore(%arg20 : memref<!tpu.dma_semaphore, #tpu.memory_space<semaphore_mem>>)
      %dma_start3A_85 = arith.constant 1 : i32
      %dma_start3A_86 = arith.constant 0 : i32
      %dma_start3A_87 = tpu.memref_slice %arg10[%dma_start3A_85, %dma_start3A_86] : memref<40x128xi32, #tpu.memory_space<vmem>> -> memref<1x128xi32, #tpu.memory_space<vmem>>
      %dma_start3A_88 = tpu.memref_squeeze %dma_start3A_87 : memref<1x128xi32, #tpu.memory_space<vmem>> -> memref<128xi32, #tpu.memory_space<vmem>>
      %dma_start3A_89 = arith.constant 0 : i32
      %dma_start3A_90 = arith.constant 0 : i32
      %dma_start3A_91 = tpu.memref_slice %arg8[%dma_start3A_89, %dma_start3A_90] : memref<10240x64xf32, #tpu.memory_space<vmem_shared>> -> memref<10240x64xf32, #tpu.memory_space<vmem_shared>>
      tpu.enqueue_indirect_dma source(%dma_start3A_91 : memref<10240x64xf32, #tpu.memory_space<vmem_shared>>) target(%arg13 : memref<128x64xf32, #tpu.memory_space<vmem>>) offsets(%dma_start3A_88 : memref<128xi32, #tpu.memory_space<vmem>>) semaphore(%arg19 : memref<!tpu.dma_semaphore, #tpu.memory_space<semaphore_mem>>)
      %add3A_92 = arith.constant 1 : i32
      %add3A_93 = arith.addi %add3A_70, %add3A_92 : i32
      %mul3A_94 = arith.constant 128 : i32
      %mul3A_95 = arith.muli %add3A_93, %mul3A_94 : i32
      %dma_start3A_96 = arith.constant 0 : i32
      %dma_start3A_97 = tpu.memref_slice %arg3[%mul3A_95, %dma_start3A_96] : memref<327680x16xf32, #tpu.memory_space<hbm>> -> memref<128x16xf32, #tpu.memory_space<hbm>>
      %dma_start3A_98 = arith.constant 0 : i32
      %dma_start3A_99 = tpu.memref_slice %arg3[%mul3A_95, %dma_start3A_98] : memref<327680x16xf32, #tpu.memory_space<hbm>> -> memref<128x16xf32, #tpu.memory_space<hbm>>
      tpu.enqueue_dma source(%dma_start3A_99 : memref<128x16xf32, #tpu.memory_space<hbm>>) target(%arg17 : memref<128x16xf32, #tpu.memory_space<vmem>>) target_semaphore(%arg21 : memref<!tpu.dma_semaphore, #tpu.memory_space<semaphore_mem>>)
      %scan3A_100 = arith.constant 0 : i32
      %scan3A_101 = arith.constant 20 : i32
      %scan3A_102 = arith.addi %scan3A_100, %scan3A_101 : i32
      %scan3A_103 = arith.constant 1 : i32
      scf.for %scan3A_105 = %scan3A_100 to %scan3A_102 step %scan3A_103  : i32 {
        %mul3A_106 = arith.constant 1 : i32
        %mul3A_107 = arith.muli %scan3A_105, %mul3A_106 : i32
        %add3A_108 = arith.constant 0 : i32
        %add3A_109 = arith.addi %add3A_108, %mul3A_107 : i32
        %mul3A_110 = arith.constant 2 : i32
        %mul3A_111 = arith.muli %mul3A_110, %add3A_109 : i32
        %add3A_112 = arith.constant 0 : i32
        %add3A_113 = arith.addi %mul3A_111, %add3A_112 : i32
        %gt3A = arith.constant 0 : i32
        %gt3A_114 = arith.cmpi sgt, %add3A_109, %gt3A : i32
        %convert_element_type3A = arith.extui %gt3A_114 : i1 to i32
        %cond3A = arith.constant 0 : i32
        %cond3A_115 = arith.cmpi ne, %convert_element_type3A, %cond3A : i32
        scf.if %cond3A_115 {
          tpu.wait_dma2 semaphore(%arg22 : memref<!tpu.dma_semaphore, #tpu.memory_space<semaphore_mem>>) src(%arg6 : memref<128x64xf32, #tpu.memory_space<hbm>>) dst(%arg14 : memref<128x64xf32, #tpu.memory_space<vmem>>)
        } else {
        }
        tpu.wait_dma2 semaphore(%arg18 : memref<!tpu.dma_semaphore, #tpu.memory_space<semaphore_mem>>) src(%arg6 : memref<128x64xf32, #tpu.memory_space<hbm>>) dst(%arg12 : memref<128x64xf32, #tpu.memory_space<vmem>>)
        %dma_wait3A = arith.constant 0 : i32
        %dma_wait3A_116 = arith.constant 0 : i32
        %dma_wait3A_117 = tpu.memref_slice %arg6[%dma_wait3A, %dma_wait3A_116] : memref<128x64xf32, #tpu.memory_space<hbm>> -> memref<128x16xf32, #tpu.memory_space<hbm>>
        %dma_wait3A_118 = arith.constant 0 : i32
        %dma_wait3A_119 = arith.constant 0 : i32
        %dma_wait3A_120 = tpu.memref_slice %arg6[%dma_wait3A_118, %dma_wait3A_119] : memref<128x64xf32, #tpu.memory_space<hbm>> -> memref<128x16xf32, #tpu.memory_space<hbm>>
        tpu.wait_dma2 semaphore(%arg20 : memref<!tpu.dma_semaphore, #tpu.memory_space<semaphore_mem>>) src(%dma_wait3A_120 : memref<128x16xf32, #tpu.memory_space<hbm>>) dst(%arg16 : memref<128x16xf32, #tpu.memory_space<vmem>>)
        %parallel_loop3A = arith.constant 0 : i32
        %parallel_loop3A_121 = arith.constant 128 : i32
        %parallel_loop3A_122 = arith.constant 1 : i32
        scf.for %parallel_loop3A_162 = %parallel_loop3A to %parallel_loop3A_121 step %parallel_loop3A_122  : i32 {
          %parallel_loop3A_163 = vector.broadcast %parallel_loop3A_162 : i32 to vector<16xi32>
          %parallel_loop3A_164 = tpu.vector_load_idx %arg16[%parallel_loop3A_163, %broadcast_in_dim3A] : memref<128x16xf32, #tpu.memory_space<vmem>>[vector<16xi32>, vector<16xi32>], vector<16xf32>,
          %parallel_loop3A_165 = arith.index_cast %parallel_loop3A_162 : i32 to index
          %parallel_loop3A_166 = arith.constant 0 : index
          %parallel_loop3A_167 = tpu.vector_load %arg12[%parallel_loop3A_165, %parallel_loop3A_166] {strides = array<i32>} : memref<128x64xf32, #tpu.memory_space<vmem>>, vector<16xf32>,
          %parallel_loop3A_168 = arith.mulf %parallel_loop3A_167, %parallel_loop3A_164 : vector<16xf32>
          %parallel_loop3A_169 = arith.index_cast %parallel_loop3A_162 : i32 to index
          %parallel_loop3A_170 = arith.constant 0 : index
          %parallel_loop3A_171 = tpu.vector_load %arg14[%parallel_loop3A_169, %parallel_loop3A_170] {strides = array<i32>} : memref<128x64xf32, #tpu.memory_space<vmem>>, vector<16xf32>,
          tpu.vector_store %arg14[%parallel_loop3A_169, %parallel_loop3A_170], %parallel_loop3A_168 {strides = array<i32>} : memref<128x64xf32, #tpu.memory_space<vmem>>, vector<16xf32>,
          %parallel_loop3A_172 = tpu.vector_load_idx %arg16[%parallel_loop3A_163, %broadcast_in_dim3A_14] : memref<128x16xf32, #tpu.memory_space<vmem>>[vector<16xi32>, vector<16xi32>], vector<16xf32>,
          %parallel_loop3A_173 = arith.index_cast %parallel_loop3A_162 : i32 to index
          %parallel_loop3A_174 = arith.constant 16 : index
          %parallel_loop3A_175 = tpu.vector_load %arg12[%parallel_loop3A_173, %parallel_loop3A_174] {strides = array<i32>} : memref<128x64xf32, #tpu.memory_space<vmem>>, vector<16xf32>,
          %parallel_loop3A_176 = arith.mulf %parallel_loop3A_175, %parallel_loop3A_172 : vector<16xf32>
          %parallel_loop3A_177 = arith.index_cast %parallel_loop3A_162 : i32 to index
          %parallel_loop3A_178 = arith.constant 16 : index
          %parallel_loop3A_179 = tpu.vector_load %arg14[%parallel_loop3A_177, %parallel_loop3A_178] {strides = array<i32>} : memref<128x64xf32, #tpu.memory_space<vmem>>, vector<16xf32>,
          tpu.vector_store %arg14[%parallel_loop3A_177, %parallel_loop3A_178], %parallel_loop3A_176 {strides = array<i32>} : memref<128x64xf32, #tpu.memory_space<vmem>>, vector<16xf32>,
          %parallel_loop3A_180 = tpu.vector_load_idx %arg16[%parallel_loop3A_163, %broadcast_in_dim3A_19] : memref<128x16xf32, #tpu.memory_space<vmem>>[vector<16xi32>, vector<16xi32>], vector<16xf32>,
          %parallel_loop3A_181 = arith.index_cast %parallel_loop3A_162 : i32 to index
          %parallel_loop3A_182 = arith.constant 32 : index
          %parallel_loop3A_183 = tpu.vector_load %arg12[%parallel_loop3A_181, %parallel_loop3A_182] {strides = array<i32>} : memref<128x64xf32, #tpu.memory_space<vmem>>, vector<16xf32>,
          %parallel_loop3A_184 = arith.mulf %parallel_loop3A_183, %parallel_loop3A_180 : vector<16xf32>
          %parallel_loop3A_185 = arith.index_cast %parallel_loop3A_162 : i32 to index
          %parallel_loop3A_186 = arith.constant 32 : index
          %parallel_loop3A_187 = tpu.vector_load %arg14[%parallel_loop3A_185, %parallel_loop3A_186] {strides = array<i32>} : memref<128x64xf32, #tpu.memory_space<vmem>>, vector<16xf32>,
          tpu.vector_store %arg14[%parallel_loop3A_185, %parallel_loop3A_186], %parallel_loop3A_184 {strides = array<i32>} : memref<128x64xf32, #tpu.memory_space<vmem>>, vector<16xf32>,
          %parallel_loop3A_188 = tpu.vector_load_idx %arg16[%parallel_loop3A_163, %broadcast_in_dim3A_24] : memref<128x16xf32, #tpu.memory_space<vmem>>[vector<16xi32>, vector<16xi32>], vector<16xf32>,
          %parallel_loop3A_189 = arith.index_cast %parallel_loop3A_162 : i32 to index
          %parallel_loop3A_190 = arith.constant 48 : index
          %parallel_loop3A_191 = tpu.vector_load %arg12[%parallel_loop3A_189, %parallel_loop3A_190] {strides = array<i32>} : memref<128x64xf32, #tpu.memory_space<vmem>>, vector<16xf32>,
          %parallel_loop3A_192 = arith.mulf %parallel_loop3A_191, %parallel_loop3A_188 : vector<16xf32>
          %parallel_loop3A_193 = arith.index_cast %parallel_loop3A_162 : i32 to index
          %parallel_loop3A_194 = arith.constant 48 : index
          %parallel_loop3A_195 = tpu.vector_load %arg14[%parallel_loop3A_193, %parallel_loop3A_194] {strides = array<i32>} : memref<128x64xf32, #tpu.memory_space<vmem>>, vector<16xf32>,
          tpu.vector_store %arg14[%parallel_loop3A_193, %parallel_loop3A_194], %parallel_loop3A_192 {strides = array<i32>} : memref<128x64xf32, #tpu.memory_space<vmem>>, vector<16xf32>,
        } {sc.loop_unroll_factor = 4 : i64, sc.parallel_access}
        %lt3A = arith.constant 19 : i32
        %lt3A_123 = arith.cmpi slt, %add3A_109, %lt3A : i32
        %convert_element_type3A_124 = arith.extui %lt3A_123 : i1 to i32
        %cond3A_125 = arith.constant 0 : i32
        %cond3A_126 = arith.cmpi ne, %convert_element_type3A_124, %cond3A_125 : i32
        scf.if %cond3A_126 {
          %add3A_162 = arith.constant 2 : i32
          %add3A_163 = arith.addi %add3A_113, %add3A_162 : i32
          %dma_start3A_164 = arith.constant 0 : i32
          %dma_start3A_165 = tpu.memref_slice %arg10[%add3A_163, %dma_start3A_164] : memref<40x128xi32, #tpu.memory_space<vmem>> -> memref<1x128xi32, #tpu.memory_space<vmem>>
          %dma_start3A_166 = tpu.memref_squeeze %dma_start3A_165 : memref<1x128xi32, #tpu.memory_space<vmem>> -> memref<128xi32, #tpu.memory_space<vmem>>
          %dma_start3A_167 = arith.constant 0 : i32
          %dma_start3A_168 = arith.constant 0 : i32
          %dma_start3A_169 = tpu.memref_slice %arg8[%dma_start3A_167, %dma_start3A_168] : memref<10240x64xf32, #tpu.memory_space<vmem_shared>> -> memref<10240x64xf32, #tpu.memory_space<vmem_shared>>
          tpu.enqueue_indirect_dma source(%dma_start3A_169 : memref<10240x64xf32, #tpu.memory_space<vmem_shared>>) target(%arg12 : memref<128x64xf32, #tpu.memory_space<vmem>>) offsets(%dma_start3A_166 : memref<128xi32, #tpu.memory_space<vmem>>) semaphore(%arg18 : memref<!tpu.dma_semaphore, #tpu.memory_space<semaphore_mem>>)
          %add3A_170 = arith.addi %add3A_70, %add3A_113 : i32
          %add3A_171 = arith.constant 2 : i32
          %add3A_172 = arith.addi %add3A_170, %add3A_171 : i32
          %mul3A_173 = arith.constant 128 : i32
          %mul3A_174 = arith.muli %add3A_172, %mul3A_173 : i32
          %dma_start3A_175 = arith.constant 0 : i32
          %dma_start3A_176 = tpu.memref_slice %arg3[%mul3A_174, %dma_start3A_175] : memref<327680x16xf32, #tpu.memory_space<hbm>> -> memref<128x16xf32, #tpu.memory_space<hbm>>
          %dma_start3A_177 = arith.constant 0 : i32
          %dma_start3A_178 = tpu.memref_slice %arg3[%mul3A_174, %dma_start3A_177] : memref<327680x16xf32, #tpu.memory_space<hbm>> -> memref<128x16xf32, #tpu.memory_space<hbm>>
          tpu.enqueue_dma source(%dma_start3A_178 : memref<128x16xf32, #tpu.memory_space<hbm>>) target(%arg16 : memref<128x16xf32, #tpu.memory_space<vmem>>) target_semaphore(%arg20 : memref<!tpu.dma_semaphore, #tpu.memory_space<semaphore_mem>>)
        } else {
        }
        %dma_start3A_127 = arith.constant 0 : i32
        %dma_start3A_128 = tpu.memref_slice %arg11[%add3A_113, %dma_start3A_127] : memref<40x128xi32, #tpu.memory_space<vmem>> -> memref<1x128xi32, #tpu.memory_space<vmem>>
        %dma_start3A_129 = tpu.memref_squeeze %dma_start3A_128 : memref<1x128xi32, #tpu.memory_space<vmem>> -> memref<128xi32, #tpu.memory_space<vmem>>
        %dma_start3A_130 = arith.constant 0 : i32
        %dma_start3A_131 = arith.constant 0 : i32
        %dma_start3A_132 = tpu.memref_slice %arg9[%dma_start3A_130, %dma_start3A_131] : memref<10240x64xf32, #tpu.memory_space<vmem_shared>> -> memref<10240x64xf32, #tpu.memory_space<vmem_shared>>
        tpu.enqueue_indirect_dma source(%arg14 : memref<128x64xf32, #tpu.memory_space<vmem>>) target(%dma_start3A_132 : memref<10240x64xf32, #tpu.memory_space<vmem_shared>>) offsets(%dma_start3A_129 : memref<128xi32, #tpu.memory_space<vmem>>) semaphore(%arg22 : memref<!tpu.dma_semaphore, #tpu.memory_space<semaphore_mem>>) {add = true}
        %mul3A_133 = arith.constant 2 : i32
        %mul3A_134 = arith.muli %mul3A_133, %add3A_109 : i32
        %add3A_135 = arith.constant 1 : i32
        %add3A_136 = arith.addi %mul3A_134, %add3A_135 : i32
        %gt3A_137 = arith.constant 0 : i32
        %gt3A_138 = arith.cmpi sgt, %add3A_109, %gt3A_137 : i32
        %convert_element_type3A_139 = arith.extui %gt3A_138 : i1 to i32
        %cond3A_140 = arith.constant 0 : i32
        %cond3A_141 = arith.cmpi ne, %convert_element_type3A_139, %cond3A_140 : i32
        scf.if %cond3A_141 {
          tpu.wait_dma2 semaphore(%arg23 : memref<!tpu.dma_semaphore, #tpu.memory_space<semaphore_mem>>) src(%arg6 : memref<128x64xf32, #tpu.memory_space<hbm>>) dst(%arg15 : memref<128x64xf32, #tpu.memory_space<vmem>>)
        } else {
        }
        tpu.wait_dma2 semaphore(%arg19 : memref<!tpu.dma_semaphore, #tpu.memory_space<semaphore_mem>>) src(%arg6 : memref<128x64xf32, #tpu.memory_space<hbm>>) dst(%arg13 : memref<128x64xf32, #tpu.memory_space<vmem>>)
        %dma_wait3A_142 = arith.constant 0 : i32
        %dma_wait3A_143 = arith.constant 0 : i32
        %dma_wait3A_144 = tpu.memref_slice %arg6[%dma_wait3A_142, %dma_wait3A_143] : memref<128x64xf32, #tpu.memory_space<hbm>> -> memref<128x16xf32, #tpu.memory_space<hbm>>
        %dma_wait3A_145 = arith.constant 0 : i32
        %dma_wait3A_146 = arith.constant 0 : i32
        %dma_wait3A_147 = tpu.memref_slice %arg6[%dma_wait3A_145, %dma_wait3A_146] : memref<128x64xf32, #tpu.memory_space<hbm>> -> memref<128x16xf32, #tpu.memory_space<hbm>>
        tpu.wait_dma2 semaphore(%arg21 : memref<!tpu.dma_semaphore, #tpu.memory_space<semaphore_mem>>) src(%dma_wait3A_147 : memref<128x16xf32, #tpu.memory_space<hbm>>) dst(%arg17 : memref<128x16xf32, #tpu.memory_space<vmem>>)
        %parallel_loop3A_148 = arith.constant 0 : i32
        %parallel_loop3A_149 = arith.constant 128 : i32
        %parallel_loop3A_150 = arith.constant 1 : i32
        scf.for %parallel_loop3A_162 = %parallel_loop3A_148 to %parallel_loop3A_149 step %parallel_loop3A_150  : i32 {
          %parallel_loop3A_163 = vector.broadcast %parallel_loop3A_162 : i32 to vector<16xi32>
          %parallel_loop3A_164 = tpu.vector_load_idx %arg17[%parallel_loop3A_163, %broadcast_in_dim3A] : memref<128x16xf32, #tpu.memory_space<vmem>>[vector<16xi32>, vector<16xi32>], vector<16xf32>,
          %parallel_loop3A_165 = arith.index_cast %parallel_loop3A_162 : i32 to index
          %parallel_loop3A_166 = arith.constant 0 : index
          %parallel_loop3A_167 = tpu.vector_load %arg13[%parallel_loop3A_165, %parallel_loop3A_166] {strides = array<i32>} : memref<128x64xf32, #tpu.memory_space<vmem>>, vector<16xf32>,
          %parallel_loop3A_168 = arith.mulf %parallel_loop3A_167, %parallel_loop3A_164 : vector<16xf32>
          %parallel_loop3A_169 = arith.index_cast %parallel_loop3A_162 : i32 to index
          %parallel_loop3A_170 = arith.constant 0 : index
          %parallel_loop3A_171 = tpu.vector_load %arg15[%parallel_loop3A_169, %parallel_loop3A_170] {strides = array<i32>} : memref<128x64xf32, #tpu.memory_space<vmem>>, vector<16xf32>,
          tpu.vector_store %arg15[%parallel_loop3A_169, %parallel_loop3A_170], %parallel_loop3A_168 {strides = array<i32>} : memref<128x64xf32, #tpu.memory_space<vmem>>, vector<16xf32>,
          %parallel_loop3A_172 = tpu.vector_load_idx %arg17[%parallel_loop3A_163, %broadcast_in_dim3A_14] : memref<128x16xf32, #tpu.memory_space<vmem>>[vector<16xi32>, vector<16xi32>], vector<16xf32>,
          %parallel_loop3A_173 = arith.index_cast %parallel_loop3A_162 : i32 to index
          %parallel_loop3A_174 = arith.constant 16 : index
          %parallel_loop3A_175 = tpu.vector_load %arg13[%parallel_loop3A_173, %parallel_loop3A_174] {strides = array<i32>} : memref<128x64xf32, #tpu.memory_space<vmem>>, vector<16xf32>,
          %parallel_loop3A_176 = arith.mulf %parallel_loop3A_175, %parallel_loop3A_172 : vector<16xf32>
          %parallel_loop3A_177 = arith.index_cast %parallel_loop3A_162 : i32 to index
          %parallel_loop3A_178 = arith.constant 16 : index
          %parallel_loop3A_179 = tpu.vector_load %arg15[%parallel_loop3A_177, %parallel_loop3A_178] {strides = array<i32>} : memref<128x64xf32, #tpu.memory_space<vmem>>, vector<16xf32>,
          tpu.vector_store %arg15[%parallel_loop3A_177, %parallel_loop3A_178], %parallel_loop3A_176 {strides = array<i32>} : memref<128x64xf32, #tpu.memory_space<vmem>>, vector<16xf32>,
          %parallel_loop3A_180 = tpu.vector_load_idx %arg17[%parallel_loop3A_163, %broadcast_in_dim3A_19] : memref<128x16xf32, #tpu.memory_space<vmem>>[vector<16xi32>, vector<16xi32>], vector<16xf32>,
          %parallel_loop3A_181 = arith.index_cast %parallel_loop3A_162 : i32 to index
          %parallel_loop3A_182 = arith.constant 32 : index
          %parallel_loop3A_183 = tpu.vector_load %arg13[%parallel_loop3A_181, %parallel_loop3A_182] {strides = array<i32>} : memref<128x64xf32, #tpu.memory_space<vmem>>, vector<16xf32>,
          %parallel_loop3A_184 = arith.mulf %parallel_loop3A_183, %parallel_loop3A_180 : vector<16xf32>
          %parallel_loop3A_185 = arith.index_cast %parallel_loop3A_162 : i32 to index
          %parallel_loop3A_186 = arith.constant 32 : index
          %parallel_loop3A_187 = tpu.vector_load %arg15[%parallel_loop3A_185, %parallel_loop3A_186] {strides = array<i32>} : memref<128x64xf32, #tpu.memory_space<vmem>>, vector<16xf32>,
          tpu.vector_store %arg15[%parallel_loop3A_185, %parallel_loop3A_186], %parallel_loop3A_184 {strides = array<i32>} : memref<128x64xf32, #tpu.memory_space<vmem>>, vector<16xf32>,
          %parallel_loop3A_188 = tpu.vector_load_idx %arg17[%parallel_loop3A_163, %broadcast_in_dim3A_24] : memref<128x16xf32, #tpu.memory_space<vmem>>[vector<16xi32>, vector<16xi32>], vector<16xf32>,
          %parallel_loop3A_189 = arith.index_cast %parallel_loop3A_162 : i32 to index
          %parallel_loop3A_190 = arith.constant 48 : index
          %parallel_loop3A_191 = tpu.vector_load %arg13[%parallel_loop3A_189, %parallel_loop3A_190] {strides = array<i32>} : memref<128x64xf32, #tpu.memory_space<vmem>>, vector<16xf32>,
          %parallel_loop3A_192 = arith.mulf %parallel_loop3A_191, %parallel_loop3A_188 : vector<16xf32>
          %parallel_loop3A_193 = arith.index_cast %parallel_loop3A_162 : i32 to index
          %parallel_loop3A_194 = arith.constant 48 : index
          %parallel_loop3A_195 = tpu.vector_load %arg15[%parallel_loop3A_193, %parallel_loop3A_194] {strides = array<i32>} : memref<128x64xf32, #tpu.memory_space<vmem>>, vector<16xf32>,
          tpu.vector_store %arg15[%parallel_loop3A_193, %parallel_loop3A_194], %parallel_loop3A_192 {strides = array<i32>} : memref<128x64xf32, #tpu.memory_space<vmem>>, vector<16xf32>,
        } {sc.loop_unroll_factor = 4 : i64, sc.parallel_access}
        %lt3A_151 = arith.constant 19 : i32
        %lt3A_152 = arith.cmpi slt, %add3A_109, %lt3A_151 : i32
        %convert_element_type3A_153 = arith.extui %lt3A_152 : i1 to i32
        %cond3A_154 = arith.constant 0 : i32
        %cond3A_155 = arith.cmpi ne, %convert_element_type3A_153, %cond3A_154 : i32
        scf.if %cond3A_155 {
          %add3A_162 = arith.constant 2 : i32
          %add3A_163 = arith.addi %add3A_136, %add3A_162 : i32
          %dma_start3A_164 = arith.constant 0 : i32
          %dma_start3A_165 = tpu.memref_slice %arg10[%add3A_163, %dma_start3A_164] : memref<40x128xi32, #tpu.memory_space<vmem>> -> memref<1x128xi32, #tpu.memory_space<vmem>>
          %dma_start3A_166 = tpu.memref_squeeze %dma_start3A_165 : memref<1x128xi32, #tpu.memory_space<vmem>> -> memref<128xi32, #tpu.memory_space<vmem>>
          %dma_start3A_167 = arith.constant 0 : i32
          %dma_start3A_168 = arith.constant 0 : i32
          %dma_start3A_169 = tpu.memref_slice %arg8[%dma_start3A_167, %dma_start3A_168] : memref<10240x64xf32, #tpu.memory_space<vmem_shared>> -> memref<10240x64xf32, #tpu.memory_space<vmem_shared>>
          tpu.enqueue_indirect_dma source(%dma_start3A_169 : memref<10240x64xf32, #tpu.memory_space<vmem_shared>>) target(%arg13 : memref<128x64xf32, #tpu.memory_space<vmem>>) offsets(%dma_start3A_166 : memref<128xi32, #tpu.memory_space<vmem>>) semaphore(%arg19 : memref<!tpu.dma_semaphore, #tpu.memory_space<semaphore_mem>>)
          %add3A_170 = arith.addi %add3A_70, %add3A_136 : i32
          %add3A_171 = arith.constant 2 : i32
          %add3A_172 = arith.addi %add3A_170, %add3A_171 : i32
          %mul3A_173 = arith.constant 128 : i32
          %mul3A_174 = arith.muli %add3A_172, %mul3A_173 : i32
          %dma_start3A_175 = arith.constant 0 : i32
          %dma_start3A_176 = tpu.memref_slice %arg3[%mul3A_174, %dma_start3A_175] : memref<327680x16xf32, #tpu.memory_space<hbm>> -> memref<128x16xf32, #tpu.memory_space<hbm>>
          %dma_start3A_177 = arith.constant 0 : i32
          %dma_start3A_178 = tpu.memref_slice %arg3[%mul3A_174, %dma_start3A_177] : memref<327680x16xf32, #tpu.memory_space<hbm>> -> memref<128x16xf32, #tpu.memory_space<hbm>>
          tpu.enqueue_dma source(%dma_start3A_178 : memref<128x16xf32, #tpu.memory_space<hbm>>) target(%arg17 : memref<128x16xf32, #tpu.memory_space<vmem>>) target_semaphore(%arg21 : memref<!tpu.dma_semaphore, #tpu.memory_space<semaphore_mem>>)
        } else {
        }
        %dma_start3A_156 = arith.constant 0 : i32
        %dma_start3A_157 = tpu.memref_slice %arg11[%add3A_136, %dma_start3A_156] : memref<40x128xi32, #tpu.memory_space<vmem>> -> memref<1x128xi32, #tpu.memory_space<vmem>>
        %dma_start3A_158 = tpu.memref_squeeze %dma_start3A_157 : memref<1x128xi32, #tpu.memory_space<vmem>> -> memref<128xi32, #tpu.memory_space<vmem>>
        %dma_start3A_159 = arith.constant 0 : i32
        %dma_start3A_160 = arith.constant 0 : i32
        %dma_start3A_161 = tpu.memref_slice %arg9[%dma_start3A_159, %dma_start3A_160] : memref<10240x64xf32, #tpu.memory_space<vmem_shared>> -> memref<10240x64xf32, #tpu.memory_space<vmem_shared>>
        tpu.enqueue_indirect_dma source(%arg15 : memref<128x64xf32, #tpu.memory_space<vmem>>) target(%dma_start3A_161 : memref<10240x64xf32, #tpu.memory_space<vmem_shared>>) offsets(%dma_start3A_158 : memref<128xi32, #tpu.memory_space<vmem>>) semaphore(%arg23 : memref<!tpu.dma_semaphore, #tpu.memory_space<semaphore_mem>>) {add = true}
      }
      %scan3A_104 = arith.constant 20 : i32
      tpu.wait_dma2 semaphore(%arg22 : memref<!tpu.dma_semaphore, #tpu.memory_space<semaphore_mem>>) src(%arg6 : memref<128x64xf32, #tpu.memory_space<hbm>>) dst(%arg14 : memref<128x64xf32, #tpu.memory_space<vmem>>)
      tpu.wait_dma2 semaphore(%arg23 : memref<!tpu.dma_semaphore, #tpu.memory_space<semaphore_mem>>) src(%arg6 : memref<128x64xf32, #tpu.memory_space<hbm>>) dst(%arg15 : memref<128x64xf32, #tpu.memory_space<vmem>>)
    }
    %scan3A_53 = arith.constant 4 : i32
    %barrier3A_54 = arith.constant 0 : index
    tpu.barrier barrier_id(%barrier3A_54)
    %scan3A_55 = arith.constant 0 : i32
    %scan3A_56 = arith.constant 5 : i32
    %scan3A_57 = arith.addi %scan3A_55, %scan3A_56 : i32
    %scan3A_58 = arith.constant 1 : i32
    scf.for %scan3A_61 = %scan3A_55 to %scan3A_57 step %scan3A_58  : i32 {
      %mul3A_62 = arith.constant 1 : i32
      %mul3A_63 = arith.muli %scan3A_61, %mul3A_62 : i32
      %add3A_64 = arith.constant 0 : i32
      %add3A_65 = arith.addi %add3A_64, %mul3A_63 : i32
      %mul3A_66 = arith.constant 128 : i32
      %mul3A_67 = arith.muli %add3A_65, %mul3A_66 : i32
      %add3A_68 = arith.addi %mul3A_0, %mul3A_67 : i32
      "tpu.region"() ({
        %run_scoped3A = tpu.sem_alloc : memref<!tpu.dma_semaphore, #tpu.memory_space<semaphore_mem>>
        %dma_start3A = arith.constant 0 : i32
        %dma_start3A_71 = tpu.memref_slice %arg9[%add3A_68, %dma_start3A] : memref<10240x64xf32, #tpu.memory_space<vmem_shared>> -> memref<128x64xf32, #tpu.memory_space<vmem_shared>>
        %dma_start3A_72 = arith.constant 0 : i32
        %dma_start3A_73 = tpu.memref_slice %arg9[%add3A_68, %dma_start3A_72] : memref<10240x64xf32, #tpu.memory_space<vmem_shared>> -> memref<128x64xf32, #tpu.memory_space<vmem_shared>>
        tpu.enqueue_dma source(%dma_start3A_73 : memref<128x64xf32, #tpu.memory_space<vmem_shared>>) target(%arg12 : memref<128x64xf32, #tpu.memory_space<vmem>>) target_semaphore(%run_scoped3A : memref<!tpu.dma_semaphore, #tpu.memory_space<semaphore_mem>>)
        %dma_wait3A = arith.constant 0 : i32
        %dma_wait3A_74 = tpu.memref_slice %arg9[%add3A_68, %dma_wait3A] : memref<10240x64xf32, #tpu.memory_space<vmem_shared>> -> memref<128x64xf32, #tpu.memory_space<vmem_shared>>
        %dma_wait3A_75 = arith.constant 0 : i32
        %dma_wait3A_76 = tpu.memref_slice %arg9[%add3A_68, %dma_wait3A_75] : memref<10240x64xf32, #tpu.memory_space<vmem_shared>> -> memref<128x64xf32, #tpu.memory_space<vmem_shared>>
        tpu.wait_dma2 semaphore(%run_scoped3A : memref<!tpu.dma_semaphore, #tpu.memory_space<semaphore_mem>>) src(%dma_wait3A_76 : memref<128x64xf32, #tpu.memory_space<vmem_shared>>) dst(%arg12 : memref<128x64xf32, #tpu.memory_space<vmem>>)
        tpu.yield
      }) : () -> ()
      "tpu.region"() ({
        %run_scoped3A = tpu.sem_alloc : memref<!tpu.dma_semaphore, #tpu.memory_space<semaphore_mem>>
        %dma_start3A = tpu.memref_slice %arg2[%add3A_68, %mul3A_2] : memref<10240x128xf32, #tpu.memory_space<hbm>> -> memref<128x64xf32, #tpu.memory_space<hbm>>
        %dma_start3A_71 = tpu.memref_slice %arg2[%add3A_68, %mul3A_2] : memref<10240x128xf32, #tpu.memory_space<hbm>> -> memref<128x64xf32, #tpu.memory_space<hbm>>
        tpu.enqueue_dma source(%dma_start3A_71 : memref<128x64xf32, #tpu.memory_space<hbm>>) target(%arg14 : memref<128x64xf32, #tpu.memory_space<vmem>>) target_semaphore(%run_scoped3A : memref<!tpu.dma_semaphore, #tpu.memory_space<semaphore_mem>>)
        %dma_wait3A = tpu.memref_slice %arg2[%add3A_68, %mul3A_2] : memref<10240x128xf32, #tpu.memory_space<hbm>> -> memref<128x64xf32, #tpu.memory_space<hbm>>
        %dma_wait3A_72 = tpu.memref_slice %arg2[%add3A_68, %mul3A_2] : memref<10240x128xf32, #tpu.memory_space<hbm>> -> memref<128x64xf32, #tpu.memory_space<hbm>>
        tpu.wait_dma2 semaphore(%run_scoped3A : memref<!tpu.dma_semaphore, #tpu.memory_space<semaphore_mem>>) src(%dma_wait3A_72 : memref<128x64xf32, #tpu.memory_space<hbm>>) dst(%arg14 : memref<128x64xf32, #tpu.memory_space<vmem>>)
        tpu.yield
      }) : () -> ()
      %parallel_loop3A = arith.constant 0 : i32
      %parallel_loop3A_69 = arith.constant 128 : i32
      %parallel_loop3A_70 = arith.constant 1 : i32
      scf.for %parallel_loop3A_71 = %parallel_loop3A to %parallel_loop3A_69 step %parallel_loop3A_70  : i32 {
        %parallel_loop3A_72 = arith.index_cast %parallel_loop3A_71 : i32 to index
        %parallel_loop3A_73 = arith.constant 0 : index
        %parallel_loop3A_74 = tpu.vector_load %arg12[%parallel_loop3A_72, %parallel_loop3A_73] {strides = array<i32>} : memref<128x64xf32, #tpu.memory_space<vmem>>, vector<16xf32>,
        %parallel_loop3A_75 = arith.constant 8.500000e-01 : f32
        %parallel_loop3A_76 = vector.broadcast %parallel_loop3A_75 : f32 to vector<16xf32>
        %parallel_loop3A_77 = arith.mulf %parallel_loop3A_76, %parallel_loop3A_74 : vector<16xf32>
        %parallel_loop3A_78 = arith.index_cast %parallel_loop3A_71 : i32 to index
        %parallel_loop3A_79 = arith.constant 0 : index
        %parallel_loop3A_80 = tpu.vector_load %arg14[%parallel_loop3A_78, %parallel_loop3A_79] {strides = array<i32>} : memref<128x64xf32, #tpu.memory_space<vmem>>, vector<16xf32>,
        %parallel_loop3A_81 = arith.constant 1.500000e-01 : f32
        %parallel_loop3A_82 = vector.broadcast %parallel_loop3A_81 : f32 to vector<16xf32>
        %parallel_loop3A_83 = arith.mulf %parallel_loop3A_82, %parallel_loop3A_80 : vector<16xf32>
        %parallel_loop3A_84 = arith.addf %parallel_loop3A_77, %parallel_loop3A_83 : vector<16xf32>
        %parallel_loop3A_85 = arith.index_cast %parallel_loop3A_71 : i32 to index
        %parallel_loop3A_86 = arith.constant 0 : index
        %parallel_loop3A_87 = tpu.vector_load %arg12[%parallel_loop3A_85, %parallel_loop3A_86] {strides = array<i32>} : memref<128x64xf32, #tpu.memory_space<vmem>>, vector<16xf32>,
        tpu.vector_store %arg12[%parallel_loop3A_85, %parallel_loop3A_86], %parallel_loop3A_84 {strides = array<i32>} : memref<128x64xf32, #tpu.memory_space<vmem>>, vector<16xf32>,
        %parallel_loop3A_88 = arith.index_cast %parallel_loop3A_71 : i32 to index
        %parallel_loop3A_89 = arith.constant 16 : index
        %parallel_loop3A_90 = tpu.vector_load %arg12[%parallel_loop3A_88, %parallel_loop3A_89] {strides = array<i32>} : memref<128x64xf32, #tpu.memory_space<vmem>>, vector<16xf32>,
        %parallel_loop3A_91 = arith.constant 8.500000e-01 : f32
        %parallel_loop3A_92 = vector.broadcast %parallel_loop3A_91 : f32 to vector<16xf32>
        %parallel_loop3A_93 = arith.mulf %parallel_loop3A_92, %parallel_loop3A_90 : vector<16xf32>
        %parallel_loop3A_94 = arith.index_cast %parallel_loop3A_71 : i32 to index
        %parallel_loop3A_95 = arith.constant 16 : index
        %parallel_loop3A_96 = tpu.vector_load %arg14[%parallel_loop3A_94, %parallel_loop3A_95] {strides = array<i32>} : memref<128x64xf32, #tpu.memory_space<vmem>>, vector<16xf32>,
        %parallel_loop3A_97 = arith.constant 1.500000e-01 : f32
        %parallel_loop3A_98 = vector.broadcast %parallel_loop3A_97 : f32 to vector<16xf32>
        %parallel_loop3A_99 = arith.mulf %parallel_loop3A_98, %parallel_loop3A_96 : vector<16xf32>
        %parallel_loop3A_100 = arith.addf %parallel_loop3A_93, %parallel_loop3A_99 : vector<16xf32>
        %parallel_loop3A_101 = arith.index_cast %parallel_loop3A_71 : i32 to index
        %parallel_loop3A_102 = arith.constant 16 : index
        %parallel_loop3A_103 = tpu.vector_load %arg12[%parallel_loop3A_101, %parallel_loop3A_102] {strides = array<i32>} : memref<128x64xf32, #tpu.memory_space<vmem>>, vector<16xf32>,
        tpu.vector_store %arg12[%parallel_loop3A_101, %parallel_loop3A_102], %parallel_loop3A_100 {strides = array<i32>} : memref<128x64xf32, #tpu.memory_space<vmem>>, vector<16xf32>,
        %parallel_loop3A_104 = arith.index_cast %parallel_loop3A_71 : i32 to index
        %parallel_loop3A_105 = arith.constant 32 : index
        %parallel_loop3A_106 = tpu.vector_load %arg12[%parallel_loop3A_104, %parallel_loop3A_105] {strides = array<i32>} : memref<128x64xf32, #tpu.memory_space<vmem>>, vector<16xf32>,
        %parallel_loop3A_107 = arith.constant 8.500000e-01 : f32
        %parallel_loop3A_108 = vector.broadcast %parallel_loop3A_107 : f32 to vector<16xf32>
        %parallel_loop3A_109 = arith.mulf %parallel_loop3A_108, %parallel_loop3A_106 : vector<16xf32>
        %parallel_loop3A_110 = arith.index_cast %parallel_loop3A_71 : i32 to index
        %parallel_loop3A_111 = arith.constant 32 : index
        %parallel_loop3A_112 = tpu.vector_load %arg14[%parallel_loop3A_110, %parallel_loop3A_111] {strides = array<i32>} : memref<128x64xf32, #tpu.memory_space<vmem>>, vector<16xf32>,
        %parallel_loop3A_113 = arith.constant 1.500000e-01 : f32
        %parallel_loop3A_114 = vector.broadcast %parallel_loop3A_113 : f32 to vector<16xf32>
        %parallel_loop3A_115 = arith.mulf %parallel_loop3A_114, %parallel_loop3A_112 : vector<16xf32>
        %parallel_loop3A_116 = arith.addf %parallel_loop3A_109, %parallel_loop3A_115 : vector<16xf32>
        %parallel_loop3A_117 = arith.index_cast %parallel_loop3A_71 : i32 to index
        %parallel_loop3A_118 = arith.constant 32 : index
        %parallel_loop3A_119 = tpu.vector_load %arg12[%parallel_loop3A_117, %parallel_loop3A_118] {strides = array<i32>} : memref<128x64xf32, #tpu.memory_space<vmem>>, vector<16xf32>,
        tpu.vector_store %arg12[%parallel_loop3A_117, %parallel_loop3A_118], %parallel_loop3A_116 {strides = array<i32>} : memref<128x64xf32, #tpu.memory_space<vmem>>, vector<16xf32>,
        %parallel_loop3A_120 = arith.index_cast %parallel_loop3A_71 : i32 to index
        %parallel_loop3A_121 = arith.constant 48 : index
        %parallel_loop3A_122 = tpu.vector_load %arg12[%parallel_loop3A_120, %parallel_loop3A_121] {strides = array<i32>} : memref<128x64xf32, #tpu.memory_space<vmem>>, vector<16xf32>,
        %parallel_loop3A_123 = arith.constant 8.500000e-01 : f32
        %parallel_loop3A_124 = vector.broadcast %parallel_loop3A_123 : f32 to vector<16xf32>
        %parallel_loop3A_125 = arith.mulf %parallel_loop3A_124, %parallel_loop3A_122 : vector<16xf32>
        %parallel_loop3A_126 = arith.index_cast %parallel_loop3A_71 : i32 to index
        %parallel_loop3A_127 = arith.constant 48 : index
        %parallel_loop3A_128 = tpu.vector_load %arg14[%parallel_loop3A_126, %parallel_loop3A_127] {strides = array<i32>} : memref<128x64xf32, #tpu.memory_space<vmem>>, vector<16xf32>,
        %parallel_loop3A_129 = arith.constant 1.500000e-01 : f32
        %parallel_loop3A_130 = vector.broadcast %parallel_loop3A_129 : f32 to vector<16xf32>
        %parallel_loop3A_131 = arith.mulf %parallel_loop3A_130, %parallel_loop3A_128 : vector<16xf32>
        %parallel_loop3A_132 = arith.addf %parallel_loop3A_125, %parallel_loop3A_131 : vector<16xf32>
        %parallel_loop3A_133 = arith.index_cast %parallel_loop3A_71 : i32 to index
        %parallel_loop3A_134 = arith.constant 48 : index
        %parallel_loop3A_135 = tpu.vector_load %arg12[%parallel_loop3A_133, %parallel_loop3A_134] {strides = array<i32>} : memref<128x64xf32, #tpu.memory_space<vmem>>, vector<16xf32>,
        tpu.vector_store %arg12[%parallel_loop3A_133, %parallel_loop3A_134], %parallel_loop3A_132 {strides = array<i32>} : memref<128x64xf32, #tpu.memory_space<vmem>>, vector<16xf32>,
      } {sc.loop_unroll_factor = 4 : i64, sc.parallel_access}
      "tpu.region"() ({
        %run_scoped3A = tpu.sem_alloc : memref<!tpu.dma_semaphore, #tpu.memory_space<semaphore_mem>>
        %dma_start3A = arith.constant 0 : i32
        %dma_start3A_71 = tpu.memref_slice %arg8[%add3A_68, %dma_start3A] : memref<10240x64xf32, #tpu.memory_space<vmem_shared>> -> memref<128x64xf32, #tpu.memory_space<vmem_shared>>
        %dma_start3A_72 = arith.constant 0 : i32
        %dma_start3A_73 = tpu.memref_slice %arg8[%add3A_68, %dma_start3A_72] : memref<10240x64xf32, #tpu.memory_space<vmem_shared>> -> memref<128x64xf32, #tpu.memory_space<vmem_shared>>
        tpu.enqueue_dma source(%arg12 : memref<128x64xf32, #tpu.memory_space<vmem>>) target(%dma_start3A_73 : memref<128x64xf32, #tpu.memory_space<vmem_shared>>) target_semaphore(%run_scoped3A : memref<!tpu.dma_semaphore, #tpu.memory_space<semaphore_mem>>)
        %dma_wait3A = arith.constant 0 : i32
        %dma_wait3A_74 = tpu.memref_slice %arg8[%add3A_68, %dma_wait3A] : memref<10240x64xf32, #tpu.memory_space<vmem_shared>> -> memref<128x64xf32, #tpu.memory_space<vmem_shared>>
        %dma_wait3A_75 = arith.constant 0 : i32
        %dma_wait3A_76 = tpu.memref_slice %arg8[%add3A_68, %dma_wait3A_75] : memref<10240x64xf32, #tpu.memory_space<vmem_shared>> -> memref<128x64xf32, #tpu.memory_space<vmem_shared>>
        tpu.wait_dma2 semaphore(%run_scoped3A : memref<!tpu.dma_semaphore, #tpu.memory_space<semaphore_mem>>) src(%arg12 : memref<128x64xf32, #tpu.memory_space<vmem>>) dst(%dma_wait3A_76 : memref<128x64xf32, #tpu.memory_space<vmem_shared>>)
        tpu.yield
      }) : () -> ()
      "tpu.region"() ({
        %run_scoped3A = tpu.sem_alloc : memref<!tpu.dma_semaphore, #tpu.memory_space<semaphore_mem>>
        %dma_start3A = arith.constant 0 : i32
        %dma_start3A_71 = tpu.memref_slice %arg9[%add3A_68, %dma_start3A] : memref<10240x64xf32, #tpu.memory_space<vmem_shared>> -> memref<128x64xf32, #tpu.memory_space<vmem_shared>>
        tpu.enqueue_dma source(%arg6 : memref<128x64xf32, #tpu.memory_space<hbm>>) target(%dma_start3A_71 : memref<128x64xf32, #tpu.memory_space<vmem_shared>>) target_semaphore(%run_scoped3A : memref<!tpu.dma_semaphore, #tpu.memory_space<semaphore_mem>>)
        %dma_wait3A = arith.constant 0 : i32
        %dma_wait3A_72 = tpu.memref_slice %arg9[%add3A_68, %dma_wait3A] : memref<10240x64xf32, #tpu.memory_space<vmem_shared>> -> memref<128x64xf32, #tpu.memory_space<vmem_shared>>
        tpu.wait_dma2 semaphore(%run_scoped3A : memref<!tpu.dma_semaphore, #tpu.memory_space<semaphore_mem>>) src(%arg6 : memref<128x64xf32, #tpu.memory_space<hbm>>) dst(%dma_wait3A_72 : memref<128x64xf32, #tpu.memory_space<vmem_shared>>)
        tpu.yield
      }) : () -> ()
    }
    %scan3A_59 = arith.constant 5 : i32
    %barrier3A_60 = arith.constant 0 : index
    tpu.barrier barrier_id(%barrier3A_60)
    "tpu.region"() ({
      %run_scoped3A = tpu.sem_alloc : memref<!tpu.dma_semaphore, #tpu.memory_space<semaphore_mem>>
      %dma_start3A = arith.constant 0 : i32
      %dma_start3A_61 = arith.constant 0 : i32
      %dma_start3A_62 = tpu.memref_slice %arg7[%arg0, %dma_start3A, %dma_start3A_61] : memref<2x10240x64xf32, #tpu.memory_space<hbm>> -> memref<1x10240x64xf32, #tpu.memory_space<hbm>>
      %dma_start3A_63 = tpu.memref_squeeze %dma_start3A_62 : memref<1x10240x64xf32, #tpu.memory_space<hbm>> -> memref<10240x64xf32, #tpu.memory_space<hbm>>
      %dma_start3A_64 = arith.constant 0 : i32
      %dma_start3A_65 = tpu.memref_slice %dma_start3A_63[%mul3A_0, %dma_start3A_64] : memref<10240x64xf32, #tpu.memory_space<hbm>> -> memref<640x64xf32, #tpu.memory_space<hbm>>
      %dma_start3A_66 = arith.constant 0 : i32
      %dma_start3A_67 = tpu.memref_slice %arg8[%mul3A_0, %dma_start3A_66] : memref<10240x64xf32, #tpu.memory_space<vmem_shared>> -> memref<640x64xf32, #tpu.memory_space<vmem_shared>>
      tpu.enqueue_dma source(%dma_start3A_67 : memref<640x64xf32, #tpu.memory_space<vmem_shared>>) target(%dma_start3A_65 : memref<640x64xf32, #tpu.memory_space<hbm>>) target_semaphore(%run_scoped3A : memref<!tpu.dma_semaphore, #tpu.memory_space<semaphore_mem>>)
      %dma_wait3A = arith.constant 0 : i32
      %dma_wait3A_68 = arith.constant 0 : i32
      %dma_wait3A_69 = tpu.memref_slice %arg7[%arg0, %dma_wait3A, %dma_wait3A_68] : memref<2x10240x64xf32, #tpu.memory_space<hbm>> -> memref<1x10240x64xf32, #tpu.memory_space<hbm>>
      %dma_wait3A_70 = tpu.memref_squeeze %dma_wait3A_69 : memref<1x10240x64xf32, #tpu.memory_space<hbm>> -> memref<10240x64xf32, #tpu.memory_space<hbm>>
      %dma_wait3A_71 = arith.constant 0 : i32
      %dma_wait3A_72 = tpu.memref_slice %dma_wait3A_70[%mul3A_0, %dma_wait3A_71] : memref<10240x64xf32, #tpu.memory_space<hbm>> -> memref<640x64xf32, #tpu.memory_space<hbm>>
      %dma_wait3A_73 = arith.constant 0 : i32
      %dma_wait3A_74 = tpu.memref_slice %arg8[%mul3A_0, %dma_wait3A_73] : memref<10240x64xf32, #tpu.memory_space<vmem_shared>> -> memref<640x64xf32, #tpu.memory_space<vmem_shared>>
      tpu.wait_dma2 semaphore(%run_scoped3A : memref<!tpu.dma_semaphore, #tpu.memory_space<semaphore_mem>>) src(%dma_wait3A_74 : memref<640x64xf32, #tpu.memory_space<vmem_shared>>) dst(%dma_wait3A_72 : memref<640x64xf32, #tpu.memory_space<hbm>>)
      tpu.yield
    }) : () -> ()
    return
  }
}

module attributes {stable_mosaic.version = 14 : i64} {
  func.func @_tc_ent_body(%arg0: i32, %arg1: memref<512x128xf32, #tpu.memory_space<vmem>>, %arg2: memref<128x128xf32, #tpu.memory_space<vmem>>, %arg3: memref<128x16xf32, #tpu.memory_space<vmem>>, %arg4: memref<128x16xf32, #tpu.memory_space<vmem>>, %arg5: memref<512x128xf32, #tpu.memory_space<vmem>>, %arg6: memref<512x16xf32, #tpu.memory_space<vmem>>, %arg7: memref<512x16xf32, #tpu.memory_space<vmem>>) attributes {dimension_semantics = [#tpu.dimension_semantics<arbitrary>], iteration_bounds = array<i64: 20>, scalar_prefetch = 0 : i64, scratch_operands = 0 : i64, tpu.core_type = #tpu.core_type<tc>, window_params = [{transform_indices = @transform_0, window_bounds = array<i64: 512, 128>}, {pipeline_mode = #tpu.pipeline_mode<synchronous>, transform_indices = @transform_1, window_bounds = array<i64: 128, 128>}, {pipeline_mode = #tpu.pipeline_mode<synchronous>, transform_indices = @transform_2, window_bounds = array<i64: 128, 16>}, {pipeline_mode = #tpu.pipeline_mode<synchronous>, transform_indices = @transform_3, window_bounds = array<i64: 128, 16>}, {transform_indices = @transform_4, window_bounds = array<i64: 512, 128>}, {transform_indices = @transform_5, window_bounds = array<i64: 512, 16>}, {transform_indices = @transform_6, window_bounds = array<i64: 512, 16>}]} {
    %get3A = arith.constant 0 : index
    %get3A_0 = arith.constant 0 : index
    %get3A_1 = vector.load %arg1[%get3A, %get3A_0] : memref<512x128xf32, #tpu.memory_space<vmem>>, vector<512x128xf32>
    %get3A_2 = arith.constant 0 : index
    %get3A_3 = arith.constant 0 : index
    %get3A_4 = vector.load %arg2[%get3A_2, %get3A_3] : memref<128x128xf32, #tpu.memory_space<vmem>>, vector<128x128xf32>
    %dot_general3A = arith.constant dense<0.000000e+00> : vector<512x128xf32>
    %dot_general3A_5 = tpu.matmul %get3A_1, %get3A_4, %dot_general3A {dimension_numbers = #tpu.dot_dimension_numbers<[1], [0], [0], [1], [0, 0, 1, 1], [], []>, transpose_lhs_hint = false} : vector<512x128xf32>, vector<128x128xf32>, vector<512x128xf32> -> vector<512x128xf32>
    %swap3A = arith.constant 0 : index
    %swap3A_6 = arith.constant 0 : index
    %swap3A_7 = vector.load %arg5[%swap3A, %swap3A_6] : memref<512x128xf32, #tpu.memory_space<vmem>>, vector<512x128xf32>
    tpu.vector_store %arg5[%swap3A, %swap3A_6], %dot_general3A_5 {strides = array<i32>} : memref<512x128xf32, #tpu.memory_space<vmem>>, vector<512x128xf32>,
    %get3A_8 = arith.constant 0 : index
    %get3A_9 = arith.constant 0 : index
    %get3A_10 = vector.load %arg3[%get3A_8, %get3A_9] : memref<128x16xf32, #tpu.memory_space<vmem>>, vector<128x16xf32>
    %dot_general3A_11 = arith.constant dense<0.000000e+00> : vector<512x16xf32>
    %dot_general3A_12 = tpu.matmul %dot_general3A_5, %get3A_10, %dot_general3A_11 {dimension_numbers = #tpu.dot_dimension_numbers<[1], [0], [0], [1], [0, 0, 1, 1], [], []>, transpose_lhs_hint = false} : vector<512x128xf32>, vector<128x16xf32>, vector<512x16xf32> -> vector<512x16xf32>
    %swap3A_13 = arith.constant 0 : index
    %swap3A_14 = arith.constant 0 : index
    %swap3A_15 = vector.load %arg6[%swap3A_13, %swap3A_14] : memref<512x16xf32, #tpu.memory_space<vmem>>, vector<512x16xf32>
    tpu.vector_store %arg6[%swap3A_13, %swap3A_14], %dot_general3A_12 {strides = array<i32>} : memref<512x16xf32, #tpu.memory_space<vmem>>, vector<512x16xf32>,
    %get3A_16 = arith.constant 0 : index
    %get3A_17 = arith.constant 0 : index
    %get3A_18 = vector.load %arg4[%get3A_16, %get3A_17] : memref<128x16xf32, #tpu.memory_space<vmem>>, vector<128x16xf32>
    %dot_general3A_19 = arith.constant dense<0.000000e+00> : vector<512x16xf32>
    %dot_general3A_20 = tpu.matmul %dot_general3A_5, %get3A_18, %dot_general3A_19 {dimension_numbers = #tpu.dot_dimension_numbers<[1], [0], [0], [1], [0, 0, 1, 1], [], []>, transpose_lhs_hint = false} : vector<512x128xf32>, vector<128x16xf32>, vector<512x16xf32> -> vector<512x16xf32>
    %swap3A_21 = arith.constant 0 : index
    %swap3A_22 = arith.constant 0 : index
    %swap3A_23 = vector.load %arg7[%swap3A_21, %swap3A_22] : memref<512x16xf32, #tpu.memory_space<vmem>>, vector<512x16xf32>
    tpu.vector_store %arg7[%swap3A_21, %swap3A_22], %dot_general3A_20 {strides = array<i32>} : memref<512x16xf32, #tpu.memory_space<vmem>>, vector<512x16xf32>,
    return
  }
  func.func @transform_0(%arg0: i32) -> (i32, i32) {
    %c0_i32 = arith.constant 0 : i32
    %c0_i32_0 = arith.constant 0 : i32
    return %arg0, %c0_i32 : i32, i32
  }
  func.func @transform_1(%arg0: i32) -> (i32, i32) {
    %c0_i32 = arith.constant 0 : i32
    %c0_i32_0 = arith.constant 0 : i32
    %c0_i32_1 = arith.constant 0 : i32
    return %c0_i32, %c0_i32_0 : i32, i32
  }
  func.func @transform_2(%arg0: i32) -> (i32, i32) {
    %c0_i32 = arith.constant 0 : i32
    %c0_i32_0 = arith.constant 0 : i32
    %c0_i32_1 = arith.constant 0 : i32
    return %c0_i32, %c0_i32_0 : i32, i32
  }
  func.func @transform_3(%arg0: i32) -> (i32, i32) {
    %c0_i32 = arith.constant 0 : i32
    %c0_i32_0 = arith.constant 0 : i32
    %c0_i32_1 = arith.constant 0 : i32
    return %c0_i32, %c0_i32_0 : i32, i32
  }
  func.func @transform_4(%arg0: i32) -> (i32, i32) {
    %c0_i32 = arith.constant 0 : i32
    %c0_i32_0 = arith.constant 0 : i32
    return %arg0, %c0_i32 : i32, i32
  }
  func.func @transform_5(%arg0: i32) -> (i32, i32) {
    %c0_i32 = arith.constant 0 : i32
    %c0_i32_0 = arith.constant 0 : i32
    return %arg0, %c0_i32 : i32, i32
  }
  func.func @transform_6(%arg0: i32) -> (i32, i32) {
    %c0_i32 = arith.constant 0 : i32
    %c0_i32_0 = arith.constant 0 : i32
    return %arg0, %c0_i32 : i32, i32
  }
}

module attributes {stable_mosaic.version = 14 : i64} {
  func.func @_tc_rel_body(%arg0: memref<512x128xf32, #tpu.memory_space<vmem>>, %arg1: memref<128x128xf32, #tpu.memory_space<vmem>>, %arg2: memref<128x16xf32, #tpu.memory_space<vmem>>, %arg3: memref<128x128xf32, #tpu.memory_space<vmem>>, %arg4: memref<512x16xf32, #tpu.memory_space<vmem>>, %arg5: memref<512x128xf32, #tpu.memory_space<vmem>>) attributes {dimension_semantics = [], scalar_prefetch = 0 : i64, scratch_operands = 0 : i64, tpu.core_type = #tpu.core_type<tc>} {
    %get3A = arith.constant 0 : index
    %get3A_0 = arith.constant 0 : index
    %get3A_1 = vector.load %arg0[%get3A, %get3A_0] : memref<512x128xf32, #tpu.memory_space<vmem>>, vector<512x128xf32>
    %get3A_2 = arith.constant 0 : index
    %get3A_3 = arith.constant 0 : index
    %get3A_4 = vector.load %arg1[%get3A_2, %get3A_3] : memref<128x128xf32, #tpu.memory_space<vmem>>, vector<128x128xf32>
    %dot_general3A = arith.constant dense<0.000000e+00> : vector<512x128xf32>
    %dot_general3A_5 = tpu.matmul %get3A_1, %get3A_4, %dot_general3A {dimension_numbers = #tpu.dot_dimension_numbers<[1], [0], [0], [1], [0, 0, 1, 1], [], []>, transpose_lhs_hint = false} : vector<512x128xf32>, vector<128x128xf32>, vector<512x128xf32> -> vector<512x128xf32>
    %get3A_6 = arith.constant 0 : index
    %get3A_7 = arith.constant 0 : index
    %get3A_8 = vector.load %arg2[%get3A_6, %get3A_7] : memref<128x16xf32, #tpu.memory_space<vmem>>, vector<128x16xf32>
    %dot_general3A_9 = arith.constant dense<0.000000e+00> : vector<512x16xf32>
    %dot_general3A_10 = tpu.matmul %dot_general3A_5, %get3A_8, %dot_general3A_9 {dimension_numbers = #tpu.dot_dimension_numbers<[1], [0], [0], [1], [0, 0, 1, 1], [], []>, transpose_lhs_hint = false} : vector<512x128xf32>, vector<128x16xf32>, vector<512x16xf32> -> vector<512x16xf32>
    %swap3A = arith.constant 0 : index
    %swap3A_11 = arith.constant 0 : index
    %swap3A_12 = vector.load %arg4[%swap3A, %swap3A_11] : memref<512x16xf32, #tpu.memory_space<vmem>>, vector<512x16xf32>
    tpu.vector_store %arg4[%swap3A, %swap3A_11], %dot_general3A_10 {strides = array<i32>} : memref<512x16xf32, #tpu.memory_space<vmem>>, vector<512x16xf32>,
    %get3A_13 = arith.constant 0 : index
    %get3A_14 = arith.constant 0 : index
    %get3A_15 = vector.load %arg0[%get3A_13, %get3A_14] : memref<512x128xf32, #tpu.memory_space<vmem>>, vector<512x128xf32>
    %get3A_16 = arith.constant 0 : index
    %get3A_17 = arith.constant 0 : index
    %get3A_18 = vector.load %arg0[%get3A_16, %get3A_17] : memref<512x128xf32, #tpu.memory_space<vmem>>, vector<512x128xf32>
    %get3A_19 = arith.constant 0 : index
    %get3A_20 = arith.constant 0 : index
    %get3A_21 = vector.load %arg3[%get3A_19, %get3A_20] : memref<128x128xf32, #tpu.memory_space<vmem>>, vector<128x128xf32>
    %dot_general3A_22 = arith.constant dense<0.000000e+00> : vector<512x128xf32>
    %dot_general3A_23 = tpu.matmul %get3A_18, %get3A_21, %dot_general3A_22 {dimension_numbers = #tpu.dot_dimension_numbers<[1], [0], [0], [1], [0, 0, 1, 1], [], []>, transpose_lhs_hint = false} : vector<512x128xf32>, vector<128x128xf32>, vector<512x128xf32> -> vector<512x128xf32>
    %add3A = arith.addf %get3A_15, %dot_general3A_23 : vector<512x128xf32>
    %swap3A_24 = arith.constant 0 : index
    %swap3A_25 = arith.constant 0 : index
    %swap3A_26 = vector.load %arg5[%swap3A_24, %swap3A_25] : memref<512x128xf32, #tpu.memory_space<vmem>>, vector<512x128xf32>
    tpu.vector_store %arg5[%swap3A_24, %swap3A_25], %add3A {strides = array<i32>} : memref<512x128xf32, #tpu.memory_space<vmem>>, vector<512x128xf32>,
    return
  }
}

module attributes {stable_mosaic.version = 14 : i64} {
  func.func @_tc_out_body(%arg0: i32, %arg1: memref<1x512x64xf32, #tpu.memory_space<vmem>>, %arg2: memref<1x512x64xf32, #tpu.memory_space<vmem>>, %arg3: memref<512x128xf32, #tpu.memory_space<vmem>>, %arg4: memref<128x128xf32, #tpu.memory_space<vmem>>, %arg5: memref<128x512xf32, #tpu.memory_space<vmem>>, %arg6: memref<1x512xf32, #tpu.memory_space<vmem>>, %arg7: memref<512x128xf32, #tpu.memory_space<vmem>>, %arg8: memref<1x128xf32, #tpu.memory_space<vmem>>, %arg9: memref<512x128xf32, #tpu.memory_space<vmem>>) attributes {dimension_semantics = [#tpu.dimension_semantics<arbitrary>], iteration_bounds = array<i64: 20>, scalar_prefetch = 0 : i64, scratch_operands = 0 : i64, tpu.core_type = #tpu.core_type<tc>, window_params = [{transform_indices = @transform_0, window_bounds = array<i64: 1, 512, 64>}, {transform_indices = @transform_1, window_bounds = array<i64: 1, 512, 64>}, {transform_indices = @transform_2, window_bounds = array<i64: 512, 128>}, {pipeline_mode = #tpu.pipeline_mode<synchronous>, transform_indices = @transform_3, window_bounds = array<i64: 128, 128>}, {pipeline_mode = #tpu.pipeline_mode<synchronous>, transform_indices = @transform_4, window_bounds = array<i64: 128, 512>}, {pipeline_mode = #tpu.pipeline_mode<synchronous>, transform_indices = @transform_5, window_bounds = array<i64: 1, 512>}, {pipeline_mode = #tpu.pipeline_mode<synchronous>, transform_indices = @transform_6, window_bounds = array<i64: 512, 128>}, {pipeline_mode = #tpu.pipeline_mode<synchronous>, transform_indices = @transform_7, window_bounds = array<i64: 1, 128>}, {transform_indices = @transform_8, window_bounds = array<i64: 512, 128>}]} {
    %get3A = arith.constant 0 : index
    %get3A_0 = arith.constant 0 : index
    %get3A_1 = arith.constant 0 : index
    %get3A_2 = vector.load %arg1[%get3A, %get3A_0, %get3A_1] : memref<1x512x64xf32, #tpu.memory_space<vmem>>, vector<1x512x64xf32>
    %get3A_3 = vector.shape_cast %get3A_2 : vector<1x512x64xf32> to vector<512x64xf32>
    %get3A_4 = arith.constant 0 : index
    %get3A_5 = arith.constant 0 : index
    %get3A_6 = arith.constant 0 : index
    %get3A_7 = vector.load %arg2[%get3A_4, %get3A_5, %get3A_6] : memref<1x512x64xf32, #tpu.memory_space<vmem>>, vector<1x512x64xf32>
    %get3A_8 = vector.shape_cast %get3A_7 : vector<1x512x64xf32> to vector<512x64xf32>
    %concatenate3A = tpu.concatenate %get3A_3, %get3A_8 in 1 : vector<512x64xf32>, vector<512x64xf32> -> vector<512x128xf32>
    %get3A_9 = arith.constant 0 : index
    %get3A_10 = arith.constant 0 : index
    %get3A_11 = vector.load %arg4[%get3A_9, %get3A_10] : memref<128x128xf32, #tpu.memory_space<vmem>>, vector<128x128xf32>
    %dot_general3A = arith.constant dense<0.000000e+00> : vector<512x128xf32>
    %dot_general3A_12 = tpu.matmul %concatenate3A, %get3A_11, %dot_general3A {dimension_numbers = #tpu.dot_dimension_numbers<[1], [0], [0], [1], [0, 0, 1, 1], [], []>, transpose_lhs_hint = false} : vector<512x128xf32>, vector<128x128xf32>, vector<512x128xf32> -> vector<512x128xf32>
    %get3A_13 = arith.constant 0 : index
    %get3A_14 = arith.constant 0 : index
    %get3A_15 = vector.load %arg3[%get3A_13, %get3A_14] : memref<512x128xf32, #tpu.memory_space<vmem>>, vector<512x128xf32>
    %add3A = arith.addf %dot_general3A_12, %get3A_15 : vector<512x128xf32>
    %get3A_16 = arith.constant 0 : index
    %get3A_17 = arith.constant 0 : index
    %get3A_18 = vector.load %arg5[%get3A_16, %get3A_17] : memref<128x512xf32, #tpu.memory_space<vmem>>, vector<128x512xf32>
    %dot_general3A_19 = arith.constant dense<0.000000e+00> : vector<512x512xf32>
    %dot_general3A_20 = tpu.matmul %add3A, %get3A_18, %dot_general3A_19 {dimension_numbers = #tpu.dot_dimension_numbers<[1], [0], [0], [1], [0, 0, 1, 1], [], []>, transpose_lhs_hint = false} : vector<512x128xf32>, vector<128x512xf32>, vector<512x512xf32> -> vector<512x512xf32>
    %get3A_21 = arith.constant 0 : index
    %get3A_22 = arith.constant 0 : index
    %get3A_23 = vector.load %arg6[%get3A_21, %get3A_22] : memref<1x512xf32, #tpu.memory_space<vmem>>, vector<1x512xf32>
    %add3A_24 = vector.broadcast %get3A_23 : vector<1x512xf32> to vector<512x512xf32>
    %add3A_25 = arith.addf %dot_general3A_20, %add3A_24 : vector<512x512xf32>
    %max3A = arith.constant 0.000000e+00 : f32
    %max3A_26 = vector.broadcast %max3A : f32 to vector<512x512xf32>
    %max3A_27 = arith.maximumf %add3A_25, %max3A_26 : vector<512x512xf32>
    %get3A_28 = arith.constant 0 : index
    %get3A_29 = arith.constant 0 : index
    %get3A_30 = vector.load %arg7[%get3A_28, %get3A_29] : memref<512x128xf32, #tpu.memory_space<vmem>>, vector<512x128xf32>
    %dot_general3A_31 = arith.constant dense<0.000000e+00> : vector<512x128xf32>
    %dot_general3A_32 = tpu.matmul %max3A_27, %get3A_30, %dot_general3A_31 {dimension_numbers = #tpu.dot_dimension_numbers<[1], [0], [0], [1], [0, 0, 1, 1], [], []>, transpose_lhs_hint = false} : vector<512x512xf32>, vector<512x128xf32>, vector<512x128xf32> -> vector<512x128xf32>
    %add3A_33 = arith.addf %add3A, %dot_general3A_32 : vector<512x128xf32>
    %get3A_34 = arith.constant 0 : index
    %get3A_35 = arith.constant 0 : index
    %get3A_36 = vector.load %arg8[%get3A_34, %get3A_35] : memref<1x128xf32, #tpu.memory_space<vmem>>, vector<1x128xf32>
    %add3A_37 = vector.broadcast %get3A_36 : vector<1x128xf32> to vector<512x128xf32>
    %add3A_38 = arith.addf %add3A_33, %add3A_37 : vector<512x128xf32>
    %swap3A = arith.constant 0 : index
    %swap3A_39 = arith.constant 0 : index
    %swap3A_40 = vector.load %arg9[%swap3A, %swap3A_39] : memref<512x128xf32, #tpu.memory_space<vmem>>, vector<512x128xf32>
    tpu.vector_store %arg9[%swap3A, %swap3A_39], %add3A_38 {strides = array<i32>} : memref<512x128xf32, #tpu.memory_space<vmem>>, vector<512x128xf32>,
    return
  }
  func.func @transform_0(%arg0: i32) -> (i32, i32, i32) {
    %c0_i32 = arith.constant 0 : i32
    %c0_i32_0 = arith.constant 0 : i32
    %c0_i32_1 = arith.constant 0 : i32
    return %c0_i32, %arg0, %c0_i32_0 : i32, i32, i32
  }
  func.func @transform_1(%arg0: i32) -> (i32, i32, i32) {
    %c1_i32 = arith.constant 1 : i32
    %c0_i32 = arith.constant 0 : i32
    %c0_i32_0 = arith.constant 0 : i32
    return %c1_i32, %arg0, %c0_i32 : i32, i32, i32
  }
  func.func @transform_2(%arg0: i32) -> (i32, i32) {
    %c0_i32 = arith.constant 0 : i32
    %c0_i32_0 = arith.constant 0 : i32
    return %arg0, %c0_i32 : i32, i32
  }
  func.func @transform_3(%arg0: i32) -> (i32, i32) {
    %c0_i32 = arith.constant 0 : i32
    %c0_i32_0 = arith.constant 0 : i32
    %c0_i32_1 = arith.constant 0 : i32
    return %c0_i32, %c0_i32_0 : i32, i32
  }
  func.func @transform_4(%arg0: i32) -> (i32, i32) {
    %c0_i32 = arith.constant 0 : i32
    %c0_i32_0 = arith.constant 0 : i32
    %c0_i32_1 = arith.constant 0 : i32
    return %c0_i32, %c0_i32_0 : i32, i32
  }
  func.func @transform_5(%arg0: i32) -> (i32, i32) {
    %c0_i32 = arith.constant 0 : i32
    %c0_i32_0 = arith.constant 0 : i32
    %c0_i32_1 = arith.constant 0 : i32
    return %c0_i32, %c0_i32_0 : i32, i32
  }
  func.func @transform_6(%arg0: i32) -> (i32, i32) {
    %c0_i32 = arith.constant 0 : i32
    %c0_i32_0 = arith.constant 0 : i32
    %c0_i32_1 = arith.constant 0 : i32
    return %c0_i32, %c0_i32_0 : i32, i32
  }
  func.func @transform_7(%arg0: i32) -> (i32, i32) {
    %c0_i32 = arith.constant 0 : i32
    %c0_i32_0 = arith.constant 0 : i32
    %c0_i32_1 = arith.constant 0 : i32
    return %c0_i32, %c0_i32_0 : i32, i32
  }
  func.func @transform_8(%arg0: i32) -> (i32, i32) {
    %c0_i32 = arith.constant 0 : i32
    %c0_i32_0 = arith.constant 0 : i32
    return %arg0, %c0_i32 : i32, i32
  }
}

</mosaic_0001>

<sc_bundles>
// kernel: kernel.11.cloned.1.call-start
scs
__scs_entry_jumppad:
0x0: {  	(pc) =	sbr.rel $0x88, $3  }
0x1: {  	(tag) =	ssettag $0x0;
	lr =	simm.s32 $0x1  }
0x2: {  	[smem:$0x3F90] =	sst lr;
	_ =	strace $0xD0000000  }
0x3: {  	_ = 	snop  }
0x4: {  	_ = 	snop  }
0x5: {  	_ = 	snop  }
0x6: {  	_ = 	snop  }
0x7: {  	_ = 	snop  }
__scs_overlays_trampoline_lowered:
0x8: {  	[smem:$0x3F9F] =	sst s0  }
0x9: {  	[smem:$0x3FA0] =	sst s1  }
0xa: {  	[smem:$0x3FA1] =	sst s2  }
0xb: {  	[smem:$0x3FA2] =	sst s3  }
0xc: {  	[smem:$0x3FA3] =	sst s4  }
0xd: {  	[smem:$0x3FA4] =	sst s5  }
0xe: {  	[smem:$0x3FA5] =	sst s6  }
0xf: {  	[smem:$0x3FA6] =	sst s7  }
0x10: {  	[smem:$0x3FA7] =	sst s8  }
0x11: {  	[smem:$0x3FA8] =	sst s9;
	s0 =	simm.s32 @!p0 $0x0  }
0x12: {  	s1 =	sld [smem:$0x3F8E];
	s0 =	simm.s32 @p0 $0x1  }
0x13: {  	[smem:$0x3FA9] =	sst s0;
	s0 =	simm.s32 @!p1 $0x0  }
0x14: {  	s2 =	sld [smem:$0x3F8D];
	s0 =	simm.s32 @p1 $0x1  }
0x15: {  	[smem:$0x3FAA] =	sst s0;
	s0 =	simm.s32 @!p2 $0x0  }
0x16: {  	s3 =	sld [smem:$0x3FDB];
	s0 =	simm.s32 @p2 $0x1  }
0x17: {  	s4 =	simm.s32 $0x1BF5;
	[smem:$0x3FAC] =	sst s0  }
0x18: {  	s0 =	sld [smem:$0x3F8F];
	_ =	swait.ge [sflag:s4], $0x0  }
0x19: {  	s7 =	sld [smem:$0x3F90]  }
0x1a: {  	s8 =	sadd.s32 $0xFFFFE003, lr  }
0x1b: {  	s9 =	sadd.s32 $0xFFFFFEF7, lr;
	s5 =	simm.s32 $0xFFFFFFFF;
	p2 =	slt.u32 s8, $0xFFFFF086  }
0x1c: {  	p1 =	slt.u32 s9, $0xF7A;
	s5 =	simm.s32 @!p2 $0x0  }
0x1d: {  	s5 =	simm.s32 @p1 $0x1;
	p0 =	seq.s32 s7, s2  }
0x1e: {  	s7 =	smul.u32 @!p0 $0xF7A, s2;
	p2 =	seq.s32 @!p0 s5, $0x0  }
0x1f: {  	s9 =	smul.u32 $0xF7A, s1;
	s8 =	simm.s32 @!p0 $0x1BF5;
	p2 =	por !p2, p0  }
0x20: {  	[sflag:s8] =	ssyncset.s32 @!p0 $0xFFFFF086;
	s6 =	sadd.s32 @!p0 s3, s7;
	s7 =	simm.s32 @!p0 $0x108  }
0x21: {  	s3 =	sadd.s32 s3, s9;
	s6 =	sadd.s32 @!p0 $0x88, s6;
	s7 =	simm.s32 @p2 $0x1082  }
0x22: {  	[simem:s7], [sflag:s8] =	dma.local @!p0 [hbm:s6], $0xF7A  }
0x23: {  	s9 =	sor.u32 $0xD0000000, s2;
	s6 =	simm.s32 $0x108;
	_ =	swait.ge @!p0 [sflag:s8], $0x0  }
0x24: {  	s3 =	sadd.s32 $0x88, s3;
	s6 =	simm.s32 @!p1 $0x1082;
	[sflag:s4] =	ssyncset.s32 $0xFFFFF086  }
0x25: {  	[simem:s6], [sflag:s4] =	dma.local [hbm:s3], $0xF7A  }
0x26: {  	[smem:$0x3F90] =	sst s1;
	(tag) =	ssettag s2;
	_ =	strace s9  }
0x27: {  	s1 =	sld [smem:$0x3FA0]  }
0x28: {  	s2 =	sld [smem:$0x3FA1]  }
0x29: {  	s4 =	sld [smem:$0x3FA3]  }
0x2a: {  	p0 =	seq.s32 s5, $0x0;
	s5 =	sld [smem:$0x3FA4]  }
0x2b: {  	s6 =	sld [smem:$0x3FA5]  }
0x2c: {  	s7 =	sld [smem:$0x3FA6]  }
0x2d: {  	s3 =	simm.s32 $0x108;
	s8 =	sld [smem:$0x3FA7]  }
0x2e: {  	s3 =	simm.s32 @!p0 $0x1082;
	s9 =	sld [smem:$0x3FA8]  }
0x2f: {  	lr =	sadd.s32 s0, s3;
	s0 =	sld [smem:$0x3F9F]  }
0x30: {  	s3 =	sld [smem:$0x3FA2]  }
0x31: {  	[smem:$0x3FAB] =	sst s10  }
0x32: {  	s10 =	sld [smem:$0x3FA9];
	_ =	sdelay $0x3  }
0x33: {  	p0 =	seq.s32 s10, $0x1;
	s10 =	sld [smem:$0x3FAB];
	_ =	sdelay $0x3  }
0x34: {  	[smem:$0x3FAB] =	sst s10  }
0x35: {  	s10 =	sld [smem:$0x3FAA];
	_ =	sdelay $0x3  }
0x36: {  	p1 =	seq.s32 s10, $0x1;
	s10 =	sld [smem:$0x3FAB];
	_ =	sdelay $0x3  }
0x37: {  	[smem:$0x3FAB] =	sst s10  }
0x38: {  	s10 =	sld [smem:$0x3FAC]  }
0x39: {  	_ = 	snop;
	(pc) =	sbr.ind lr, $3  }
0x3a: {  	_ = 	snop  }
0x3b: {  	_ = 	snop  }
0x3c: {  	p2 =	seq.s32 s10, $0x1;
	s10 =	sld [smem:$0x3FAB]  }
0x3d: {  	_ =	shalt  }
0x3e: {  	_ =	shalt  }
0x3f: {  	_ =	shalt  }
0x40: {  	_ =	shalt  }
0x41: {  	_ =	shalt  }
0x42: {  	_ =	shalt  }
0x43: {  	_ =	shalt  }
0x44: {  	_ =	shalt  }
0x45: {  	_ =	shalt  }
0x46: {  	_ =	shalt  }
0x47: {  	_ =	shalt  }
0x48: {  	_ =	shalt  }
0x49: {  	_ =	shalt  }
0x4a: {  	_ =	shalt  }
0x4b: {  	_ =	shalt  }
0x4c: {  	_ =	shalt  }
0x4d: {  	_ =	shalt  }
0x4e: {  	_ =	shalt  }
0x4f: {  	_ =	shalt  }
0x50: {  	_ =	shalt  }
0x51: {  	_ =	shalt  }
0x52: {  	_ =	shalt  }
0x53: {  	_ =	shalt  }
0x54: {  	_ =	shalt  }
0x55: {  	_ =	shalt  }
0x56: {  	_ =	shalt  }
0x57: {  	_ =	shalt  }
0x58: {  	_ =	shalt  }
0x59: {  	_ =	shalt  }
0x5a: {  	_ =	shalt  }
0x5b: {  	_ =	shalt  }
0x5c: {  	_ =	shalt  }
0x5d: {  	_ =	shalt  }
0x5e: {  	_ =	shalt  }
0x5f: {  	_ =	shalt  }
0x60: {  	_ =	shalt  }
0x61: {  	_ =	shalt  }
0x62: {  	_ =	shalt  }
0x63: {  	_ =	shalt  }
0x64: {  	_ =	shalt  }
0x65: {  	_ =	shalt  }
0x66: {  	_ =	shalt  }
0x67: {  	_ =	shalt  }
0x68: {  	_ =	shalt  }
0x69: {  	_ =	shalt  }
0x6a: {  	_ =	shalt  }
0x6b: {  	_ =	shalt  }
0x6c: {  	_ =	shalt  }
0x6d: {  	_ =	shalt  }
0x6e: {  	_ =	shalt  }
0x6f: {  	_ =	shalt  }
0x70: {  	_ =	shalt  }
0x71: {  	_ =	shalt  }
0x72: {  	_ =	shalt  }
0x73: {  	_ =	shalt  }
0x74: {  	_ =	shalt  }
0x75: {  	_ =	shalt  }
0x76: {  	_ =	shalt  }
0x77: {  	_ =	shalt  }
0x78: {  	_ =	shalt  }
0x79: {  	_ =	shalt  }
0x7a: {  	_ =	shalt  }
0x7b: {  	_ =	shalt  }
0x7c: {  	_ =	shalt  }
0x7d: {  	_ =	shalt  }
0x7e: {  	_ =	shalt  }
0x7f: {  	_ =	shalt  }
0x80: {  	_ =	shalt  }
0x81: {  	_ =	shalt  }
0x82: {  	_ =	shalt  }
0x83: {  	_ =	shalt  }
0x84: {  	_ =	shalt  }
0x85: {  	_ =	shalt  }
0x86: {  	_ =	shalt  }
0x87: {  	_ =	shalt  }
.Lfunc_end0:
.L_simem_size_0:
called_computation.1_lowered:
.L_overlay_start_0:
0x88: {  	s2 =	sld [smem:$0x3FD9]  }
0x89: {  	s3 =	sld [smem:$0x3FFE];
	_ =	sdelay $0x1  }
0x8a: {  	s1 =	srdreg.scid  }
0x8b: {  	s0 =	sand.u32 $0x1, s1  }
0x8c: {  	s16 =	sshll.u32 s0, $0xA;
	s2 =	sadd.s32 s3, s2  }
0x8d: {  	s2 =	sadd.s32 s2, s16  }
0x8e: {  	[smem:$0x3FB7] =	sst s2  }
0x8f: {  	_ = 	snop  }
0x90: {  	(tm) =	ssettm $0x1  }
0x91: {  	s17 =	sld [smem:$0x3FFB];
	_ =	sdelay $0x3  }
0x92: {  	_ =	strace s17  }
0x93: {  	s2 =	sld [smem:$0x3FFC];
	_ =	sdelay $0x3  }
0x94: {  	_ =	strace s2  }
0x95: {  	s2 =	sld [smem:$0x3FFD];
	_ =	sdelay $0x3  }
0x96: {  	_ =	strace s2  }
0x97: {  	_ =	strace $0x8FFFFFFF  }
0x98: {  	s18 =	sld [smem:$0x3FDB];
	_ =	sdelay $0x1  }
0x99: {  	s19 =	simm.s32 $_scs_section_size  }
0x9a: {  	s4 =	simm.s32 $_size__tile_overlayer_lowered;
	s5 =	simm.s32 $_tile_overlayer_lowered  }
0x9b: {  	s22 =	simm.s32 $0x1BFF;
	s21 =	sshll.u32 s5, $0x1;
	s2 =	sadd.s32 s19, s18  }
0x9c: {  	s6 =	simm.s32 $0x0;
	s20 =	sshll.u32 s4, $0x1;
	s4 =	sadd.s32 s21, s2  }
0x9d: {  	[timem:s6], [sflag:s22] =	dma.local [hbm:s4], s20  }
0x9e: {  	_ =	swait.ge [sflag:s22], s20  }
0x9f: {  	s3 =	ssub.s32 $0x0, s20;
	[sflag:s22] =	ssyncset.done $0x0  }
0xa0: {  	[sflag:s22] =	ssyncadd.s32 s3;
	_ =	sdelay $0x1  }
0xa1: {  	s23 =	simm.s32 $0x1B8B  }
0xa2: {  	_ =	swait.ge [sflag:s23], $0x1  }
0xa3: {  	[sflag:s23] =	ssyncset.done $0x0  }
0xa4: {  	s25 =	simm.s32 $0x1B8E;
	s24 =	sld [smem:$0x3FFE];
	[sflag:s23] =	ssyncadd.s32 $0xFFFFFFFF  }
0xa5: {  	s26 =	simm.s32 $execute0_lowered;
	[smem:$0x3FD2] =	sst s25  }
0xa6: {  	s4 =	sshll.u32 s26, $0x1;
	_ =	strace $0x80000049;
	[dreg:$0x1] =	wrdreg $0xFFFFFFFF  }
0xa7: {  	s28 =	simm.s32 $_size_execute0_lowered;
	s2 =	sadd.s32 s2, s4;
	[dreg:$0x0] =	wrdreg $0x0  }
0xa8: {  	s4 =	sshll.u32 s28, $0x1;
	[dreg:$0x2] =	wrdreg s2  }
0xa9: {  	[dreg:$0x3] =	wrdreg s4  }
0xaa: {  	[dreg:$0x4] =	wrdreg $0xC0  }
0xab: {  	_ =	task [dreg:s6], $0x5FFFF  }
0xac: {  	[dreg:$0x1] =	wrdreg $0xFFFFFFFF  }
0xad: {  	[dreg:$0x0] =	wrdreg $0x60  }
0xae: {  	[dreg:$0x2] =	wrdreg s24  }
0xaf: {  	[dreg:$0x3] =	wrdreg $0x9  }
0xb0: {  	_ =	task.clear_ibuf [dreg:s6], $0x4FFFF;
	_ =	strace $0x90000049  }
0xb1: {  	s29 =	simm.s32 $0x9;
	_ =	strace $0x8000004B  }
0xb2: {  	_ =	swait.ge [sflag:s29], $0x1  }
0xb3: {  	[sflag:s29] =	ssyncadd.s32 $0xFFFFFFFF  }
0xb4: {  	_ =	strace $0x9000004B  }
0xb5: {  	_ =	sfence  }
0xb6: {  	s30 =	sld [smem:$0x0];
	_ =	sdelay $0x2  }
0xb7: {  	s31 =	sshll.u32 s1, $0xD;
	s1 =	sshrl.u32 s1, $0x2  }
0xb8: {  	s3 =	sand.u32 $0x4000, s31;
	s1 =	sadd.s32 s1, s30  }
0xb9: {  	s0 =	sor.u32 s3, s0;
	s1 =	sshll.u32 s1, $0x11  }
0xba: {  	s0 =	sor.u32 s1, s0  }
0xbb: {  	s0 =	sadd.s32 $0x8F2B, s0  }
0xbc: {  	[sflag:s0] =	ssyncadd.remote.s32 $0x1  }
0xbd: {  	_ =	sfence.sel $0xFFFF  }
0xbe: {  	[dreg:$0x0] =	wrdreg $0xFFFFFFFF;
	(pc) =	sbr.abs _section_cstart, $3  }
0xbf: {  	[dreg:$0x1] =	wrdreg $0xFFFFFFFF  }
0xc0: {  	_ =	task.clear_ibuf [dreg:s6], $0x2FFFF;
	_ =	strace $0x9FFFFFFF  }
0xc1: {  	(tm) =	ssettm $0x7FFFFFFF  }
tec
execute0_lowered:
.L_overlay_start_1:
0x0: {  	(tag) =	ssettag $0x1  }
0x1: {  	s0 =	srdreg.scid  }
0x2: {  	s4 =	stileid.u32;
	s11 =	rddreg [dreg:$0x0]  }
0x3: {  	s2 =	simm.s32 $0x0;
	s17 =	simm.s32 $0x5800;
	s14 =	simm.s32 $0x7  }
0x4: {  	s18 =	simm.s32 $0x80;
	s20 =	simm.s32 $0x3000;
	s21 =	simm.s32 $0x4000  }
0x5: {  	s22 =	simm.s32 $0x1;
	s23 =	simm.s32 $0x3;
	s24 =	simm.s32 $0x4800  }
0x6: {  	s25 =	simm.s32 $0x2;
	s28 =	simm.s32 $0x5000;
	s29 =	simm.s32 $0x5  }
0x7: {  	s30 =	simm.s32 $0x6;
	s0 =	sand.u32 $0x1, s0;
	s1 =	sshll.u32 s4, $0x1  }
0x8: {  	s31 =	simm.s32 $0x0;
	s13 =	smul.u32 $0x500, s4;
	s1 =	sor.u32 s0, s1  }
0x9: {  	[smem:$0x7FF] =	sst s2;
	s4 =	sadd.s32 $0x2A800, s11;
	s3 =	smul.u32 $0x5000, s1  }
0xa: {  	s15 =	sadd.s32 $0xE8A00, s11;
	_ =	strace $0x8000004A;
	s26 =	smul.u32 $0x500, s1  }
0xb: {  	s0 =	ssub.s32 $0x2, s0;
	s5 =	sadd.s32 s13, s11;
	s7 =	smul.u32 $0x50, s1  }
.Ltmp0:
0xc: {  	s6 =	sshrl.u32 s0, $0x1;
	s15 =	sadd.s32 s13, s15;
	(pc) =	sbr.rel .LBB2_1-.Ltmp0, $4  }
0xd: {  	s0 =	ssub.s32 s0, s6;
	s5 =	sadd.s32 $0xE3A00, s5;
	s6 =	sadd.s32 s4, s13  }
0xe: {  	s10 =	sadd.s32 s3, s11;
	s8 =	sadd.s32 s26, s11;
	s3 =	sadd.s32 $0xEDA00, s11  }
0xf: {  	s11 =	sadd.s32 $0x43C00, s11;
	s12 =	smax.u32 s0, $0x1;
	s26 =	simm.s32 $0x4  }
0x10: {  	s8 =	sadd.s32 $0x2F800, s8;
	s9 =	sadd.s32 $0x43A00, s10;
	s10 =	sadd.s32 $0x43B00, s10  }
.LBB2_12:
0x11: {  	s31 =	sadd.s32 $0x1, s31  }
0x12: {  	_ =	swait.ge [sflag:s29], $0x800;
	p0 =	sne.s32 s31, s12  }
.Ltmp1:
0x13: {  	[sflag:s29] =	ssyncset.done $0x0;
	(pc) =	sbr.rel @!p0 .LBB2_13-.Ltmp1, $4  }
0x14: {  	[sflag:s29] =	ssyncadd.s32 $0xFFFFF800  }
0x15: {  	_ =	swait.ge [sflag:s30], $0x800  }
0x16: {  	[sflag:s30] =	ssyncset.done $0x0  }
0x17: {  	s17 =	simm.s32 $0x5800;
	[sflag:s30] =	ssyncadd.s32 $0xFFFFF800  }
.LBB2_1:
0x18: {  	[tilespmem:s17], [sflag:$0x7] =	stream.linear.gather [hbm4b:s5+s2], $0x2800, $0x38;
	[tilespmem:$0xA800] =	vst v63  }
0x19: {  	_ =	swait.ge [sflag:s14], $0x2800  }
0x1a: {  	[sflag:s14] =	ssyncset.done $0x0  }
0x1b: {  	s0 =	simm.s32 $0x8000;
	[sflag:s14] =	ssyncadd.s32 $0xFFFFD800  }
0x1c: {  	[tilespmem:s0], [sflag:$0x7] =	stream.linear.gather [hbm4b:s15+s2], $0x2800, $0x38;
	[tilespmem:$0xA800] =	vst v63  }
0x1d: {  	_ =	swait.ge [sflag:s14], $0x2800  }
0x1e: {  	[sflag:s14] =	ssyncset.done $0x0  }
0x1f: {  	s0 =	simm.s32 $0x5840;
	[sflag:s14] =	ssyncadd.s32 $0xFFFFD800  }
0x20: {  	s1 =	simm.s32 $0x8040;
	v1 =	vld [tilespmem:s0+$0x30]  }
0x21: {  	v2 =	vld [tilespmem:s1+$0x30]  }
0x22: {  	v0 =	vld [tilespmem:s1+$0xFFFFFFC0]  }
0x23: {  	v3 =	vld [tilespmem:s0+$0xFFFFFFD0]  }
0x24: {  	v4 =	vld [tilespmem:s1+$0xFFFFFFD0]  }
0x25: {  	v5 =	vld [tilespmem:s0+$0xFFFFFFE0]  }
0x26: {  	v6 =	vld [tilespmem:s1+$0xFFFFFFE0]  }
0x27: {  	v7 =	vld [tilespmem:s0+$0xFFFFFFF0]  }
0x28: {  	v8 =	vld [tilespmem:s1+$0xFFFFFFF0]  }
0x29: {  	v9 =	vld [tilespmem:s0+$0x0]  }
0x2a: {  	v10 =	vld [tilespmem:s1+$0x0];
	v2 =	vadd.f32 v2, v1  }
0x2b: {  	v4 =	vadd.f32 v4, v3;
	v1 =	vld [tilespmem:s0+$0x10]  }
0x2c: {  	v5 =	vadd.f32 v6, v5;
	v3 =	vld [tilespmem:s1+$0x10];
	[tilespmem:s0+$0x30] =	vst v2  }
0x2d: {  	v6 =	vadd.f32 v8, v7;
	[tilespmem:s0+$0xFFFFFFD0] =	vst v4;
	v2 =	vld [tilespmem:s0+$0x20]  }
0x2e: {  	[tilespmem:s0+$0xFFFFFFE0] =	vst v5;
	v5 =	vld [tilespmem:s1+$0x20]  }
0x2f: {  	s13 =	simm.s32 $0x0;
	s16 =	simm.s32 $0x58C0;
	v4 =	vld [tilespmem:s0+$0xFFFFFFC0];
	[tilespmem:s0+$0xFFFFFFF0] =	vst v6;
	v6 =	vadd.f32 v10, v9  }
.LBB2_2:
0x30: {  	v7 =	vld [tilespmem:s16+$0x30];
	s1 =	sadd.s32 $0x80, s1  }
0x31: {  	s13 =	sadd.s32 $0x8, s13;
	v8 =	vld [tilespmem:s1+$0x30];
	[tilespmem:s0+$0x0] =	vst v6;
	v1 =	vadd.f32 v3, v1  }
0x32: {  	p0 =	slt.u32 s13, $0x278;
	v3 =	vld [tilespmem:s1+$0xFFFFFFC0]  }
0x33: {  	v6 =	vld [tilespmem:s16+$0xFFFFFFD0];
	[tilespmem:s0+$0x10] =	vst v1;
	v1 =	vadd.f32 v5, v2  }
0x34: {  	v2 =	vld [tilespmem:s1+$0xFFFFFFD0];
	v9 =	vadd.f32 v0, v4  }
0x35: {  	v4 =	vld [tilespmem:s16+$0xFFFFFFE0];
	[tilespmem:s0+$0x20] =	vst v1  }
0x36: {  	v1 =	vld [tilespmem:s1+$0xFFFFFFE0];
	v5 =	vadd.f32 v8, v7;
	[tilespmem:s0+$0xFFFFFFC0] =	vst v9;
	s0 =	smov.u32 s16  }
0x37: {  	v7 =	vld [tilespmem:s16+$0xFFFFFFF0];
	v0 =	vmov v3  }
0x38: {  	v8 =	vld [tilespmem:s1+$0xFFFFFFF0];
	[tilespmem:s16+$0x30] =	vst v5  }
0x39: {  	v2 =	vadd.f32 v2, v6;
	v6 =	vld [tilespmem:s16+$0x0]  }
0x3a: {  	v9 =	vld [tilespmem:s1+$0x0]  }
.Ltmp2:
0x3b: {  	[tilespmem:s16+$0xFFFFFFD0] =	vst v2;
	v2 =	vadd.f32 v1, v4;
	v1 =	vld [tilespmem:s16+$0x10];
	(pc) =	sbr.rel @p0 .LBB2_2-.Ltmp2, $4  }
0x3c: {  	v3 =	vld [tilespmem:s1+$0x10]  }
0x3d: {  	[tilespmem:s16+$0xFFFFFFE0] =	vst v2;
	v7 =	vadd.f32 v8, v7;
	v2 =	vld [tilespmem:s16+$0x20]  }
0x3e: {  	v5 =	vld [tilespmem:s1+$0x20]  }
0x3f: {  	s16 =	sadd.s32 $0x80, s16;
	v4 =	vld [tilespmem:s0+$0xFFFFFFC0];
	[tilespmem:s0+$0xFFFFFFF0] =	vst v7;
	v6 =	vadd.f32 v9, v6  }
0x40: {  	_ =	sdelay $0x1  }
0x41: {  	v1 =	vadd.f32 v3, v1  }
0x42: {  	[tilespmem:s0+$0x0] =	vst v6;
	v2 =	vadd.f32 v5, v2  }
0x43: {  	[tilespmem:s0+$0x10] =	vst v1;
	v0 =	vadd.f32 v0, v4  }
0x44: {  	[tilespmem:s0+$0x20] =	vst v2  }
0x45: {  	s1 =	simm.s32 $0x0;
	[tilespmem:s0+$0xFFFFFFC0] =	vst v0  }
0x46: {  	[hbm4b:s6+s1] =	stream.linear.scatter [tilespmem:s17], [sflag:$0x7], $0x2800, $0x38;
	[tilespmem:$0xA800] =	vst v63  }
0x47: {  	_ =	swait.ge [sflag:s14], $0x2800  }
0x48: {  	[sflag:s14] =	ssyncset.done $0x0  }
0x49: {  	[sflag:s14] =	ssyncadd.s32 $0xFFFFD800  }
0x4a: {  	[tilespmem:s1], [sflag:$0x7] =	stream.linear.gather [hbm4b:s8+s1], $0x2800, $0x38;
	[tilespmem:$0xA800] =	vst v63  }
0x4b: {  	_ =	swait.ge [sflag:s14], $0x2800  }
0x4c: {  	[sflag:s14] =	ssyncset.done $0x0  }
0x4d: {  	[sflag:s14] =	ssyncadd.s32 $0xFFFFD800  }
0x4e: {  	s17 =	simm.s32 $0x2800;
	[bflag:$0x0] =	sbarrier.arrive $0xFFFF  }
0x4f: {  	[tilespmem:s17], [sflag:$0x1] =	stream.linear.gather [hbm4b:s9+s1], $0x800, $0x38;
	[tilespmem:$0xA800] =	vst v63  }
0x50: {  	s19 =	simm.s32 $0x3800  }
0x51: {  	[tilespmem:s19], [sflag:$0x3] =	stream.indirect.gather [hbm4b:s4+s18], $0x10, s1, s18, $0xb8;
	[tilespmem:$0xA800] =	vst v63  }
0x52: {  	_ = 	snop  }
0x53: {  	[tilespmem:s20], [sflag:$0x2] =	stream.linear.gather [hbm4b:s10+s1], $0x800, $0x38;
	[tilespmem:$0xA800] =	vst v63  }
0x54: {  	_ = 	snop  }
0x55: {  	[tilespmem:s21], [sflag:$0x4] =	stream.indirect.gather [hbm4b:s4+s18], $0x10, s18, s18, $0xb8;
	[tilespmem:$0xA800] =	vst v63  }
.LBB2_4:
0x56: {  	p0 =	seq.s32 s1, $0x0  }
0x57: {  	s0 =	simm.s32 @!p0 $0x5  }
0x58: {  	_ =	swait.ge @!p0 [sflag:s0], $0x800  }
0x59: {  	[sflag:s0] =	ssyncset.done @!p0 $0x0  }
0x5a: {  	[sflag:s0] =	ssyncadd.s32 @!p0 $0xFFFFF800  }
0x5b: {  	_ =	swait.ge [sflag:s22], $0x800  }
0x5c: {  	[sflag:s22] =	ssyncset.done $0x0  }
0x5d: {  	[sflag:s22] =	ssyncadd.s32 $0xFFFFF800  }
0x5e: {  	_ =	swait.ge [sflag:s23], $0x800  }
0x5f: {  	[sflag:s23] =	ssyncset.done $0x0  }
0x60: {  	s17 =	simm.s32 $0x3840;
	[sflag:s23] =	ssyncadd.s32 $0xFFFFF800  }
0x61: {  	v0 =	vld [tilespmem:s17+$0x30]  }
0x62: {  	v1 =	vld [tilespmem:s17+$0xFFFFFFC0]  }
0x63: {  	v2 =	vld [tilespmem:s17+$0xFFFFFFD0]  }
0x64: {  	v3 =	vld [tilespmem:s17+$0xFFFFFFE0]  }
0x65: {  	v4 =	vld [tilespmem:s17+$0xFFFFFFF0]  }
0x66: {  	v5 =	vld [tilespmem:s17+$0x0]  }
0x67: {  	v6 =	vld [tilespmem:s17+$0x10];
	v0 =	vadd.f32 $1.000000020e-16, v0  }
0x68: {  	s13 =	simm.s32 $0x2840;
	v7 =	vld [tilespmem:s17+$0x20];
	v1 =	vadd.f32 $1.000000020e-16, v1  }
0x69: {  	v8 =	vld [tilespmem:s13+$0x30];
	v2 =	vadd.f32 $1.000000020e-16, v2;
	(erf) = vrcp.f32 v0  }
0x6a: {  	v9 =	vld [tilespmem:s13+$0xFFFFFFD0];
	(erf) = vrcp.f32 v1  }
0x6b: {  	s19 =	simm.s32 $0x38C0;
	v10 =	vld [tilespmem:s13+$0xFFFFFFE0];
	v0 =	vadd.f32 $1.000000020e-16, v3;
	(erf) = vrcp.f32 v2  }
0x6c: {  	v3 =	vadd.f32 $1.000000020e-16, v4;
	v2 =	vld [tilespmem:s19+$0x30]  }
0x6d: {  	v4 =	vadd.f32 $1.000000020e-16, v5;
	(erf) = vrcp.f32 v0;
	v0 =	vld [tilespmem:s19+$0xFFFFFFC0]  }
0x6e: {  	v5 =	vadd.f32 $1.000000020e-16, v6;
	(erf) = vrcp.f32 v3;
	v3 =	vld [tilespmem:s19+$0xFFFFFFD0]  }
0x6f: {  	v6 =	vadd.f32 $1.000000020e-16, v7;
	(erf) = vrcp.f32 v4;
	v4 =	vld [tilespmem:s19+$0xFFFFFFE0]  }
0x70: {  	(erf) = vrcp.f32 v5;
	v5 =	vld [tilespmem:s19+$0xFFFFFFF0]  }
0x71: {  	(erf) = vrcp.f32 v6;
	v6 =	vld [tilespmem:s19+$0x0];
	v2 =	vadd.f32 $1.000000020e-16, v2  }
0x72: {  	v11 =	vld [tilespmem:s19+$0x10];
	v7 =	vadd.f32 $1.000000020e-16, v0;
	v12 =	vpop (erf)  }
0x73: {  	v13 =	vld [tilespmem:s19+$0x20];
	v3 =	vadd.f32 $1.000000020e-16, v3;
	(erf) = vrcp.f32 v2;
	v0 =	vpop (erf)  }
0x74: {  	v1 =	vld [tilespmem:s13+$0xFFFFFFF0];
	v2 =	vadd.f32 $1.000000020e-16, v4;
	(erf) = vrcp.f32 v7;
	v4 =	vmul.f32 v12, v8;
	v8 =	vpop (erf)  }
0x75: {  	v7 =	vld [tilespmem:s13+$0x0];
	(erf) = vrcp.f32 v3;
	v3 =	vmul.f32 v8, v9  }
0x76: {  	v59 =	vld [tilespmem:s13+$0x10];
	v5 =	vadd.f32 $1.000000020e-16, v5;
	v6 =	vadd.f32 $1.000000020e-16, v6  }
0x77: {  	s16 =	simm.s32 $0x4840;
	v60 =	vld [tilespmem:s13+$0x20];
	v8 =	vpop (erf);
	(erf) = vrcp.f32 v2  }
0x78: {  	s17 =	simm.s32 $0x28C0;
	v61 =	vadd.f32 $1.000000020e-16, v11;
	[tilespmem:s16+$0x30] =	vst v4;
	v4 =	vld [tilespmem:s13+$0xFFFFFFC0];
	v2 =	vmul.f32 v8, v10;
	v8 =	vpop (erf);
	(erf) = vrcp.f32 v5  }
0x79: {  	v5 =	vld [tilespmem:s17+$0x30];
	[tilespmem:s16+$0xFFFFFFD0] =	vst v3;
	v1 =	vmul.f32 v8, v1;
	v8 =	vadd.f32 $1.000000020e-16, v13;
	(erf) = vrcp.f32 v6;
	v3 =	vpop (erf)  }
0x7a: {  	[tilespmem:s16+$0xFFFFFFE0] =	vst v2;
	v2 =	vld [tilespmem:s17+$0xFFFFFFD0];
	(erf) = vrcp.f32 v61;
	v6 =	vpop (erf);
	v62 =	vmul.f32 v3, v7  }
0x7b: {  	[tilespmem:s16+$0xFFFFFFF0] =	vst v1;
	v1 =	vld [tilespmem:s17+$0xFFFFFFF0];
	(erf) = vrcp.f32 v8;
	v63 =	vpop (erf);
	v7 =	vmul.f32 v6, v59  }
0x7c: {  	s0 =	sshll.u32 s1, $0x1;
	s19 =	simm.s32 $0x8;
	s13 =	simm.s32 $0x3940;
	v3 =	vld [tilespmem:s17+$0xFFFFFFE0];
	[tilespmem:s16+$0x0] =	vst v62;
	v6 =	vmul.f32 v63, v60  }
.LBB2_5:
0x7d: {  	v8 =	vld [tilespmem:s13+$0x30];
	s19 =	sadd.s32 $0x8, s19;
	v9 =	vpop (erf);
	v4 =	vmul.f32 v0, v4;
	[tilespmem:s16+$0x10] =	vst v7  }
0x7e: {  	v7 =	vld [tilespmem:s13+$0xFFFFFFC0];
	p0 =	slt.u32 s19, $0x78;
	v10 =	vmul.f32 v9, v5;
	v0 =	vpop (erf);
	[tilespmem:s16+$0x20] =	vst v6  }
0x7f: {  	v6 =	vld [tilespmem:s13+$0xFFFFFFD0];
	v9 =	vpop (erf);
	[tilespmem:s16+$0xFFFFFFC0] =	vst v4;
	s16 =	sadd.s32 $0x80, s16  }
0x80: {  	v4 =	vld [tilespmem:s13+$0xFFFFFFE0];
	v2 =	vmul.f32 v9, v2;
	[tilespmem:s16+$0x30] =	vst v10;
	v5 =	vpop (erf)  }
0x81: {  	v9 =	vld [tilespmem:s13+$0xFFFFFFF0];
	v3 =	vmul.f32 v5, v3;
	v5 =	vpop (erf)  }
0x82: {  	v10 =	vld [tilespmem:s13+$0x0];
	v12 =	vadd.f32 $1.000000020e-16, v8;
	[tilespmem:s16+$0xFFFFFFD0] =	vst v2;
	v1 =	vmul.f32 v5, v1;
	v11 =	vpop (erf)  }
0x83: {  	v2 =	vadd.f32 $1.000000020e-16, v7;
	v5 =	vld [tilespmem:s13+$0x10];
	[tilespmem:s16+$0xFFFFFFE0] =	vst v3;
	v7 =	vpop (erf)  }
0x84: {  	v3 =	vadd.f32 $1.000000020e-16, v6;
	v6 =	vld [tilespmem:s13+$0x20];
	(erf) = vrcp.f32 v12;
	[tilespmem:s16+$0xFFFFFFF0] =	vst v1;
	v8 =	vpop (erf)  }
0x85: {  	v1 =	vadd.f32 $1.000000020e-16, v4;
	(erf) = vrcp.f32 v2;
	v12 =	vld [tilespmem:s17+$0x0]  }
0x86: {  	v2 =	vadd.f32 $1.000000020e-16, v9;
	(erf) = vrcp.f32 v3;
	v9 =	vld [tilespmem:s17+$0x10]  }
0x87: {  	v3 =	vadd.f32 $1.000000020e-16, v10;
	(erf) = vrcp.f32 v1;
	v10 =	vld [tilespmem:s17+$0x20]  }
.Ltmp3:
0x88: {  	v1 =	vadd.f32 $1.000000020e-16, v5;
	(erf) = vrcp.f32 v2;
	v4 =	vld [tilespmem:s17+$0xFFFFFFC0];
	s17 =	sadd.s32 $0x80, s17;
	(pc) =	sbr.rel @p0 .LBB2_5-.Ltmp3, $4  }
0x89: {  	v6 =	vadd.f32 $1.000000020e-16, v6;
	v5 =	vld [tilespmem:s17+$0x30];
	(erf) = vrcp.f32 v3  }
0x8a: {  	v2 =	vld [tilespmem:s17+$0xFFFFFFD0];
	(erf) = vrcp.f32 v1;
	v11 =	vmul.f32 v11, v12  }
0x8b: {  	v3 =	vld [tilespmem:s17+$0xFFFFFFE0];
	(erf) = vrcp.f32 v6;
	v7 =	vmul.f32 v7, v9  }
0x8c: {  	s13 =	sadd.s32 $0x80, s13;
	v1 =	vld [tilespmem:s17+$0xFFFFFFF0];
	[tilespmem:s16+$0x0] =	vst v11;
	v6 =	vmul.f32 v8, v10  }
0x8d: {  	v8 =	vpop (erf)  }
0x8e: {  	v0 =	vmul.f32 v0, v4;
	[tilespmem:s16+$0x10] =	vst v7;
	v58 =	vld [tilespmem:s17+$0xFFFFFFC0];
	v50 =	vpop (erf)  }
0x8f: {  	v51 =	vld [tilespmem:s17+$0x0];
	v5 =	vmul.f32 v8, v5;
	[tilespmem:s16+$0x20] =	vst v6;
	v52 =	vpop (erf)  }
0x90: {  	v53 =	vld [tilespmem:s17+$0x10];
	s13 =	sadd.s32 $0x80, s16;
	[tilespmem:s16+$0xFFFFFFC0] =	vst v0;
	v54 =	vmul.f32 v52, v2;
	v55 =	vpop (erf)  }
0x91: {  	v56 =	vld [tilespmem:s17+$0x20];
	[tilespmem:s13+$0x30] =	vst v5;
	v2 =	vmul.f32 v55, v3;
	v57 =	vpop (erf)  }
0x92: {  	[tilespmem:s13+$0xFFFFFFD0] =	vst v54;
	v59 =	vmul.f32 v57, v1  }
0x93: {  	v60 =	vpop (erf);
	v63 =	vmul.f32 v50, v58;
	[tilespmem:s13+$0xFFFFFFE0] =	vst v2  }
0x94: {  	v61 =	vpop (erf);
	v1 =	vmul.f32 v60, v51;
	[tilespmem:s13+$0xFFFFFFF0] =	vst v59  }
0x95: {  	v62 =	vpop (erf);
	v2 =	vmul.f32 v61, v53;
	[tilespmem:s13+$0xFFFFFFC0] =	vst v63  }
0x96: {  	s17 =	sadd.s32 s7, s0;
	[tilespmem:s13+$0x0] =	vst v1;
	v0 =	vmul.f32 v62, v56  }
0x97: {  	p0 =	seq.s32 s1, $0x27;
	s16 =	sshll.u32 s17, $0x8;
	[tilespmem:s13+$0x10] =	vst v2  }
0x98: {  	p1 =	seq.s32 @!p0 s1, $0x0;
	s17 =	simm.s32 @!p0 $0x2800;
	s19 =	sadd.s32 s3, s16;
	[tilespmem:s13+$0x20] =	vst v0  }
0x99: {  	[hbm4b:s19+s2] =	stream.linear.scatter [tilespmem:s24], [sflag:$0x5], $0x800, $0x38;
	[tilespmem:$0xA800] =	vst v63  }
0x9a: {  	p1 =	por p0, !p1;
	s13 =	sadd.s32 @!p0 s16, s11;
	s16 =	simm.s32 @!p0 $0x0  }
0x9b: {  	[tilespmem:s17], [sflag:$0x1] =	stream.linear.gather @!p0 [hbm4b:s13+s16], $0x800, $0x38;
	[tilespmem:$0xA800] =	vst v63  }
.Ltmp4:
0x9c: {  	_ = 	snop;
	(pc) =	sbr.rel @!p1 .LBB2_8-.Ltmp4, $4  }
0x9d: {  	s13 =	sshll.u32 @!p0 s1, $0x8  }
0x9e: {  	s0 =	sor.u32 @!p0 $0x1, s0;
	s13 =	sand.u32 @!p0 $0x3FFFFF00, s13  }
0x9f: {  	s16 =	simm.s32 @!p0 $0x80;
	s17 =	simm.s32 @!p0 $0x3800;
	s13 =	sadd.s32 @!p0 $0x100, s13  }
0xa0: {  	[tilespmem:s17], [sflag:$0x3] =	stream.indirect.gather @!p0 [hbm4b:s4+s16], $0x10, s13, s16, $0xb8;
	[tilespmem:$0xA800] =	vst v63  }
0xa1: {  	_ =	swait.ge [sflag:s30], $0x800  }
0xa2: {  	[sflag:s30] =	ssyncset.done $0x0  }
0xa3: {  	s0 =	simm.s32 @p0 $0x4F;
	[sflag:s30] =	ssyncadd.s32 $0xFFFFF800  }
.LBB2_8:
0xa4: {  	_ =	swait.ge [sflag:s25], $0x800  }
0xa5: {  	[sflag:s25] =	ssyncset.done $0x0  }
0xa6: {  	[sflag:s25] =	ssyncadd.s32 $0xFFFFF800  }
0xa7: {  	_ =	swait.ge [sflag:s26], $0x800  }
0xa8: {  	[sflag:s26] =	ssyncset.done $0x0  }
0xa9: {  	s13 =	simm.s32 $0x4040;
	[sflag:s26] =	ssyncadd.s32 $0xFFFFF800  }
0xaa: {  	v0 =	vld [tilespmem:s13+$0x30]  }
0xab: {  	v1 =	vld [tilespmem:s13+$0xFFFFFFC0]  }
0xac: {  	v2 =	vld [tilespmem:s13+$0xFFFFFFD0]  }
0xad: {  	v3 =	vld [tilespmem:s13+$0xFFFFFFE0]  }
0xae: {  	v4 =	vld [tilespmem:s13+$0xFFFFFFF0]  }
0xaf: {  	v5 =	vld [tilespmem:s13+$0x0]  }
0xb0: {  	v6 =	vld [tilespmem:s13+$0x10];
	v0 =	vadd.f32 $1.000000020e-16, v0  }
0xb1: {  	s17 =	simm.s32 $0x3040;
	v7 =	vld [tilespmem:s13+$0x20];
	v1 =	vadd.f32 $1.000000020e-16, v1  }
0xb2: {  	v8 =	vld [tilespmem:s17+$0x30];
	v2 =	vadd.f32 $1.000000020e-16, v2;
	(erf) = vrcp.f32 v0  }
0xb3: {  	v9 =	vld [tilespmem:s17+$0xFFFFFFD0];
	(erf) = vrcp.f32 v1  }
0xb4: {  	s19 =	simm.s32 $0x40C0;
	v10 =	vld [tilespmem:s17+$0xFFFFFFE0];
	v0 =	vadd.f32 $1.000000020e-16, v3;
	(erf) = vrcp.f32 v2  }
0xb5: {  	v3 =	vadd.f32 $1.000000020e-16, v4;
	v2 =	vld [tilespmem:s19+$0x30]  }
0xb6: {  	v4 =	vadd.f32 $1.000000020e-16, v5;
	(erf) = vrcp.f32 v0;
	v0 =	vld [tilespmem:s19+$0xFFFFFFC0]  }
0xb7: {  	v5 =	vadd.f32 $1.000000020e-16, v6;
	(erf) = vrcp.f32 v3;
	v3 =	vld [tilespmem:s19+$0xFFFFFFD0]  }
0xb8: {  	v6 =	vadd.f32 $1.000000020e-16, v7;
	(erf) = vrcp.f32 v4;
	v4 =	vld [tilespmem:s19+$0xFFFFFFE0]  }
0xb9: {  	(erf) = vrcp.f32 v5;
	v5 =	vld [tilespmem:s19+$0xFFFFFFF0]  }
0xba: {  	(erf) = vrcp.f32 v6;
	v6 =	vld [tilespmem:s19+$0x0];
	v2 =	vadd.f32 $1.000000020e-16, v2  }
0xbb: {  	v11 =	vld [tilespmem:s19+$0x10];
	v7 =	vadd.f32 $1.000000020e-16, v0;
	v12 =	vpop (erf)  }
0xbc: {  	v13 =	vld [tilespmem:s19+$0x20];
	v3 =	vadd.f32 $1.000000020e-16, v3;
	(erf) = vrcp.f32 v2;
	v0 =	vpop (erf)  }
0xbd: {  	v1 =	vld [tilespmem:s17+$0xFFFFFFF0];
	v2 =	vadd.f32 $1.000000020e-16, v4;
	(erf) = vrcp.f32 v7;
	v4 =	vmul.f32 v12, v8;
	v8 =	vpop (erf)  }
0xbe: {  	v7 =	vld [tilespmem:s17+$0x0];
	(erf) = vrcp.f32 v3;
	v3 =	vmul.f32 v8, v9  }
0xbf: {  	v59 =	vld [tilespmem:s17+$0x10];
	v5 =	vadd.f32 $1.000000020e-16, v5;
	v6 =	vadd.f32 $1.000000020e-16, v6  }
0xc0: {  	s16 =	simm.s32 $0x5040;
	v60 =	vld [tilespmem:s17+$0x20];
	v8 =	vpop (erf);
	(erf) = vrcp.f32 v2  }
0xc1: {  	v61 =	vadd.f32 $1.000000020e-16, v11;
	[tilespmem:s16+$0x30] =	vst v4;
	v4 =	vld [tilespmem:s17+$0xFFFFFFC0];
	s17 =	simm.s32 $0x30C0;
	v2 =	vmul.f32 v8, v10;
	v8 =	vpop (erf);
	(erf) = vrcp.f32 v5  }
0xc2: {  	v5 =	vld [tilespmem:s17+$0x30];
	[tilespmem:s16+$0xFFFFFFD0] =	vst v3;
	v1 =	vmul.f32 v8, v1;
	v8 =	vadd.f32 $1.000000020e-16, v13;
	(erf) = vrcp.f32 v6;
	v3 =	vpop (erf)  }
0xc3: {  	[tilespmem:s16+$0xFFFFFFE0] =	vst v2;
	v2 =	vld [tilespmem:s17+$0xFFFFFFD0];
	(erf) = vrcp.f32 v61;
	v6 =	vpop (erf);
	v62 =	vmul.f32 v3, v7  }
0xc4: {  	[tilespmem:s16+$0xFFFFFFF0] =	vst v1;
	v1 =	vld [tilespmem:s17+$0xFFFFFFF0];
	(erf) = vrcp.f32 v8;
	v63 =	vpop (erf);
	v7 =	vmul.f32 v6, v59  }
0xc5: {  	s13 =	simm.s32 $0x4140;
	s19 =	simm.s32 $0x8;
	v3 =	vld [tilespmem:s17+$0xFFFFFFE0];
	[tilespmem:s16+$0x0] =	vst v62;
	v6 =	vmul.f32 v63, v60  }
.LBB2_9:
0xc6: {  	v8 =	vld [tilespmem:s13+$0x30];
	s19 =	sadd.s32 $0x8, s19;
	v9 =	vpop (erf);
	v4 =	vmul.f32 v0, v4;
	[tilespmem:s16+$0x10] =	vst v7  }
0xc7: {  	v7 =	vld [tilespmem:s13+$0xFFFFFFC0];
	p1 =	slt.u32 s19, $0x78;
	v10 =	vmul.f32 v9, v5;
	v0 =	vpop (erf);
	[tilespmem:s16+$0x20] =	vst v6  }
0xc8: {  	v6 =	vld [tilespmem:s13+$0xFFFFFFD0];
	v9 =	vpop (erf);
	[tilespmem:s16+$0xFFFFFFC0] =	vst v4;
	s16 =	sadd.s32 $0x80, s16  }
0xc9: {  	v4 =	vld [tilespmem:s13+$0xFFFFFFE0];
	v2 =	vmul.f32 v9, v2;
	[tilespmem:s16+$0x30] =	vst v10;
	v5 =	vpop (erf)  }
0xca: {  	v9 =	vld [tilespmem:s13+$0xFFFFFFF0];
	v3 =	vmul.f32 v5, v3;
	v5 =	vpop (erf)  }
0xcb: {  	v10 =	vld [tilespmem:s13+$0x0];
	v12 =	vadd.f32 $1.000000020e-16, v8;
	[tilespmem:s16+$0xFFFFFFD0] =	vst v2;
	v1 =	vmul.f32 v5, v1;
	v11 =	vpop (erf)  }
0xcc: {  	v2 =	vadd.f32 $1.000000020e-16, v7;
	v5 =	vld [tilespmem:s13+$0x10];
	[tilespmem:s16+$0xFFFFFFE0] =	vst v3;
	v7 =	vpop (erf)  }
0xcd: {  	v3 =	vadd.f32 $1.000000020e-16, v6;
	v6 =	vld [tilespmem:s13+$0x20];
	(erf) = vrcp.f32 v12;
	[tilespmem:s16+$0xFFFFFFF0] =	vst v1;
	v8 =	vpop (erf)  }
0xce: {  	v1 =	vadd.f32 $1.000000020e-16, v4;
	(erf) = vrcp.f32 v2;
	v12 =	vld [tilespmem:s17+$0x0]  }
0xcf: {  	v2 =	vadd.f32 $1.000000020e-16, v9;
	(erf) = vrcp.f32 v3;
	v9 =	vld [tilespmem:s17+$0x10]  }
0xd0: {  	v3 =	vadd.f32 $1.000000020e-16, v10;
	(erf) = vrcp.f32 v1;
	v10 =	vld [tilespmem:s17+$0x20]  }
.Ltmp5:
0xd1: {  	v1 =	vadd.f32 $1.000000020e-16, v5;
	(erf) = vrcp.f32 v2;
	v4 =	vld [tilespmem:s17+$0xFFFFFFC0];
	s17 =	sadd.s32 $0x80, s17;
	(pc) =	sbr.rel @p1 .LBB2_9-.Ltmp5, $4  }
0xd2: {  	v6 =	vadd.f32 $1.000000020e-16, v6;
	v5 =	vld [tilespmem:s17+$0x30];
	(erf) = vrcp.f32 v3  }
0xd3: {  	v2 =	vld [tilespmem:s17+$0xFFFFFFD0];
	(erf) = vrcp.f32 v1;
	v11 =	vmul.f32 v11, v12  }
0xd4: {  	v3 =	vld [tilespmem:s17+$0xFFFFFFE0];
	(erf) = vrcp.f32 v6;
	v7 =	vmul.f32 v7, v9  }
0xd5: {  	s13 =	sadd.s32 $0x80, s13;
	v1 =	vld [tilespmem:s17+$0xFFFFFFF0];
	[tilespmem:s16+$0x0] =	vst v11;
	v6 =	vmul.f32 v8, v10  }
0xd6: {  	v8 =	vpop (erf)  }
0xd7: {  	v0 =	vmul.f32 v0, v4;
	[tilespmem:s16+$0x10] =	vst v7;
	v58 =	vld [tilespmem:s17+$0xFFFFFFC0];
	v50 =	vpop (erf)  }
0xd8: {  	v51 =	vld [tilespmem:s17+$0x0];
	v5 =	vmul.f32 v8, v5;
	[tilespmem:s16+$0x20] =	vst v6;
	v52 =	vpop (erf)  }
0xd9: {  	v53 =	vld [tilespmem:s17+$0x10];
	s13 =	sadd.s32 $0x80, s16;
	[tilespmem:s16+$0xFFFFFFC0] =	vst v0;
	v54 =	vmul.f32 v52, v2;
	v55 =	vpop (erf)  }
0xda: {  	v56 =	vld [tilespmem:s17+$0x20];
	[tilespmem:s13+$0x30] =	vst v5;
	v2 =	vmul.f32 v55, v3;
	v57 =	vpop (erf)  }
0xdb: {  	[tilespmem:s13+$0xFFFFFFD0] =	vst v54;
	v59 =	vmul.f32 v57, v1  }
0xdc: {  	v60 =	vpop (erf);
	v63 =	vmul.f32 v50, v58;
	[tilespmem:s13+$0xFFFFFFE0] =	vst v2  }
0xdd: {  	v61 =	vpop (erf);
	v1 =	vmul.f32 v60, v51;
	[tilespmem:s13+$0xFFFFFFF0] =	vst v59  }
.Ltmp6:
0xde: {  	s0 =	sadd.s32 s7, s0;
	v62 =	vpop (erf);
	v2 =	vmul.f32 v61, v53;
	[tilespmem:s13+$0xFFFFFFC0] =	vst v63;
	(pc) =	sbr.rel @p0 .LBB2_12-.Ltmp6, $4  }
0xdf: {  	s0 =	sshll.u32 s0, $0x8;
	[tilespmem:s13+$0x0] =	vst v1;
	v0 =	vmul.f32 v62, v56  }
0xe0: {  	s17 =	sand.u32 $0x1FFFFF00, s0;
	[tilespmem:s13+$0x10] =	vst v2  }
0xe1: {  	s19 =	sadd.s32 s3, s17;
	[tilespmem:s13+$0x20] =	vst v0  }
0xe2: {  	[hbm4b:s19+s2] =	stream.linear.scatter [tilespmem:s28], [sflag:$0x6], $0x800, $0x38;
	[tilespmem:$0xA800] =	vst v63  }
.Ltmp7:
0xe3: {  	s0 =	sadd.s32 s0, s11;
	s19 =	sshll.u32 s1, $0x8;
	(pc) =	sbr.rel .LBB2_4-.Ltmp7, $4  }
0xe4: {  	[tilespmem:s20], [sflag:$0x2] =	stream.linear.gather [hbm4b:s0+s2], $0x800, $0x38;
	[tilespmem:$0xA800] =	vst v63  }
0xe5: {  	s0 =	sand.u32 $0x3FFFFF00, s19  }
0xe6: {  	s1 =	sadd.s32 $0x1, s1;
	s0 =	sadd.s32 $0x180, s0  }
0xe7: {  	[tilespmem:s21], [sflag:$0x4] =	stream.indirect.gather [hbm4b:s4+s18], $0x10, s0, s18, $0xb8;
	[tilespmem:$0xA800] =	vst v63  }
.LBB2_13:
0xe8: {  	_ =	sfence.sel $0x180000  }
0xe9: {  	[bflag:$0x0] =	sbarrier.arrive $0xFFFF  }
0xea: {  	_ =	strace $0x9000004A  }
0xeb: {  	s0 =	stileid.u32;
	[bflag:$0x2] =	sbarrier.arrive $0xFFFF  }
0xec: {  	p0 =	sne.s32 s0, $0x0;
	s0 =	rddreg [dreg:$0x1]  }
0xed: {  	s0 =	sadd.s32 @!p0 $0x100000, s0  }
0xee: {  	[sflag:s0] =	ssyncadd.tile.s32 @!p0 $0x1;
	_ =	shalt  }
.Lfunc_end2:
_tile_overlayer_lowered:
.L_overlay_start_2:
0xef: {  	(tag) =	ssettag $0x2  }
0xf0: {  	s0 =	rddreg [dreg:$0x0];
	s2 =	stileid.u32  }
0xf1: {  	s1 =	rddreg [dreg:$0x1];
	p0 =	sne.s32 s2, $0x0  }
0xf2: {  	s3 =	rddreg [dreg:$0x2];
	[bflag:$0x3] =	sbarrier.arrive $0xFFFF;
	s2 =	simm.s32 @!p0 $0x1C07  }
0xf3: {  	[timem:s3], [sflag:s2] =	dma.local @!p0 [hbm:s0], s1  }
0xf4: {  	s0 =	simm.s32 @!p0 $0x7  }
0xf5: {  	_ =	swait.ge @!p0 [sflag:s0], s1  }
0xf6: {  	s1 =	ssub.s32 @!p0 $0x0, s1;
	[sflag:s0] =	ssyncset.done @!p0 $0x0  }
0xf7: {  	[sflag:s0] =	ssyncadd.s32 @!p0 s1  }
0xf8: {  	[bflag:$0x3] =	sbarrier.arrive $0xFFFF  }
0xf9: {  	_ =	shalt  }

// kernel: kernel.14.cloned.1.call-start
scs
__scs_entry_jumppad:
0x0: {  	(pc) =	sbr.rel $0x88, $3  }
0x1: {  	(tag) =	ssettag $0x0;
	lr =	simm.s32 $0x1  }
0x2: {  	[smem:$0x3F90] =	sst lr;
	_ =	strace $0xD0000000  }
0x3: {  	_ = 	snop  }
0x4: {  	_ = 	snop  }
0x5: {  	_ = 	snop  }
0x6: {  	_ = 	snop  }
0x7: {  	_ = 	snop  }
__scs_overlays_trampoline_lowered:
0x8: {  	[smem:$0x3F9F] =	sst s0  }
0x9: {  	[smem:$0x3FA0] =	sst s1  }
0xa: {  	[smem:$0x3FA1] =	sst s2  }
0xb: {  	[smem:$0x3FA2] =	sst s3  }
0xc: {  	[smem:$0x3FA3] =	sst s4  }
0xd: {  	[smem:$0x3FA4] =	sst s5  }
0xe: {  	[smem:$0x3FA5] =	sst s6  }
0xf: {  	[smem:$0x3FA6] =	sst s7  }
0x10: {  	[smem:$0x3FA7] =	sst s8  }
0x11: {  	[smem:$0x3FA8] =	sst s9;
	s0 =	simm.s32 @!p0 $0x0  }
0x12: {  	s1 =	sld [smem:$0x3F8E];
	s0 =	simm.s32 @p0 $0x1  }
0x13: {  	[smem:$0x3FA9] =	sst s0;
	s0 =	simm.s32 @!p1 $0x0  }
0x14: {  	s2 =	sld [smem:$0x3F8D];
	s0 =	simm.s32 @p1 $0x1  }
0x15: {  	[smem:$0x3FAA] =	sst s0;
	s0 =	simm.s32 @!p2 $0x0  }
0x16: {  	s3 =	sld [smem:$0x3FDB];
	s0 =	simm.s32 @p2 $0x1  }
0x17: {  	s4 =	simm.s32 $0x1BF5;
	[smem:$0x3FAC] =	sst s0  }
0x18: {  	s0 =	sld [smem:$0x3F8F];
	_ =	swait.ge [sflag:s4], $0x0  }
0x19: {  	s7 =	sld [smem:$0x3F90]  }
0x1a: {  	s8 =	sadd.s32 $0xFFFFE003, lr  }
0x1b: {  	s9 =	sadd.s32 $0xFFFFFEF7, lr;
	s5 =	simm.s32 $0xFFFFFFFF;
	p2 =	slt.u32 s8, $0xFFFFF086  }
0x1c: {  	p1 =	slt.u32 s9, $0xF7A;
	s5 =	simm.s32 @!p2 $0x0  }
0x1d: {  	s5 =	simm.s32 @p1 $0x1;
	p0 =	seq.s32 s7, s2  }
0x1e: {  	s7 =	smul.u32 @!p0 $0xF7A, s2;
	p2 =	seq.s32 @!p0 s5, $0x0  }
0x1f: {  	s9 =	smul.u32 $0xF7A, s1;
	s8 =	simm.s32 @!p0 $0x1BF5;
	p2 =	por !p2, p0  }
0x20: {  	[sflag:s8] =	ssyncset.s32 @!p0 $0xFFFFF086;
	s6 =	sadd.s32 @!p0 s3, s7;
	s7 =	simm.s32 @!p0 $0x108  }
0x21: {  	s3 =	sadd.s32 s3, s9;
	s6 =	sadd.s32 @!p0 $0x88, s6;
	s7 =	simm.s32 @p2 $0x1082  }
0x22: {  	[simem:s7], [sflag:s8] =	dma.local @!p0 [hbm:s6], $0xF7A  }
0x23: {  	s9 =	sor.u32 $0xD0000000, s2;
	s6 =	simm.s32 $0x108;
	_ =	swait.ge @!p0 [sflag:s8], $0x0  }
0x24: {  	s3 =	sadd.s32 $0x88, s3;
	s6 =	simm.s32 @!p1 $0x1082;
	[sflag:s4] =	ssyncset.s32 $0xFFFFF086  }
0x25: {  	[simem:s6], [sflag:s4] =	dma.local [hbm:s3], $0xF7A  }
0x26: {  	[smem:$0x3F90] =	sst s1;
	(tag) =	ssettag s2;
	_ =	strace s9  }
0x27: {  	s1 =	sld [smem:$0x3FA0]  }
0x28: {  	s2 =	sld [smem:$0x3FA1]  }
0x29: {  	s4 =	sld [smem:$0x3FA3]  }
0x2a: {  	p0 =	seq.s32 s5, $0x0;
	s5 =	sld [smem:$0x3FA4]  }
0x2b: {  	s6 =	sld [smem:$0x3FA5]  }
0x2c: {  	s7 =	sld [smem:$0x3FA6]  }
0x2d: {  	s3 =	simm.s32 $0x108;
	s8 =	sld [smem:$0x3FA7]  }
0x2e: {  	s3 =	simm.s32 @!p0 $0x1082;
	s9 =	sld [smem:$0x3FA8]  }
0x2f: {  	lr =	sadd.s32 s0, s3;
	s0 =	sld [smem:$0x3F9F]  }
0x30: {  	s3 =	sld [smem:$0x3FA2]  }
0x31: {  	[smem:$0x3FAB] =	sst s10  }
0x32: {  	s10 =	sld [smem:$0x3FA9];
	_ =	sdelay $0x3  }
0x33: {  	p0 =	seq.s32 s10, $0x1;
	s10 =	sld [smem:$0x3FAB];
	_ =	sdelay $0x3  }
0x34: {  	[smem:$0x3FAB] =	sst s10  }
0x35: {  	s10 =	sld [smem:$0x3FAA];
	_ =	sdelay $0x3  }
0x36: {  	p1 =	seq.s32 s10, $0x1;
	s10 =	sld [smem:$0x3FAB];
	_ =	sdelay $0x3  }
0x37: {  	[smem:$0x3FAB] =	sst s10  }
0x38: {  	s10 =	sld [smem:$0x3FAC]  }
0x39: {  	_ = 	snop;
	(pc) =	sbr.ind lr, $3  }
0x3a: {  	_ = 	snop  }
0x3b: {  	_ = 	snop  }
0x3c: {  	p2 =	seq.s32 s10, $0x1;
	s10 =	sld [smem:$0x3FAB]  }
0x3d: {  	_ =	shalt  }
0x3e: {  	_ =	shalt  }
0x3f: {  	_ =	shalt  }
0x40: {  	_ =	shalt  }
0x41: {  	_ =	shalt  }
0x42: {  	_ =	shalt  }
0x43: {  	_ =	shalt  }
0x44: {  	_ =	shalt  }
0x45: {  	_ =	shalt  }
0x46: {  	_ =	shalt  }
0x47: {  	_ =	shalt  }
0x48: {  	_ =	shalt  }
0x49: {  	_ =	shalt  }
0x4a: {  	_ =	shalt  }
0x4b: {  	_ =	shalt  }
0x4c: {  	_ =	shalt  }
0x4d: {  	_ =	shalt  }
0x4e: {  	_ =	shalt  }
0x4f: {  	_ =	shalt  }
0x50: {  	_ =	shalt  }
0x51: {  	_ =	shalt  }
0x52: {  	_ =	shalt  }
0x53: {  	_ =	shalt  }
0x54: {  	_ =	shalt  }
0x55: {  	_ =	shalt  }
0x56: {  	_ =	shalt  }
0x57: {  	_ =	shalt  }
0x58: {  	_ =	shalt  }
0x59: {  	_ =	shalt  }
0x5a: {  	_ =	shalt  }
0x5b: {  	_ =	shalt  }
0x5c: {  	_ =	shalt  }
0x5d: {  	_ =	shalt  }
0x5e: {  	_ =	shalt  }
0x5f: {  	_ =	shalt  }
0x60: {  	_ =	shalt  }
0x61: {  	_ =	shalt  }
0x62: {  	_ =	shalt  }
0x63: {  	_ =	shalt  }
0x64: {  	_ =	shalt  }
0x65: {  	_ =	shalt  }
0x66: {  	_ =	shalt  }
0x67: {  	_ =	shalt  }
0x68: {  	_ =	shalt  }
0x69: {  	_ =	shalt  }
0x6a: {  	_ =	shalt  }
0x6b: {  	_ =	shalt  }
0x6c: {  	_ =	shalt  }
0x6d: {  	_ =	shalt  }
0x6e: {  	_ =	shalt  }
0x6f: {  	_ =	shalt  }
0x70: {  	_ =	shalt  }
0x71: {  	_ =	shalt  }
0x72: {  	_ =	shalt  }
0x73: {  	_ =	shalt  }
0x74: {  	_ =	shalt  }
0x75: {  	_ =	shalt  }
0x76: {  	_ =	shalt  }
0x77: {  	_ =	shalt  }
0x78: {  	_ =	shalt  }
0x79: {  	_ =	shalt  }
0x7a: {  	_ =	shalt  }
0x7b: {  	_ =	shalt  }
0x7c: {  	_ =	shalt  }
0x7d: {  	_ =	shalt  }
0x7e: {  	_ =	shalt  }
0x7f: {  	_ =	shalt  }
0x80: {  	_ =	shalt  }
0x81: {  	_ =	shalt  }
0x82: {  	_ =	shalt  }
0x83: {  	_ =	shalt  }
0x84: {  	_ =	shalt  }
0x85: {  	_ =	shalt  }
0x86: {  	_ =	shalt  }
0x87: {  	_ =	shalt  }
.Lfunc_end0:
.L_simem_size_0:
called_computation.2_lowered:
.L_overlay_start_0:
0x88: {  	s2 =	sld [smem:$0x3FD9]  }
0x89: {  	s3 =	sld [smem:$0x3FFE];
	_ =	sdelay $0x1  }
0x8a: {  	s1 =	srdreg.scid  }
0x8b: {  	s0 =	sand.u32 $0x1, s1  }
0x8c: {  	s14 =	sshll.u32 s0, $0xA;
	s2 =	sadd.s32 s3, s2  }
0x8d: {  	s2 =	sadd.s32 s2, s14  }
0x8e: {  	[smem:$0x3FB7] =	sst s2  }
0x8f: {  	_ = 	snop  }
0x90: {  	s2 =	sld [smem:$0x3FD0];
	_ =	sdelay $0x2  }
0x91: {  	s15 =	simm.s32 $0xA;
	s4 =	simm.s32 $0x10  }
0x92: {  	[smem:s4], [sflag:s15] =	dma.local [hbm:s2], $0x1  }
0x93: {  	_ =	swait.eq [sflag:s15], $0x1  }
0x94: {  	[sflag:s15] =	ssyncset.done $0x0  }
0x95: {  	[sflag:s15] =	ssyncadd.s32 $0xFFFFFFFF  }
0x96: {  	s16 =	sld [smem:$0x10];
	(tm) =	ssettm $0x1  }
0x97: {  	s17 =	sld [smem:$0x3FFB];
	_ =	sdelay $0x3  }
0x98: {  	_ =	strace s17  }
0x99: {  	s3 =	sld [smem:$0x3FFC];
	_ =	sdelay $0x3  }
0x9a: {  	_ =	strace s3  }
0x9b: {  	s3 =	sld [smem:$0x3FFD];
	_ =	sdelay $0x3  }
0x9c: {  	_ =	strace s3  }
0x9d: {  	_ =	strace $0x8FFFFFFF  }
0x9e: {  	s18 =	sld [smem:$0x3FDB];
	_ =	sdelay $0x1  }
0x9f: {  	s19 =	simm.s32 $_scs_section_size  }
0xa0: {  	s5 =	simm.s32 $_size__tile_overlayer_lowered;
	s6 =	simm.s32 $_tile_overlayer_lowered  }
0xa1: {  	s22 =	simm.s32 $0x1BFF;
	s21 =	sshll.u32 s6, $0x1;
	s3 =	sadd.s32 s19, s18  }
0xa2: {  	s7 =	simm.s32 $0x0;
	s20 =	sshll.u32 s5, $0x1;
	s5 =	sadd.s32 s21, s3  }
0xa3: {  	[timem:s7], [sflag:s22] =	dma.local [hbm:s5], s20  }
0xa4: {  	_ =	swait.ge [sflag:s22], s20  }
0xa5: {  	s4 =	ssub.s32 $0x0, s20;
	[sflag:s22] =	ssyncset.done $0x0  }
0xa6: {  	[sflag:s22] =	ssyncadd.s32 s4;
	_ =	sdelay $0x1  }
0xa7: {  	s23 =	simm.s32 $0x1B8B  }
0xa8: {  	_ =	swait.ge [sflag:s23], $0x1  }
0xa9: {  	[sflag:s23] =	ssyncset.done $0x0  }
0xaa: {  	s25 =	simm.s32 $0x1B8E;
	s24 =	sld [smem:$0x3FFE];
	[sflag:s23] =	ssyncadd.s32 $0xFFFFFFFF  }
0xab: {  	s26 =	simm.s32 $execute0_lowered;
	[smem:$0x3FD2] =	sst s25  }
0xac: {  	s5 =	sshll.u32 s26, $0x1;
	_ =	strace $0x8000004C;
	[dreg:$0x1] =	wrdreg $0xFFFFFFFF  }
0xad: {  	s28 =	simm.s32 $_size_execute0_lowered;
	s3 =	sadd.s32 s3, s5;
	[dreg:$0x0] =	wrdreg $0x0  }
0xae: {  	s5 =	sshll.u32 s28, $0x1;
	[dreg:$0x2] =	wrdreg s3  }
0xaf: {  	[dreg:$0x3] =	wrdreg s5  }
0xb0: {  	[dreg:$0x4] =	wrdreg $0xC0  }
0xb1: {  	_ =	task [dreg:s7], $0x5FFFF  }
0xb2: {  	[dreg:$0x1] =	wrdreg $0xFFFFFFFF  }
0xb3: {  	[dreg:$0x0] =	wrdreg $0x60  }
0xb4: {  	[dreg:$0x2] =	wrdreg s24  }
0xb5: {  	[dreg:$0x3] =	wrdreg s16  }
0xb6: {  	[dreg:$0x4] =	wrdreg $0x0  }
0xb7: {  	[dreg:$0x5] =	wrdreg $0xA0000  }
0xb8: {  	[dreg:$0x6] =	wrdreg $0x9  }
0xb9: {  	_ =	task.clear_ibuf [dreg:s7], $0x7FFFF;
	_ =	strace $0x9000004C  }
0xba: {  	s29 =	simm.s32 $0x9;
	_ =	strace $0x8000004E  }
0xbb: {  	_ =	swait.ge [sflag:s29], $0x1  }
0xbc: {  	[sflag:s29] =	ssyncadd.s32 $0xFFFFFFFF  }
0xbd: {  	_ =	strace $0x9000004E  }
0xbe: {  	_ =	sfence  }
0xbf: {  	s30 =	sld [smem:$0x0];
	_ =	sdelay $0x2  }
0xc0: {  	s31 =	sshll.u32 s1, $0xD;
	s1 =	sshrl.u32 s1, $0x2  }
0xc1: {  	s3 =	sand.u32 $0x4000, s31;
	s1 =	sadd.s32 s1, s30  }
0xc2: {  	s0 =	sor.u32 s3, s0;
	s1 =	sshll.u32 s1, $0x11  }
0xc3: {  	s0 =	sor.u32 s1, s0  }
0xc4: {  	s0 =	sadd.s32 $0x8F2B, s0  }
0xc5: {  	[sflag:s0] =	ssyncadd.remote.s32 $0x1  }
0xc6: {  	_ =	sfence.sel $0xFFFF  }
0xc7: {  	[dreg:$0x0] =	wrdreg $0xFFFFFFFF;
	(pc) =	sbr.abs _section_cstart, $3  }
0xc8: {  	[dreg:$0x1] =	wrdreg $0xFFFFFFFF  }
0xc9: {  	_ =	task.clear_ibuf [dreg:s7], $0x2FFFF;
	_ =	strace $0x9FFFFFFF  }
0xca: {  	(tm) =	ssettm $0x7FFFFFFF  }
0xcb: {  	_ =	shalt  }
tec
execute0_lowered:
.L_overlay_start_1:
0x0: {  	(tag) =	ssettag $0x1  }
0x1: {  	s0 =	rddreg [dreg:$0x0]  }
0x2: {  	s2 =	rddreg [dreg:$0x2]  }
0x3: {  	s3 =	rddreg [dreg:$0x3];
	s11 =	stileid.u32  }
0x4: {  	s4 =	simm.s32 $0x0;
	s1 =	srdreg.scid;
	s29 =	smul.u32 $0x280, s11  }
0x5: {  	[smem:$0x7FF] =	sst s4;
	s14 =	sadd.s32 $0x2800, s0;
	s7 =	smul.u32 $0x14000, s11  }
0x6: {  	s1 =	sand.u32 $0x1, s1;
	s5 =	sadd.s32 $0xEDA00, s0;
	s9 =	smul.u32 $0xA000, s11  }
0x7: {  	s6 =	sadd.s32 $0x2F800, s0;
	s19 =	sadd.s32 $0x2A800, s0;
	s25 =	smul.u32 $0x28000, s11  }
0x8: {  	s26 =	sshll.u32 s11, $0x6;
	_ =	strace $0x8000004D;
	[dreg:$0x6] =	wrdreg s5  }
0x9: {  	s30 =	sadd.s32 $0xEDB00, s0;
	s17 =	sadd.s32 $0xEDC00, s0;
	[dreg:$0x7] =	wrdreg s6  }
0xa: {  	s23 =	smul.u32 $0x14000, s1;
	s24 =	ssub.s32 $0x2, s1;
	[dreg:$0xf] =	wrdreg s30  }
0xb: {  	s31 =	sshll.u32 s1, $0x6;
	s30 =	smul.u32 $0xA0, s11;
	[dreg:$0x5] =	wrdreg s14  }
0xc: {  	s11 =	simm.s32 $0x16800;
	[dreg:$0x8] =	wrdreg s19;
	s8 =	sshrl.u32 s24, $0x1  }
0xd: {  	s7 =	sor.u32 s31, s7;
	s10 =	sadd.s32 s9, s2;
	s28 =	sshrl.u32 s25, $0x2  }
0xe: {  	s13 =	sshrl.u32 s9, $0x3;
	s25 =	simm.s32 $0x1;
	[dreg:$0x9] =	wrdreg s29  }
0xf: {  	s9 =	simm.s32 $0x7;
	[dreg:$0xa] =	wrdreg s31;
	s5 =	sadd.s32 s23, s0  }
0x10: {  	s6 =	ssub.s32 s24, s8;
	[dreg:$0xb] =	wrdreg s10;
	s7 =	sshrl.u32 s7, $0x3  }
0x11: {  	s10 =	sor.u32 $0x1C07, s26;
	s12 =	sadd.s32 s28, s3;
	[dreg:$0x16] =	wrdreg s30  }
0x12: {  	s26 =	simm.s32 $0x1E800;
	s7 =	sadd.s32 s14, s7;
	s8 =	sadd.s32 $0x39800, s5  }
0x13: {  	s6 =	smax.u32 s6, $0x1;
	s15 =	sadd.s32 $0x2000, s12;
	[dreg:$0xe] =	wrdreg s12  }
0x14: {  	s16 =	sadd.s32 $0x4000, s12;
	s18 =	sadd.s32 $0x6000, s12;
	[dreg:$0xd] =	wrdreg s10  }
0x15: {  	s20 =	sadd.s32 $0x8000, s12;
	s12 =	simm.s32 $0x18800;
	[dreg:$0xc] =	wrdreg s7  }
0x16: {  	s5 =	simm.s32 $0x0;
	[dreg:$0x10] =	wrdreg s6;
	s0 =	sadd.s32 s13, s8  }
0x17: {  	s7 =	sshll.u32 s1, $0x2;
	s21 =	sshrl.u32 s15, $0x3;
	[dreg:$0x11] =	wrdreg s0  }
0x18: {  	s1 =	sshllo.u32 s1, $0x2;
	s22 =	sshrl.u32 s16, $0x3;
	[dreg:$0x12] =	wrdreg s21  }
0x19: {  	s23 =	sshrl.u32 s18, $0x3;
	s13 =	simm.s32 $0x1F000;
	[dreg:$0x13] =	wrdreg s22  }
0x1a: {  	s18 =	simm.s32 $0x3;
	s15 =	simm.s32 $0x1C800;
	[dreg:$0x14] =	wrdreg s23  }
0x1b: {  	s0 =	sshrl.u32 s20, $0x3;
	s24 =	sor.u32 $0x1, s7;
	s28 =	sor.u32 $0x2, s7  }
0x1c: {  	s20 =	simm.s32 $0x1A800;
	s21 =	simm.s32 $0x6;
	v0 =	vmov s7;
	s22 =	simm.s32 $0x2  }
0x1d: {  	s23 =	simm.s32 $0x4;
	v3 =	vmov s1;
	[dreg:$0x15] =	wrdreg s0;
	s0 =	simm.s32 $0x80;
	v1 =	vmov s24;
	v2 =	vmov s28  }
.LBB2_1:
0x1e: {  	[dreg:$0x17] =	wrdreg s5  }
0x1f: {  	s1 =	rddreg [dreg:$0xb]  }
0x20: {  	s14 =	rddreg [dreg:$0xc];
	s7 =	sshrl.u32 s1, $0x3  }
0x21: {  	s16 =	simm.s32 $0x8;
	s6 =	simm.s32 $0x10;
	[dreg:$0x18] =	wrdreg s7  }
0x22: {  	[spmem:s7@s16], [sflag:s10] =	dma.strided [hbm:s14@s6], $0x1400, s25, $0x8   }
0x23: {  	_ =	swait.ge [sflag:s9], $0x1400  }
0x24: {  	[sflag:s9] =	ssyncset.done $0x0;
	s24 =	rddreg [dreg:$0xe]  }
0x25: {  	[sflag:s9] =	ssyncadd.s32 $0xFFFFEC00;
	s1 =	sshrl.u32 s24, $0x3  }
0x26: {  	[spmem:s1], [sflag:s10] =	dma.local [hbm:s19], $0x400  }
0x27: {  	_ =	swait.ge [sflag:s9], $0x400  }
0x28: {  	[sflag:s9] =	ssyncset.done $0x0  }
0x29: {  	s28 =	rddreg [dreg:$0x12];
	[sflag:s9] =	ssyncadd.s32 $0xFFFFFC00  }
0x2a: {  	[spmem:s28], [sflag:s10] =	dma.local [hbm:s19], $0x400  }
0x2b: {  	_ =	swait.ge [sflag:s9], $0x400  }
0x2c: {  	[sflag:s9] =	ssyncset.done $0x0  }
0x2d: {  	s29 =	rddreg [dreg:$0x13];
	[sflag:s9] =	ssyncadd.s32 $0xFFFFFC00  }
0x2e: {  	[spmem:s29], [sflag:s10] =	dma.local [hbm:s19], $0x400  }
0x2f: {  	_ =	swait.ge [sflag:s9], $0x400  }
0x30: {  	[sflag:s9] =	ssyncset.done $0x0  }
0x31: {  	s30 =	rddreg [dreg:$0x14];
	[sflag:s9] =	ssyncadd.s32 $0xFFFFFC00  }
0x32: {  	[spmem:s30], [sflag:s10] =	dma.local [hbm:s19], $0x400  }
0x33: {  	_ =	swait.ge [sflag:s9], $0x400  }
0x34: {  	[sflag:s9] =	ssyncset.done $0x0  }
0x35: {  	s31 =	rddreg [dreg:$0x15];
	[sflag:s9] =	ssyncadd.s32 $0xFFFFFC00  }
0x36: {  	[spmem:s31], [sflag:s10] =	dma.local [hbm:s19], $0x400  }
.Ltmp0:
0x37: {  	_ =	swait.ge [sflag:s9], $0x400;
	(pc) =	sbr.rel .LBB2_2-.Ltmp0, $4  }
0x38: {  	[sflag:s9] =	ssyncset.done $0x0  }
0x39: {  	[sflag:s9] =	ssyncadd.s32 $0xFFFFFC00  }
0x3a: {  	[bflag:$0x0] =	sbarrier.arrive $0xFFFF  }
0x3b: {  	s1 =	simm.s32 $0x0  }
.LBB2_13:
0x3c: {  	s1 =	sadd.s32 $0x15400, s1;
	s30 =	simm.s32 $0x5  }
0x3d: {  	[spmem:s3] =	stream.indirect.scatter.add.f32 [tilespmem:s15], [sflag:$0x6], $0x40, s1, s0, $0xb8;
	[tilespmem:$0x1F800] =	vst v63  }
0x3e: {  	_ =	swait.ge [sflag:s30], $0x2000  }
0x3f: {  	[sflag:s30] =	ssyncset.done $0x0  }
0x40: {  	[sflag:s30] =	ssyncadd.s32 $0xFFFFE000  }
0x41: {  	_ =	swait.ge [sflag:s21], $0x2000  }
0x42: {  	s31 =	rddreg [dreg:$0x19]  }
0x43: {  	s1 =	sadd.s32 $0x1, s31  }
0x44: {  	p0 =	sne.s32 s1, $0x4  }
.Ltmp1:
0x45: {  	_ = 	snop;
	(pc) =	sbr.rel @!p0 .LBB2_14-.Ltmp1, $3  }
0x46: {  	_ =	sdelay $0x1  }
0x47: {  	[sflag:s21] =	ssyncset.done $0x0  }
0x48: {  	s11 =	simm.s32 $0x16800;
	[sflag:s21] =	ssyncadd.s32 $0xFFFFE000  }
.LBB2_2:
0x49: {  	s9 =	smul.u32 $0x28, s1  }
0x4a: {  	s5 =	rddreg [dreg:$0x16]  }
0x4b: {  	[dreg:$0x19] =	wrdreg s1;
	s31 =	sadd.s32 s5, s9  }
0x4c: {  	s10 =	rddreg [dreg:$0x1];
	s6 =	simm.s32 $0x0;
	s1 =	sshll.u32 s31, $0x4  }
0x4d: {  	s8 =	simm.s32 $0x14000;
	s7 =	simm.s32 $0x7;
	s5 =	sadd.s32 s10, s1  }
0x4e: {  	[tilespmem:s8], [sflag:$0x7] =	stream.linear.gather [hbm4b:s5+s6], $0x1400, $0x38;
	[tilespmem:$0x1F800] =	vst v63  }
0x4f: {  	_ =	swait.ge [sflag:s7], $0x1400  }
0x50: {  	[sflag:s7] =	ssyncset.done $0x0;
	s14 =	rddreg [dreg:$0x7]  }
0x51: {  	s16 =	simm.s32 $0x15400;
	[sflag:s7] =	ssyncadd.s32 $0xFFFFEC00;
	s1 =	sadd.s32 s14, s1  }
0x52: {  	[tilespmem:s16], [sflag:$0x7] =	stream.linear.gather [hbm4b:s1+s6], $0x1400, $0x38;
	[tilespmem:$0x1F800] =	vst v63  }
0x53: {  	_ =	swait.ge [sflag:s7], $0x1400  }
0x54: {  	[sflag:s7] =	ssyncset.done $0x0  }
0x55: {  	s19 =	sshll.u32 s31, $0x8;
	s24 =	rddreg [dreg:$0x6];
	[sflag:s7] =	ssyncadd.s32 $0xFFFFEC00  }
0x56: {  	[tilespmem:s11], [sflag:$0x1] =	stream.indirect.gather [spmem:s2], $0x40, s8, s0, $0xb8;
	[tilespmem:$0x1F800] =	vst v63  }
0x57: {  	s5 =	sadd.s32 s24, s19  }
0x58: {  	[tilespmem:s26], [sflag:$0x3] =	stream.linear.gather [hbm4b:s5+s6], $0x800, $0x38;
	[tilespmem:$0x1F800] =	vst v63  }
0x59: {  	s29 =	simm.s32 $0x14080;
	s30 =	rddreg [dreg:$0xf]  }
0x5a: {  	[tilespmem:s12], [sflag:$0x2] =	stream.indirect.gather [spmem:s2], $0x40, s29, s0, $0xb8;
	[tilespmem:$0x1F800] =	vst v63  }
0x5b: {  	s28 =	simm.s32 $0x16800;
	s1 =	sadd.s32 s19, s30  }
0x5c: {  	[tilespmem:s13], [sflag:$0x4] =	stream.linear.gather [hbm4b:s1+s6], $0x800, $0x38;
	[tilespmem:$0x1F800] =	vst v63  }
.LBB2_3:
0x5d: {  	p0 =	seq.s32 s6, $0x0  }
0x5e: {  	s1 =	simm.s32 @!p0 $0x5  }
0x5f: {  	_ =	swait.ge @!p0 [sflag:s1], $0x2000  }
0x60: {  	[sflag:s1] =	ssyncset.done @!p0 $0x0  }
0x61: {  	[sflag:s1] =	ssyncadd.s32 @!p0 $0xFFFFE000  }
0x62: {  	s9 =	simm.s32 $0x0;
	_ =	swait.ge [sflag:s25], $0x2000  }
0x63: {  	s16 =	simm.s32 $0x30;
	v4 =	vor.u32 s9, v0;
	[sflag:s25] =	ssyncset.done $0x0  }
0x64: {  	v5 =	vor.u32 s16, v0;
	[sflag:s25] =	ssyncadd.s32 $0xFFFFE000  }
0x65: {  	s30 =	simm.s32 $0x10;
	_ =	swait.ge [sflag:s18], $0x800  }
0x66: {  	v6 =	vor.u32 s30, v0;
	[sflag:s18] =	ssyncset.done $0x0  }
0x67: {  	[sflag:s18] =	ssyncadd.s32 $0xFFFFF800  }
0x68: {  	s10 =	simm.s32 $0x20;
	v4 =	vld.idx.msk [tilespmem:v4+s26+$0x0], $0xffff  }
0x69: {  	s8 =	simm.s32 $0x16880;
	v7 =	vor.u32 s10, v0;
	v5 =	vld.idx.msk [tilespmem:v5+s26+$0x0], $0xffff  }
0x6a: {  	v8 =	vld [tilespmem:s8+$0x40]  }
0x6b: {  	v6 =	vld.idx.msk [tilespmem:v6+s26+$0x0], $0xffff  }
0x6c: {  	v9 =	vld [tilespmem:s8+$0xFFFFFF80]  }
0x6d: {  	v10 =	vor.u32 s16, v1;
	v11 =	vld [tilespmem:s8+$0xFFFFFFC0]  }
0x6e: {  	v7 =	vld.idx.msk [tilespmem:v7+s26+$0x0], $0xffff  }
0x6f: {  	v12 =	vld [tilespmem:s8+$0x0];
	v5 =	vmul.f32 v8, v5  }
0x70: {  	s7 =	simm.s32 $0x1A880;
	v13 =	vor.u32 s30, v1  }
0x71: {  	v4 =	vmul.f32 v9, v4;
	[tilespmem:s7+$0x40] =	vst v5  }
0x72: {  	v8 =	vor.u32 s9, v1;
	v6 =	vmul.f32 v11, v6;
	v9 =	vld.idx.msk [tilespmem:v10+s26+$0x0], $0xffff  }
0x73: {  	[tilespmem:s7+$0xFFFFFF80] =	vst v4;
	v10 =	vld [tilespmem:s8+$0x50]  }
0x74: {  	v5 =	vor.u32 s10, v1;
	v4 =	vmul.f32 v12, v7;
	[tilespmem:s7+$0xFFFFFFC0] =	vst v6  }
0x75: {  	v6 =	vld.idx.msk [tilespmem:v13+s26+$0x0], $0xffff  }
0x76: {  	v11 =	vld [tilespmem:s8+$0xFFFFFF90];
	[tilespmem:s7+$0x0] =	vst v4;
	v4 =	vor.u32 s16, v2  }
0x77: {  	v7 =	vld.idx.msk [tilespmem:v8+s26+$0x0], $0xffff  }
0x78: {  	v8 =	vld [tilespmem:s8+$0xFFFFFFD0];
	v9 =	vmul.f32 v10, v9  }
0x79: {  	v5 =	vld.idx.msk [tilespmem:v5+s26+$0x0], $0xffff  }
0x7a: {  	v14 =	vor.u32 s9, v2;
	v10 =	vld [tilespmem:s8+$0x10];
	[tilespmem:s7+$0x50] =	vst v9  }
0x7b: {  	v4 =	vld.idx.msk [tilespmem:v4+s26+$0x0], $0xffff  }
0x7c: {  	s11 =	simm.s32 $0x16980;
	v9 =	vor.u32 s30, v2;
	v7 =	vmul.f32 v11, v7;
	v13 =	vld [tilespmem:s8+$0x60]  }
0x7d: {  	s24 =	simm.s32 $0x40;
	v15 =	vld [tilespmem:s11+$0x40]  }
0x7e: {  	v16 =	vld [tilespmem:s11+$0xFFFFFF80];
	v6 =	vmul.f32 v8, v6;
	v8 =	vor.u32 s24, v0;
	[tilespmem:s7+$0xFFFFFF90] =	vst v7  }
0x7f: {  	v12 =	vor.u32 s10, v2;
	v7 =	vld.idx.msk [tilespmem:v14+s26+$0x0], $0xffff  }
0x80: {  	s29 =	simm.s32 $0x50;
	[tilespmem:s7+$0xFFFFFFD0] =	vst v6;
	v5 =	vmul.f32 v10, v5;
	v14 =	vld [tilespmem:s8+$0xFFFFFFA0]  }
0x81: {  	v10 =	vor.u32 s29, v0;
	v6 =	vld.idx.msk [tilespmem:v9+s26+$0x0], $0xffff;
	v4 =	vmul.f32 v13, v4  }
0x82: {  	s14 =	simm.s32 $0x70;
	[tilespmem:s7+$0x10] =	vst v5;
	v9 =	vld [tilespmem:s8+$0xFFFFFFE0]  }
0x83: {  	s19 =	simm.s32 $0x60;
	v8 =	vld.idx.msk [tilespmem:v8+s26+$0x0], $0xffff;
	[tilespmem:s7+$0x60] =	vst v4;
	v4 =	vor.u32 s14, v0  }
0x84: {  	v5 =	vld.idx.msk [tilespmem:v12+s26+$0x0], $0xffff;
	v13 =	vor.u32 s19, v0  }
0x85: {  	v12 =	vld [tilespmem:s8+$0x20]  }
0x86: {  	v10 =	vld.idx.msk [tilespmem:v10+s26+$0x0], $0xffff  }
0x87: {  	v11 =	vld [tilespmem:s8+$0x70]  }
0x88: {  	v4 =	vld.idx.msk [tilespmem:v4+s26+$0x0], $0xffff  }
0x89: {  	v6 =	vmul.f32 v9, v6;
	v13 =	vld.idx.msk [tilespmem:v13+s26+$0x0], $0xffff  }
0x8a: {  	v5 =	vmul.f32 v12, v5;
	v12 =	vld [tilespmem:s11+$0xFFFFFFC0]  }
0x8b: {  	[tilespmem:s7+$0xFFFFFFE0] =	vst v6;
	v6 =	vmul.f32 v14, v7;
	v7 =	vor.u32 s14, v1;
	v14 =	vld [tilespmem:s11+$0x0]  }
0x8c: {  	[tilespmem:s7+$0x20] =	vst v5;
	v18 =	vld [tilespmem:s8+$0xFFFFFFF0]  }
0x8d: {  	v17 =	vor.u32 s16, v3;
	[tilespmem:s7+$0xFFFFFFA0] =	vst v6;
	v5 =	vld [tilespmem:s8+$0x30];
	v4 =	vmul.f32 v15, v4  }
0x8e: {  	v19 =	vor.u32 s24, v1;
	v9 =	vld [tilespmem:s8+$0xFFFFFFB0];
	s8 =	simm.s32 $0x1A980  }
0x8f: {  	v6 =	vor.u32 s29, v1;
	[tilespmem:s8+$0x40] =	vst v4  }
0x90: {  	v4 =	vmul.f32 v16, v8;
	v7 =	vld.idx.msk [tilespmem:v7+s26+$0x0], $0xffff  }
0x91: {  	v8 =	vmul.f32 v12, v10;
	v10 =	vld [tilespmem:s11+$0x50]  }
0x92: {  	v15 =	vld.idx.msk [tilespmem:v17+s26+$0x0], $0xffff;
	v17 =	vor.u32 s19, v1;
	[tilespmem:s8+$0xFFFFFF80] =	vst v4;
	v4 =	vmul.f32 v14, v13  }
0x93: {  	[tilespmem:s8+$0xFFFFFFC0] =	vst v8;
	v12 =	vld.idx.msk [tilespmem:v19+s26+$0x0], $0xffff  }
0x94: {  	v6 =	vld.idx.msk [tilespmem:v6+s26+$0x0], $0xffff;
	[tilespmem:s8+$0x0] =	vst v4;
	v4 =	vor.u32 s14, v2  }
0x95: {  	v14 =	vld [tilespmem:s11+$0xFFFFFFD0]  }
0x96: {  	v8 =	vor.u32 s30, v3;
	v19 =	vld [tilespmem:s11+$0xFFFFFF90];
	v7 =	vmul.f32 v10, v7  }
0x97: {  	v16 =	vor.u32 s10, v3;
	v13 =	vld.idx.msk [tilespmem:v17+s26+$0x0], $0xffff  }
0x98: {  	v17 =	vor.u32 s9, v3;
	v10 =	vld [tilespmem:s11+$0x10];
	[tilespmem:s8+$0x50] =	vst v7  }
0x99: {  	v20 =	vor.u32 s29, v2;
	v23 =	vld.idx.msk [tilespmem:v4+s26+$0x0], $0xffff  }
0x9a: {  	v24 =	vor.u32 s24, v2;
	v25 =	vld [tilespmem:s11+$0x60]  }
0x9b: {  	v22 =	vor.u32 s19, v2;
	v21 =	vld.idx.msk [tilespmem:v8+s26+$0x0], $0xffff;
	v6 =	vmul.f32 v14, v6  }
0x9c: {  	v12 =	vmul.f32 v19, v12;
	v4 =	vld.idx.msk [tilespmem:v16+s26+$0x0], $0xffff  }
0x9d: {  	v11 =	vmul.f32 v11, v15;
	v15 =	vor.u32 s14, v3;
	[tilespmem:s8+$0xFFFFFFD0] =	vst v6;
	v8 =	vmul.f32 v10, v13;
	v10 =	vld.idx.msk [tilespmem:v17+s26+$0x0], $0xffff  }
0x9e: {  	[tilespmem:s8+$0xFFFFFF90] =	vst v12;
	v14 =	vld.idx.msk [tilespmem:v20+s26+$0x0], $0xffff  }
0x9f: {  	s16 =	simm.s32 $0x16980;
	v7 =	vor.u32 s29, v3;
	v13 =	vld.idx.msk [tilespmem:v24+s26+$0x0], $0xffff;
	[tilespmem:s8+$0x10] =	vst v8;
	v16 =	vmul.f32 v25, v23  }
0xa0: {  	s10 =	sshll.u32 s6, $0x1;
	[tilespmem:s7+$0x70] =	vst v11;
	s9 =	simm.s32 $0x80;
	v6 =	vor.u32 s24, v3;
	s24 =	simm.s32 $0xC;
	v11 =	vmul.f32 v18, v21;
	v8 =	vor.u32 s19, v3;
	v12 =	vld.idx.msk [tilespmem:v22+s26+$0x0], $0xffff  }
.LBB2_4:
0xa1: {  	p1 =	slt.u32 s24, $0x7C;
	v17 =	vor.u32 s9, v0;
	v18 =	vor.u32 s9, v1;
	v19 =	vor.u32 s9, v2;
	s1 =	sadd.s32 $0x10, s9;
	s14 =	sadd.s32 $0x30, s9;
	v20 =	vld [tilespmem:s11+$0xFFFFFFE0];
	[tilespmem:s8+$0x60] =	vst v16  }
0xa2: {  	s5 =	sadd.s32 $0x20, s9;
	v16 =	vor.u32 s1, v0;
	v21 =	vor.u32 s1, v1;
	v22 =	vor.u32 s14, v0;
	v15 =	vld.idx.msk [tilespmem:v15+s26+$0x0], $0xffff;
	[tilespmem:s7+$0xFFFFFFF0] =	vst v11  }
0xa3: {  	v11 =	vor.u32 s1, v2;
	v23 =	vor.u32 s5, v0;
	v24 =	vor.u32 s5, v1;
	v25 =	vld [tilespmem:s11+$0x70]  }
0xa4: {  	v26 =	vor.u32 s1, v3;
	v27 =	vor.u32 s5, v2;
	v28 =	vor.u32 s5, v3;
	v29 =	vld [tilespmem:s11+$0x20]  }
0xa5: {  	v30 =	vor.u32 s9, v3;
	v4 =	vmul.f32 v5, v4;
	v9 =	vmul.f32 v9, v10;
	v31 =	vld [tilespmem:s11+$0xFFFFFFA0]  }
0xa6: {  	v5 =	vld.idx.msk [tilespmem:v17+s26+$0x0], $0xffff;
	v10 =	vmul.f32 v20, v14  }
0xa7: {  	s11 =	sadd.s32 $0x100, s11;
	v14 =	vld.idx.msk [tilespmem:v22+s26+$0x0], $0xffff;
	[tilespmem:s7+$0x30] =	vst v4  }
0xa8: {  	v4 =	vld [tilespmem:s11+$0x40];
	[tilespmem:s8+$0xFFFFFFE0] =	vst v10;
	v10 =	vmul.f32 v25, v15  }
0xa9: {  	v15 =	vld.idx.msk [tilespmem:v16+s26+$0x0], $0xffff;
	v12 =	vmul.f32 v29, v12;
	[tilespmem:s7+$0xFFFFFFB0] =	vst v9;
	s7 =	smov.u32 s8  }
0xaa: {  	v9 =	vld.idx.msk [tilespmem:v23+s26+$0x0], $0xffff;
	v13 =	vmul.f32 v31, v13;
	[tilespmem:s8+$0x70] =	vst v10  }
0xab: {  	v16 =	vor.u32 s14, v1;
	v10 =	vld [tilespmem:s11+$0xFFFFFF80];
	[tilespmem:s8+$0x20] =	vst v12  }
0xac: {  	v12 =	vld [tilespmem:s11+$0xFFFFFFC0];
	[tilespmem:s8+$0xFFFFFFA0] =	vst v13  }
0xad: {  	v13 =	vld [tilespmem:s11+$0x0];
	v4 =	vmul.f32 v4, v14  }
0xae: {  	s8 =	sadd.s32 $0x100, s8;
	v17 =	vld.idx.msk [tilespmem:v7+s26+$0x0], $0xffff;
	v7 =	vmov v26  }
0xaf: {  	[tilespmem:s8+$0x40] =	vst v4;
	v4 =	vld.idx.msk [tilespmem:v8+s26+$0x0], $0xffff;
	v8 =	vmov v28  }
0xb0: {  	v5 =	vmul.f32 v10, v5;
	v14 =	vld.idx.msk [tilespmem:v16+s26+$0x0], $0xffff  }
0xb1: {  	v12 =	vmul.f32 v12, v15;
	v15 =	vld [tilespmem:s11+$0x50]  }
0xb2: {  	[tilespmem:s8+$0xFFFFFF80] =	vst v5;
	v5 =	vmul.f32 v13, v9;
	v10 =	vld.idx.msk [tilespmem:v6+s26+$0x0], $0xffff;
	v6 =	vmov v30  }
0xb3: {  	v9 =	vld.idx.msk [tilespmem:v18+s26+$0x0], $0xffff;
	[tilespmem:s8+$0xFFFFFFC0] =	vst v12  }
0xb4: {  	v12 =	vld.idx.msk [tilespmem:v21+s26+$0x0], $0xffff;
	[tilespmem:s8+$0x0] =	vst v5;
	v5 =	vor.u32 s14, v2  }
0xb5: {  	v13 =	vld.idx.msk [tilespmem:v24+s26+$0x0], $0xffff  }
0xb6: {  	v16 =	vld [tilespmem:s11+$0xFFFFFFD0];
	v14 =	vmul.f32 v15, v14  }
0xb7: {  	v15 =	vld [tilespmem:s11+$0x10]  }
0xb8: {  	v18 =	vld [tilespmem:s11+$0xFFFFFF90];
	[tilespmem:s8+$0x50] =	vst v14  }
0xb9: {  	v20 =	vld.idx.msk [tilespmem:v5+s26+$0x0], $0xffff  }
0xba: {  	v21 =	vld [tilespmem:s11+$0x60]  }
0xbb: {  	v12 =	vmul.f32 v16, v12;
	v22 =	vld [tilespmem:s16+$0xFFFFFFF0]  }
.Ltmp2:
0xbc: {  	v13 =	vmul.f32 v15, v13;
	v5 =	vld [tilespmem:s16+$0x30];
	(pc) =	sbr.rel @p1 .LBB2_4-.Ltmp2, $4  }
0xbd: {  	v15 =	vor.u32 s14, v3;
	v16 =	vmul.f32 v18, v9;
	[tilespmem:s8+$0xFFFFFFD0] =	vst v12;
	v9 =	vld [tilespmem:s16+$0xFFFFFFB0];
	s16 =	smov.u32 s11  }
0xbe: {  	v14 =	vld.idx.msk [tilespmem:v11+s26+$0x0], $0xffff;
	[tilespmem:s8+$0x10] =	vst v13  }
0xbf: {  	[tilespmem:s8+$0xFFFFFF90] =	vst v16;
	v12 =	vld.idx.msk [tilespmem:v27+s26+$0x0], $0xffff;
	v16 =	vmul.f32 v21, v20  }
0xc0: {  	s9 =	sshll.u32 s24, $0x4;
	s24 =	sadd.s32 $0x4, s24;
	v13 =	vld.idx.msk [tilespmem:v19+s26+$0x0], $0xffff;
	v11 =	vmul.f32 v22, v17  }
0xc1: {  	v19 =	vld [tilespmem:s11+$0xFFFFFFE0]  }
0xc2: {  	v17 =	vor.u32 s9, v0;
	v28 =	vld [tilespmem:s11+$0x20]  }
0xc3: {  	s19 =	sadd.s32 $0x30, s9;
	[tilespmem:s8+$0x60] =	vst v16;
	v29 =	vld [tilespmem:s11+$0xFFFFFFA0]  }
0xc4: {  	s1 =	sadd.s32 $0x100, s11;
	v18 =	vor.u32 s19, v0;
	v21 =	vld [tilespmem:s11+$0x70]  }
0xc5: {  	s14 =	sadd.s32 $0x10, s9;
	v22 =	vld [tilespmem:s1+$0x40]  }
0xc6: {  	s24 =	sadd.s32 $0x20, s9;
	v62 =	vor.u32 s14, v0;
	v23 =	vld [tilespmem:s1+$0xFFFFFF80]  }
0xc7: {  	v20 =	vor.u32 s24, v0;
	v17 =	vld.idx.msk [tilespmem:v17+s26+$0x0], $0xffff  }
0xc8: {  	v25 =	vld [tilespmem:s1+$0xFFFFFFC0]  }
0xc9: {  	v18 =	vld.idx.msk [tilespmem:v18+s26+$0x0], $0xffff  }
0xca: {  	v27 =	vor.u32 s9, v1;
	v26 =	vld [tilespmem:s1+$0x0]  }
0xcb: {  	v14 =	vmul.f32 v19, v14;
	v16 =	vld.idx.msk [tilespmem:v62+s26+$0x0], $0xffff  }
0xcc: {  	v24 =	vor.u32 s19, v1;
	v20 =	vld.idx.msk [tilespmem:v20+s26+$0x0], $0xffff;
	v17 =	vmul.f32 v23, v17  }
0xcd: {  	s30 =	sadd.s32 $0x100, s8;
	v15 =	vld.idx.msk [tilespmem:v15+s26+$0x0], $0xffff;
	[tilespmem:s8+$0xFFFFFFE0] =	vst v14  }
0xce: {  	v63 =	vor.u32 s14, v1;
	v7 =	vld.idx.msk [tilespmem:v7+s26+$0x0], $0xffff;
	v18 =	vmul.f32 v22, v18;
	[tilespmem:s30+$0xFFFFFF80] =	vst v17  }
0xcf: {  	v30 =	vor.u32 s24, v1;
	v33 =	vld.idx.msk [tilespmem:v27+s26+$0x0], $0xffff  }
0xd0: {  	v16 =	vmul.f32 v25, v16;
	[tilespmem:s30+$0x40] =	vst v18;
	v37 =	vld [tilespmem:s1+$0xFFFFFF90]  }
0xd1: {  	v32 =	vmul.f32 v26, v20;
	v18 =	vld.idx.msk [tilespmem:v24+s26+$0x0], $0xffff  }
0xd2: {  	[tilespmem:s30+$0xFFFFFFC0] =	vst v16;
	v31 =	vld [tilespmem:s1+$0x50]  }
0xd3: {  	[tilespmem:s30+$0x0] =	vst v32;
	v16 =	vld.idx.msk [tilespmem:v63+s26+$0x0], $0xffff  }
0xd4: {  	v41 =	vor.u32 s9, v2;
	v12 =	vmul.f32 v28, v12;
	v17 =	vld.idx.msk [tilespmem:v30+s26+$0x0], $0xffff  }
0xd5: {  	v13 =	vmul.f32 v29, v13;
	v34 =	vld [tilespmem:s1+$0xFFFFFFD0]  }
0xd6: {  	v35 =	vor.u32 s19, v2;
	[tilespmem:s8+$0x20] =	vst v12;
	v36 =	vld [tilespmem:s1+$0x10];
	v14 =	vmul.f32 v37, v33  }
0xd7: {  	[tilespmem:s8+$0xFFFFFFA0] =	vst v13;
	v8 =	vld.idx.msk [tilespmem:v8+s26+$0x0], $0xffff  }
0xd8: {  	v38 =	vor.u32 s14, v2;
	v6 =	vld.idx.msk [tilespmem:v6+s26+$0x0], $0xffff;
	v39 =	vmul.f32 v31, v18;
	[tilespmem:s30+$0xFFFFFF90] =	vst v14  }
0xd9: {  	v40 =	vor.u32 s24, v2;
	v13 =	vld.idx.msk [tilespmem:v41+s26+$0x0], $0xffff  }
0xda: {  	v42 =	vmul.f32 v34, v16;
	[tilespmem:s30+$0x50] =	vst v39;
	v49 =	vld [tilespmem:s1+$0xFFFFFFA0]  }
0xdb: {  	v17 =	vmul.f32 v36, v17;
	v43 =	vld.idx.msk [tilespmem:v35+s26+$0x0], $0xffff  }
0xdc: {  	[tilespmem:s30+$0xFFFFFFD0] =	vst v42;
	v44 =	vld [tilespmem:s1+$0x60]  }
0xdd: {  	[tilespmem:s30+$0x10] =	vst v17;
	v12 =	vld.idx.msk [tilespmem:v38+s26+$0x0], $0xffff  }
0xde: {  	v45 =	vld.idx.msk [tilespmem:v40+s26+$0x0], $0xffff  }
0xdf: {  	v54 =	vor.u32 s9, v3;
	v46 =	vld [tilespmem:s1+$0xFFFFFFE0]  }
0xe0: {  	v47 =	vor.u32 s19, v3;
	v48 =	vld [tilespmem:s1+$0x20]  }
0xe1: {  	v51 =	vld [tilespmem:s16+$0xFFFFFFF0];
	v57 =	vmul.f32 v49, v13  }
0xe2: {  	v50 =	vor.u32 s14, v3;
	v53 =	vld [tilespmem:s16+$0x30];
	v16 =	vmul.f32 v44, v43  }
0xe3: {  	v52 =	vor.u32 s24, v3;
	v55 =	vld [tilespmem:s16+$0xFFFFFFB0];
	[tilespmem:s30+$0xFFFFFFA0] =	vst v57  }
0xe4: {  	v12 =	vmul.f32 v46, v12;
	[tilespmem:s30+$0x60] =	vst v16;
	v59 =	vld.idx.msk [tilespmem:v54+s26+$0x0], $0xffff  }
0xe5: {  	v14 =	vmul.f32 v48, v45;
	v16 =	vld.idx.msk [tilespmem:v47+s26+$0x0], $0xffff  }
0xe6: {  	[tilespmem:s30+$0xFFFFFFE0] =	vst v12;
	v56 =	vld [tilespmem:s1+$0x70]  }
0xe7: {  	v4 =	vmul.f32 v5, v4;
	[tilespmem:s30+$0x20] =	vst v14;
	v58 =	vld.idx.msk [tilespmem:v50+s26+$0x0], $0xffff  }
0xe8: {  	[tilespmem:s7+$0xFFFFFFF0] =	vst v11;
	v9 =	vmul.f32 v9, v10;
	v5 =	vld.idx.msk [tilespmem:v52+s26+$0x0], $0xffff  }
0xe9: {  	[tilespmem:s7+$0x30] =	vst v4;
	v4 =	vmul.f32 v21, v15;
	v60 =	vld [tilespmem:s1+$0xFFFFFFF0]  }
0xea: {  	[tilespmem:s7+$0xFFFFFFB0] =	vst v9;
	v7 =	vmul.f32 v51, v7;
	v61 =	vld [tilespmem:s1+$0x30]  }
0xeb: {  	[tilespmem:s8+$0x70] =	vst v4;
	v4 =	vmul.f32 v53, v8;
	v62 =	vld [tilespmem:s1+$0xFFFFFFB0]  }
0xec: {  	v6 =	vmul.f32 v55, v6;
	[tilespmem:s8+$0xFFFFFFF0] =	vst v7  }
0xed: {  	p1 =	sne.s32 s6, $0x13;
	[tilespmem:s8+$0x30] =	vst v4;
	v4 =	vmul.f32 v56, v16  }
.Ltmp3:
0xee: {  	[tilespmem:s8+$0xFFFFFFB0] =	vst v6;
	v63 =	vmul.f32 v60, v58;
	(pc) =	sbr.rel @p1 .LBB2_7-.Ltmp3, $4  }
0xef: {  	[tilespmem:s30+$0x70] =	vst v4;
	v4 =	vmul.f32 v61, v5  }
0xf0: {  	[tilespmem:s30+$0xFFFFFFF0] =	vst v63;
	v5 =	vmul.f32 v62, v59  }
0xf1: {  	[tilespmem:s30+$0x30] =	vst v4  }
0xf2: {  	[tilespmem:s30+$0xFFFFFFB0] =	vst v5  }
.Ltmp4:
0xf3: {  	(pc) =	sbr.rel .LBB2_8-.Ltmp4, $4  }
0xf4: {  	_ = 	snop  }
0xf5: {  	s1 =	simm.s32 $0x16700  }
0xf6: {  	[spmem:s3] =	stream.indirect.scatter.add.f32 [tilespmem:s20], [sflag:$0x5], $0x40, s1, s0, $0xb8;
	[tilespmem:$0x1F800] =	vst v63  }
0xf7: {  	s7 =	simm.s32 $0x27;
	s1 =	simm.s32 $0x4C00  }
.LBB2_7:
0xf8: {  	s1 =	sshll.u32 s6, $0xA  }
0xf9: {  	s5 =	sshrl.u32 s1, $0x2  }
0xfa: {  	s30 =	sadd.s32 s31, s10;
	s7 =	sadd.s32 $0x14100, s5  }
0xfb: {  	[tilespmem:s28], [sflag:$0x1] =	stream.indirect.gather [spmem:s2], $0x40, s7, s0, $0xb8;
	[tilespmem:$0x1F800] =	vst v63  }
.Ltmp5:
0xfc: {  	s7 =	sshll.u32 s30, $0x8;
	(pc) =	sbr.rel @p0 .LBB2_9-.Ltmp5, $4  }
0xfd: {  	s8 =	simm.s32 $0x0;
	s7 =	sadd.s32 s7, s17  }
0xfe: {  	[tilespmem:s26], [sflag:$0x3] =	stream.linear.gather [hbm4b:s7+s8], $0x800, $0x38;
	[tilespmem:$0x1F800] =	vst v63  }
0xff: {  	s5 =	sadd.s32 $0x15400, s5;
	s7 =	sor.u32 $0x1, s10  }
0x100: {  	[spmem:s3] =	stream.indirect.scatter.add.f32 [tilespmem:s20], [sflag:$0x5], $0x40, s5, s0, $0xb8;
	[tilespmem:$0x1F800] =	vst v63  }
.LBB2_8:
0x101: {  	_ =	swait.ge [sflag:s21], $0x2000  }
0x102: {  	[sflag:s21] =	ssyncset.done $0x0  }
0x103: {  	s8 =	smov.u32 s1;
	[sflag:s21] =	ssyncadd.s32 $0xFFFFE000  }
.LBB2_9:
0x104: {  	_ =	swait.ge [sflag:s22], $0x2000;
	s9 =	simm.s32 $0x0  }
0x105: {  	s24 =	simm.s32 $0x30;
	[sflag:s22] =	ssyncset.done $0x0;
	v4 =	vor.u32 s9, v0  }
0x106: {  	v5 =	vor.u32 s24, v0;
	[sflag:s22] =	ssyncadd.s32 $0xFFFFE000  }
0x107: {  	s1 =	simm.s32 $0x10;
	_ =	swait.ge [sflag:s23], $0x800  }
0x108: {  	v6 =	vor.u32 s1, v0;
	[sflag:s23] =	ssyncset.done $0x0  }
0x109: {  	[sflag:s23] =	ssyncadd.s32 $0xFFFFF800  }
0x10a: {  	s14 =	simm.s32 $0x20;
	v4 =	vld.idx.msk [tilespmem:v4+s13+$0x0], $0xffff  }
0x10b: {  	s11 =	simm.s32 $0x18880;
	v7 =	vor.u32 s14, v0;
	v5 =	vld.idx.msk [tilespmem:v5+s13+$0x0], $0xffff  }
0x10c: {  	v8 =	vld [tilespmem:s11+$0x40]  }
0x10d: {  	v6 =	vld.idx.msk [tilespmem:v6+s13+$0x0], $0xffff  }
0x10e: {  	v9 =	vld [tilespmem:s11+$0xFFFFFF80]  }
0x10f: {  	v10 =	vor.u32 s24, v1;
	v11 =	vld [tilespmem:s11+$0xFFFFFFC0]  }
0x110: {  	v7 =	vld.idx.msk [tilespmem:v7+s13+$0x0], $0xffff  }
0x111: {  	v12 =	vld [tilespmem:s11+$0x0];
	v5 =	vmul.f32 v8, v5  }
0x112: {  	s10 =	simm.s32 $0x1C880;
	v13 =	vor.u32 s1, v1  }
0x113: {  	v4 =	vmul.f32 v9, v4;
	[tilespmem:s10+$0x40] =	vst v5  }
0x114: {  	v8 =	vor.u32 s9, v1;
	v6 =	vmul.f32 v11, v6;
	v9 =	vld.idx.msk [tilespmem:v10+s13+$0x0], $0xffff  }
0x115: {  	[tilespmem:s10+$0xFFFFFF80] =	vst v4;
	v10 =	vld [tilespmem:s11+$0x50]  }
0x116: {  	v5 =	vor.u32 s14, v1;
	v4 =	vmul.f32 v12, v7;
	[tilespmem:s10+$0xFFFFFFC0] =	vst v6  }
0x117: {  	v6 =	vld.idx.msk [tilespmem:v13+s13+$0x0], $0xffff  }
0x118: {  	v11 =	vld [tilespmem:s11+$0xFFFFFF90];
	[tilespmem:s10+$0x0] =	vst v4;
	v4 =	vor.u32 s24, v2  }
0x119: {  	v7 =	vld.idx.msk [tilespmem:v8+s13+$0x0], $0xffff  }
0x11a: {  	v8 =	vld [tilespmem:s11+$0xFFFFFFD0];
	v9 =	vmul.f32 v10, v9  }
0x11b: {  	v5 =	vld.idx.msk [tilespmem:v5+s13+$0x0], $0xffff  }
0x11c: {  	v14 =	vor.u32 s9, v2;
	v10 =	vld [tilespmem:s11+$0x10];
	[tilespmem:s10+$0x50] =	vst v9  }
0x11d: {  	v4 =	vld.idx.msk [tilespmem:v4+s13+$0x0], $0xffff  }
0x11e: {  	s16 =	simm.s32 $0x18980;
	v9 =	vor.u32 s1, v2;
	v7 =	vmul.f32 v11, v7;
	v13 =	vld [tilespmem:s11+$0x60]  }
0x11f: {  	s19 =	simm.s32 $0x40;
	v15 =	vld [tilespmem:s16+$0x40]  }
0x120: {  	v16 =	vld [tilespmem:s16+$0xFFFFFF80];
	v6 =	vmul.f32 v8, v6;
	v8 =	vor.u32 s19, v0;
	[tilespmem:s10+$0xFFFFFF90] =	vst v7  }
0x121: {  	v12 =	vor.u32 s14, v2;
	v7 =	vld.idx.msk [tilespmem:v14+s13+$0x0], $0xffff  }
0x122: {  	s5 =	simm.s32 $0x50;
	[tilespmem:s10+$0xFFFFFFD0] =	vst v6;
	v5 =	vmul.f32 v10, v5;
	v14 =	vld [tilespmem:s11+$0xFFFFFFA0]  }
0x123: {  	v10 =	vor.u32 s5, v0;
	v6 =	vld.idx.msk [tilespmem:v9+s13+$0x0], $0xffff;
	v4 =	vmul.f32 v13, v4  }
0x124: {  	s30 =	simm.s32 $0x70;
	[tilespmem:s10+$0x10] =	vst v5;
	v9 =	vld [tilespmem:s11+$0xFFFFFFE0]  }
0x125: {  	s29 =	simm.s32 $0x60;
	v8 =	vld.idx.msk [tilespmem:v8+s13+$0x0], $0xffff;
	[tilespmem:s10+$0x60] =	vst v4;
	v4 =	vor.u32 s30, v0  }
0x126: {  	v5 =	vld.idx.msk [tilespmem:v12+s13+$0x0], $0xffff;
	v13 =	vor.u32 s29, v0  }
0x127: {  	v12 =	vld [tilespmem:s11+$0x20]  }
0x128: {  	v10 =	vld.idx.msk [tilespmem:v10+s13+$0x0], $0xffff  }
0x129: {  	v11 =	vld [tilespmem:s11+$0x70]  }
0x12a: {  	v4 =	vld.idx.msk [tilespmem:v4+s13+$0x0], $0xffff  }
0x12b: {  	v6 =	vmul.f32 v9, v6;
	v13 =	vld.idx.msk [tilespmem:v13+s13+$0x0], $0xffff  }
0x12c: {  	v5 =	vmul.f32 v12, v5;
	v12 =	vld [tilespmem:s16+$0xFFFFFFC0]  }
0x12d: {  	[tilespmem:s10+$0xFFFFFFE0] =	vst v6;
	v6 =	vmul.f32 v14, v7;
	v7 =	vor.u32 s30, v1;
	v14 =	vld [tilespmem:s16+$0x0]  }
0x12e: {  	[tilespmem:s10+$0x20] =	vst v5;
	v18 =	vld [tilespmem:s11+$0xFFFFFFF0]  }
0x12f: {  	v17 =	vor.u32 s24, v3;
	[tilespmem:s10+$0xFFFFFFA0] =	vst v6;
	v5 =	vld [tilespmem:s11+$0x30];
	v4 =	vmul.f32 v15, v4  }
0x130: {  	v19 =	vor.u32 s19, v1;
	v9 =	vld [tilespmem:s11+$0xFFFFFFB0];
	s11 =	simm.s32 $0x1C980  }
0x131: {  	v6 =	vor.u32 s5, v1;
	[tilespmem:s11+$0x40] =	vst v4  }
0x132: {  	v4 =	vmul.f32 v16, v8;
	v7 =	vld.idx.msk [tilespmem:v7+s13+$0x0], $0xffff  }
0x133: {  	v8 =	vmul.f32 v12, v10;
	v10 =	vld [tilespmem:s16+$0x50]  }
0x134: {  	v15 =	vld.idx.msk [tilespmem:v17+s13+$0x0], $0xffff;
	v17 =	vor.u32 s29, v1;
	[tilespmem:s11+$0xFFFFFF80] =	vst v4;
	v4 =	vmul.f32 v14, v13  }
0x135: {  	[tilespmem:s11+$0xFFFFFFC0] =	vst v8;
	v12 =	vld.idx.msk [tilespmem:v19+s13+$0x0], $0xffff  }
0x136: {  	v6 =	vld.idx.msk [tilespmem:v6+s13+$0x0], $0xffff;
	[tilespmem:s11+$0x0] =	vst v4;
	v4 =	vor.u32 s30, v2  }
0x137: {  	v14 =	vld [tilespmem:s16+$0xFFFFFFD0]  }
0x138: {  	v8 =	vor.u32 s1, v3;
	v19 =	vld [tilespmem:s16+$0xFFFFFF90];
	v7 =	vmul.f32 v10, v7  }
0x139: {  	v16 =	vor.u32 s14, v3;
	v13 =	vld.idx.msk [tilespmem:v17+s13+$0x0], $0xffff  }
0x13a: {  	v17 =	vor.u32 s9, v3;
	v10 =	vld [tilespmem:s16+$0x10];
	[tilespmem:s11+$0x50] =	vst v7  }
0x13b: {  	v20 =	vor.u32 s5, v2;
	v23 =	vld.idx.msk [tilespmem:v4+s13+$0x0], $0xffff  }
0x13c: {  	v24 =	vor.u32 s19, v2;
	v25 =	vld [tilespmem:s16+$0x60]  }
0x13d: {  	v22 =	vor.u32 s29, v2;
	v21 =	vld.idx.msk [tilespmem:v8+s13+$0x0], $0xffff;
	v6 =	vmul.f32 v14, v6  }
0x13e: {  	v12 =	vmul.f32 v19, v12;
	v4 =	vld.idx.msk [tilespmem:v16+s13+$0x0], $0xffff  }
0x13f: {  	v11 =	vmul.f32 v11, v15;
	v15 =	vor.u32 s30, v3;
	[tilespmem:s11+$0xFFFFFFD0] =	vst v6;
	v7 =	vmul.f32 v10, v13;
	v10 =	vld.idx.msk [tilespmem:v17+s13+$0x0], $0xffff  }
0x140: {  	[tilespmem:s11+$0xFFFFFF90] =	vst v12;
	v14 =	vld.idx.msk [tilespmem:v20+s13+$0x0], $0xffff  }
0x141: {  	v8 =	vor.u32 s5, v3;
	v13 =	vld.idx.msk [tilespmem:v24+s13+$0x0], $0xffff;
	[tilespmem:s11+$0x10] =	vst v7;
	v16 =	vmul.f32 v25, v23  }
0x142: {  	s24 =	simm.s32 $0x18980;
	s30 =	simm.s32 $0xC;
	[tilespmem:s10+$0x70] =	vst v11;
	s9 =	simm.s32 $0x80;
	v6 =	vor.u32 s19, v3;
	v11 =	vmul.f32 v18, v21;
	v7 =	vor.u32 s29, v3;
	v12 =	vld.idx.msk [tilespmem:v22+s13+$0x0], $0xffff  }
.LBB2_10:
0x143: {  	p0 =	slt.u32 s30, $0x7C;
	v17 =	vor.u32 s9, v0;
	v18 =	vor.u32 s9, v1;
	v19 =	vor.u32 s9, v2;
	s1 =	sadd.s32 $0x10, s9;
	s14 =	sadd.s32 $0x30, s9;
	v20 =	vld [tilespmem:s16+$0xFFFFFFE0];
	[tilespmem:s11+$0x60] =	vst v16  }
0x144: {  	s5 =	sadd.s32 $0x20, s9;
	v16 =	vor.u32 s1, v0;
	v21 =	vor.u32 s1, v1;
	v22 =	vor.u32 s14, v0;
	v15 =	vld.idx.msk [tilespmem:v15+s13+$0x0], $0xffff;
	[tilespmem:s10+$0xFFFFFFF0] =	vst v11  }
0x145: {  	v11 =	vor.u32 s1, v2;
	v23 =	vor.u32 s5, v0;
	v24 =	vor.u32 s5, v1;
	v25 =	vld [tilespmem:s16+$0x70]  }
0x146: {  	v26 =	vor.u32 s1, v3;
	v27 =	vor.u32 s5, v2;
	v28 =	vor.u32 s5, v3;
	v29 =	vld [tilespmem:s16+$0x20]  }
0x147: {  	v30 =	vor.u32 s9, v3;
	v4 =	vmul.f32 v5, v4;
	v9 =	vmul.f32 v9, v10;
	v31 =	vld [tilespmem:s16+$0xFFFFFFA0]  }
0x148: {  	v5 =	vld.idx.msk [tilespmem:v17+s13+$0x0], $0xffff;
	v10 =	vmul.f32 v20, v14  }
0x149: {  	s16 =	sadd.s32 $0x100, s16;
	v14 =	vld.idx.msk [tilespmem:v22+s13+$0x0], $0xffff;
	[tilespmem:s10+$0x30] =	vst v4  }
0x14a: {  	v4 =	vld [tilespmem:s16+$0x40];
	[tilespmem:s11+$0xFFFFFFE0] =	vst v10;
	v10 =	vmul.f32 v25, v15  }
0x14b: {  	v15 =	vld.idx.msk [tilespmem:v16+s13+$0x0], $0xffff;
	v12 =	vmul.f32 v29, v12;
	[tilespmem:s10+$0xFFFFFFB0] =	vst v9;
	s10 =	smov.u32 s11  }
0x14c: {  	v9 =	vld.idx.msk [tilespmem:v23+s13+$0x0], $0xffff;
	v13 =	vmul.f32 v31, v13;
	[tilespmem:s11+$0x70] =	vst v10  }
0x14d: {  	v16 =	vor.u32 s14, v1;
	v10 =	vld [tilespmem:s16+$0xFFFFFF80];
	[tilespmem:s11+$0x20] =	vst v12  }
0x14e: {  	v12 =	vld [tilespmem:s16+$0xFFFFFFC0];
	[tilespmem:s11+$0xFFFFFFA0] =	vst v13  }
0x14f: {  	v13 =	vld [tilespmem:s16+$0x0];
	v4 =	vmul.f32 v4, v14  }
0x150: {  	s11 =	sadd.s32 $0x100, s11;
	v17 =	vld.idx.msk [tilespmem:v8+s13+$0x0], $0xffff;
	v8 =	vmov v26  }
0x151: {  	[tilespmem:s11+$0x40] =	vst v4;
	v4 =	vld.idx.msk [tilespmem:v7+s13+$0x0], $0xffff;
	v7 =	vmov v28  }
0x152: {  	v5 =	vmul.f32 v10, v5;
	v14 =	vld.idx.msk [tilespmem:v16+s13+$0x0], $0xffff  }
0x153: {  	v12 =	vmul.f32 v12, v15;
	v15 =	vld [tilespmem:s16+$0x50]  }
0x154: {  	[tilespmem:s11+$0xFFFFFF80] =	vst v5;
	v5 =	vmul.f32 v13, v9;
	v10 =	vld.idx.msk [tilespmem:v6+s13+$0x0], $0xffff;
	v6 =	vmov v30  }
0x155: {  	v9 =	vld.idx.msk [tilespmem:v18+s13+$0x0], $0xffff;
	[tilespmem:s11+$0xFFFFFFC0] =	vst v12  }
0x156: {  	v12 =	vld.idx.msk [tilespmem:v21+s13+$0x0], $0xffff;
	[tilespmem:s11+$0x0] =	vst v5;
	v5 =	vor.u32 s14, v2  }
0x157: {  	v13 =	vld.idx.msk [tilespmem:v24+s13+$0x0], $0xffff  }
0x158: {  	v16 =	vld [tilespmem:s16+$0xFFFFFFD0];
	v14 =	vmul.f32 v15, v14  }
0x159: {  	v15 =	vld [tilespmem:s16+$0x10]  }
0x15a: {  	v18 =	vld [tilespmem:s16+$0xFFFFFF90];
	[tilespmem:s11+$0x50] =	vst v14  }
0x15b: {  	v20 =	vld.idx.msk [tilespmem:v5+s13+$0x0], $0xffff  }
0x15c: {  	v21 =	vld [tilespmem:s16+$0x60]  }
0x15d: {  	v12 =	vmul.f32 v16, v12;
	v22 =	vld [tilespmem:s24+$0xFFFFFFF0]  }
.Ltmp6:
0x15e: {  	v13 =	vmul.f32 v15, v13;
	v5 =	vld [tilespmem:s24+$0x30];
	(pc) =	sbr.rel @p0 .LBB2_10-.Ltmp6, $4  }
0x15f: {  	v15 =	vor.u32 s14, v3;
	v16 =	vmul.f32 v18, v9;
	[tilespmem:s11+$0xFFFFFFD0] =	vst v12;
	v9 =	vld [tilespmem:s24+$0xFFFFFFB0];
	s24 =	smov.u32 s16  }
0x160: {  	v14 =	vld.idx.msk [tilespmem:v11+s13+$0x0], $0xffff;
	[tilespmem:s11+$0x10] =	vst v13  }
0x161: {  	[tilespmem:s11+$0xFFFFFF90] =	vst v16;
	v12 =	vld.idx.msk [tilespmem:v27+s13+$0x0], $0xffff;
	v16 =	vmul.f32 v21, v20  }
0x162: {  	s9 =	sshll.u32 s30, $0x4;
	s30 =	sadd.s32 $0x4, s30;
	v13 =	vld.idx.msk [tilespmem:v19+s13+$0x0], $0xffff;
	v11 =	vmul.f32 v22, v17  }
0x163: {  	v19 =	vld [tilespmem:s16+$0xFFFFFFE0]  }
0x164: {  	v17 =	vor.u32 s9, v0;
	v28 =	vld [tilespmem:s16+$0x20]  }
0x165: {  	s30 =	sadd.s32 $0x30, s9;
	[tilespmem:s11+$0x60] =	vst v16;
	v29 =	vld [tilespmem:s16+$0xFFFFFFA0]  }
0x166: {  	s14 =	sadd.s32 $0x100, s16;
	v18 =	vor.u32 s30, v0;
	v21 =	vld [tilespmem:s16+$0x70]  }
0x167: {  	s19 =	sadd.s32 $0x10, s9;
	v22 =	vld [tilespmem:s14+$0x40]  }
0x168: {  	s29 =	sadd.s32 $0x20, s9;
	v62 =	vor.u32 s19, v0;
	v23 =	vld [tilespmem:s14+$0xFFFFFF80]  }
0x169: {  	v20 =	vor.u32 s29, v0;
	v17 =	vld.idx.msk [tilespmem:v17+s13+$0x0], $0xffff  }
0x16a: {  	v25 =	vld [tilespmem:s14+$0xFFFFFFC0]  }
0x16b: {  	v18 =	vld.idx.msk [tilespmem:v18+s13+$0x0], $0xffff  }
0x16c: {  	v27 =	vor.u32 s9, v1;
	v26 =	vld [tilespmem:s14+$0x0]  }
0x16d: {  	v14 =	vmul.f32 v19, v14;
	v16 =	vld.idx.msk [tilespmem:v62+s13+$0x0], $0xffff  }
0x16e: {  	v24 =	vor.u32 s30, v1;
	v20 =	vld.idx.msk [tilespmem:v20+s13+$0x0], $0xffff;
	v17 =	vmul.f32 v23, v17  }
0x16f: {  	s1 =	sadd.s32 $0x100, s11;
	v15 =	vld.idx.msk [tilespmem:v15+s13+$0x0], $0xffff;
	[tilespmem:s11+$0xFFFFFFE0] =	vst v14  }
0x170: {  	v63 =	vor.u32 s19, v1;
	v8 =	vld.idx.msk [tilespmem:v8+s13+$0x0], $0xffff;
	v18 =	vmul.f32 v22, v18;
	[tilespmem:s1+$0xFFFFFF80] =	vst v17  }
0x171: {  	v30 =	vor.u32 s29, v1;
	v33 =	vld.idx.msk [tilespmem:v27+s13+$0x0], $0xffff  }
0x172: {  	v16 =	vmul.f32 v25, v16;
	[tilespmem:s1+$0x40] =	vst v18;
	v37 =	vld [tilespmem:s14+$0xFFFFFF90]  }
0x173: {  	v32 =	vmul.f32 v26, v20;
	v18 =	vld.idx.msk [tilespmem:v24+s13+$0x0], $0xffff  }
0x174: {  	[tilespmem:s1+$0xFFFFFFC0] =	vst v16;
	v31 =	vld [tilespmem:s14+$0x50]  }
0x175: {  	[tilespmem:s1+$0x0] =	vst v32;
	v16 =	vld.idx.msk [tilespmem:v63+s13+$0x0], $0xffff  }
0x176: {  	v41 =	vor.u32 s9, v2;
	v12 =	vmul.f32 v28, v12;
	v17 =	vld.idx.msk [tilespmem:v30+s13+$0x0], $0xffff  }
0x177: {  	v13 =	vmul.f32 v29, v13;
	v34 =	vld [tilespmem:s14+$0xFFFFFFD0]  }
0x178: {  	v35 =	vor.u32 s30, v2;
	[tilespmem:s11+$0x20] =	vst v12;
	v36 =	vld [tilespmem:s14+$0x10];
	v14 =	vmul.f32 v37, v33  }
0x179: {  	[tilespmem:s11+$0xFFFFFFA0] =	vst v13;
	v7 =	vld.idx.msk [tilespmem:v7+s13+$0x0], $0xffff  }
0x17a: {  	v38 =	vor.u32 s19, v2;
	v6 =	vld.idx.msk [tilespmem:v6+s13+$0x0], $0xffff;
	v39 =	vmul.f32 v31, v18;
	[tilespmem:s1+$0xFFFFFF90] =	vst v14  }
0x17b: {  	v40 =	vor.u32 s29, v2;
	v13 =	vld.idx.msk [tilespmem:v41+s13+$0x0], $0xffff  }
0x17c: {  	v42 =	vmul.f32 v34, v16;
	[tilespmem:s1+$0x50] =	vst v39;
	v49 =	vld [tilespmem:s14+$0xFFFFFFA0]  }
0x17d: {  	v17 =	vmul.f32 v36, v17;
	v43 =	vld.idx.msk [tilespmem:v35+s13+$0x0], $0xffff  }
0x17e: {  	[tilespmem:s1+$0xFFFFFFD0] =	vst v42;
	v44 =	vld [tilespmem:s14+$0x60]  }
0x17f: {  	[tilespmem:s1+$0x10] =	vst v17;
	v12 =	vld.idx.msk [tilespmem:v38+s13+$0x0], $0xffff  }
0x180: {  	v45 =	vld.idx.msk [tilespmem:v40+s13+$0x0], $0xffff  }
0x181: {  	v54 =	vor.u32 s9, v3;
	v46 =	vld [tilespmem:s14+$0xFFFFFFE0]  }
0x182: {  	v47 =	vor.u32 s30, v3;
	v48 =	vld [tilespmem:s14+$0x20]  }
0x183: {  	v51 =	vld [tilespmem:s24+$0xFFFFFFF0];
	v57 =	vmul.f32 v49, v13  }
0x184: {  	v50 =	vor.u32 s19, v3;
	v53 =	vld [tilespmem:s24+$0x30];
	v16 =	vmul.f32 v44, v43  }
0x185: {  	v52 =	vor.u32 s29, v3;
	v55 =	vld [tilespmem:s24+$0xFFFFFFB0];
	[tilespmem:s1+$0xFFFFFFA0] =	vst v57  }
0x186: {  	v12 =	vmul.f32 v46, v12;
	[tilespmem:s1+$0x60] =	vst v16;
	v59 =	vld.idx.msk [tilespmem:v54+s13+$0x0], $0xffff  }
0x187: {  	v14 =	vmul.f32 v48, v45;
	v16 =	vld.idx.msk [tilespmem:v47+s13+$0x0], $0xffff  }
0x188: {  	[tilespmem:s1+$0xFFFFFFE0] =	vst v12;
	v56 =	vld [tilespmem:s14+$0x70]  }
0x189: {  	v4 =	vmul.f32 v5, v4;
	[tilespmem:s1+$0x20] =	vst v14;
	v58 =	vld.idx.msk [tilespmem:v50+s13+$0x0], $0xffff  }
0x18a: {  	[tilespmem:s10+$0xFFFFFFF0] =	vst v11;
	v9 =	vmul.f32 v9, v10;
	v5 =	vld.idx.msk [tilespmem:v52+s13+$0x0], $0xffff  }
0x18b: {  	[tilespmem:s10+$0x30] =	vst v4;
	v4 =	vmul.f32 v21, v15;
	v60 =	vld [tilespmem:s14+$0xFFFFFFF0]  }
0x18c: {  	[tilespmem:s10+$0xFFFFFFB0] =	vst v9;
	v8 =	vmul.f32 v51, v8;
	v61 =	vld [tilespmem:s14+$0x30]  }
0x18d: {  	[tilespmem:s11+$0x70] =	vst v4;
	v4 =	vmul.f32 v53, v7;
	v62 =	vld [tilespmem:s14+$0xFFFFFFB0]  }
0x18e: {  	v6 =	vmul.f32 v55, v6;
	[tilespmem:s11+$0xFFFFFFF0] =	vst v8  }
0x18f: {  	p0 =	seq.s32 s6, $0x13;
	[tilespmem:s11+$0x30] =	vst v4;
	v4 =	vmul.f32 v56, v16  }
.Ltmp7:
0x190: {  	[tilespmem:s11+$0xFFFFFFB0] =	vst v6;
	v63 =	vmul.f32 v60, v58;
	(pc) =	sbr.rel @p0 .LBB2_13-.Ltmp7, $4  }
0x191: {  	[tilespmem:s1+$0x70] =	vst v4;
	v4 =	vmul.f32 v61, v5  }
0x192: {  	[tilespmem:s1+$0xFFFFFFF0] =	vst v63;
	v5 =	vmul.f32 v62, v59  }
0x193: {  	s5 =	sshll.u32 s7, $0x7;
	[tilespmem:s1+$0x30] =	vst v4  }
0x194: {  	[tilespmem:s1+$0xFFFFFFB0] =	vst v5;
	s1 =	sand.u32 $0x3FFFFF80, s5  }
0x195: {  	s5 =	sshrl.u32 s8, $0x2  }
0x196: {  	s30 =	sadd.s32 s31, s7;
	s5 =	sadd.s32 $0x14180, s5  }
0x197: {  	[tilespmem:s12], [sflag:$0x2] =	stream.indirect.gather [spmem:s2], $0x40, s5, s0, $0xb8;
	[tilespmem:$0x1F800] =	vst v63  }
.Ltmp8:
0x198: {  	s5 =	sshll.u32 s30, $0x8;
	(pc) =	sbr.rel .LBB2_3-.Ltmp8, $4  }
0x199: {  	s5 =	sadd.s32 s5, s17  }
0x19a: {  	[tilespmem:s13], [sflag:$0x4] =	stream.linear.gather [hbm4b:s5+s4], $0x800, $0x38;
	[tilespmem:$0x1F800] =	vst v63  }
0x19b: {  	s1 =	sadd.s32 $0x15400, s1;
	s6 =	sadd.s32 $0x1, s6  }
0x19c: {  	[spmem:s3] =	stream.indirect.scatter.add.f32 [tilespmem:s15], [sflag:$0x6], $0x40, s1, s0, $0xb8;
	[tilespmem:$0x1F800] =	vst v63  }
.LBB2_14:
0x19d: {  	[bflag:$0x0] =	sbarrier.arrive $0xFFFF  }
0x19e: {  	s5 =	rddreg [dreg:$0x5]  }
0x19f: {  	s9 =	rddreg [dreg:$0x8]  }
0x1a0: {  	s14 =	rddreg [dreg:$0x9]  }
0x1a1: {  	s19 =	rddreg [dreg:$0xa]  }
0x1a2: {  	s6 =	simm.s32 $0x0;
	s31 =	simm.s32 $0x7;
	s29 =	rddreg [dreg:$0xd]  }
.LBB2_15:
0x1a3: {  	s1 =	sshll.u32 s6, $0x7  }
0x1a4: {  	s1 =	sadd.s32 s14, s1  }
0x1a5: {  	s8 =	sshll.u32 s1, $0x6  }
0x1a6: {  	s1 =	sshll.u32 s1, $0x7;
	s7 =	sadd.s32 s8, s3  }
0x1a7: {  	[tilespmem:s11], [sflag:$0x7] =	stream.linear.gather [spmem:s7], $0x2000, $0x38;
	[tilespmem:$0x1F800] =	vst v63  }
0x1a8: {  	s1 =	sor.u32 s19, s1;
	_ =	swait.ge [sflag:s31], $0x2000  }
0x1a9: {  	s1 =	sshrl.u32 s1, $0x3;
	[sflag:s31] =	ssyncset.done $0x0  }
0x1aa: {  	s10 =	simm.s32 $0x40;
	s1 =	sadd.s32 s5, s1;
	[sflag:s31] =	ssyncadd.s32 $0xFFFFE000  }
0x1ab: {  	[tilespmem:s20], [sflag:$0x7] =	stream.strided.gather [hbm4b:s1+s10], $0x2000, s0, s10, $0x38;
	[tilespmem:$0x1F800] =	vst v63  }
0x1ac: {  	_ =	swait.ge [sflag:s31], $0x2000  }
0x1ad: {  	[sflag:s31] =	ssyncset.done $0x0  }
0x1ae: {  	s10 =	simm.s32 $0x16880;
	[sflag:s31] =	ssyncadd.s32 $0xFFFFE000  }
0x1af: {  	s24 =	simm.s32 $0x1A880;
	v4 =	vld [tilespmem:s10+$0x40]  }
0x1b0: {  	v5 =	vld [tilespmem:s24+$0x40]  }
0x1b1: {  	v6 =	vld [tilespmem:s24+$0xFFFFFF80]  }
0x1b2: {  	v7 =	vld [tilespmem:s10+$0xFFFFFFC0]  }
0x1b3: {  	v8 =	vld [tilespmem:s24+$0xFFFFFFC0]  }
0x1b4: {  	v10 =	vld [tilespmem:s24+$0x0]  }
0x1b5: {  	v11 =	vld [tilespmem:s10+$0xFFFFFF80];
	v4 =	vmul.f32 $8.500000230e-01, v4;
	v5 =	vmul.f32 $1.500000060e-01, v5  }
0x1b6: {  	v9 =	vld [tilespmem:s10+$0x0]  }
0x1b7: {  	v12 =	vld [tilespmem:s10+$0xFFFFFFD0];
	v4 =	vadd.f32 v5, v4  }
0x1b8: {  	v13 =	vld [tilespmem:s10+$0x10];
	v7 =	vmul.f32 $8.500000230e-01, v7;
	v8 =	vmul.f32 $1.500000060e-01, v8  }
0x1b9: {  	s16 =	simm.s32 $0x1A980;
	v6 =	vmul.f32 $1.500000060e-01, v6;
	[tilespmem:s10+$0x40] =	vst v4;
	v4 =	vld [tilespmem:s10+$0x50]  }
0x1ba: {  	v11 =	vmul.f32 $8.500000230e-01, v11;
	v7 =	vadd.f32 v8, v7;
	v8 =	vmul.f32 $1.500000060e-01, v10;
	v10 =	vld [tilespmem:s24+$0x50]  }
0x1bb: {  	v14 =	vld [tilespmem:s16+$0x40];
	v9 =	vmul.f32 $8.500000230e-01, v9  }
0x1bc: {  	v15 =	vld [tilespmem:s10+$0x30];
	v6 =	vadd.f32 v6, v11;
	[tilespmem:s10+$0xFFFFFFC0] =	vst v7  }
0x1bd: {  	v7 =	vadd.f32 v8, v9;
	v8 =	vld [tilespmem:s24+$0xFFFFFFD0]  }
0x1be: {  	v17 =	vld [tilespmem:s16+$0xFFFFFF80];
	[tilespmem:s10+$0xFFFFFF80] =	vst v6  }
0x1bf: {  	v5 =	vld [tilespmem:s10+$0xFFFFFF90];
	[tilespmem:s10+$0x0] =	vst v7;
	v4 =	vmul.f32 $8.500000230e-01, v4;
	v7 =	vmul.f32 $1.500000060e-01, v10  }
0x1c0: {  	s11 =	simm.s32 $0x16980;
	v10 =	vld [tilespmem:s24+$0xFFFFFF90]  }
0x1c1: {  	v18 =	vld [tilespmem:s11+$0xFFFFFFC0];
	v4 =	vadd.f32 v7, v4  }
0x1c2: {  	v19 =	vld [tilespmem:s16+$0xFFFFFFC0];
	v8 =	vmul.f32 $1.500000060e-01, v8;
	v7 =	vmul.f32 $8.500000230e-01, v12  }
0x1c3: {  	v12 =	vld [tilespmem:s10+$0x60];
	[tilespmem:s10+$0x50] =	vst v4  }
0x1c4: {  	v7 =	vadd.f32 v8, v7;
	v8 =	vld [tilespmem:s24+$0x60]  }
0x1c5: {  	v20 =	vld [tilespmem:s11+$0x0];
	v5 =	vmul.f32 $8.500000230e-01, v5;
	v10 =	vmul.f32 $1.500000060e-01, v10  }
0x1c6: {  	v21 =	vld [tilespmem:s11+$0xFFFFFF80]  }
0x1c7: {  	v23 =	vld [tilespmem:s11+$0xFFFFFF90];
	v5 =	vadd.f32 v10, v5  }
0x1c8: {  	v24 =	vld [tilespmem:s11+$0xFFFFFFD0]  }
0x1c9: {  	v51 =	vld [tilespmem:s11+$0x10];
	[tilespmem:s10+$0xFFFFFF90] =	vst v5;
	v5 =	vmul.f32 $8.500000230e-01, v12;
	v8 =	vmul.f32 $1.500000060e-01, v8  }
0x1ca: {  	v52 =	vld [tilespmem:s11+$0xFFFFFFA0]  }
0x1cb: {  	v5 =	vadd.f32 v8, v5;
	v8 =	vld [tilespmem:s11+$0x40]  }
0x1cc: {  	v57 =	vld [tilespmem:s11+$0x60];
	v18 =	vmul.f32 $8.500000230e-01, v18;
	v19 =	vmul.f32 $1.500000060e-01, v19  }
0x1cd: {  	v6 =	vld [tilespmem:s24+$0x10]  }
0x1ce: {  	v61 =	vld [tilespmem:s11+$0xFFFFFFB0];
	v17 =	vmul.f32 $1.500000060e-01, v17;
	v50 =	vmul.f32 $8.500000230e-01, v21;
	v18 =	vadd.f32 v19, v18  }
0x1cf: {  	v11 =	vld [tilespmem:s10+$0xFFFFFFE0]  }
0x1d0: {  	v14 =	vmul.f32 $1.500000060e-01, v14;
	v17 =	vadd.f32 v17, v50;
	v9 =	vld [tilespmem:s10+$0xFFFFFFA0];
	[tilespmem:s11+$0xFFFFFFC0] =	vst v18;
	v8 =	vmul.f32 $8.500000230e-01, v8  }
0x1d1: {  	v53 =	vld [tilespmem:s16+$0xFFFFFFD0]  }
0x1d2: {  	[tilespmem:s11+$0xFFFFFF80] =	vst v17;
	v6 =	vmul.f32 $1.500000060e-01, v6;
	v4 =	vmul.f32 $8.500000230e-01, v13;
	v8 =	vadd.f32 v14, v8;
	v14 =	vld [tilespmem:s16+$0x0]  }
0x1d3: {  	v56 =	vld [tilespmem:s16+$0xFFFFFF90];
	[tilespmem:s10+$0xFFFFFFD0] =	vst v7  }
0x1d4: {  	v4 =	vadd.f32 v6, v4;
	v6 =	vld [tilespmem:s24+$0xFFFFFFE0]  }
0x1d5: {  	[tilespmem:s11+$0x40] =	vst v8;
	v8 =	vld [tilespmem:s11+$0x50]  }
0x1d6: {  	v22 =	vld [tilespmem:s16+$0x50]  }
0x1d7: {  	v20 =	vmul.f32 $8.500000230e-01, v20;
	v10 =	vld [tilespmem:s24+$0xFFFFFFA0];
	v14 =	vmul.f32 $1.500000060e-01, v14  }
0x1d8: {  	v13 =	vld [tilespmem:s10+$0x20];
	[tilespmem:s10+$0x10] =	vst v4  }
0x1d9: {  	v4 =	vld [tilespmem:s24+$0x20];
	v14 =	vadd.f32 v14, v20  }
0x1da: {  	v11 =	vmul.f32 $8.500000230e-01, v11;
	v7 =	vld [tilespmem:s10+$0xFFFFFFB0];
	v6 =	vmul.f32 $1.500000060e-01, v6  }
0x1db: {  	v12 =	vld [tilespmem:s10+$0xFFFFFFF0];
	v8 =	vmul.f32 $8.500000230e-01, v8;
	v54 =	vmul.f32 $1.500000060e-01, v22;
	[tilespmem:s11+$0x0] =	vst v14  }
0x1dc: {  	v9 =	vmul.f32 $8.500000230e-01, v9;
	v6 =	vadd.f32 v6, v11;
	v10 =	vmul.f32 $1.500000060e-01, v10;
	v55 =	vld [tilespmem:s16+$0x10]  }
0x1dd: {  	[tilespmem:s10+$0x60] =	vst v5;
	v5 =	vld [tilespmem:s10+$0x70];
	v8 =	vadd.f32 v54, v8  }
0x1de: {  	v4 =	vmul.f32 $1.500000060e-01, v4;
	v16 =	vld [tilespmem:s24+$0x70];
	[tilespmem:s10+$0xFFFFFFE0] =	vst v6;
	v9 =	vadd.f32 v10, v9;
	v10 =	vmul.f32 $8.500000230e-01, v13  }
0x1df: {  	v11 =	vmul.f32 $1.500000060e-01, v53;
	v59 =	vld [tilespmem:s24+$0xFFFFFFF0];
	[tilespmem:s11+$0x50] =	vst v8;
	v8 =	vmul.f32 $8.500000230e-01, v24  }
0x1e0: {  	v4 =	vadd.f32 v4, v10;
	[tilespmem:s10+$0xFFFFFFA0] =	vst v9;
	v9 =	vld [tilespmem:s16+$0x60]  }
0x1e1: {  	v6 =	vmul.f32 $8.500000230e-01, v51;
	v10 =	vld [tilespmem:s24+$0xFFFFFFB0];
	v8 =	vadd.f32 v11, v8;
	v11 =	vmul.f32 $1.500000060e-01, v55  }
0x1e2: {  	v58 =	vmul.f32 $1.500000060e-01, v56;
	[tilespmem:s10+$0x20] =	vst v4;
	v4 =	vmul.f32 $8.500000230e-01, v23;
	v14 =	vld [tilespmem:s11+$0xFFFFFFE0]  }
0x1e3: {  	[tilespmem:s11+$0xFFFFFFD0] =	vst v8;
	v6 =	vadd.f32 v11, v6;
	v11 =	vld [tilespmem:s24+$0x30]  }
0x1e4: {  	v5 =	vmul.f32 $8.500000230e-01, v5;
	v4 =	vadd.f32 v58, v4;
	v8 =	vmul.f32 $1.500000060e-01, v16;
	v60 =	vld [tilespmem:s16+$0xFFFFFFE0]  }
0x1e5: {  	v13 =	vld [tilespmem:s11+$0x20];
	v9 =	vmul.f32 $1.500000060e-01, v9;
	[tilespmem:s11+$0x10] =	vst v6;
	v6 =	vmul.f32 $8.500000230e-01, v57  }
0x1e6: {  	v7 =	vmul.f32 $8.500000230e-01, v7;
	[tilespmem:s11+$0xFFFFFF90] =	vst v4;
	v5 =	vadd.f32 v8, v5;
	v8 =	vmul.f32 $1.500000060e-01, v10;
	v62 =	vld [tilespmem:s16+$0x20]  }
0x1e7: {  	v12 =	vmul.f32 $8.500000230e-01, v12;
	v10 =	vld [tilespmem:s16+$0xFFFFFFA0];
	v4 =	vadd.f32 v9, v6;
	v6 =	vmul.f32 $1.500000060e-01, v59  }
0x1e8: {  	v15 =	vmul.f32 $8.500000230e-01, v15;
	[tilespmem:s10+$0x70] =	vst v5;
	v9 =	vadd.f32 v8, v7;
	v8 =	vld [tilespmem:s11+$0xFFFFFFF0];
	v11 =	vmul.f32 $1.500000060e-01, v11  }
0x1e9: {  	v14 =	vmul.f32 $8.500000230e-01, v14;
	v7 =	vld [tilespmem:s11+$0x30];
	v16 =	vmul.f32 $1.500000060e-01, v60;
	v63 =	vadd.f32 v6, v12;
	[tilespmem:s11+$0x60] =	vst v4  }
0x1ea: {  	s30 =	simm.s32 $0x16A80;
	s24 =	simm.s32 $0x1A980;
	v5 =	vmul.f32 $8.500000230e-01, v52;
	v6 =	vmul.f32 $8.500000230e-01, v13;
	[tilespmem:s10+$0xFFFFFFB0] =	vst v9;
	v9 =	vld [tilespmem:s11+$0x70];
	v12 =	vadd.f32 v11, v15  }
0x1eb: {  	s28 =	simm.s32 $0x4;
	v4 =	vmul.f32 $8.500000230e-01, v61;
	v13 =	vadd.f32 v16, v14;
	v11 =	vld [tilespmem:s16+$0x70];
	v14 =	vmul.f32 $1.500000060e-01, v62;
	[tilespmem:s10+$0xFFFFFFF0] =	vst v63  }
.LBB2_16:
0x1ec: {  	v15 =	vld [tilespmem:s30+$0x40];
	v10 =	vmul.f32 $1.500000060e-01, v10;
	s16 =	sadd.s32 $0x100, s16;
	[tilespmem:s10+$0x30] =	vst v12;
	s10 =	smov.u32 s11;
	s11 =	smov.u32 s30  }
0x1ed: {  	s28 =	sadd.s32 $0x4, s28;
	v12 =	vld [tilespmem:s16+$0x40];
	[tilespmem:s10+$0xFFFFFFE0] =	vst v13;
	v13 =	vmul.f32 $8.500000230e-01, v8;
	v6 =	vadd.f32 v14, v6  }
0x1ee: {  	p0 =	slt.u32 s28, $0x7C;
	v8 =	vld [tilespmem:s16+$0xFFFFFF80];
	v5 =	vadd.f32 v10, v5;
	v14 =	vmul.f32 $8.500000230e-01, v7  }
0x1ef: {  	v7 =	vld [tilespmem:s30+$0xFFFFFFC0];
	[tilespmem:s10+$0x20] =	vst v6  }
0x1f0: {  	v6 =	vld [tilespmem:s16+$0xFFFFFFC0];
	[tilespmem:s10+$0xFFFFFFA0] =	vst v5;
	v5 =	vmul.f32 $8.500000230e-01, v9;
	v9 =	vmul.f32 $1.500000060e-01, v11  }
0x1f1: {  	v10 =	vld [tilespmem:s30+$0x0]  }
0x1f2: {  	v15 =	vmul.f32 $8.500000230e-01, v15;
	v11 =	vld [tilespmem:s16+$0x0];
	v12 =	vmul.f32 $1.500000060e-01, v12;
	v5 =	vadd.f32 v9, v5  }
0x1f3: {  	v9 =	vld [tilespmem:s30+$0xFFFFFF80];
	v8 =	vmul.f32 $1.500000060e-01, v8  }
0x1f4: {  	v16 =	vld [tilespmem:s30+$0xFFFFFF90];
	v7 =	vmul.f32 $8.500000230e-01, v7;
	v12 =	vadd.f32 v12, v15;
	[tilespmem:s10+$0x70] =	vst v5  }
0x1f5: {  	v5 =	vmul.f32 $1.500000060e-01, v6;
	v6 =	vld [tilespmem:s30+$0xFFFFFFD0]  }
0x1f6: {  	v10 =	vmul.f32 $8.500000230e-01, v10;
	[tilespmem:s30+$0x40] =	vst v12;
	v12 =	vld [tilespmem:s30+$0x50]  }
0x1f7: {  	v5 =	vadd.f32 v5, v7;
	v7 =	vmul.f32 $1.500000060e-01, v11;
	v11 =	vld [tilespmem:s16+$0x50]  }
0x1f8: {  	v9 =	vmul.f32 $8.500000230e-01, v9;
	v15 =	vld [tilespmem:s30+$0x10]  }
0x1f9: {  	v16 =	vmul.f32 $8.500000230e-01, v16;
	v17 =	vld [tilespmem:s30+$0xFFFFFFA0];
	[tilespmem:s30+$0xFFFFFFC0] =	vst v5;
	v5 =	vadd.f32 v7, v10  }
0x1fa: {  	v7 =	vadd.f32 v8, v9;
	v6 =	vmul.f32 $8.500000230e-01, v6;
	v8 =	vld [tilespmem:s16+$0xFFFFFFD0]  }
0x1fb: {  	v9 =	vld [tilespmem:s30+$0xFFFFFFE0];
	[tilespmem:s30+$0x0] =	vst v5  }
0x1fc: {  	v10 =	vmul.f32 $8.500000230e-01, v12;
	[tilespmem:s30+$0xFFFFFF80] =	vst v7;
	v7 =	vld [tilespmem:s16+$0x10];
	v11 =	vmul.f32 $1.500000060e-01, v11  }
0x1fd: {  	v12 =	vld [tilespmem:s16+$0xFFFFFF90];
	v15 =	vmul.f32 $8.500000230e-01, v15  }
0x1fe: {  	v5 =	vmul.f32 $8.500000230e-01, v17;
	v17 =	vld [tilespmem:s30+$0x20];
	v10 =	vadd.f32 v11, v10  }
0x1ff: {  	v8 =	vmul.f32 $1.500000060e-01, v8;
	v11 =	vld [tilespmem:s24+$0xFFFFFFB0]  }
0x200: {  	v18 =	vmul.f32 $8.500000230e-01, v9;
	[tilespmem:s30+$0x50] =	vst v10;
	v9 =	vld [tilespmem:s30+$0x60]  }
0x201: {  	v6 =	vadd.f32 v8, v6;
	v7 =	vmul.f32 $1.500000060e-01, v7;
	v8 =	vld [tilespmem:s16+$0x60]  }
0x202: {  	v10 =	vmul.f32 $1.500000060e-01, v12;
	v12 =	vld [tilespmem:s24+$0xFFFFFFF0]  }
0x203: {  	[tilespmem:s30+$0xFFFFFFD0] =	vst v6;
	v7 =	vadd.f32 v7, v15;
	v6 =	vmul.f32 $8.500000230e-01, v17;
	v15 =	vld [tilespmem:s24+$0x30];
	s24 =	smov.u32 s16  }
0x204: {  	v10 =	vadd.f32 v10, v16;
	v16 =	vld [tilespmem:s16+$0xFFFFFFE0];
	v11 =	vmul.f32 $1.500000060e-01, v11  }
0x205: {  	v17 =	vld [tilespmem:s30+$0xFFFFFFB0];
	[tilespmem:s30+$0x10] =	vst v7  }
0x206: {  	v7 =	vmul.f32 $8.500000230e-01, v9;
	[tilespmem:s30+$0xFFFFFF90] =	vst v10;
	v19 =	vld [tilespmem:s16+$0x20];
	v9 =	vmul.f32 $1.500000060e-01, v8;
	v4 =	vadd.f32 v11, v4  }
.Ltmp9:
0x207: {  	v10 =	vld [tilespmem:s16+$0xFFFFFFA0];
	v11 =	vmul.f32 $1.500000060e-01, v12;
	(pc) =	sbr.rel @p0 .LBB2_16-.Ltmp9, $4  }
0x208: {  	v8 =	vld [tilespmem:s30+$0xFFFFFFF0];
	v9 =	vadd.f32 v9, v7;
	[tilespmem:s10+$0xFFFFFFB0] =	vst v4;
	v12 =	vmul.f32 $1.500000060e-01, v15  }
0x209: {  	v15 =	vmul.f32 $1.500000060e-01, v16;
	v7 =	vld [tilespmem:s30+$0x30];
	v16 =	vadd.f32 v11, v13  }
0x20a: {  	v4 =	vmul.f32 $8.500000230e-01, v17;
	[tilespmem:s30+$0x60] =	vst v9;
	v9 =	vld [tilespmem:s30+$0x70];
	v12 =	vadd.f32 v12, v14  }
0x20b: {  	s30 =	sadd.s32 $0x100, s30;
	v13 =	vadd.f32 v15, v18;
	v14 =	vmul.f32 $1.500000060e-01, v19;
	v11 =	vld [tilespmem:s16+$0x70];
	[tilespmem:s10+$0xFFFFFFF0] =	vst v16  }
0x20c: {  	v10 =	vmul.f32 $1.500000060e-01, v10;
	_ =	sdelay $0x1  }
0x20d: {  	v5 =	vadd.f32 v10, v5;
	_ =	sdelay $0x1  }
0x20e: {  	v6 =	vadd.f32 v14, v6;
	[tilespmem:s11+$0xFFFFFFA0] =	vst v5  }
0x20f: {  	[tilespmem:s11+$0xFFFFFFE0] =	vst v13;
	v5 =	vld [tilespmem:s24+$0xFFFFFFB0]  }
0x210: {  	v62 =	vld [tilespmem:s24+$0xFFFFFFF0];
	[tilespmem:s11+$0x20] =	vst v6  }
0x211: {  	v63 =	vld [tilespmem:s24+$0x30];
	_ =	sdelay $0x1  }
0x212: {  	v9 =	vmul.f32 $8.500000230e-01, v9;
	v11 =	vmul.f32 $1.500000060e-01, v11  }
0x213: {  	v5 =	vmul.f32 $1.500000060e-01, v5  }
0x214: {  	v8 =	vmul.f32 $8.500000230e-01, v8;
	v9 =	vadd.f32 v11, v9;
	v6 =	vmul.f32 $1.500000060e-01, v62  }
0x215: {  	[tilespmem:s10+$0x30] =	vst v12;
	v7 =	vmul.f32 $8.500000230e-01, v7;
	v4 =	vadd.f32 v5, v4;
	v5 =	vmul.f32 $1.500000060e-01, v63  }
0x216: {  	[tilespmem:s11+$0x70] =	vst v9;
	v6 =	vadd.f32 v6, v8  }
0x217: {  	[tilespmem:s11+$0xFFFFFFB0] =	vst v4;
	v4 =	vadd.f32 v5, v7  }
0x218: {  	[tilespmem:s11+$0xFFFFFFF0] =	vst v6  }
0x219: {  	s1 =	sadd.s32 s8, s2;
	[tilespmem:s11+$0x30] =	vst v4;
	s11 =	simm.s32 $0x16800  }
0x21a: {  	[spmem:s1] =	stream.linear.scatter [tilespmem:s11], [sflag:$0x7], $0x2000, $0x38;
	[tilespmem:$0x1F800] =	vst v63  }
0x21b: {  	s6 =	sadd.s32 $0x1, s6;
	_ =	swait.ge [sflag:s31], $0x2000  }
0x21c: {  	p0 =	sne.s32 s6, $0x5;
	[sflag:s31] =	ssyncset.done $0x0  }
.Ltmp10:
0x21d: {  	s30 =	sshrl.u32 s7, $0x3;
	[sflag:s31] =	ssyncadd.s32 $0xFFFFE000;
	(pc) =	sbr.rel @p0 .LBB2_15-.Ltmp10, $4  }
0x21e: {  	[spmem:s30], [sflag:s29] =	dma.local [hbm:s9], $0x400  }
0x21f: {  	_ =	swait.ge [sflag:s31], $0x400  }
0x220: {  	[sflag:s31] =	ssyncset.done $0x0  }
0x221: {  	[sflag:s31] =	ssyncadd.s32 $0xFFFFFC00  }
.Ltmp11:
0x222: {  	(pc) =	sbr.rel .LBB2_19-.Ltmp11, $3  }
0x223: {  	_ =	sdelay $0x1  }
0x224: {  	[bflag:$0x0] =	sbarrier.arrive $0xFFFF  }
0x225: {  	s1 =	simm.s32 $0x0  }
.LBB2_30:
0x226: {  	s1 =	sadd.s32 $0x15400, s1;
	s30 =	simm.s32 $0x5  }
0x227: {  	[spmem:s3] =	stream.indirect.scatter.add.f32 [tilespmem:s15], [sflag:$0x6], $0x40, s1, s0, $0xb8;
	[tilespmem:$0x1F800] =	vst v63  }
0x228: {  	_ =	swait.ge [sflag:s30], $0x2000  }
0x229: {  	[sflag:s30] =	ssyncset.done $0x0  }
0x22a: {  	[sflag:s30] =	ssyncadd.s32 $0xFFFFE000  }
0x22b: {  	_ =	swait.ge [sflag:s21], $0x2000  }
0x22c: {  	s31 =	rddreg [dreg:$0x1a]  }
0x22d: {  	s1 =	sadd.s32 $0x1, s31  }
0x22e: {  	p0 =	sne.s32 s1, $0x4  }
.Ltmp12:
0x22f: {  	_ = 	snop;
	(pc) =	sbr.rel @!p0 .LBB2_31-.Ltmp12, $3  }
0x230: {  	_ =	sdelay $0x1  }
0x231: {  	[sflag:s21] =	ssyncset.done $0x0  }
0x232: {  	s11 =	simm.s32 $0x16800;
	[sflag:s21] =	ssyncadd.s32 $0xFFFFE000  }
.LBB2_19:
0x233: {  	s10 =	smul.u32 $0x28, s1  }
0x234: {  	s5 =	rddreg [dreg:$0x16]  }
0x235: {  	[dreg:$0x1a] =	wrdreg s1;
	s6 =	sadd.s32 s5, s10  }
0x236: {  	s14 =	rddreg [dreg:$0x1];
	s8 =	simm.s32 $0x14000;
	s1 =	sshll.u32 s6, $0x4  }
0x237: {  	s9 =	simm.s32 $0x0;
	s7 =	simm.s32 $0x7;
	s5 =	sadd.s32 s14, s1  }
0x238: {  	[tilespmem:s8], [sflag:$0x7] =	stream.linear.gather [hbm4b:s5+s9], $0x1400, $0x38;
	[tilespmem:$0x1F800] =	vst v63  }
0x239: {  	_ =	swait.ge [sflag:s7], $0x1400  }
0x23a: {  	[sflag:s7] =	ssyncset.done $0x0;
	s16 =	rddreg [dreg:$0x7]  }
0x23b: {  	s19 =	simm.s32 $0x15400;
	[sflag:s7] =	ssyncadd.s32 $0xFFFFEC00;
	s1 =	sadd.s32 s16, s1  }
0x23c: {  	[tilespmem:s19], [sflag:$0x7] =	stream.linear.gather [hbm4b:s1+s9], $0x1400, $0x38;
	[tilespmem:$0x1F800] =	vst v63  }
0x23d: {  	_ =	swait.ge [sflag:s7], $0x1400  }
0x23e: {  	[sflag:s7] =	ssyncset.done $0x0  }
0x23f: {  	s24 =	sshll.u32 s6, $0x8;
	s28 =	rddreg [dreg:$0x6];
	[sflag:s7] =	ssyncadd.s32 $0xFFFFEC00  }
0x240: {  	[tilespmem:s11], [sflag:$0x1] =	stream.indirect.gather [spmem:s2], $0x40, s8, s0, $0xb8;
	[tilespmem:$0x1F800] =	vst v63  }
0x241: {  	s5 =	sadd.s32 s28, s24  }
0x242: {  	[tilespmem:s26], [sflag:$0x3] =	stream.linear.gather [hbm4b:s5+s9], $0x800, $0x38;
	[tilespmem:$0x1F800] =	vst v63  }
0x243: {  	s29 =	simm.s32 $0x14080;
	s30 =	rddreg [dreg:$0xf]  }
0x244: {  	[tilespmem:s12], [sflag:$0x2] =	stream.indirect.gather [spmem:s2], $0x40, s29, s0, $0xb8;
	[tilespmem:$0x1F800] =	vst v63  }
0x245: {  	s31 =	simm.s32 $0x16800;
	s1 =	sadd.s32 s24, s30;
	s7 =	simm.s32 $0x0  }
0x246: {  	[tilespmem:s13], [sflag:$0x4] =	stream.linear.gather [hbm4b:s1+s9], $0x800, $0x38;
	[tilespmem:$0x1F800] =	vst v63  }
.LBB2_20:
0x247: {  	p0 =	seq.s32 s7, $0x0  }
0x248: {  	s1 =	simm.s32 @!p0 $0x5  }
0x249: {  	_ =	swait.ge @!p0 [sflag:s1], $0x2000  }
0x24a: {  	[sflag:s1] =	ssyncset.done @!p0 $0x0  }
0x24b: {  	[sflag:s1] =	ssyncadd.s32 @!p0 $0xFFFFE000  }
0x24c: {  	s9 =	simm.s32 $0x0;
	_ =	swait.ge [sflag:s25], $0x2000  }
0x24d: {  	s24 =	simm.s32 $0x30;
	v4 =	vor.u32 s9, v0;
	[sflag:s25] =	ssyncset.done $0x0  }
0x24e: {  	v5 =	vor.u32 s24, v0;
	[sflag:s25] =	ssyncadd.s32 $0xFFFFE000  }
0x24f: {  	s29 =	simm.s32 $0x10;
	_ =	swait.ge [sflag:s18], $0x800  }
0x250: {  	v6 =	vor.u32 s29, v0;
	[sflag:s18] =	ssyncset.done $0x0  }
0x251: {  	[sflag:s18] =	ssyncadd.s32 $0xFFFFF800  }
0x252: {  	s11 =	simm.s32 $0x20;
	v4 =	vld.idx.msk [tilespmem:v4+s26+$0x0], $0xffff  }
0x253: {  	s10 =	simm.s32 $0x16880;
	v7 =	vor.u32 s11, v0;
	v5 =	vld.idx.msk [tilespmem:v5+s26+$0x0], $0xffff  }
0x254: {  	v8 =	vld [tilespmem:s10+$0x40]  }
0x255: {  	v6 =	vld.idx.msk [tilespmem:v6+s26+$0x0], $0xffff  }
0x256: {  	v9 =	vld [tilespmem:s10+$0xFFFFFF80]  }
0x257: {  	v10 =	vor.u32 s24, v1;
	v11 =	vld [tilespmem:s10+$0xFFFFFFC0]  }
0x258: {  	v7 =	vld.idx.msk [tilespmem:v7+s26+$0x0], $0xffff  }
0x259: {  	v12 =	vld [tilespmem:s10+$0x0];
	v5 =	vmul.f32 v8, v5  }
0x25a: {  	s8 =	simm.s32 $0x1A880;
	v13 =	vor.u32 s29, v1  }
0x25b: {  	v4 =	vmul.f32 v9, v4;
	[tilespmem:s8+$0x40] =	vst v5  }
0x25c: {  	v8 =	vor.u32 s9, v1;
	v6 =	vmul.f32 v11, v6;
	v9 =	vld.idx.msk [tilespmem:v10+s26+$0x0], $0xffff  }
0x25d: {  	[tilespmem:s8+$0xFFFFFF80] =	vst v4;
	v10 =	vld [tilespmem:s10+$0x50]  }
0x25e: {  	v5 =	vor.u32 s11, v1;
	v4 =	vmul.f32 v12, v7;
	[tilespmem:s8+$0xFFFFFFC0] =	vst v6  }
0x25f: {  	v6 =	vld.idx.msk [tilespmem:v13+s26+$0x0], $0xffff  }
0x260: {  	v11 =	vld [tilespmem:s10+$0xFFFFFF90];
	[tilespmem:s8+$0x0] =	vst v4;
	v4 =	vor.u32 s24, v2  }
0x261: {  	v7 =	vld.idx.msk [tilespmem:v8+s26+$0x0], $0xffff  }
0x262: {  	v8 =	vld [tilespmem:s10+$0xFFFFFFD0];
	v9 =	vmul.f32 v10, v9  }
0x263: {  	v5 =	vld.idx.msk [tilespmem:v5+s26+$0x0], $0xffff  }
0x264: {  	v14 =	vor.u32 s9, v2;
	v10 =	vld [tilespmem:s10+$0x10];
	[tilespmem:s8+$0x50] =	vst v9  }
0x265: {  	v4 =	vld.idx.msk [tilespmem:v4+s26+$0x0], $0xffff  }
0x266: {  	s16 =	simm.s32 $0x16980;
	v9 =	vor.u32 s29, v2;
	v7 =	vmul.f32 v11, v7;
	v13 =	vld [tilespmem:s10+$0x60]  }
0x267: {  	s30 =	simm.s32 $0x40;
	v15 =	vld [tilespmem:s16+$0x40]  }
0x268: {  	v16 =	vld [tilespmem:s16+$0xFFFFFF80];
	v6 =	vmul.f32 v8, v6;
	v8 =	vor.u32 s30, v0;
	[tilespmem:s8+$0xFFFFFF90] =	vst v7  }
0x269: {  	v12 =	vor.u32 s11, v2;
	v7 =	vld.idx.msk [tilespmem:v14+s26+$0x0], $0xffff  }
0x26a: {  	s5 =	simm.s32 $0x50;
	[tilespmem:s8+$0xFFFFFFD0] =	vst v6;
	v5 =	vmul.f32 v10, v5;
	v14 =	vld [tilespmem:s10+$0xFFFFFFA0]  }
0x26b: {  	v10 =	vor.u32 s5, v0;
	v6 =	vld.idx.msk [tilespmem:v9+s26+$0x0], $0xffff;
	v4 =	vmul.f32 v13, v4  }
0x26c: {  	s14 =	simm.s32 $0x70;
	[tilespmem:s8+$0x10] =	vst v5;
	v9 =	vld [tilespmem:s10+$0xFFFFFFE0]  }
0x26d: {  	s19 =	simm.s32 $0x60;
	v8 =	vld.idx.msk [tilespmem:v8+s26+$0x0], $0xffff;
	[tilespmem:s8+$0x60] =	vst v4;
	v4 =	vor.u32 s14, v0  }
0x26e: {  	v5 =	vld.idx.msk [tilespmem:v12+s26+$0x0], $0xffff;
	v13 =	vor.u32 s19, v0  }
0x26f: {  	v12 =	vld [tilespmem:s10+$0x20]  }
0x270: {  	v10 =	vld.idx.msk [tilespmem:v10+s26+$0x0], $0xffff  }
0x271: {  	v11 =	vld [tilespmem:s10+$0x70]  }
0x272: {  	v4 =	vld.idx.msk [tilespmem:v4+s26+$0x0], $0xffff  }
0x273: {  	v6 =	vmul.f32 v9, v6;
	v13 =	vld.idx.msk [tilespmem:v13+s26+$0x0], $0xffff  }
0x274: {  	v5 =	vmul.f32 v12, v5;
	v12 =	vld [tilespmem:s16+$0xFFFFFFC0]  }
0x275: {  	[tilespmem:s8+$0xFFFFFFE0] =	vst v6;
	v6 =	vmul.f32 v14, v7;
	v7 =	vor.u32 s14, v1;
	v14 =	vld [tilespmem:s16+$0x0]  }
0x276: {  	[tilespmem:s8+$0x20] =	vst v5;
	v18 =	vld [tilespmem:s10+$0xFFFFFFF0]  }
0x277: {  	v17 =	vor.u32 s24, v3;
	[tilespmem:s8+$0xFFFFFFA0] =	vst v6;
	v5 =	vld [tilespmem:s10+$0x30];
	v4 =	vmul.f32 v15, v4  }
0x278: {  	v19 =	vor.u32 s30, v1;
	v9 =	vld [tilespmem:s10+$0xFFFFFFB0];
	s10 =	simm.s32 $0x1A980  }
0x279: {  	v6 =	vor.u32 s5, v1;
	[tilespmem:s10+$0x40] =	vst v4  }
0x27a: {  	v4 =	vmul.f32 v16, v8;
	v7 =	vld.idx.msk [tilespmem:v7+s26+$0x0], $0xffff  }
0x27b: {  	v8 =	vmul.f32 v12, v10;
	v10 =	vld [tilespmem:s16+$0x50]  }
0x27c: {  	v15 =	vld.idx.msk [tilespmem:v17+s26+$0x0], $0xffff;
	v17 =	vor.u32 s19, v1;
	[tilespmem:s10+$0xFFFFFF80] =	vst v4;
	v4 =	vmul.f32 v14, v13  }
0x27d: {  	[tilespmem:s10+$0xFFFFFFC0] =	vst v8;
	v12 =	vld.idx.msk [tilespmem:v19+s26+$0x0], $0xffff  }
0x27e: {  	v6 =	vld.idx.msk [tilespmem:v6+s26+$0x0], $0xffff;
	[tilespmem:s10+$0x0] =	vst v4;
	v4 =	vor.u32 s14, v2  }
0x27f: {  	v14 =	vld [tilespmem:s16+$0xFFFFFFD0]  }
0x280: {  	v8 =	vor.u32 s29, v3;
	v19 =	vld [tilespmem:s16+$0xFFFFFF90];
	v7 =	vmul.f32 v10, v7  }
0x281: {  	v16 =	vor.u32 s11, v3;
	v13 =	vld.idx.msk [tilespmem:v17+s26+$0x0], $0xffff  }
0x282: {  	v17 =	vor.u32 s9, v3;
	v10 =	vld [tilespmem:s16+$0x10];
	[tilespmem:s10+$0x50] =	vst v7  }
0x283: {  	v20 =	vor.u32 s5, v2;
	v23 =	vld.idx.msk [tilespmem:v4+s26+$0x0], $0xffff  }
0x284: {  	v24 =	vor.u32 s30, v2;
	v25 =	vld [tilespmem:s16+$0x60]  }
0x285: {  	v22 =	vor.u32 s19, v2;
	v21 =	vld.idx.msk [tilespmem:v8+s26+$0x0], $0xffff;
	v6 =	vmul.f32 v14, v6  }
0x286: {  	v12 =	vmul.f32 v19, v12;
	v4 =	vld.idx.msk [tilespmem:v16+s26+$0x0], $0xffff  }
0x287: {  	v11 =	vmul.f32 v11, v15;
	v15 =	vor.u32 s14, v3;
	[tilespmem:s10+$0xFFFFFFD0] =	vst v6;
	v8 =	vmul.f32 v10, v13;
	v10 =	vld.idx.msk [tilespmem:v17+s26+$0x0], $0xffff  }
0x288: {  	[tilespmem:s10+$0xFFFFFF90] =	vst v12;
	v14 =	vld.idx.msk [tilespmem:v20+s26+$0x0], $0xffff  }
0x289: {  	s24 =	simm.s32 $0x16980;
	v7 =	vor.u32 s5, v3;
	v13 =	vld.idx.msk [tilespmem:v24+s26+$0x0], $0xffff;
	[tilespmem:s10+$0x10] =	vst v8;
	v16 =	vmul.f32 v25, v23  }
0x28a: {  	s11 =	sshll.u32 s7, $0x1;
	[tilespmem:s8+$0x70] =	vst v11;
	s9 =	simm.s32 $0x80;
	v6 =	vor.u32 s30, v3;
	s30 =	simm.s32 $0xC;
	v11 =	vmul.f32 v18, v21;
	v8 =	vor.u32 s19, v3;
	v12 =	vld.idx.msk [tilespmem:v22+s26+$0x0], $0xffff  }
.LBB2_21:
0x28b: {  	p1 =	slt.u32 s30, $0x7C;
	v17 =	vor.u32 s9, v0;
	v18 =	vor.u32 s9, v1;
	v19 =	vor.u32 s9, v2;
	s1 =	sadd.s32 $0x10, s9;
	s14 =	sadd.s32 $0x30, s9;
	v20 =	vld [tilespmem:s16+$0xFFFFFFE0];
	[tilespmem:s10+$0x60] =	vst v16  }
0x28c: {  	s5 =	sadd.s32 $0x20, s9;
	v16 =	vor.u32 s1, v0;
	v21 =	vor.u32 s1, v1;
	v22 =	vor.u32 s14, v0;
	v15 =	vld.idx.msk [tilespmem:v15+s26+$0x0], $0xffff;
	[tilespmem:s8+$0xFFFFFFF0] =	vst v11  }
0x28d: {  	v11 =	vor.u32 s1, v2;
	v23 =	vor.u32 s5, v0;
	v24 =	vor.u32 s5, v1;
	v25 =	vld [tilespmem:s16+$0x70]  }
0x28e: {  	v26 =	vor.u32 s1, v3;
	v27 =	vor.u32 s5, v2;
	v28 =	vor.u32 s5, v3;
	v29 =	vld [tilespmem:s16+$0x20]  }
0x28f: {  	v30 =	vor.u32 s9, v3;
	v4 =	vmul.f32 v5, v4;
	v9 =	vmul.f32 v9, v10;
	v31 =	vld [tilespmem:s16+$0xFFFFFFA0]  }
0x290: {  	v5 =	vld.idx.msk [tilespmem:v17+s26+$0x0], $0xffff;
	v10 =	vmul.f32 v20, v14  }
0x291: {  	s16 =	sadd.s32 $0x100, s16;
	v14 =	vld.idx.msk [tilespmem:v22+s26+$0x0], $0xffff;
	[tilespmem:s8+$0x30] =	vst v4  }
0x292: {  	v4 =	vld [tilespmem:s16+$0x40];
	[tilespmem:s10+$0xFFFFFFE0] =	vst v10;
	v10 =	vmul.f32 v25, v15  }
0x293: {  	v15 =	vld.idx.msk [tilespmem:v16+s26+$0x0], $0xffff;
	v12 =	vmul.f32 v29, v12;
	[tilespmem:s8+$0xFFFFFFB0] =	vst v9;
	s8 =	smov.u32 s10  }
0x294: {  	v9 =	vld.idx.msk [tilespmem:v23+s26+$0x0], $0xffff;
	v13 =	vmul.f32 v31, v13;
	[tilespmem:s10+$0x70] =	vst v10  }
0x295: {  	v16 =	vor.u32 s14, v1;
	v10 =	vld [tilespmem:s16+$0xFFFFFF80];
	[tilespmem:s10+$0x20] =	vst v12  }
0x296: {  	v12 =	vld [tilespmem:s16+$0xFFFFFFC0];
	[tilespmem:s10+$0xFFFFFFA0] =	vst v13  }
0x297: {  	v13 =	vld [tilespmem:s16+$0x0];
	v4 =	vmul.f32 v4, v14  }
0x298: {  	s10 =	sadd.s32 $0x100, s10;
	v17 =	vld.idx.msk [tilespmem:v7+s26+$0x0], $0xffff;
	v7 =	vmov v26  }
0x299: {  	[tilespmem:s10+$0x40] =	vst v4;
	v4 =	vld.idx.msk [tilespmem:v8+s26+$0x0], $0xffff;
	v8 =	vmov v28  }
0x29a: {  	v5 =	vmul.f32 v10, v5;
	v14 =	vld.idx.msk [tilespmem:v16+s26+$0x0], $0xffff  }
0x29b: {  	v12 =	vmul.f32 v12, v15;
	v15 =	vld [tilespmem:s16+$0x50]  }
0x29c: {  	[tilespmem:s10+$0xFFFFFF80] =	vst v5;
	v5 =	vmul.f32 v13, v9;
	v10 =	vld.idx.msk [tilespmem:v6+s26+$0x0], $0xffff;
	v6 =	vmov v30  }
0x29d: {  	v9 =	vld.idx.msk [tilespmem:v18+s26+$0x0], $0xffff;
	[tilespmem:s10+$0xFFFFFFC0] =	vst v12  }
0x29e: {  	v12 =	vld.idx.msk [tilespmem:v21+s26+$0x0], $0xffff;
	[tilespmem:s10+$0x0] =	vst v5;
	v5 =	vor.u32 s14, v2  }
0x29f: {  	v13 =	vld.idx.msk [tilespmem:v24+s26+$0x0], $0xffff  }
0x2a0: {  	v16 =	vld [tilespmem:s16+$0xFFFFFFD0];
	v14 =	vmul.f32 v15, v14  }
0x2a1: {  	v15 =	vld [tilespmem:s16+$0x10]  }
0x2a2: {  	v18 =	vld [tilespmem:s16+$0xFFFFFF90];
	[tilespmem:s10+$0x50] =	vst v14  }
0x2a3: {  	v20 =	vld.idx.msk [tilespmem:v5+s26+$0x0], $0xffff  }
0x2a4: {  	v21 =	vld [tilespmem:s16+$0x60]  }
0x2a5: {  	v12 =	vmul.f32 v16, v12;
	v22 =	vld [tilespmem:s24+$0xFFFFFFF0]  }
.Ltmp13:
0x2a6: {  	v13 =	vmul.f32 v15, v13;
	v5 =	vld [tilespmem:s24+$0x30];
	(pc) =	sbr.rel @p1 .LBB2_21-.Ltmp13, $4  }
0x2a7: {  	v15 =	vor.u32 s14, v3;
	v16 =	vmul.f32 v18, v9;
	[tilespmem:s10+$0xFFFFFFD0] =	vst v12;
	v9 =	vld [tilespmem:s24+$0xFFFFFFB0];
	s24 =	smov.u32 s16  }
0x2a8: {  	v14 =	vld.idx.msk [tilespmem:v11+s26+$0x0], $0xffff;
	[tilespmem:s10+$0x10] =	vst v13  }
0x2a9: {  	[tilespmem:s10+$0xFFFFFF90] =	vst v16;
	v12 =	vld.idx.msk [tilespmem:v27+s26+$0x0], $0xffff;
	v16 =	vmul.f32 v21, v20  }
0x2aa: {  	s9 =	sshll.u32 s30, $0x4;
	s30 =	sadd.s32 $0x4, s30;
	v13 =	vld.idx.msk [tilespmem:v19+s26+$0x0], $0xffff;
	v11 =	vmul.f32 v22, v17  }
0x2ab: {  	v19 =	vld [tilespmem:s16+$0xFFFFFFE0]  }
0x2ac: {  	v17 =	vor.u32 s9, v0;
	v28 =	vld [tilespmem:s16+$0x20]  }
0x2ad: {  	s28 =	sadd.s32 $0x30, s9;
	[tilespmem:s10+$0x60] =	vst v16;
	v29 =	vld [tilespmem:s16+$0xFFFFFFA0]  }
0x2ae: {  	s1 =	sadd.s32 $0x100, s16;
	v18 =	vor.u32 s28, v0;
	v21 =	vld [tilespmem:s16+$0x70]  }
0x2af: {  	s19 =	sadd.s32 $0x10, s9;
	v22 =	vld [tilespmem:s1+$0x40]  }
0x2b0: {  	s29 =	sadd.s32 $0x20, s9;
	v62 =	vor.u32 s19, v0;
	v23 =	vld [tilespmem:s1+$0xFFFFFF80]  }
0x2b1: {  	v20 =	vor.u32 s29, v0;
	v17 =	vld.idx.msk [tilespmem:v17+s26+$0x0], $0xffff  }
0x2b2: {  	v25 =	vld [tilespmem:s1+$0xFFFFFFC0]  }
0x2b3: {  	v18 =	vld.idx.msk [tilespmem:v18+s26+$0x0], $0xffff  }
0x2b4: {  	v27 =	vor.u32 s9, v1;
	v26 =	vld [tilespmem:s1+$0x0]  }
0x2b5: {  	v14 =	vmul.f32 v19, v14;
	v16 =	vld.idx.msk [tilespmem:v62+s26+$0x0], $0xffff  }
0x2b6: {  	v24 =	vor.u32 s28, v1;
	v20 =	vld.idx.msk [tilespmem:v20+s26+$0x0], $0xffff;
	v17 =	vmul.f32 v23, v17  }
0x2b7: {  	s14 =	sadd.s32 $0x100, s10;
	v15 =	vld.idx.msk [tilespmem:v15+s26+$0x0], $0xffff;
	[tilespmem:s10+$0xFFFFFFE0] =	vst v14  }
0x2b8: {  	v63 =	vor.u32 s19, v1;
	v7 =	vld.idx.msk [tilespmem:v7+s26+$0x0], $0xffff;
	v18 =	vmul.f32 v22, v18;
	[tilespmem:s14+$0xFFFFFF80] =	vst v17  }
0x2b9: {  	v30 =	vor.u32 s29, v1;
	v33 =	vld.idx.msk [tilespmem:v27+s26+$0x0], $0xffff  }
0x2ba: {  	v16 =	vmul.f32 v25, v16;
	[tilespmem:s14+$0x40] =	vst v18;
	v37 =	vld [tilespmem:s1+$0xFFFFFF90]  }
0x2bb: {  	v32 =	vmul.f32 v26, v20;
	v18 =	vld.idx.msk [tilespmem:v24+s26+$0x0], $0xffff  }
0x2bc: {  	[tilespmem:s14+$0xFFFFFFC0] =	vst v16;
	v31 =	vld [tilespmem:s1+$0x50]  }
0x2bd: {  	[tilespmem:s14+$0x0] =	vst v32;
	v16 =	vld.idx.msk [tilespmem:v63+s26+$0x0], $0xffff  }
0x2be: {  	v41 =	vor.u32 s9, v2;
	v12 =	vmul.f32 v28, v12;
	v17 =	vld.idx.msk [tilespmem:v30+s26+$0x0], $0xffff  }
0x2bf: {  	v13 =	vmul.f32 v29, v13;
	v34 =	vld [tilespmem:s1+$0xFFFFFFD0]  }
0x2c0: {  	v35 =	vor.u32 s28, v2;
	[tilespmem:s10+$0x20] =	vst v12;
	v36 =	vld [tilespmem:s1+$0x10];
	v14 =	vmul.f32 v37, v33  }
0x2c1: {  	[tilespmem:s10+$0xFFFFFFA0] =	vst v13;
	v8 =	vld.idx.msk [tilespmem:v8+s26+$0x0], $0xffff  }
0x2c2: {  	v38 =	vor.u32 s19, v2;
	v6 =	vld.idx.msk [tilespmem:v6+s26+$0x0], $0xffff;
	v39 =	vmul.f32 v31, v18;
	[tilespmem:s14+$0xFFFFFF90] =	vst v14  }
0x2c3: {  	v40 =	vor.u32 s29, v2;
	v13 =	vld.idx.msk [tilespmem:v41+s26+$0x0], $0xffff  }
0x2c4: {  	v42 =	vmul.f32 v34, v16;
	[tilespmem:s14+$0x50] =	vst v39;
	v49 =	vld [tilespmem:s1+$0xFFFFFFA0]  }
0x2c5: {  	v17 =	vmul.f32 v36, v17;
	v43 =	vld.idx.msk [tilespmem:v35+s26+$0x0], $0xffff  }
0x2c6: {  	[tilespmem:s14+$0xFFFFFFD0] =	vst v42;
	v44 =	vld [tilespmem:s1+$0x60]  }
0x2c7: {  	[tilespmem:s14+$0x10] =	vst v17;
	v12 =	vld.idx.msk [tilespmem:v38+s26+$0x0], $0xffff  }
0x2c8: {  	v45 =	vld.idx.msk [tilespmem:v40+s26+$0x0], $0xffff  }
0x2c9: {  	v54 =	vor.u32 s9, v3;
	v46 =	vld [tilespmem:s1+$0xFFFFFFE0]  }
0x2ca: {  	v47 =	vor.u32 s28, v3;
	v48 =	vld [tilespmem:s1+$0x20]  }
0x2cb: {  	v51 =	vld [tilespmem:s24+$0xFFFFFFF0];
	v57 =	vmul.f32 v49, v13  }
0x2cc: {  	v50 =	vor.u32 s19, v3;
	v53 =	vld [tilespmem:s24+$0x30];
	v16 =	vmul.f32 v44, v43  }
0x2cd: {  	v52 =	vor.u32 s29, v3;
	v55 =	vld [tilespmem:s24+$0xFFFFFFB0];
	[tilespmem:s14+$0xFFFFFFA0] =	vst v57  }
0x2ce: {  	v12 =	vmul.f32 v46, v12;
	[tilespmem:s14+$0x60] =	vst v16;
	v59 =	vld.idx.msk [tilespmem:v54+s26+$0x0], $0xffff  }
0x2cf: {  	v14 =	vmul.f32 v48, v45;
	v16 =	vld.idx.msk [tilespmem:v47+s26+$0x0], $0xffff  }
0x2d0: {  	[tilespmem:s14+$0xFFFFFFE0] =	vst v12;
	v56 =	vld [tilespmem:s1+$0x70]  }
0x2d1: {  	v4 =	vmul.f32 v5, v4;
	[tilespmem:s14+$0x20] =	vst v14;
	v58 =	vld.idx.msk [tilespmem:v50+s26+$0x0], $0xffff  }
0x2d2: {  	[tilespmem:s8+$0xFFFFFFF0] =	vst v11;
	v9 =	vmul.f32 v9, v10;
	v5 =	vld.idx.msk [tilespmem:v52+s26+$0x0], $0xffff  }
0x2d3: {  	[tilespmem:s8+$0x30] =	vst v4;
	v4 =	vmul.f32 v21, v15;
	v60 =	vld [tilespmem:s1+$0xFFFFFFF0]  }
0x2d4: {  	[tilespmem:s8+$0xFFFFFFB0] =	vst v9;
	v7 =	vmul.f32 v51, v7;
	v61 =	vld [tilespmem:s1+$0x30]  }
0x2d5: {  	[tilespmem:s10+$0x70] =	vst v4;
	v4 =	vmul.f32 v53, v8;
	v62 =	vld [tilespmem:s1+$0xFFFFFFB0]  }
0x2d6: {  	v6 =	vmul.f32 v55, v6;
	[tilespmem:s10+$0xFFFFFFF0] =	vst v7  }
0x2d7: {  	p1 =	sne.s32 s7, $0x13;
	[tilespmem:s10+$0x30] =	vst v4;
	v4 =	vmul.f32 v56, v16  }
.Ltmp14:
0x2d8: {  	[tilespmem:s10+$0xFFFFFFB0] =	vst v6;
	v63 =	vmul.f32 v60, v58;
	(pc) =	sbr.rel @p1 .LBB2_24-.Ltmp14, $4  }
0x2d9: {  	[tilespmem:s14+$0x70] =	vst v4;
	v4 =	vmul.f32 v61, v5  }
0x2da: {  	[tilespmem:s14+$0xFFFFFFF0] =	vst v63;
	v5 =	vmul.f32 v62, v59  }
0x2db: {  	[tilespmem:s14+$0x30] =	vst v4  }
0x2dc: {  	[tilespmem:s14+$0xFFFFFFB0] =	vst v5  }
.Ltmp15:
0x2dd: {  	(pc) =	sbr.rel .LBB2_25-.Ltmp15, $4  }
0x2de: {  	_ = 	snop  }
0x2df: {  	s1 =	simm.s32 $0x16700  }
0x2e0: {  	[spmem:s3] =	stream.indirect.scatter.add.f32 [tilespmem:s20], [sflag:$0x5], $0x40, s1, s0, $0xb8;
	[tilespmem:$0x1F800] =	vst v63  }
0x2e1: {  	s8 =	simm.s32 $0x27;
	s1 =	simm.s32 $0x4C00  }
.LBB2_24:
0x2e2: {  	s1 =	sshll.u32 s7, $0xA  }
0x2e3: {  	s5 =	sshrl.u32 s1, $0x2  }
0x2e4: {  	s30 =	sadd.s32 s6, s11;
	s8 =	sadd.s32 $0x14100, s5  }
0x2e5: {  	[tilespmem:s31], [sflag:$0x1] =	stream.indirect.gather [spmem:s2], $0x40, s8, s0, $0xb8;
	[tilespmem:$0x1F800] =	vst v63  }
.Ltmp16:
0x2e6: {  	s8 =	sshll.u32 s30, $0x8;
	(pc) =	sbr.rel @p0 .LBB2_26-.Ltmp16, $4  }
0x2e7: {  	s10 =	simm.s32 $0x0;
	s8 =	sadd.s32 s8, s17  }
0x2e8: {  	[tilespmem:s26], [sflag:$0x3] =	stream.linear.gather [hbm4b:s8+s10], $0x800, $0x38;
	[tilespmem:$0x1F800] =	vst v63  }
0x2e9: {  	s5 =	sadd.s32 $0x15400, s5;
	s8 =	sor.u32 $0x1, s11  }
0x2ea: {  	[spmem:s3] =	stream.indirect.scatter.add.f32 [tilespmem:s20], [sflag:$0x5], $0x40, s5, s0, $0xb8;
	[tilespmem:$0x1F800] =	vst v63  }
.LBB2_25:
0x2eb: {  	_ =	swait.ge [sflag:s21], $0x2000  }
0x2ec: {  	[sflag:s21] =	ssyncset.done $0x0  }
0x2ed: {  	s10 =	smov.u32 s1;
	[sflag:s21] =	ssyncadd.s32 $0xFFFFE000  }
.LBB2_26:
0x2ee: {  	_ =	swait.ge [sflag:s22], $0x2000;
	s9 =	simm.s32 $0x0  }
0x2ef: {  	s30 =	simm.s32 $0x30;
	[sflag:s22] =	ssyncset.done $0x0;
	v4 =	vor.u32 s9, v0  }
0x2f0: {  	v5 =	vor.u32 s30, v0;
	[sflag:s22] =	ssyncadd.s32 $0xFFFFE000  }
0x2f1: {  	s1 =	simm.s32 $0x10;
	_ =	swait.ge [sflag:s23], $0x800  }
0x2f2: {  	v6 =	vor.u32 s1, v0;
	[sflag:s23] =	ssyncset.done $0x0  }
0x2f3: {  	[sflag:s23] =	ssyncadd.s32 $0xFFFFF800  }
0x2f4: {  	s14 =	simm.s32 $0x20;
	v4 =	vld.idx.msk [tilespmem:v4+s13+$0x0], $0xffff  }
0x2f5: {  	s16 =	simm.s32 $0x18880;
	v7 =	vor.u32 s14, v0;
	v5 =	vld.idx.msk [tilespmem:v5+s13+$0x0], $0xffff  }
0x2f6: {  	v8 =	vld [tilespmem:s16+$0x40]  }
0x2f7: {  	v6 =	vld.idx.msk [tilespmem:v6+s13+$0x0], $0xffff  }
0x2f8: {  	v9 =	vld [tilespmem:s16+$0xFFFFFF80]  }
0x2f9: {  	v10 =	vor.u32 s30, v1;
	v11 =	vld [tilespmem:s16+$0xFFFFFFC0]  }
0x2fa: {  	v7 =	vld.idx.msk [tilespmem:v7+s13+$0x0], $0xffff  }
0x2fb: {  	v12 =	vld [tilespmem:s16+$0x0];
	v5 =	vmul.f32 v8, v5  }
0x2fc: {  	s11 =	simm.s32 $0x1C880;
	v13 =	vor.u32 s1, v1  }
0x2fd: {  	v4 =	vmul.f32 v9, v4;
	[tilespmem:s11+$0x40] =	vst v5  }
0x2fe: {  	v8 =	vor.u32 s9, v1;
	v6 =	vmul.f32 v11, v6;
	v9 =	vld.idx.msk [tilespmem:v10+s13+$0x0], $0xffff  }
0x2ff: {  	[tilespmem:s11+$0xFFFFFF80] =	vst v4;
	v10 =	vld [tilespmem:s16+$0x50]  }
0x300: {  	v5 =	vor.u32 s14, v1;
	v4 =	vmul.f32 v12, v7;
	[tilespmem:s11+$0xFFFFFFC0] =	vst v6  }
0x301: {  	v6 =	vld.idx.msk [tilespmem:v13+s13+$0x0], $0xffff  }
0x302: {  	v11 =	vld [tilespmem:s16+$0xFFFFFF90];
	[tilespmem:s11+$0x0] =	vst v4;
	v4 =	vor.u32 s30, v2  }
0x303: {  	v7 =	vld.idx.msk [tilespmem:v8+s13+$0x0], $0xffff  }
0x304: {  	v8 =	vld [tilespmem:s16+$0xFFFFFFD0];
	v9 =	vmul.f32 v10, v9  }
0x305: {  	v5 =	vld.idx.msk [tilespmem:v5+s13+$0x0], $0xffff  }
0x306: {  	v14 =	vor.u32 s9, v2;
	v10 =	vld [tilespmem:s16+$0x10];
	[tilespmem:s11+$0x50] =	vst v9  }
0x307: {  	v4 =	vld.idx.msk [tilespmem:v4+s13+$0x0], $0xffff  }
0x308: {  	s24 =	simm.s32 $0x18980;
	v9 =	vor.u32 s1, v2;
	v7 =	vmul.f32 v11, v7;
	v13 =	vld [tilespmem:s16+$0x60]  }
0x309: {  	s19 =	simm.s32 $0x40;
	v15 =	vld [tilespmem:s24+$0x40]  }
0x30a: {  	v16 =	vld [tilespmem:s24+$0xFFFFFF80];
	v6 =	vmul.f32 v8, v6;
	v8 =	vor.u32 s19, v0;
	[tilespmem:s11+$0xFFFFFF90] =	vst v7  }
0x30b: {  	v12 =	vor.u32 s14, v2;
	v7 =	vld.idx.msk [tilespmem:v14+s13+$0x0], $0xffff  }
0x30c: {  	s5 =	simm.s32 $0x50;
	[tilespmem:s11+$0xFFFFFFD0] =	vst v6;
	v5 =	vmul.f32 v10, v5;
	v14 =	vld [tilespmem:s16+$0xFFFFFFA0]  }
0x30d: {  	v10 =	vor.u32 s5, v0;
	v6 =	vld.idx.msk [tilespmem:v9+s13+$0x0], $0xffff;
	v4 =	vmul.f32 v13, v4  }
0x30e: {  	s28 =	simm.s32 $0x70;
	[tilespmem:s11+$0x10] =	vst v5;
	v9 =	vld [tilespmem:s16+$0xFFFFFFE0]  }
0x30f: {  	s29 =	simm.s32 $0x60;
	v8 =	vld.idx.msk [tilespmem:v8+s13+$0x0], $0xffff;
	[tilespmem:s11+$0x60] =	vst v4;
	v4 =	vor.u32 s28, v0  }
0x310: {  	v5 =	vld.idx.msk [tilespmem:v12+s13+$0x0], $0xffff;
	v13 =	vor.u32 s29, v0  }
0x311: {  	v12 =	vld [tilespmem:s16+$0x20]  }
0x312: {  	v10 =	vld.idx.msk [tilespmem:v10+s13+$0x0], $0xffff  }
0x313: {  	v11 =	vld [tilespmem:s16+$0x70]  }
0x314: {  	v4 =	vld.idx.msk [tilespmem:v4+s13+$0x0], $0xffff  }
0x315: {  	v6 =	vmul.f32 v9, v6;
	v13 =	vld.idx.msk [tilespmem:v13+s13+$0x0], $0xffff  }
0x316: {  	v5 =	vmul.f32 v12, v5;
	v12 =	vld [tilespmem:s24+$0xFFFFFFC0]  }
0x317: {  	[tilespmem:s11+$0xFFFFFFE0] =	vst v6;
	v6 =	vmul.f32 v14, v7;
	v7 =	vor.u32 s28, v1;
	v14 =	vld [tilespmem:s24+$0x0]  }
0x318: {  	[tilespmem:s11+$0x20] =	vst v5;
	v18 =	vld [tilespmem:s16+$0xFFFFFFF0]  }
0x319: {  	v17 =	vor.u32 s30, v3;
	[tilespmem:s11+$0xFFFFFFA0] =	vst v6;
	v5 =	vld [tilespmem:s16+$0x30];
	v4 =	vmul.f32 v15, v4  }
0x31a: {  	v19 =	vor.u32 s19, v1;
	v9 =	vld [tilespmem:s16+$0xFFFFFFB0];
	s16 =	simm.s32 $0x1C980  }
0x31b: {  	v6 =	vor.u32 s5, v1;
	[tilespmem:s16+$0x40] =	vst v4  }
0x31c: {  	v4 =	vmul.f32 v16, v8;
	v7 =	vld.idx.msk [tilespmem:v7+s13+$0x0], $0xffff  }
0x31d: {  	v8 =	vmul.f32 v12, v10;
	v10 =	vld [tilespmem:s24+$0x50]  }
0x31e: {  	v15 =	vld.idx.msk [tilespmem:v17+s13+$0x0], $0xffff;
	v17 =	vor.u32 s29, v1;
	[tilespmem:s16+$0xFFFFFF80] =	vst v4;
	v4 =	vmul.f32 v14, v13  }
0x31f: {  	[tilespmem:s16+$0xFFFFFFC0] =	vst v8;
	v12 =	vld.idx.msk [tilespmem:v19+s13+$0x0], $0xffff  }
0x320: {  	v6 =	vld.idx.msk [tilespmem:v6+s13+$0x0], $0xffff;
	[tilespmem:s16+$0x0] =	vst v4;
	v4 =	vor.u32 s28, v2  }
0x321: {  	v14 =	vld [tilespmem:s24+$0xFFFFFFD0]  }
0x322: {  	v8 =	vor.u32 s1, v3;
	v19 =	vld [tilespmem:s24+$0xFFFFFF90];
	v7 =	vmul.f32 v10, v7  }
0x323: {  	v16 =	vor.u32 s14, v3;
	v13 =	vld.idx.msk [tilespmem:v17+s13+$0x0], $0xffff  }
0x324: {  	v17 =	vor.u32 s9, v3;
	v10 =	vld [tilespmem:s24+$0x10];
	[tilespmem:s16+$0x50] =	vst v7  }
0x325: {  	v20 =	vor.u32 s5, v2;
	v23 =	vld.idx.msk [tilespmem:v4+s13+$0x0], $0xffff  }
0x326: {  	v24 =	vor.u32 s19, v2;
	v25 =	vld [tilespmem:s24+$0x60]  }
0x327: {  	v22 =	vor.u32 s29, v2;
	v21 =	vld.idx.msk [tilespmem:v8+s13+$0x0], $0xffff;
	v6 =	vmul.f32 v14, v6  }
0x328: {  	v12 =	vmul.f32 v19, v12;
	v4 =	vld.idx.msk [tilespmem:v16+s13+$0x0], $0xffff  }
0x329: {  	v11 =	vmul.f32 v11, v15;
	v15 =	vor.u32 s28, v3;
	[tilespmem:s16+$0xFFFFFFD0] =	vst v6;
	v7 =	vmul.f32 v10, v13;
	v10 =	vld.idx.msk [tilespmem:v17+s13+$0x0], $0xffff  }
0x32a: {  	[tilespmem:s16+$0xFFFFFF90] =	vst v12;
	v14 =	vld.idx.msk [tilespmem:v20+s13+$0x0], $0xffff  }
0x32b: {  	v8 =	vor.u32 s5, v3;
	v13 =	vld.idx.msk [tilespmem:v24+s13+$0x0], $0xffff;
	[tilespmem:s16+$0x10] =	vst v7;
	v16 =	vmul.f32 v25, v23  }
0x32c: {  	s30 =	simm.s32 $0x18980;
	s14 =	simm.s32 $0x80;
	[tilespmem:s11+$0x70] =	vst v11;
	s9 =	simm.s32 $0xC;
	v6 =	vor.u32 s19, v3;
	v11 =	vmul.f32 v18, v21;
	v7 =	vor.u32 s29, v3;
	v12 =	vld.idx.msk [tilespmem:v22+s13+$0x0], $0xffff  }
.LBB2_27:
0x32d: {  	p0 =	slt.u32 s9, $0x7C;
	v17 =	vor.u32 s14, v0;
	v18 =	vor.u32 s14, v1;
	v19 =	vor.u32 s14, v2;
	s5 =	sadd.s32 $0x10, s14;
	s1 =	sadd.s32 $0x30, s14;
	v20 =	vld [tilespmem:s24+$0xFFFFFFE0];
	[tilespmem:s16+$0x60] =	vst v16  }
0x32e: {  	s19 =	sadd.s32 $0x20, s14;
	v16 =	vor.u32 s5, v0;
	v21 =	vor.u32 s5, v1;
	v22 =	vor.u32 s1, v0;
	v15 =	vld.idx.msk [tilespmem:v15+s13+$0x0], $0xffff;
	[tilespmem:s11+$0xFFFFFFF0] =	vst v11  }
0x32f: {  	v11 =	vor.u32 s5, v2;
	v23 =	vor.u32 s19, v0;
	v24 =	vor.u32 s19, v1;
	v25 =	vld [tilespmem:s24+$0x70]  }
0x330: {  	v26 =	vor.u32 s5, v3;
	v27 =	vor.u32 s19, v2;
	v28 =	vor.u32 s19, v3;
	v29 =	vld [tilespmem:s24+$0x20]  }
0x331: {  	v30 =	vor.u32 s14, v3;
	v4 =	vmul.f32 v5, v4;
	v9 =	vmul.f32 v9, v10;
	v31 =	vld [tilespmem:s24+$0xFFFFFFA0]  }
0x332: {  	v5 =	vld.idx.msk [tilespmem:v17+s13+$0x0], $0xffff;
	v10 =	vmul.f32 v20, v14  }
0x333: {  	s24 =	sadd.s32 $0x100, s24;
	v14 =	vld.idx.msk [tilespmem:v22+s13+$0x0], $0xffff;
	[tilespmem:s11+$0x30] =	vst v4  }
0x334: {  	v4 =	vld [tilespmem:s24+$0x40];
	[tilespmem:s16+$0xFFFFFFE0] =	vst v10;
	v10 =	vmul.f32 v25, v15  }
0x335: {  	v15 =	vld.idx.msk [tilespmem:v16+s13+$0x0], $0xffff;
	v12 =	vmul.f32 v29, v12;
	[tilespmem:s11+$0xFFFFFFB0] =	vst v9;
	s11 =	smov.u32 s16  }
0x336: {  	v9 =	vld.idx.msk [tilespmem:v23+s13+$0x0], $0xffff;
	v13 =	vmul.f32 v31, v13;
	[tilespmem:s16+$0x70] =	vst v10  }
0x337: {  	v16 =	vor.u32 s1, v1;
	v10 =	vld [tilespmem:s24+$0xFFFFFF80];
	[tilespmem:s16+$0x20] =	vst v12  }
0x338: {  	v12 =	vld [tilespmem:s24+$0xFFFFFFC0];
	[tilespmem:s16+$0xFFFFFFA0] =	vst v13  }
0x339: {  	v13 =	vld [tilespmem:s24+$0x0];
	v4 =	vmul.f32 v4, v14  }
0x33a: {  	s16 =	sadd.s32 $0x100, s16;
	v17 =	vld.idx.msk [tilespmem:v8+s13+$0x0], $0xffff;
	v8 =	vmov v26  }
0x33b: {  	[tilespmem:s16+$0x40] =	vst v4;
	v4 =	vld.idx.msk [tilespmem:v7+s13+$0x0], $0xffff;
	v7 =	vmov v28  }
0x33c: {  	v5 =	vmul.f32 v10, v5;
	v14 =	vld.idx.msk [tilespmem:v16+s13+$0x0], $0xffff  }
0x33d: {  	v12 =	vmul.f32 v12, v15;
	v15 =	vld [tilespmem:s24+$0x50]  }
0x33e: {  	[tilespmem:s16+$0xFFFFFF80] =	vst v5;
	v5 =	vmul.f32 v13, v9;
	v10 =	vld.idx.msk [tilespmem:v6+s13+$0x0], $0xffff;
	v6 =	vmov v30  }
0x33f: {  	v9 =	vld.idx.msk [tilespmem:v18+s13+$0x0], $0xffff;
	[tilespmem:s16+$0xFFFFFFC0] =	vst v12  }
0x340: {  	v12 =	vld.idx.msk [tilespmem:v21+s13+$0x0], $0xffff;
	[tilespmem:s16+$0x0] =	vst v5;
	v5 =	vor.u32 s1, v2  }
0x341: {  	v13 =	vld.idx.msk [tilespmem:v24+s13+$0x0], $0xffff  }
0x342: {  	v16 =	vld [tilespmem:s24+$0xFFFFFFD0];
	v14 =	vmul.f32 v15, v14  }
0x343: {  	v15 =	vld [tilespmem:s24+$0x10]  }
0x344: {  	v18 =	vld [tilespmem:s24+$0xFFFFFF90];
	[tilespmem:s16+$0x50] =	vst v14  }
0x345: {  	v20 =	vld.idx.msk [tilespmem:v5+s13+$0x0], $0xffff  }
0x346: {  	v21 =	vld [tilespmem:s24+$0x60]  }
0x347: {  	v12 =	vmul.f32 v16, v12;
	v22 =	vld [tilespmem:s30+$0xFFFFFFF0]  }
.Ltmp17:
0x348: {  	v13 =	vmul.f32 v15, v13;
	v5 =	vld [tilespmem:s30+$0x30];
	(pc) =	sbr.rel @p0 .LBB2_27-.Ltmp17, $4  }
0x349: {  	v15 =	vor.u32 s1, v3;
	v16 =	vmul.f32 v18, v9;
	[tilespmem:s16+$0xFFFFFFD0] =	vst v12;
	v9 =	vld [tilespmem:s30+$0xFFFFFFB0];
	s30 =	smov.u32 s24  }
0x34a: {  	v14 =	vld.idx.msk [tilespmem:v11+s13+$0x0], $0xffff;
	[tilespmem:s16+$0x10] =	vst v13  }
0x34b: {  	[tilespmem:s16+$0xFFFFFF90] =	vst v16;
	v12 =	vld.idx.msk [tilespmem:v27+s13+$0x0], $0xffff;
	v16 =	vmul.f32 v21, v20  }
0x34c: {  	s14 =	sshll.u32 s9, $0x4;
	s9 =	sadd.s32 $0x4, s9;
	v13 =	vld.idx.msk [tilespmem:v19+s13+$0x0], $0xffff;
	v11 =	vmul.f32 v22, v17  }
0x34d: {  	v19 =	vld [tilespmem:s24+$0xFFFFFFE0]  }
0x34e: {  	v17 =	vor.u32 s14, v0;
	v28 =	vld [tilespmem:s24+$0x20]  }
0x34f: {  	s28 =	sadd.s32 $0x30, s14;
	[tilespmem:s16+$0x60] =	vst v16;
	v29 =	vld [tilespmem:s24+$0xFFFFFFA0]  }
0x350: {  	s9 =	sadd.s32 $0x100, s24;
	v18 =	vor.u32 s28, v0;
	v21 =	vld [tilespmem:s24+$0x70]  }
0x351: {  	s19 =	sadd.s32 $0x10, s14;
	v22 =	vld [tilespmem:s9+$0x40]  }
0x352: {  	s29 =	sadd.s32 $0x20, s14;
	v62 =	vor.u32 s19, v0;
	v23 =	vld [tilespmem:s9+$0xFFFFFF80]  }
0x353: {  	v20 =	vor.u32 s29, v0;
	v17 =	vld.idx.msk [tilespmem:v17+s13+$0x0], $0xffff  }
0x354: {  	v25 =	vld [tilespmem:s9+$0xFFFFFFC0]  }
0x355: {  	v18 =	vld.idx.msk [tilespmem:v18+s13+$0x0], $0xffff  }
0x356: {  	v27 =	vor.u32 s14, v1;
	v26 =	vld [tilespmem:s9+$0x0]  }
0x357: {  	v14 =	vmul.f32 v19, v14;
	v16 =	vld.idx.msk [tilespmem:v62+s13+$0x0], $0xffff  }
0x358: {  	v24 =	vor.u32 s28, v1;
	v20 =	vld.idx.msk [tilespmem:v20+s13+$0x0], $0xffff;
	v17 =	vmul.f32 v23, v17  }
0x359: {  	s1 =	sadd.s32 $0x100, s16;
	v15 =	vld.idx.msk [tilespmem:v15+s13+$0x0], $0xffff;
	[tilespmem:s16+$0xFFFFFFE0] =	vst v14  }
0x35a: {  	v63 =	vor.u32 s19, v1;
	v8 =	vld.idx.msk [tilespmem:v8+s13+$0x0], $0xffff;
	v18 =	vmul.f32 v22, v18;
	[tilespmem:s1+$0xFFFFFF80] =	vst v17  }
0x35b: {  	v30 =	vor.u32 s29, v1;
	v33 =	vld.idx.msk [tilespmem:v27+s13+$0x0], $0xffff  }
0x35c: {  	v16 =	vmul.f32 v25, v16;
	[tilespmem:s1+$0x40] =	vst v18;
	v37 =	vld [tilespmem:s9+$0xFFFFFF90]  }
0x35d: {  	v32 =	vmul.f32 v26, v20;
	v18 =	vld.idx.msk [tilespmem:v24+s13+$0x0], $0xffff  }
0x35e: {  	[tilespmem:s1+$0xFFFFFFC0] =	vst v16;
	v31 =	vld [tilespmem:s9+$0x50]  }
0x35f: {  	[tilespmem:s1+$0x0] =	vst v32;
	v16 =	vld.idx.msk [tilespmem:v63+s13+$0x0], $0xffff  }
0x360: {  	v41 =	vor.u32 s14, v2;
	v12 =	vmul.f32 v28, v12;
	v17 =	vld.idx.msk [tilespmem:v30+s13+$0x0], $0xffff  }
0x361: {  	v13 =	vmul.f32 v29, v13;
	v34 =	vld [tilespmem:s9+$0xFFFFFFD0]  }
0x362: {  	v35 =	vor.u32 s28, v2;
	[tilespmem:s16+$0x20] =	vst v12;
	v36 =	vld [tilespmem:s9+$0x10];
	v14 =	vmul.f32 v37, v33  }
0x363: {  	[tilespmem:s16+$0xFFFFFFA0] =	vst v13;
	v7 =	vld.idx.msk [tilespmem:v7+s13+$0x0], $0xffff  }
0x364: {  	v38 =	vor.u32 s19, v2;
	v6 =	vld.idx.msk [tilespmem:v6+s13+$0x0], $0xffff;
	v39 =	vmul.f32 v31, v18;
	[tilespmem:s1+$0xFFFFFF90] =	vst v14  }
0x365: {  	v40 =	vor.u32 s29, v2;
	v13 =	vld.idx.msk [tilespmem:v41+s13+$0x0], $0xffff  }
0x366: {  	v42 =	vmul.f32 v34, v16;
	[tilespmem:s1+$0x50] =	vst v39;
	v49 =	vld [tilespmem:s9+$0xFFFFFFA0]  }
0x367: {  	v17 =	vmul.f32 v36, v17;
	v43 =	vld.idx.msk [tilespmem:v35+s13+$0x0], $0xffff  }
0x368: {  	[tilespmem:s1+$0xFFFFFFD0] =	vst v42;
	v44 =	vld [tilespmem:s9+$0x60]  }
0x369: {  	[tilespmem:s1+$0x10] =	vst v17;
	v12 =	vld.idx.msk [tilespmem:v38+s13+$0x0], $0xffff  }
0x36a: {  	v45 =	vld.idx.msk [tilespmem:v40+s13+$0x0], $0xffff  }
0x36b: {  	v54 =	vor.u32 s14, v3;
	v46 =	vld [tilespmem:s9+$0xFFFFFFE0]  }
0x36c: {  	v47 =	vor.u32 s28, v3;
	v48 =	vld [tilespmem:s9+$0x20]  }
0x36d: {  	v51 =	vld [tilespmem:s30+$0xFFFFFFF0];
	v57 =	vmul.f32 v49, v13  }
0x36e: {  	v50 =	vor.u32 s19, v3;
	v53 =	vld [tilespmem:s30+$0x30];
	v16 =	vmul.f32 v44, v43  }
0x36f: {  	v52 =	vor.u32 s29, v3;
	v55 =	vld [tilespmem:s30+$0xFFFFFFB0];
	[tilespmem:s1+$0xFFFFFFA0] =	vst v57  }
0x370: {  	v12 =	vmul.f32 v46, v12;
	[tilespmem:s1+$0x60] =	vst v16;
	v59 =	vld.idx.msk [tilespmem:v54+s13+$0x0], $0xffff  }
0x371: {  	v14 =	vmul.f32 v48, v45;
	v16 =	vld.idx.msk [tilespmem:v47+s13+$0x0], $0xffff  }
0x372: {  	[tilespmem:s1+$0xFFFFFFE0] =	vst v12;
	v56 =	vld [tilespmem:s9+$0x70]  }
0x373: {  	v4 =	vmul.f32 v5, v4;
	[tilespmem:s1+$0x20] =	vst v14;
	v58 =	vld.idx.msk [tilespmem:v50+s13+$0x0], $0xffff  }
0x374: {  	[tilespmem:s11+$0xFFFFFFF0] =	vst v11;
	v9 =	vmul.f32 v9, v10;
	v5 =	vld.idx.msk [tilespmem:v52+s13+$0x0], $0xffff  }
0x375: {  	[tilespmem:s11+$0x30] =	vst v4;
	v4 =	vmul.f32 v21, v15;
	v60 =	vld [tilespmem:s9+$0xFFFFFFF0]  }
0x376: {  	[tilespmem:s11+$0xFFFFFFB0] =	vst v9;
	v8 =	vmul.f32 v51, v8;
	v61 =	vld [tilespmem:s9+$0x30]  }
0x377: {  	[tilespmem:s16+$0x70] =	vst v4;
	v4 =	vmul.f32 v53, v7;
	v62 =	vld [tilespmem:s9+$0xFFFFFFB0]  }
0x378: {  	v6 =	vmul.f32 v55, v6;
	[tilespmem:s16+$0xFFFFFFF0] =	vst v8  }
0x379: {  	p0 =	seq.s32 s7, $0x13;
	[tilespmem:s16+$0x30] =	vst v4;
	v4 =	vmul.f32 v56, v16  }
.Ltmp18:
0x37a: {  	[tilespmem:s16+$0xFFFFFFB0] =	vst v6;
	v63 =	vmul.f32 v60, v58;
	(pc) =	sbr.rel @p0 .LBB2_30-.Ltmp18, $4  }
0x37b: {  	[tilespmem:s1+$0x70] =	vst v4;
	v4 =	vmul.f32 v61, v5  }
0x37c: {  	[tilespmem:s1+$0xFFFFFFF0] =	vst v63;
	v5 =	vmul.f32 v62, v59  }
0x37d: {  	s5 =	sshll.u32 s8, $0x7;
	[tilespmem:s1+$0x30] =	vst v4  }
0x37e: {  	[tilespmem:s1+$0xFFFFFFB0] =	vst v5;
	s1 =	sand.u32 $0x3FFFFF80, s5  }
0x37f: {  	s5 =	sshrl.u32 s10, $0x2  }
0x380: {  	s30 =	sadd.s32 s6, s8;
	s5 =	sadd.s32 $0x14180, s5  }
0x381: {  	[tilespmem:s12], [sflag:$0x2] =	stream.indirect.gather [spmem:s2], $0x40, s5, s0, $0xb8;
	[tilespmem:$0x1F800] =	vst v63  }
.Ltmp19:
0x382: {  	s5 =	sshll.u32 s30, $0x8;
	(pc) =	sbr.rel .LBB2_20-.Ltmp19, $4  }
0x383: {  	s5 =	sadd.s32 s5, s17  }
0x384: {  	[tilespmem:s13], [sflag:$0x4] =	stream.linear.gather [hbm4b:s5+s4], $0x800, $0x38;
	[tilespmem:$0x1F800] =	vst v63  }
0x385: {  	s1 =	sadd.s32 $0x15400, s1;
	s7 =	sadd.s32 $0x1, s7  }
0x386: {  	[spmem:s3] =	stream.indirect.scatter.add.f32 [tilespmem:s15], [sflag:$0x6], $0x40, s1, s0, $0xb8;
	[tilespmem:$0x1F800] =	vst v63  }
.LBB2_31:
0x387: {  	[bflag:$0x0] =	sbarrier.arrive $0xFFFF  }
0x388: {  	s5 =	rddreg [dreg:$0x5]  }
0x389: {  	s9 =	rddreg [dreg:$0x8]  }
0x38a: {  	s14 =	rddreg [dreg:$0x9]  }
0x38b: {  	s19 =	rddreg [dreg:$0xa]  }
0x38c: {  	s6 =	simm.s32 $0x0;
	s31 =	simm.s32 $0x7;
	s29 =	rddreg [dreg:$0xd]  }
.LBB2_32:
0x38d: {  	s1 =	sshll.u32 s6, $0x7  }
0x38e: {  	s1 =	sadd.s32 s14, s1  }
0x38f: {  	s8 =	sshll.u32 s1, $0x6  }
0x390: {  	s1 =	sshll.u32 s1, $0x7;
	s7 =	sadd.s32 s8, s3  }
0x391: {  	[tilespmem:s11], [sflag:$0x7] =	stream.linear.gather [spmem:s7], $0x2000, $0x38;
	[tilespmem:$0x1F800] =	vst v63  }
0x392: {  	s1 =	sor.u32 s19, s1;
	_ =	swait.ge [sflag:s31], $0x2000  }
0x393: {  	s1 =	sshrl.u32 s1, $0x3;
	[sflag:s31] =	ssyncset.done $0x0  }
0x394: {  	s10 =	simm.s32 $0x40;
	s1 =	sadd.s32 s5, s1;
	[sflag:s31] =	ssyncadd.s32 $0xFFFFE000  }
0x395: {  	[tilespmem:s20], [sflag:$0x7] =	stream.strided.gather [hbm4b:s1+s10], $0x2000, s0, s10, $0x38;
	[tilespmem:$0x1F800] =	vst v63  }
0x396: {  	_ =	swait.ge [sflag:s31], $0x2000  }
0x397: {  	[sflag:s31] =	ssyncset.done $0x0  }
0x398: {  	s10 =	simm.s32 $0x16880;
	[sflag:s31] =	ssyncadd.s32 $0xFFFFE000  }
0x399: {  	s24 =	simm.s32 $0x1A880;
	v4 =	vld [tilespmem:s10+$0x40]  }
0x39a: {  	v5 =	vld [tilespmem:s24+$0x40]  }
0x39b: {  	v6 =	vld [tilespmem:s24+$0xFFFFFF80]  }
0x39c: {  	v7 =	vld [tilespmem:s10+$0xFFFFFFC0]  }
0x39d: {  	v8 =	vld [tilespmem:s24+$0xFFFFFFC0]  }
0x39e: {  	v10 =	vld [tilespmem:s24+$0x0]  }
0x39f: {  	v11 =	vld [tilespmem:s10+$0xFFFFFF80];
	v4 =	vmul.f32 $8.500000230e-01, v4;
	v5 =	vmul.f32 $1.500000060e-01, v5  }
0x3a0: {  	v9 =	vld [tilespmem:s10+$0x0]  }
0x3a1: {  	v12 =	vld [tilespmem:s10+$0xFFFFFFD0];
	v4 =	vadd.f32 v5, v4  }
0x3a2: {  	v13 =	vld [tilespmem:s10+$0x10];
	v7 =	vmul.f32 $8.500000230e-01, v7;
	v8 =	vmul.f32 $1.500000060e-01, v8  }
0x3a3: {  	s16 =	simm.s32 $0x1A980;
	v6 =	vmul.f32 $1.500000060e-01, v6;
	[tilespmem:s10+$0x40] =	vst v4;
	v4 =	vld [tilespmem:s10+$0x50]  }
0x3a4: {  	v11 =	vmul.f32 $8.500000230e-01, v11;
	v7 =	vadd.f32 v8, v7;
	v8 =	vmul.f32 $1.500000060e-01, v10;
	v10 =	vld [tilespmem:s24+$0x50]  }
0x3a5: {  	v14 =	vld [tilespmem:s16+$0x40];
	v9 =	vmul.f32 $8.500000230e-01, v9  }
0x3a6: {  	v15 =	vld [tilespmem:s10+$0x30];
	v6 =	vadd.f32 v6, v11;
	[tilespmem:s10+$0xFFFFFFC0] =	vst v7  }
0x3a7: {  	v7 =	vadd.f32 v8, v9;
	v8 =	vld [tilespmem:s24+$0xFFFFFFD0]  }
0x3a8: {  	v17 =	vld [tilespmem:s16+$0xFFFFFF80];
	[tilespmem:s10+$0xFFFFFF80] =	vst v6  }
0x3a9: {  	v5 =	vld [tilespmem:s10+$0xFFFFFF90];
	[tilespmem:s10+$0x0] =	vst v7;
	v4 =	vmul.f32 $8.500000230e-01, v4;
	v7 =	vmul.f32 $1.500000060e-01, v10  }
0x3aa: {  	s11 =	simm.s32 $0x16980;
	v10 =	vld [tilespmem:s24+$0xFFFFFF90]  }
0x3ab: {  	v18 =	vld [tilespmem:s11+$0xFFFFFFC0];
	v4 =	vadd.f32 v7, v4  }
0x3ac: {  	v19 =	vld [tilespmem:s16+$0xFFFFFFC0];
	v8 =	vmul.f32 $1.500000060e-01, v8;
	v7 =	vmul.f32 $8.500000230e-01, v12  }
0x3ad: {  	v12 =	vld [tilespmem:s10+$0x60];
	[tilespmem:s10+$0x50] =	vst v4  }
0x3ae: {  	v7 =	vadd.f32 v8, v7;
	v8 =	vld [tilespmem:s24+$0x60]  }
0x3af: {  	v20 =	vld [tilespmem:s11+$0x0];
	v5 =	vmul.f32 $8.500000230e-01, v5;
	v10 =	vmul.f32 $1.500000060e-01, v10  }
0x3b0: {  	v21 =	vld [tilespmem:s11+$0xFFFFFF80]  }
0x3b1: {  	v23 =	vld [tilespmem:s11+$0xFFFFFF90];
	v5 =	vadd.f32 v10, v5  }
0x3b2: {  	v24 =	vld [tilespmem:s11+$0xFFFFFFD0]  }
0x3b3: {  	v51 =	vld [tilespmem:s11+$0x10];
	[tilespmem:s10+$0xFFFFFF90] =	vst v5;
	v5 =	vmul.f32 $8.500000230e-01, v12;
	v8 =	vmul.f32 $1.500000060e-01, v8  }
0x3b4: {  	v52 =	vld [tilespmem:s11+$0xFFFFFFA0]  }
0x3b5: {  	v5 =	vadd.f32 v8, v5;
	v8 =	vld [tilespmem:s11+$0x40]  }
0x3b6: {  	v57 =	vld [tilespmem:s11+$0x60];
	v18 =	vmul.f32 $8.500000230e-01, v18;
	v19 =	vmul.f32 $1.500000060e-01, v19  }
0x3b7: {  	v6 =	vld [tilespmem:s24+$0x10]  }
0x3b8: {  	v61 =	vld [tilespmem:s11+$0xFFFFFFB0];
	v17 =	vmul.f32 $1.500000060e-01, v17;
	v50 =	vmul.f32 $8.500000230e-01, v21;
	v18 =	vadd.f32 v19, v18  }
0x3b9: {  	v11 =	vld [tilespmem:s10+$0xFFFFFFE0]  }
0x3ba: {  	v14 =	vmul.f32 $1.500000060e-01, v14;
	v17 =	vadd.f32 v17, v50;
	v9 =	vld [tilespmem:s10+$0xFFFFFFA0];
	[tilespmem:s11+$0xFFFFFFC0] =	vst v18;
	v8 =	vmul.f32 $8.500000230e-01, v8  }
0x3bb: {  	v53 =	vld [tilespmem:s16+$0xFFFFFFD0]  }
0x3bc: {  	[tilespmem:s11+$0xFFFFFF80] =	vst v17;
	v6 =	vmul.f32 $1.500000060e-01, v6;
	v4 =	vmul.f32 $8.500000230e-01, v13;
	v8 =	vadd.f32 v14, v8;
	v14 =	vld [tilespmem:s16+$0x0]  }
0x3bd: {  	v56 =	vld [tilespmem:s16+$0xFFFFFF90];
	[tilespmem:s10+$0xFFFFFFD0] =	vst v7  }
0x3be: {  	v4 =	vadd.f32 v6, v4;
	v6 =	vld [tilespmem:s24+$0xFFFFFFE0]  }
0x3bf: {  	[tilespmem:s11+$0x40] =	vst v8;
	v8 =	vld [tilespmem:s11+$0x50]  }
0x3c0: {  	v22 =	vld [tilespmem:s16+$0x50]  }
0x3c1: {  	v20 =	vmul.f32 $8.500000230e-01, v20;
	v10 =	vld [tilespmem:s24+$0xFFFFFFA0];
	v14 =	vmul.f32 $1.500000060e-01, v14  }
0x3c2: {  	v13 =	vld [tilespmem:s10+$0x20];
	[tilespmem:s10+$0x10] =	vst v4  }
0x3c3: {  	v4 =	vld [tilespmem:s24+$0x20];
	v14 =	vadd.f32 v14, v20  }
0x3c4: {  	v11 =	vmul.f32 $8.500000230e-01, v11;
	v7 =	vld [tilespmem:s10+$0xFFFFFFB0];
	v6 =	vmul.f32 $1.500000060e-01, v6  }
0x3c5: {  	v12 =	vld [tilespmem:s10+$0xFFFFFFF0];
	v8 =	vmul.f32 $8.500000230e-01, v8;
	v54 =	vmul.f32 $1.500000060e-01, v22;
	[tilespmem:s11+$0x0] =	vst v14  }
0x3c6: {  	v9 =	vmul.f32 $8.500000230e-01, v9;
	v6 =	vadd.f32 v6, v11;
	v10 =	vmul.f32 $1.500000060e-01, v10;
	v55 =	vld [tilespmem:s16+$0x10]  }
0x3c7: {  	[tilespmem:s10+$0x60] =	vst v5;
	v5 =	vld [tilespmem:s10+$0x70];
	v8 =	vadd.f32 v54, v8  }
0x3c8: {  	v4 =	vmul.f32 $1.500000060e-01, v4;
	v16 =	vld [tilespmem:s24+$0x70];
	[tilespmem:s10+$0xFFFFFFE0] =	vst v6;
	v9 =	vadd.f32 v10, v9;
	v10 =	vmul.f32 $8.500000230e-01, v13  }
0x3c9: {  	v11 =	vmul.f32 $1.500000060e-01, v53;
	v59 =	vld [tilespmem:s24+$0xFFFFFFF0];
	[tilespmem:s11+$0x50] =	vst v8;
	v8 =	vmul.f32 $8.500000230e-01, v24  }
0x3ca: {  	v4 =	vadd.f32 v4, v10;
	[tilespmem:s10+$0xFFFFFFA0] =	vst v9;
	v9 =	vld [tilespmem:s16+$0x60]  }
0x3cb: {  	v6 =	vmul.f32 $8.500000230e-01, v51;
	v10 =	vld [tilespmem:s24+$0xFFFFFFB0];
	v8 =	vadd.f32 v11, v8;
	v11 =	vmul.f32 $1.500000060e-01, v55  }
0x3cc: {  	v58 =	vmul.f32 $1.500000060e-01, v56;
	[tilespmem:s10+$0x20] =	vst v4;
	v4 =	vmul.f32 $8.500000230e-01, v23;
	v14 =	vld [tilespmem:s11+$0xFFFFFFE0]  }
0x3cd: {  	[tilespmem:s11+$0xFFFFFFD0] =	vst v8;
	v6 =	vadd.f32 v11, v6;
	v11 =	vld [tilespmem:s24+$0x30]  }
0x3ce: {  	v5 =	vmul.f32 $8.500000230e-01, v5;
	v4 =	vadd.f32 v58, v4;
	v8 =	vmul.f32 $1.500000060e-01, v16;
	v60 =	vld [tilespmem:s16+$0xFFFFFFE0]  }
0x3cf: {  	v13 =	vld [tilespmem:s11+$0x20];
	v9 =	vmul.f32 $1.500000060e-01, v9;
	[tilespmem:s11+$0x10] =	vst v6;
	v6 =	vmul.f32 $8.500000230e-01, v57  }
0x3d0: {  	v7 =	vmul.f32 $8.500000230e-01, v7;
	[tilespmem:s11+$0xFFFFFF90] =	vst v4;
	v5 =	vadd.f32 v8, v5;
	v8 =	vmul.f32 $1.500000060e-01, v10;
	v62 =	vld [tilespmem:s16+$0x20]  }
0x3d1: {  	v12 =	vmul.f32 $8.500000230e-01, v12;
	v10 =	vld [tilespmem:s16+$0xFFFFFFA0];
	v4 =	vadd.f32 v9, v6;
	v6 =	vmul.f32 $1.500000060e-01, v59  }
0x3d2: {  	v15 =	vmul.f32 $8.500000230e-01, v15;
	[tilespmem:s10+$0x70] =	vst v5;
	v9 =	vadd.f32 v8, v7;
	v8 =	vld [tilespmem:s11+$0xFFFFFFF0];
	v11 =	vmul.f32 $1.500000060e-01, v11  }
0x3d3: {  	v14 =	vmul.f32 $8.500000230e-01, v14;
	v7 =	vld [tilespmem:s11+$0x30];
	v16 =	vmul.f32 $1.500000060e-01, v60;
	v63 =	vadd.f32 v6, v12;
	[tilespmem:s11+$0x60] =	vst v4  }
0x3d4: {  	s30 =	simm.s32 $0x16A80;
	s24 =	simm.s32 $0x1A980;
	v5 =	vmul.f32 $8.500000230e-01, v52;
	v6 =	vmul.f32 $8.500000230e-01, v13;
	[tilespmem:s10+$0xFFFFFFB0] =	vst v9;
	v9 =	vld [tilespmem:s11+$0x70];
	v12 =	vadd.f32 v11, v15  }
0x3d5: {  	s28 =	simm.s32 $0x4;
	v4 =	vmul.f32 $8.500000230e-01, v61;
	v13 =	vadd.f32 v16, v14;
	v11 =	vld [tilespmem:s16+$0x70];
	v14 =	vmul.f32 $1.500000060e-01, v62;
	[tilespmem:s10+$0xFFFFFFF0] =	vst v63  }
.LBB2_33:
0x3d6: {  	v15 =	vld [tilespmem:s30+$0x40];
	v10 =	vmul.f32 $1.500000060e-01, v10;
	s16 =	sadd.s32 $0x100, s16;
	[tilespmem:s10+$0x30] =	vst v12;
	s10 =	smov.u32 s11;
	s11 =	smov.u32 s30  }
0x3d7: {  	s28 =	sadd.s32 $0x4, s28;
	v12 =	vld [tilespmem:s16+$0x40];
	[tilespmem:s10+$0xFFFFFFE0] =	vst v13;
	v13 =	vmul.f32 $8.500000230e-01, v8;
	v6 =	vadd.f32 v14, v6  }
0x3d8: {  	p0 =	slt.u32 s28, $0x7C;
	v8 =	vld [tilespmem:s16+$0xFFFFFF80];
	v5 =	vadd.f32 v10, v5;
	v14 =	vmul.f32 $8.500000230e-01, v7  }
0x3d9: {  	v7 =	vld [tilespmem:s30+$0xFFFFFFC0];
	[tilespmem:s10+$0x20] =	vst v6  }
0x3da: {  	v6 =	vld [tilespmem:s16+$0xFFFFFFC0];
	[tilespmem:s10+$0xFFFFFFA0] =	vst v5;
	v5 =	vmul.f32 $8.500000230e-01, v9;
	v9 =	vmul.f32 $1.500000060e-01, v11  }
0x3db: {  	v10 =	vld [tilespmem:s30+$0x0]  }
0x3dc: {  	v15 =	vmul.f32 $8.500000230e-01, v15;
	v11 =	vld [tilespmem:s16+$0x0];
	v12 =	vmul.f32 $1.500000060e-01, v12;
	v5 =	vadd.f32 v9, v5  }
0x3dd: {  	v9 =	vld [tilespmem:s30+$0xFFFFFF80];
	v8 =	vmul.f32 $1.500000060e-01, v8  }
0x3de: {  	v16 =	vld [tilespmem:s30+$0xFFFFFF90];
	v7 =	vmul.f32 $8.500000230e-01, v7;
	v12 =	vadd.f32 v12, v15;
	[tilespmem:s10+$0x70] =	vst v5  }
0x3df: {  	v5 =	vmul.f32 $1.500000060e-01, v6;
	v6 =	vld [tilespmem:s30+$0xFFFFFFD0]  }
0x3e0: {  	v10 =	vmul.f32 $8.500000230e-01, v10;
	[tilespmem:s30+$0x40] =	vst v12;
	v12 =	vld [tilespmem:s30+$0x50]  }
0x3e1: {  	v5 =	vadd.f32 v5, v7;
	v7 =	vmul.f32 $1.500000060e-01, v11;
	v11 =	vld [tilespmem:s16+$0x50]  }
0x3e2: {  	v9 =	vmul.f32 $8.500000230e-01, v9;
	v15 =	vld [tilespmem:s30+$0x10]  }
0x3e3: {  	v16 =	vmul.f32 $8.500000230e-01, v16;
	v17 =	vld [tilespmem:s30+$0xFFFFFFA0];
	[tilespmem:s30+$0xFFFFFFC0] =	vst v5;
	v5 =	vadd.f32 v7, v10  }
0x3e4: {  	v7 =	vadd.f32 v8, v9;
	v6 =	vmul.f32 $8.500000230e-01, v6;
	v8 =	vld [tilespmem:s16+$0xFFFFFFD0]  }
0x3e5: {  	v9 =	vld [tilespmem:s30+$0xFFFFFFE0];
	[tilespmem:s30+$0x0] =	vst v5  }
0x3e6: {  	v10 =	vmul.f32 $8.500000230e-01, v12;
	[tilespmem:s30+$0xFFFFFF80] =	vst v7;
	v7 =	vld [tilespmem:s16+$0x10];
	v11 =	vmul.f32 $1.500000060e-01, v11  }
0x3e7: {  	v12 =	vld [tilespmem:s16+$0xFFFFFF90];
	v15 =	vmul.f32 $8.500000230e-01, v15  }
0x3e8: {  	v5 =	vmul.f32 $8.500000230e-01, v17;
	v17 =	vld [tilespmem:s30+$0x20];
	v10 =	vadd.f32 v11, v10  }
0x3e9: {  	v8 =	vmul.f32 $1.500000060e-01, v8;
	v11 =	vld [tilespmem:s24+$0xFFFFFFB0]  }
0x3ea: {  	v18 =	vmul.f32 $8.500000230e-01, v9;
	[tilespmem:s30+$0x50] =	vst v10;
	v9 =	vld [tilespmem:s30+$0x60]  }
0x3eb: {  	v6 =	vadd.f32 v8, v6;
	v7 =	vmul.f32 $1.500000060e-01, v7;
	v8 =	vld [tilespmem:s16+$0x60]  }
0x3ec: {  	v10 =	vmul.f32 $1.500000060e-01, v12;
	v12 =	vld [tilespmem:s24+$0xFFFFFFF0]  }
0x3ed: {  	[tilespmem:s30+$0xFFFFFFD0] =	vst v6;
	v7 =	vadd.f32 v7, v15;
	v6 =	vmul.f32 $8.500000230e-01, v17;
	v15 =	vld [tilespmem:s24+$0x30];
	s24 =	smov.u32 s16  }
0x3ee: {  	v10 =	vadd.f32 v10, v16;
	v16 =	vld [tilespmem:s16+$0xFFFFFFE0];
	v11 =	vmul.f32 $1.500000060e-01, v11  }
0x3ef: {  	v17 =	vld [tilespmem:s30+$0xFFFFFFB0];
	[tilespmem:s30+$0x10] =	vst v7  }
0x3f0: {  	v7 =	vmul.f32 $8.500000230e-01, v9;
	[tilespmem:s30+$0xFFFFFF90] =	vst v10;
	v19 =	vld [tilespmem:s16+$0x20];
	v9 =	vmul.f32 $1.500000060e-01, v8;
	v4 =	vadd.f32 v11, v4  }
.Ltmp20:
0x3f1: {  	v10 =	vld [tilespmem:s16+$0xFFFFFFA0];
	v11 =	vmul.f32 $1.500000060e-01, v12;
	(pc) =	sbr.rel @p0 .LBB2_33-.Ltmp20, $4  }
0x3f2: {  	v8 =	vld [tilespmem:s30+$0xFFFFFFF0];
	v9 =	vadd.f32 v9, v7;
	[tilespmem:s10+$0xFFFFFFB0] =	vst v4;
	v12 =	vmul.f32 $1.500000060e-01, v15  }
0x3f3: {  	v15 =	vmul.f32 $1.500000060e-01, v16;
	v7 =	vld [tilespmem:s30+$0x30];
	v16 =	vadd.f32 v11, v13  }
0x3f4: {  	v4 =	vmul.f32 $8.500000230e-01, v17;
	[tilespmem:s30+$0x60] =	vst v9;
	v9 =	vld [tilespmem:s30+$0x70];
	v12 =	vadd.f32 v12, v14  }
0x3f5: {  	s30 =	sadd.s32 $0x100, s30;
	v13 =	vadd.f32 v15, v18;
	v14 =	vmul.f32 $1.500000060e-01, v19;
	v11 =	vld [tilespmem:s16+$0x70];
	[tilespmem:s10+$0xFFFFFFF0] =	vst v16  }
0x3f6: {  	v10 =	vmul.f32 $1.500000060e-01, v10;
	_ =	sdelay $0x1  }
0x3f7: {  	v5 =	vadd.f32 v10, v5;
	_ =	sdelay $0x1  }
0x3f8: {  	v6 =	vadd.f32 v14, v6;
	[tilespmem:s11+$0xFFFFFFA0] =	vst v5  }
0x3f9: {  	[tilespmem:s11+$0xFFFFFFE0] =	vst v13;
	v5 =	vld [tilespmem:s24+$0xFFFFFFB0]  }
0x3fa: {  	v62 =	vld [tilespmem:s24+$0xFFFFFFF0];
	[tilespmem:s11+$0x20] =	vst v6  }
0x3fb: {  	v63 =	vld [tilespmem:s24+$0x30];
	_ =	sdelay $0x1  }
0x3fc: {  	v9 =	vmul.f32 $8.500000230e-01, v9;
	v11 =	vmul.f32 $1.500000060e-01, v11  }
0x3fd: {  	v5 =	vmul.f32 $1.500000060e-01, v5  }
0x3fe: {  	v8 =	vmul.f32 $8.500000230e-01, v8;
	v9 =	vadd.f32 v11, v9;
	v6 =	vmul.f32 $1.500000060e-01, v62  }
0x3ff: {  	[tilespmem:s10+$0x30] =	vst v12;
	v7 =	vmul.f32 $8.500000230e-01, v7;
	v4 =	vadd.f32 v5, v4;
	v5 =	vmul.f32 $1.500000060e-01, v63  }
0x400: {  	[tilespmem:s11+$0x70] =	vst v9;
	v6 =	vadd.f32 v6, v8  }
0x401: {  	[tilespmem:s11+$0xFFFFFFB0] =	vst v4;
	v4 =	vadd.f32 v5, v7  }
0x402: {  	[tilespmem:s11+$0xFFFFFFF0] =	vst v6  }
0x403: {  	s1 =	sadd.s32 s8, s2;
	[tilespmem:s11+$0x30] =	vst v4;
	s11 =	simm.s32 $0x16800  }
0x404: {  	[spmem:s1] =	stream.linear.scatter [tilespmem:s11], [sflag:$0x7], $0x2000, $0x38;
	[tilespmem:$0x1F800] =	vst v63  }
0x405: {  	s6 =	sadd.s32 $0x1, s6;
	_ =	swait.ge [sflag:s31], $0x2000  }
0x406: {  	p0 =	sne.s32 s6, $0x5;
	[sflag:s31] =	ssyncset.done $0x0  }
.Ltmp21:
0x407: {  	s30 =	sshrl.u32 s7, $0x3;
	[sflag:s31] =	ssyncadd.s32 $0xFFFFE000;
	(pc) =	sbr.rel @p0 .LBB2_32-.Ltmp21, $4  }
0x408: {  	[spmem:s30], [sflag:s29] =	dma.local [hbm:s9], $0x400  }
0x409: {  	_ =	swait.ge [sflag:s31], $0x400  }
0x40a: {  	[sflag:s31] =	ssyncset.done $0x0  }
0x40b: {  	[sflag:s31] =	ssyncadd.s32 $0xFFFFFC00  }
.Ltmp22:
0x40c: {  	(pc) =	sbr.rel .LBB2_36-.Ltmp22, $3  }
0x40d: {  	_ =	sdelay $0x1  }
0x40e: {  	[bflag:$0x0] =	sbarrier.arrive $0xFFFF  }
0x40f: {  	s1 =	simm.s32 $0x0  }
.LBB2_47:
0x410: {  	s1 =	sadd.s32 $0x15400, s1;
	s30 =	simm.s32 $0x5  }
0x411: {  	[spmem:s3] =	stream.indirect.scatter.add.f32 [tilespmem:s15], [sflag:$0x6], $0x40, s1, s0, $0xb8;
	[tilespmem:$0x1F800] =	vst v63  }
0x412: {  	_ =	swait.ge [sflag:s30], $0x2000  }
0x413: {  	[sflag:s30] =	ssyncset.done $0x0  }
0x414: {  	[sflag:s30] =	ssyncadd.s32 $0xFFFFE000  }
0x415: {  	_ =	swait.ge [sflag:s21], $0x2000  }
0x416: {  	s31 =	rddreg [dreg:$0x1b]  }
0x417: {  	s1 =	sadd.s32 $0x1, s31  }
0x418: {  	p0 =	sne.s32 s1, $0x4  }
.Ltmp23:
0x419: {  	_ = 	snop;
	(pc) =	sbr.rel @!p0 .LBB2_48-.Ltmp23, $3  }
0x41a: {  	_ =	sdelay $0x1  }
0x41b: {  	[sflag:s21] =	ssyncset.done $0x0  }
0x41c: {  	s11 =	simm.s32 $0x16800;
	[sflag:s21] =	ssyncadd.s32 $0xFFFFE000  }
.LBB2_36:
0x41d: {  	s10 =	smul.u32 $0x28, s1  }
0x41e: {  	s5 =	rddreg [dreg:$0x16]  }
0x41f: {  	[dreg:$0x1b] =	wrdreg s1;
	s6 =	sadd.s32 s5, s10  }
0x420: {  	s14 =	rddreg [dreg:$0x1];
	s8 =	simm.s32 $0x14000;
	s1 =	sshll.u32 s6, $0x4  }
0x421: {  	s9 =	simm.s32 $0x0;
	s7 =	simm.s32 $0x7;
	s5 =	sadd.s32 s14, s1  }
0x422: {  	[tilespmem:s8], [sflag:$0x7] =	stream.linear.gather [hbm4b:s5+s9], $0x1400, $0x38;
	[tilespmem:$0x1F800] =	vst v63  }
0x423: {  	_ =	swait.ge [sflag:s7], $0x1400  }
0x424: {  	[sflag:s7] =	ssyncset.done $0x0;
	s16 =	rddreg [dreg:$0x7]  }
0x425: {  	s19 =	simm.s32 $0x15400;
	[sflag:s7] =	ssyncadd.s32 $0xFFFFEC00;
	s1 =	sadd.s32 s16, s1  }
0x426: {  	[tilespmem:s19], [sflag:$0x7] =	stream.linear.gather [hbm4b:s1+s9], $0x1400, $0x38;
	[tilespmem:$0x1F800] =	vst v63  }
0x427: {  	_ =	swait.ge [sflag:s7], $0x1400  }
0x428: {  	[sflag:s7] =	ssyncset.done $0x0  }
0x429: {  	s24 =	sshll.u32 s6, $0x8;
	s28 =	rddreg [dreg:$0x6];
	[sflag:s7] =	ssyncadd.s32 $0xFFFFEC00  }
0x42a: {  	[tilespmem:s11], [sflag:$0x1] =	stream.indirect.gather [spmem:s2], $0x40, s8, s0, $0xb8;
	[tilespmem:$0x1F800] =	vst v63  }
0x42b: {  	s5 =	sadd.s32 s28, s24  }
0x42c: {  	[tilespmem:s26], [sflag:$0x3] =	stream.linear.gather [hbm4b:s5+s9], $0x800, $0x38;
	[tilespmem:$0x1F800] =	vst v63  }
0x42d: {  	s29 =	simm.s32 $0x14080;
	s30 =	rddreg [dreg:$0xf]  }
0x42e: {  	[tilespmem:s12], [sflag:$0x2] =	stream.indirect.gather [spmem:s2], $0x40, s29, s0, $0xb8;
	[tilespmem:$0x1F800] =	vst v63  }
0x42f: {  	s31 =	simm.s32 $0x16800;
	s1 =	sadd.s32 s24, s30;
	s7 =	simm.s32 $0x0  }
0x430: {  	[tilespmem:s13], [sflag:$0x4] =	stream.linear.gather [hbm4b:s1+s9], $0x800, $0x38;
	[tilespmem:$0x1F800] =	vst v63  }
.LBB2_37:
0x431: {  	p0 =	seq.s32 s7, $0x0  }
0x432: {  	s1 =	simm.s32 @!p0 $0x5  }
0x433: {  	_ =	swait.ge @!p0 [sflag:s1], $0x2000  }
0x434: {  	[sflag:s1] =	ssyncset.done @!p0 $0x0  }
0x435: {  	[sflag:s1] =	ssyncadd.s32 @!p0 $0xFFFFE000  }
0x436: {  	s9 =	simm.s32 $0x0;
	_ =	swait.ge [sflag:s25], $0x2000  }
0x437: {  	s24 =	simm.s32 $0x30;
	v4 =	vor.u32 s9, v0;
	[sflag:s25] =	ssyncset.done $0x0  }
0x438: {  	v5 =	vor.u32 s24, v0;
	[sflag:s25] =	ssyncadd.s32 $0xFFFFE000  }
0x439: {  	s29 =	simm.s32 $0x10;
	_ =	swait.ge [sflag:s18], $0x800  }
0x43a: {  	v6 =	vor.u32 s29, v0;
	[sflag:s18] =	ssyncset.done $0x0  }
0x43b: {  	[sflag:s18] =	ssyncadd.s32 $0xFFFFF800  }
0x43c: {  	s11 =	simm.s32 $0x20;
	v4 =	vld.idx.msk [tilespmem:v4+s26+$0x0], $0xffff  }
0x43d: {  	s10 =	simm.s32 $0x16880;
	v7 =	vor.u32 s11, v0;
	v5 =	vld.idx.msk [tilespmem:v5+s26+$0x0], $0xffff  }
0x43e: {  	v8 =	vld [tilespmem:s10+$0x40]  }
0x43f: {  	v6 =	vld.idx.msk [tilespmem:v6+s26+$0x0], $0xffff  }
0x440: {  	v9 =	vld [tilespmem:s10+$0xFFFFFF80]  }
0x441: {  	v10 =	vor.u32 s24, v1;
	v11 =	vld [tilespmem:s10+$0xFFFFFFC0]  }
0x442: {  	v7 =	vld.idx.msk [tilespmem:v7+s26+$0x0], $0xffff  }
0x443: {  	v12 =	vld [tilespmem:s10+$0x0];
	v5 =	vmul.f32 v8, v5  }
0x444: {  	s8 =	simm.s32 $0x1A880;
	v13 =	vor.u32 s29, v1  }
0x445: {  	v4 =	vmul.f32 v9, v4;
	[tilespmem:s8+$0x40] =	vst v5  }
0x446: {  	v8 =	vor.u32 s9, v1;
	v6 =	vmul.f32 v11, v6;
	v9 =	vld.idx.msk [tilespmem:v10+s26+$0x0], $0xffff  }
0x447: {  	[tilespmem:s8+$0xFFFFFF80] =	vst v4;
	v10 =	vld [tilespmem:s10+$0x50]  }
0x448: {  	v5 =	vor.u32 s11, v1;
	v4 =	vmul.f32 v12, v7;
	[tilespmem:s8+$0xFFFFFFC0] =	vst v6  }
0x449: {  	v6 =	vld.idx.msk [tilespmem:v13+s26+$0x0], $0xffff  }
0x44a: {  	v11 =	vld [tilespmem:s10+$0xFFFFFF90];
	[tilespmem:s8+$0x0] =	vst v4;
	v4 =	vor.u32 s24, v2  }
0x44b: {  	v7 =	vld.idx.msk [tilespmem:v8+s26+$0x0], $0xffff  }
0x44c: {  	v8 =	vld [tilespmem:s10+$0xFFFFFFD0];
	v9 =	vmul.f32 v10, v9  }
0x44d: {  	v5 =	vld.idx.msk [tilespmem:v5+s26+$0x0], $0xffff  }
0x44e: {  	v14 =	vor.u32 s9, v2;
	v10 =	vld [tilespmem:s10+$0x10];
	[tilespmem:s8+$0x50] =	vst v9  }
0x44f: {  	v4 =	vld.idx.msk [tilespmem:v4+s26+$0x0], $0xffff  }
0x450: {  	s16 =	simm.s32 $0x16980;
	v9 =	vor.u32 s29, v2;
	v7 =	vmul.f32 v11, v7;
	v13 =	vld [tilespmem:s10+$0x60]  }
0x451: {  	s30 =	simm.s32 $0x40;
	v15 =	vld [tilespmem:s16+$0x40]  }
0x452: {  	v16 =	vld [tilespmem:s16+$0xFFFFFF80];
	v6 =	vmul.f32 v8, v6;
	v8 =	vor.u32 s30, v0;
	[tilespmem:s8+$0xFFFFFF90] =	vst v7  }
0x453: {  	v12 =	vor.u32 s11, v2;
	v7 =	vld.idx.msk [tilespmem:v14+s26+$0x0], $0xffff  }
0x454: {  	s5 =	simm.s32 $0x50;
	[tilespmem:s8+$0xFFFFFFD0] =	vst v6;
	v5 =	vmul.f32 v10, v5;
	v14 =	vld [tilespmem:s10+$0xFFFFFFA0]  }
0x455: {  	v10 =	vor.u32 s5, v0;
	v6 =	vld.idx.msk [tilespmem:v9+s26+$0x0], $0xffff;
	v4 =	vmul.f32 v13, v4  }
0x456: {  	s14 =	simm.s32 $0x70;
	[tilespmem:s8+$0x10] =	vst v5;
	v9 =	vld [tilespmem:s10+$0xFFFFFFE0]  }
0x457: {  	s19 =	simm.s32 $0x60;
	v8 =	vld.idx.msk [tilespmem:v8+s26+$0x0], $0xffff;
	[tilespmem:s8+$0x60] =	vst v4;
	v4 =	vor.u32 s14, v0  }
0x458: {  	v5 =	vld.idx.msk [tilespmem:v12+s26+$0x0], $0xffff;
	v13 =	vor.u32 s19, v0  }
0x459: {  	v12 =	vld [tilespmem:s10+$0x20]  }
0x45a: {  	v10 =	vld.idx.msk [tilespmem:v10+s26+$0x0], $0xffff  }
0x45b: {  	v11 =	vld [tilespmem:s10+$0x70]  }
0x45c: {  	v4 =	vld.idx.msk [tilespmem:v4+s26+$0x0], $0xffff  }
0x45d: {  	v6 =	vmul.f32 v9, v6;
	v13 =	vld.idx.msk [tilespmem:v13+s26+$0x0], $0xffff  }
0x45e: {  	v5 =	vmul.f32 v12, v5;
	v12 =	vld [tilespmem:s16+$0xFFFFFFC0]  }
0x45f: {  	[tilespmem:s8+$0xFFFFFFE0] =	vst v6;
	v6 =	vmul.f32 v14, v7;
	v7 =	vor.u32 s14, v1;
	v14 =	vld [tilespmem:s16+$0x0]  }
0x460: {  	[tilespmem:s8+$0x20] =	vst v5;
	v18 =	vld [tilespmem:s10+$0xFFFFFFF0]  }
0x461: {  	v17 =	vor.u32 s24, v3;
	[tilespmem:s8+$0xFFFFFFA0] =	vst v6;
	v5 =	vld [tilespmem:s10+$0x30];
	v4 =	vmul.f32 v15, v4  }
0x462: {  	v19 =	vor.u32 s30, v1;
	v9 =	vld [tilespmem:s10+$0xFFFFFFB0];
	s10 =	simm.s32 $0x1A980  }
0x463: {  	v6 =	vor.u32 s5, v1;
	[tilespmem:s10+$0x40] =	vst v4  }
0x464: {  	v4 =	vmul.f32 v16, v8;
	v7 =	vld.idx.msk [tilespmem:v7+s26+$0x0], $0xffff  }
0x465: {  	v8 =	vmul.f32 v12, v10;
	v10 =	vld [tilespmem:s16+$0x50]  }
0x466: {  	v15 =	vld.idx.msk [tilespmem:v17+s26+$0x0], $0xffff;
	v17 =	vor.u32 s19, v1;
	[tilespmem:s10+$0xFFFFFF80] =	vst v4;
	v4 =	vmul.f32 v14, v13  }
0x467: {  	[tilespmem:s10+$0xFFFFFFC0] =	vst v8;
	v12 =	vld.idx.msk [tilespmem:v19+s26+$0x0], $0xffff  }
0x468: {  	v6 =	vld.idx.msk [tilespmem:v6+s26+$0x0], $0xffff;
	[tilespmem:s10+$0x0] =	vst v4;
	v4 =	vor.u32 s14, v2  }
0x469: {  	v14 =	vld [tilespmem:s16+$0xFFFFFFD0]  }
0x46a: {  	v8 =	vor.u32 s29, v3;
	v19 =	vld [tilespmem:s16+$0xFFFFFF90];
	v7 =	vmul.f32 v10, v7  }
0x46b: {  	v16 =	vor.u32 s11, v3;
	v13 =	vld.idx.msk [tilespmem:v17+s26+$0x0], $0xffff  }
0x46c: {  	v17 =	vor.u32 s9, v3;
	v10 =	vld [tilespmem:s16+$0x10];
	[tilespmem:s10+$0x50] =	vst v7  }
0x46d: {  	v20 =	vor.u32 s5, v2;
	v23 =	vld.idx.msk [tilespmem:v4+s26+$0x0], $0xffff  }
0x46e: {  	v24 =	vor.u32 s30, v2;
	v25 =	vld [tilespmem:s16+$0x60]  }
0x46f: {  	v22 =	vor.u32 s19, v2;
	v21 =	vld.idx.msk [tilespmem:v8+s26+$0x0], $0xffff;
	v6 =	vmul.f32 v14, v6  }
0x470: {  	v12 =	vmul.f32 v19, v12;
	v4 =	vld.idx.msk [tilespmem:v16+s26+$0x0], $0xffff  }
0x471: {  	v11 =	vmul.f32 v11, v15;
	v15 =	vor.u32 s14, v3;
	[tilespmem:s10+$0xFFFFFFD0] =	vst v6;
	v8 =	vmul.f32 v10, v13;
	v10 =	vld.idx.msk [tilespmem:v17+s26+$0x0], $0xffff  }
0x472: {  	[tilespmem:s10+$0xFFFFFF90] =	vst v12;
	v14 =	vld.idx.msk [tilespmem:v20+s26+$0x0], $0xffff  }
0x473: {  	s24 =	simm.s32 $0x16980;
	v7 =	vor.u32 s5, v3;
	v13 =	vld.idx.msk [tilespmem:v24+s26+$0x0], $0xffff;
	[tilespmem:s10+$0x10] =	vst v8;
	v16 =	vmul.f32 v25, v23  }
0x474: {  	s11 =	sshll.u32 s7, $0x1;
	s14 =	simm.s32 $0x80;
	[tilespmem:s8+$0x70] =	vst v11;
	s9 =	simm.s32 $0xC;
	v6 =	vor.u32 s30, v3;
	v11 =	vmul.f32 v18, v21;
	v8 =	vor.u32 s19, v3;
	v12 =	vld.idx.msk [tilespmem:v22+s26+$0x0], $0xffff  }
.LBB2_38:
0x475: {  	p1 =	slt.u32 s9, $0x7C;
	v17 =	vor.u32 s14, v0;
	v18 =	vor.u32 s14, v1;
	v19 =	vor.u32 s14, v2;
	s5 =	sadd.s32 $0x10, s14;
	s1 =	sadd.s32 $0x30, s14;
	v20 =	vld [tilespmem:s16+$0xFFFFFFE0];
	[tilespmem:s10+$0x60] =	vst v16  }
0x476: {  	s19 =	sadd.s32 $0x20, s14;
	v16 =	vor.u32 s5, v0;
	v21 =	vor.u32 s5, v1;
	v22 =	vor.u32 s1, v0;
	v15 =	vld.idx.msk [tilespmem:v15+s26+$0x0], $0xffff;
	[tilespmem:s8+$0xFFFFFFF0] =	vst v11  }
0x477: {  	v11 =	vor.u32 s5, v2;
	v23 =	vor.u32 s19, v0;
	v24 =	vor.u32 s19, v1;
	v25 =	vld [tilespmem:s16+$0x70]  }
0x478: {  	v26 =	vor.u32 s5, v3;
	v27 =	vor.u32 s19, v2;
	v28 =	vor.u32 s19, v3;
	v29 =	vld [tilespmem:s16+$0x20]  }
0x479: {  	v30 =	vor.u32 s14, v3;
	v4 =	vmul.f32 v5, v4;
	v9 =	vmul.f32 v9, v10;
	v31 =	vld [tilespmem:s16+$0xFFFFFFA0]  }
0x47a: {  	v5 =	vld.idx.msk [tilespmem:v17+s26+$0x0], $0xffff;
	v10 =	vmul.f32 v20, v14  }
0x47b: {  	s16 =	sadd.s32 $0x100, s16;
	v14 =	vld.idx.msk [tilespmem:v22+s26+$0x0], $0xffff;
	[tilespmem:s8+$0x30] =	vst v4  }
0x47c: {  	v4 =	vld [tilespmem:s16+$0x40];
	[tilespmem:s10+$0xFFFFFFE0] =	vst v10;
	v10 =	vmul.f32 v25, v15  }
0x47d: {  	v15 =	vld.idx.msk [tilespmem:v16+s26+$0x0], $0xffff;
	v12 =	vmul.f32 v29, v12;
	[tilespmem:s8+$0xFFFFFFB0] =	vst v9;
	s8 =	smov.u32 s10  }
0x47e: {  	v9 =	vld.idx.msk [tilespmem:v23+s26+$0x0], $0xffff;
	v13 =	vmul.f32 v31, v13;
	[tilespmem:s10+$0x70] =	vst v10  }
0x47f: {  	v16 =	vor.u32 s1, v1;
	v10 =	vld [tilespmem:s16+$0xFFFFFF80];
	[tilespmem:s10+$0x20] =	vst v12  }
0x480: {  	v12 =	vld [tilespmem:s16+$0xFFFFFFC0];
	[tilespmem:s10+$0xFFFFFFA0] =	vst v13  }
0x481: {  	v13 =	vld [tilespmem:s16+$0x0];
	v4 =	vmul.f32 v4, v14  }
0x482: {  	s10 =	sadd.s32 $0x100, s10;
	v17 =	vld.idx.msk [tilespmem:v7+s26+$0x0], $0xffff;
	v7 =	vmov v26  }
0x483: {  	[tilespmem:s10+$0x40] =	vst v4;
	v4 =	vld.idx.msk [tilespmem:v8+s26+$0x0], $0xffff;
	v8 =	vmov v28  }
0x484: {  	v5 =	vmul.f32 v10, v5;
	v14 =	vld.idx.msk [tilespmem:v16+s26+$0x0], $0xffff  }
0x485: {  	v12 =	vmul.f32 v12, v15;
	v15 =	vld [tilespmem:s16+$0x50]  }
0x486: {  	[tilespmem:s10+$0xFFFFFF80] =	vst v5;
	v5 =	vmul.f32 v13, v9;
	v10 =	vld.idx.msk [tilespmem:v6+s26+$0x0], $0xffff;
	v6 =	vmov v30  }
0x487: {  	v9 =	vld.idx.msk [tilespmem:v18+s26+$0x0], $0xffff;
	[tilespmem:s10+$0xFFFFFFC0] =	vst v12  }
0x488: {  	v12 =	vld.idx.msk [tilespmem:v21+s26+$0x0], $0xffff;
	[tilespmem:s10+$0x0] =	vst v5;
	v5 =	vor.u32 s1, v2  }
0x489: {  	v13 =	vld.idx.msk [tilespmem:v24+s26+$0x0], $0xffff  }
0x48a: {  	v16 =	vld [tilespmem:s16+$0xFFFFFFD0];
	v14 =	vmul.f32 v15, v14  }
0x48b: {  	v15 =	vld [tilespmem:s16+$0x10]  }
0x48c: {  	v18 =	vld [tilespmem:s16+$0xFFFFFF90];
	[tilespmem:s10+$0x50] =	vst v14  }
0x48d: {  	v20 =	vld.idx.msk [tilespmem:v5+s26+$0x0], $0xffff  }
0x48e: {  	v21 =	vld [tilespmem:s16+$0x60]  }
0x48f: {  	v12 =	vmul.f32 v16, v12;
	v22 =	vld [tilespmem:s24+$0xFFFFFFF0]  }
.Ltmp24:
0x490: {  	v13 =	vmul.f32 v15, v13;
	v5 =	vld [tilespmem:s24+$0x30];
	(pc) =	sbr.rel @p1 .LBB2_38-.Ltmp24, $4  }
0x491: {  	v15 =	vor.u32 s1, v3;
	v16 =	vmul.f32 v18, v9;
	[tilespmem:s10+$0xFFFFFFD0] =	vst v12;
	v9 =	vld [tilespmem:s24+$0xFFFFFFB0];
	s24 =	smov.u32 s16  }
0x492: {  	v14 =	vld.idx.msk [tilespmem:v11+s26+$0x0], $0xffff;
	[tilespmem:s10+$0x10] =	vst v13  }
0x493: {  	[tilespmem:s10+$0xFFFFFF90] =	vst v16;
	v12 =	vld.idx.msk [tilespmem:v27+s26+$0x0], $0xffff;
	v16 =	vmul.f32 v21, v20  }
0x494: {  	s14 =	sshll.u32 s9, $0x4;
	s9 =	sadd.s32 $0x4, s9;
	v13 =	vld.idx.msk [tilespmem:v19+s26+$0x0], $0xffff;
	v11 =	vmul.f32 v22, v17  }
0x495: {  	v19 =	vld [tilespmem:s16+$0xFFFFFFE0]  }
0x496: {  	v17 =	vor.u32 s14, v0;
	v28 =	vld [tilespmem:s16+$0x20]  }
0x497: {  	s28 =	sadd.s32 $0x30, s14;
	[tilespmem:s10+$0x60] =	vst v16;
	v29 =	vld [tilespmem:s16+$0xFFFFFFA0]  }
0x498: {  	s1 =	sadd.s32 $0x100, s16;
	v18 =	vor.u32 s28, v0;
	v21 =	vld [tilespmem:s16+$0x70]  }
0x499: {  	s19 =	sadd.s32 $0x10, s14;
	v22 =	vld [tilespmem:s1+$0x40]  }
0x49a: {  	s29 =	sadd.s32 $0x20, s14;
	v62 =	vor.u32 s19, v0;
	v23 =	vld [tilespmem:s1+$0xFFFFFF80]  }
0x49b: {  	v20 =	vor.u32 s29, v0;
	v17 =	vld.idx.msk [tilespmem:v17+s26+$0x0], $0xffff  }
0x49c: {  	v25 =	vld [tilespmem:s1+$0xFFFFFFC0]  }
0x49d: {  	v18 =	vld.idx.msk [tilespmem:v18+s26+$0x0], $0xffff  }
0x49e: {  	v27 =	vor.u32 s14, v1;
	v26 =	vld [tilespmem:s1+$0x0]  }
0x49f: {  	v14 =	vmul.f32 v19, v14;
	v16 =	vld.idx.msk [tilespmem:v62+s26+$0x0], $0xffff  }
0x4a0: {  	v24 =	vor.u32 s28, v1;
	v20 =	vld.idx.msk [tilespmem:v20+s26+$0x0], $0xffff;
	v17 =	vmul.f32 v23, v17  }
0x4a1: {  	s9 =	sadd.s32 $0x100, s10;
	v15 =	vld.idx.msk [tilespmem:v15+s26+$0x0], $0xffff;
	[tilespmem:s10+$0xFFFFFFE0] =	vst v14  }
0x4a2: {  	v63 =	vor.u32 s19, v1;
	v7 =	vld.idx.msk [tilespmem:v7+s26+$0x0], $0xffff;
	v18 =	vmul.f32 v22, v18;
	[tilespmem:s9+$0xFFFFFF80] =	vst v17  }
0x4a3: {  	v30 =	vor.u32 s29, v1;
	v33 =	vld.idx.msk [tilespmem:v27+s26+$0x0], $0xffff  }
0x4a4: {  	v16 =	vmul.f32 v25, v16;
	[tilespmem:s9+$0x40] =	vst v18;
	v37 =	vld [tilespmem:s1+$0xFFFFFF90]  }
0x4a5: {  	v32 =	vmul.f32 v26, v20;
	v18 =	vld.idx.msk [tilespmem:v24+s26+$0x0], $0xffff  }
0x4a6: {  	[tilespmem:s9+$0xFFFFFFC0] =	vst v16;
	v31 =	vld [tilespmem:s1+$0x50]  }
0x4a7: {  	[tilespmem:s9+$0x0] =	vst v32;
	v16 =	vld.idx.msk [tilespmem:v63+s26+$0x0], $0xffff  }
0x4a8: {  	v41 =	vor.u32 s14, v2;
	v12 =	vmul.f32 v28, v12;
	v17 =	vld.idx.msk [tilespmem:v30+s26+$0x0], $0xffff  }
0x4a9: {  	v13 =	vmul.f32 v29, v13;
	v34 =	vld [tilespmem:s1+$0xFFFFFFD0]  }
0x4aa: {  	v35 =	vor.u32 s28, v2;
	[tilespmem:s10+$0x20] =	vst v12;
	v36 =	vld [tilespmem:s1+$0x10];
	v14 =	vmul.f32 v37, v33  }
0x4ab: {  	[tilespmem:s10+$0xFFFFFFA0] =	vst v13;
	v8 =	vld.idx.msk [tilespmem:v8+s26+$0x0], $0xffff  }
0x4ac: {  	v38 =	vor.u32 s19, v2;
	v6 =	vld.idx.msk [tilespmem:v6+s26+$0x0], $0xffff;
	v39 =	vmul.f32 v31, v18;
	[tilespmem:s9+$0xFFFFFF90] =	vst v14  }
0x4ad: {  	v40 =	vor.u32 s29, v2;
	v13 =	vld.idx.msk [tilespmem:v41+s26+$0x0], $0xffff  }
0x4ae: {  	v42 =	vmul.f32 v34, v16;
	[tilespmem:s9+$0x50] =	vst v39;
	v49 =	vld [tilespmem:s1+$0xFFFFFFA0]  }
0x4af: {  	v17 =	vmul.f32 v36, v17;
	v43 =	vld.idx.msk [tilespmem:v35+s26+$0x0], $0xffff  }
0x4b0: {  	[tilespmem:s9+$0xFFFFFFD0] =	vst v42;
	v44 =	vld [tilespmem:s1+$0x60]  }
0x4b1: {  	[tilespmem:s9+$0x10] =	vst v17;
	v12 =	vld.idx.msk [tilespmem:v38+s26+$0x0], $0xffff  }
0x4b2: {  	v45 =	vld.idx.msk [tilespmem:v40+s26+$0x0], $0xffff  }
0x4b3: {  	v54 =	vor.u32 s14, v3;
	v46 =	vld [tilespmem:s1+$0xFFFFFFE0]  }
0x4b4: {  	v47 =	vor.u32 s28, v3;
	v48 =	vld [tilespmem:s1+$0x20]  }
0x4b5: {  	v51 =	vld [tilespmem:s24+$0xFFFFFFF0];
	v57 =	vmul.f32 v49, v13  }
0x4b6: {  	v50 =	vor.u32 s19, v3;
	v53 =	vld [tilespmem:s24+$0x30];
	v16 =	vmul.f32 v44, v43  }
0x4b7: {  	v52 =	vor.u32 s29, v3;
	v55 =	vld [tilespmem:s24+$0xFFFFFFB0];
	[tilespmem:s9+$0xFFFFFFA0] =	vst v57  }
0x4b8: {  	v12 =	vmul.f32 v46, v12;
	[tilespmem:s9+$0x60] =	vst v16;
	v59 =	vld.idx.msk [tilespmem:v54+s26+$0x0], $0xffff  }
0x4b9: {  	v14 =	vmul.f32 v48, v45;
	v16 =	vld.idx.msk [tilespmem:v47+s26+$0x0], $0xffff  }
0x4ba: {  	[tilespmem:s9+$0xFFFFFFE0] =	vst v12;
	v56 =	vld [tilespmem:s1+$0x70]  }
0x4bb: {  	v4 =	vmul.f32 v5, v4;
	[tilespmem:s9+$0x20] =	vst v14;
	v58 =	vld.idx.msk [tilespmem:v50+s26+$0x0], $0xffff  }
0x4bc: {  	[tilespmem:s8+$0xFFFFFFF0] =	vst v11;
	v9 =	vmul.f32 v9, v10;
	v5 =	vld.idx.msk [tilespmem:v52+s26+$0x0], $0xffff  }
0x4bd: {  	[tilespmem:s8+$0x30] =	vst v4;
	v4 =	vmul.f32 v21, v15;
	v60 =	vld [tilespmem:s1+$0xFFFFFFF0]  }
0x4be: {  	[tilespmem:s8+$0xFFFFFFB0] =	vst v9;
	v7 =	vmul.f32 v51, v7;
	v61 =	vld [tilespmem:s1+$0x30]  }
0x4bf: {  	[tilespmem:s10+$0x70] =	vst v4;
	v4 =	vmul.f32 v53, v8;
	v62 =	vld [tilespmem:s1+$0xFFFFFFB0]  }
0x4c0: {  	v6 =	vmul.f32 v55, v6;
	[tilespmem:s10+$0xFFFFFFF0] =	vst v7  }
0x4c1: {  	p1 =	sne.s32 s7, $0x13;
	[tilespmem:s10+$0x30] =	vst v4;
	v4 =	vmul.f32 v56, v16  }
.Ltmp25:
0x4c2: {  	[tilespmem:s10+$0xFFFFFFB0] =	vst v6;
	v63 =	vmul.f32 v60, v58;
	(pc) =	sbr.rel @p1 .LBB2_41-.Ltmp25, $4  }
0x4c3: {  	[tilespmem:s9+$0x70] =	vst v4;
	v4 =	vmul.f32 v61, v5  }
0x4c4: {  	[tilespmem:s9+$0xFFFFFFF0] =	vst v63;
	v5 =	vmul.f32 v62, v59  }
0x4c5: {  	[tilespmem:s9+$0x30] =	vst v4  }
0x4c6: {  	[tilespmem:s9+$0xFFFFFFB0] =	vst v5  }
.Ltmp26:
0x4c7: {  	(pc) =	sbr.rel .LBB2_42-.Ltmp26, $4  }
0x4c8: {  	_ = 	snop  }
0x4c9: {  	s1 =	simm.s32 $0x16700  }
0x4ca: {  	[spmem:s3] =	stream.indirect.scatter.add.f32 [tilespmem:s20], [sflag:$0x5], $0x40, s1, s0, $0xb8;
	[tilespmem:$0x1F800] =	vst v63  }
0x4cb: {  	s8 =	simm.s32 $0x27;
	s1 =	simm.s32 $0x4C00  }
.LBB2_41:
0x4cc: {  	s1 =	sshll.u32 s7, $0xA  }
0x4cd: {  	s5 =	sshrl.u32 s1, $0x2  }
0x4ce: {  	s30 =	sadd.s32 s6, s11;
	s8 =	sadd.s32 $0x14100, s5  }
0x4cf: {  	[tilespmem:s31], [sflag:$0x1] =	stream.indirect.gather [spmem:s2], $0x40, s8, s0, $0xb8;
	[tilespmem:$0x1F800] =	vst v63  }
.Ltmp27:
0x4d0: {  	s8 =	sshll.u32 s30, $0x8;
	(pc) =	sbr.rel @p0 .LBB2_43-.Ltmp27, $4  }
0x4d1: {  	s10 =	simm.s32 $0x0;
	s8 =	sadd.s32 s8, s17  }
0x4d2: {  	[tilespmem:s26], [sflag:$0x3] =	stream.linear.gather [hbm4b:s8+s10], $0x800, $0x38;
	[tilespmem:$0x1F800] =	vst v63  }
0x4d3: {  	s5 =	sadd.s32 $0x15400, s5;
	s8 =	sor.u32 $0x1, s11  }
0x4d4: {  	[spmem:s3] =	stream.indirect.scatter.add.f32 [tilespmem:s20], [sflag:$0x5], $0x40, s5, s0, $0xb8;
	[tilespmem:$0x1F800] =	vst v63  }
.LBB2_42:
0x4d5: {  	_ =	swait.ge [sflag:s21], $0x2000  }
0x4d6: {  	[sflag:s21] =	ssyncset.done $0x0  }
0x4d7: {  	s10 =	smov.u32 s1;
	[sflag:s21] =	ssyncadd.s32 $0xFFFFE000  }
.LBB2_43:
0x4d8: {  	_ =	swait.ge [sflag:s22], $0x2000;
	s9 =	simm.s32 $0x0  }
0x4d9: {  	s30 =	simm.s32 $0x30;
	[sflag:s22] =	ssyncset.done $0x0;
	v4 =	vor.u32 s9, v0  }
0x4da: {  	v5 =	vor.u32 s30, v0;
	[sflag:s22] =	ssyncadd.s32 $0xFFFFE000  }
0x4db: {  	s1 =	simm.s32 $0x10;
	_ =	swait.ge [sflag:s23], $0x800  }
0x4dc: {  	v6 =	vor.u32 s1, v0;
	[sflag:s23] =	ssyncset.done $0x0  }
0x4dd: {  	[sflag:s23] =	ssyncadd.s32 $0xFFFFF800  }
0x4de: {  	s14 =	simm.s32 $0x20;
	v4 =	vld.idx.msk [tilespmem:v4+s13+$0x0], $0xffff  }
0x4df: {  	s16 =	simm.s32 $0x18880;
	v7 =	vor.u32 s14, v0;
	v5 =	vld.idx.msk [tilespmem:v5+s13+$0x0], $0xffff  }
0x4e0: {  	v8 =	vld [tilespmem:s16+$0x40]  }
0x4e1: {  	v6 =	vld.idx.msk [tilespmem:v6+s13+$0x0], $0xffff  }
0x4e2: {  	v9 =	vld [tilespmem:s16+$0xFFFFFF80]  }
0x4e3: {  	v10 =	vor.u32 s30, v1;
	v11 =	vld [tilespmem:s16+$0xFFFFFFC0]  }
0x4e4: {  	v7 =	vld.idx.msk [tilespmem:v7+s13+$0x0], $0xffff  }
0x4e5: {  	v12 =	vld [tilespmem:s16+$0x0];
	v5 =	vmul.f32 v8, v5  }
0x4e6: {  	s11 =	simm.s32 $0x1C880;
	v13 =	vor.u32 s1, v1  }
0x4e7: {  	v4 =	vmul.f32 v9, v4;
	[tilespmem:s11+$0x40] =	vst v5  }
0x4e8: {  	v8 =	vor.u32 s9, v1;
	v6 =	vmul.f32 v11, v6;
	v9 =	vld.idx.msk [tilespmem:v10+s13+$0x0], $0xffff  }
0x4e9: {  	[tilespmem:s11+$0xFFFFFF80] =	vst v4;
	v10 =	vld [tilespmem:s16+$0x50]  }
0x4ea: {  	v5 =	vor.u32 s14, v1;
	v4 =	vmul.f32 v12, v7;
	[tilespmem:s11+$0xFFFFFFC0] =	vst v6  }
0x4eb: {  	v6 =	vld.idx.msk [tilespmem:v13+s13+$0x0], $0xffff  }
0x4ec: {  	v11 =	vld [tilespmem:s16+$0xFFFFFF90];
	[tilespmem:s11+$0x0] =	vst v4;
	v4 =	vor.u32 s30, v2  }
0x4ed: {  	v7 =	vld.idx.msk [tilespmem:v8+s13+$0x0], $0xffff  }
0x4ee: {  	v8 =	vld [tilespmem:s16+$0xFFFFFFD0];
	v9 =	vmul.f32 v10, v9  }
0x4ef: {  	v5 =	vld.idx.msk [tilespmem:v5+s13+$0x0], $0xffff  }
0x4f0: {  	v14 =	vor.u32 s9, v2;
	v10 =	vld [tilespmem:s16+$0x10];
	[tilespmem:s11+$0x50] =	vst v9  }
0x4f1: {  	v4 =	vld.idx.msk [tilespmem:v4+s13+$0x0], $0xffff  }
0x4f2: {  	s24 =	simm.s32 $0x18980;
	v9 =	vor.u32 s1, v2;
	v7 =	vmul.f32 v11, v7;
	v13 =	vld [tilespmem:s16+$0x60]  }
0x4f3: {  	s19 =	simm.s32 $0x40;
	v15 =	vld [tilespmem:s24+$0x40]  }
0x4f4: {  	v16 =	vld [tilespmem:s24+$0xFFFFFF80];
	v6 =	vmul.f32 v8, v6;
	v8 =	vor.u32 s19, v0;
	[tilespmem:s11+$0xFFFFFF90] =	vst v7  }
0x4f5: {  	v12 =	vor.u32 s14, v2;
	v7 =	vld.idx.msk [tilespmem:v14+s13+$0x0], $0xffff  }
0x4f6: {  	s5 =	simm.s32 $0x50;
	[tilespmem:s11+$0xFFFFFFD0] =	vst v6;
	v5 =	vmul.f32 v10, v5;
	v14 =	vld [tilespmem:s16+$0xFFFFFFA0]  }
0x4f7: {  	v10 =	vor.u32 s5, v0;
	v6 =	vld.idx.msk [tilespmem:v9+s13+$0x0], $0xffff;
	v4 =	vmul.f32 v13, v4  }
0x4f8: {  	s28 =	simm.s32 $0x70;
	[tilespmem:s11+$0x10] =	vst v5;
	v9 =	vld [tilespmem:s16+$0xFFFFFFE0]  }
0x4f9: {  	s29 =	simm.s32 $0x60;
	v8 =	vld.idx.msk [tilespmem:v8+s13+$0x0], $0xffff;
	[tilespmem:s11+$0x60] =	vst v4;
	v4 =	vor.u32 s28, v0  }
0x4fa: {  	v5 =	vld.idx.msk [tilespmem:v12+s13+$0x0], $0xffff;
	v13 =	vor.u32 s29, v0  }
0x4fb: {  	v12 =	vld [tilespmem:s16+$0x20]  }
0x4fc: {  	v10 =	vld.idx.msk [tilespmem:v10+s13+$0x0], $0xffff  }
0x4fd: {  	v11 =	vld [tilespmem:s16+$0x70]  }
0x4fe: {  	v4 =	vld.idx.msk [tilespmem:v4+s13+$0x0], $0xffff  }
0x4ff: {  	v6 =	vmul.f32 v9, v6;
	v13 =	vld.idx.msk [tilespmem:v13+s13+$0x0], $0xffff  }
0x500: {  	v5 =	vmul.f32 v12, v5;
	v12 =	vld [tilespmem:s24+$0xFFFFFFC0]  }
0x501: {  	[tilespmem:s11+$0xFFFFFFE0] =	vst v6;
	v6 =	vmul.f32 v14, v7;
	v7 =	vor.u32 s28, v1;
	v14 =	vld [tilespmem:s24+$0x0]  }
0x502: {  	[tilespmem:s11+$0x20] =	vst v5;
	v18 =	vld [tilespmem:s16+$0xFFFFFFF0]  }
0x503: {  	v17 =	vor.u32 s30, v3;
	[tilespmem:s11+$0xFFFFFFA0] =	vst v6;
	v5 =	vld [tilespmem:s16+$0x30];
	v4 =	vmul.f32 v15, v4  }
0x504: {  	v19 =	vor.u32 s19, v1;
	v9 =	vld [tilespmem:s16+$0xFFFFFFB0];
	s16 =	simm.s32 $0x1C980  }
0x505: {  	v6 =	vor.u32 s5, v1;
	[tilespmem:s16+$0x40] =	vst v4  }
0x506: {  	v4 =	vmul.f32 v16, v8;
	v7 =	vld.idx.msk [tilespmem:v7+s13+$0x0], $0xffff  }
0x507: {  	v8 =	vmul.f32 v12, v10;
	v10 =	vld [tilespmem:s24+$0x50]  }
0x508: {  	v15 =	vld.idx.msk [tilespmem:v17+s13+$0x0], $0xffff;
	v17 =	vor.u32 s29, v1;
	[tilespmem:s16+$0xFFFFFF80] =	vst v4;
	v4 =	vmul.f32 v14, v13  }
0x509: {  	[tilespmem:s16+$0xFFFFFFC0] =	vst v8;
	v12 =	vld.idx.msk [tilespmem:v19+s13+$0x0], $0xffff  }
0x50a: {  	v6 =	vld.idx.msk [tilespmem:v6+s13+$0x0], $0xffff;
	[tilespmem:s16+$0x0] =	vst v4;
	v4 =	vor.u32 s28, v2  }
0x50b: {  	v14 =	vld [tilespmem:s24+$0xFFFFFFD0]  }
0x50c: {  	v8 =	vor.u32 s1, v3;
	v19 =	vld [tilespmem:s24+$0xFFFFFF90];
	v7 =	vmul.f32 v10, v7  }
0x50d: {  	v16 =	vor.u32 s14, v3;
	v13 =	vld.idx.msk [tilespmem:v17+s13+$0x0], $0xffff  }
0x50e: {  	v17 =	vor.u32 s9, v3;
	v10 =	vld [tilespmem:s24+$0x10];
	[tilespmem:s16+$0x50] =	vst v7  }
0x50f: {  	v20 =	vor.u32 s5, v2;
	v23 =	vld.idx.msk [tilespmem:v4+s13+$0x0], $0xffff  }
0x510: {  	v24 =	vor.u32 s19, v2;
	v25 =	vld [tilespmem:s24+$0x60]  }
0x511: {  	v22 =	vor.u32 s29, v2;
	v21 =	vld.idx.msk [tilespmem:v8+s13+$0x0], $0xffff;
	v6 =	vmul.f32 v14, v6  }
0x512: {  	v12 =	vmul.f32 v19, v12;
	v4 =	vld.idx.msk [tilespmem:v16+s13+$0x0], $0xffff  }
0x513: {  	v11 =	vmul.f32 v11, v15;
	v15 =	vor.u32 s28, v3;
	[tilespmem:s16+$0xFFFFFFD0] =	vst v6;
	v7 =	vmul.f32 v10, v13;
	v10 =	vld.idx.msk [tilespmem:v17+s13+$0x0], $0xffff  }
0x514: {  	[tilespmem:s16+$0xFFFFFF90] =	vst v12;
	v14 =	vld.idx.msk [tilespmem:v20+s13+$0x0], $0xffff  }
0x515: {  	v8 =	vor.u32 s5, v3;
	v13 =	vld.idx.msk [tilespmem:v24+s13+$0x0], $0xffff;
	[tilespmem:s16+$0x10] =	vst v7;
	v16 =	vmul.f32 v25, v23  }
0x516: {  	s30 =	simm.s32 $0x18980;
	s14 =	simm.s32 $0x80;
	[tilespmem:s11+$0x70] =	vst v11;
	s9 =	simm.s32 $0xC;
	v6 =	vor.u32 s19, v3;
	v11 =	vmul.f32 v18, v21;
	v7 =	vor.u32 s29, v3;
	v12 =	vld.idx.msk [tilespmem:v22+s13+$0x0], $0xffff  }
.LBB2_44:
0x517: {  	p0 =	slt.u32 s9, $0x7C;
	v17 =	vor.u32 s14, v0;
	v18 =	vor.u32 s14, v1;
	v19 =	vor.u32 s14, v2;
	s5 =	sadd.s32 $0x10, s14;
	s1 =	sadd.s32 $0x30, s14;
	v20 =	vld [tilespmem:s24+$0xFFFFFFE0];
	[tilespmem:s16+$0x60] =	vst v16  }
0x518: {  	s19 =	sadd.s32 $0x20, s14;
	v16 =	vor.u32 s5, v0;
	v21 =	vor.u32 s5, v1;
	v22 =	vor.u32 s1, v0;
	v15 =	vld.idx.msk [tilespmem:v15+s13+$0x0], $0xffff;
	[tilespmem:s11+$0xFFFFFFF0] =	vst v11  }
0x519: {  	v11 =	vor.u32 s5, v2;
	v23 =	vor.u32 s19, v0;
	v24 =	vor.u32 s19, v1;
	v25 =	vld [tilespmem:s24+$0x70]  }
0x51a: {  	v26 =	vor.u32 s5, v3;
	v27 =	vor.u32 s19, v2;
	v28 =	vor.u32 s19, v3;
	v29 =	vld [tilespmem:s24+$0x20]  }
0x51b: {  	v30 =	vor.u32 s14, v3;
	v4 =	vmul.f32 v5, v4;
	v9 =	vmul.f32 v9, v10;
	v31 =	vld [tilespmem:s24+$0xFFFFFFA0]  }
0x51c: {  	v5 =	vld.idx.msk [tilespmem:v17+s13+$0x0], $0xffff;
	v10 =	vmul.f32 v20, v14  }
0x51d: {  	s24 =	sadd.s32 $0x100, s24;
	v14 =	vld.idx.msk [tilespmem:v22+s13+$0x0], $0xffff;
	[tilespmem:s11+$0x30] =	vst v4  }
0x51e: {  	v4 =	vld [tilespmem:s24+$0x40];
	[tilespmem:s16+$0xFFFFFFE0] =	vst v10;
	v10 =	vmul.f32 v25, v15  }
0x51f: {  	v15 =	vld.idx.msk [tilespmem:v16+s13+$0x0], $0xffff;
	v12 =	vmul.f32 v29, v12;
	[tilespmem:s11+$0xFFFFFFB0] =	vst v9;
	s11 =	smov.u32 s16  }
0x520: {  	v9 =	vld.idx.msk [tilespmem:v23+s13+$0x0], $0xffff;
	v13 =	vmul.f32 v31, v13;
	[tilespmem:s16+$0x70] =	vst v10  }
0x521: {  	v16 =	vor.u32 s1, v1;
	v10 =	vld [tilespmem:s24+$0xFFFFFF80];
	[tilespmem:s16+$0x20] =	vst v12  }
0x522: {  	v12 =	vld [tilespmem:s24+$0xFFFFFFC0];
	[tilespmem:s16+$0xFFFFFFA0] =	vst v13  }
0x523: {  	v13 =	vld [tilespmem:s24+$0x0];
	v4 =	vmul.f32 v4, v14  }
0x524: {  	s16 =	sadd.s32 $0x100, s16;
	v17 =	vld.idx.msk [tilespmem:v8+s13+$0x0], $0xffff;
	v8 =	vmov v26  }
0x525: {  	[tilespmem:s16+$0x40] =	vst v4;
	v4 =	vld.idx.msk [tilespmem:v7+s13+$0x0], $0xffff;
	v7 =	vmov v28  }
0x526: {  	v5 =	vmul.f32 v10, v5;
	v14 =	vld.idx.msk [tilespmem:v16+s13+$0x0], $0xffff  }
0x527: {  	v12 =	vmul.f32 v12, v15;
	v15 =	vld [tilespmem:s24+$0x50]  }
0x528: {  	[tilespmem:s16+$0xFFFFFF80] =	vst v5;
	v5 =	vmul.f32 v13, v9;
	v10 =	vld.idx.msk [tilespmem:v6+s13+$0x0], $0xffff;
	v6 =	vmov v30  }
0x529: {  	v9 =	vld.idx.msk [tilespmem:v18+s13+$0x0], $0xffff;
	[tilespmem:s16+$0xFFFFFFC0] =	vst v12  }
0x52a: {  	v12 =	vld.idx.msk [tilespmem:v21+s13+$0x0], $0xffff;
	[tilespmem:s16+$0x0] =	vst v5;
	v5 =	vor.u32 s1, v2  }
0x52b: {  	v13 =	vld.idx.msk [tilespmem:v24+s13+$0x0], $0xffff  }
0x52c: {  	v16 =	vld [tilespmem:s24+$0xFFFFFFD0];
	v14 =	vmul.f32 v15, v14  }
0x52d: {  	v15 =	vld [tilespmem:s24+$0x10]  }
0x52e: {  	v18 =	vld [tilespmem:s24+$0xFFFFFF90];
	[tilespmem:s16+$0x50] =	vst v14  }
0x52f: {  	v20 =	vld.idx.msk [tilespmem:v5+s13+$0x0], $0xffff  }
0x530: {  	v21 =	vld [tilespmem:s24+$0x60]  }
0x531: {  	v12 =	vmul.f32 v16, v12;
	v22 =	vld [tilespmem:s30+$0xFFFFFFF0]  }
.Ltmp28:
0x532: {  	v13 =	vmul.f32 v15, v13;
	v5 =	vld [tilespmem:s30+$0x30];
	(pc) =	sbr.rel @p0 .LBB2_44-.Ltmp28, $4  }
0x533: {  	v15 =	vor.u32 s1, v3;
	v16 =	vmul.f32 v18, v9;
	[tilespmem:s16+$0xFFFFFFD0] =	vst v12;
	v9 =	vld [tilespmem:s30+$0xFFFFFFB0];
	s30 =	smov.u32 s24  }
0x534: {  	v14 =	vld.idx.msk [tilespmem:v11+s13+$0x0], $0xffff;
	[tilespmem:s16+$0x10] =	vst v13  }
0x535: {  	[tilespmem:s16+$0xFFFFFF90] =	vst v16;
	v12 =	vld.idx.msk [tilespmem:v27+s13+$0x0], $0xffff;
	v16 =	vmul.f32 v21, v20  }
0x536: {  	s14 =	sshll.u32 s9, $0x4;
	s9 =	sadd.s32 $0x4, s9;
	v13 =	vld.idx.msk [tilespmem:v19+s13+$0x0], $0xffff;
	v11 =	vmul.f32 v22, v17  }
0x537: {  	v19 =	vld [tilespmem:s24+$0xFFFFFFE0]  }
0x538: {  	v17 =	vor.u32 s14, v0;
	v28 =	vld [tilespmem:s24+$0x20]  }
0x539: {  	s28 =	sadd.s32 $0x30, s14;
	[tilespmem:s16+$0x60] =	vst v16;
	v29 =	vld [tilespmem:s24+$0xFFFFFFA0]  }
0x53a: {  	s9 =	sadd.s32 $0x100, s24;
	v18 =	vor.u32 s28, v0;
	v21 =	vld [tilespmem:s24+$0x70]  }
0x53b: {  	s19 =	sadd.s32 $0x10, s14;
	v22 =	vld [tilespmem:s9+$0x40]  }
0x53c: {  	s29 =	sadd.s32 $0x20, s14;
	v62 =	vor.u32 s19, v0;
	v23 =	vld [tilespmem:s9+$0xFFFFFF80]  }
0x53d: {  	v20 =	vor.u32 s29, v0;
	v17 =	vld.idx.msk [tilespmem:v17+s13+$0x0], $0xffff  }
0x53e: {  	v25 =	vld [tilespmem:s9+$0xFFFFFFC0]  }
0x53f: {  	v18 =	vld.idx.msk [tilespmem:v18+s13+$0x0], $0xffff  }
0x540: {  	v27 =	vor.u32 s14, v1;
	v26 =	vld [tilespmem:s9+$0x0]  }
0x541: {  	v14 =	vmul.f32 v19, v14;
	v16 =	vld.idx.msk [tilespmem:v62+s13+$0x0], $0xffff  }
0x542: {  	v24 =	vor.u32 s28, v1;
	v20 =	vld.idx.msk [tilespmem:v20+s13+$0x0], $0xffff;
	v17 =	vmul.f32 v23, v17  }
0x543: {  	s1 =	sadd.s32 $0x100, s16;
	v15 =	vld.idx.msk [tilespmem:v15+s13+$0x0], $0xffff;
	[tilespmem:s16+$0xFFFFFFE0] =	vst v14  }
0x544: {  	v63 =	vor.u32 s19, v1;
	v8 =	vld.idx.msk [tilespmem:v8+s13+$0x0], $0xffff;
	v18 =	vmul.f32 v22, v18;
	[tilespmem:s1+$0xFFFFFF80] =	vst v17  }
0x545: {  	v30 =	vor.u32 s29, v1;
	v33 =	vld.idx.msk [tilespmem:v27+s13+$0x0], $0xffff  }
0x546: {  	v16 =	vmul.f32 v25, v16;
	[tilespmem:s1+$0x40] =	vst v18;
	v37 =	vld [tilespmem:s9+$0xFFFFFF90]  }
0x547: {  	v32 =	vmul.f32 v26, v20;
	v18 =	vld.idx.msk [tilespmem:v24+s13+$0x0], $0xffff  }
0x548: {  	[tilespmem:s1+$0xFFFFFFC0] =	vst v16;
	v31 =	vld [tilespmem:s9+$0x50]  }
0x549: {  	[tilespmem:s1+$0x0] =	vst v32;
	v16 =	vld.idx.msk [tilespmem:v63+s13+$0x0], $0xffff  }
0x54a: {  	v41 =	vor.u32 s14, v2;
	v12 =	vmul.f32 v28, v12;
	v17 =	vld.idx.msk [tilespmem:v30+s13+$0x0], $0xffff  }
0x54b: {  	v13 =	vmul.f32 v29, v13;
	v34 =	vld [tilespmem:s9+$0xFFFFFFD0]  }
0x54c: {  	v35 =	vor.u32 s28, v2;
	[tilespmem:s16+$0x20] =	vst v12;
	v36 =	vld [tilespmem:s9+$0x10];
	v14 =	vmul.f32 v37, v33  }
0x54d: {  	[tilespmem:s16+$0xFFFFFFA0] =	vst v13;
	v7 =	vld.idx.msk [tilespmem:v7+s13+$0x0], $0xffff  }
0x54e: {  	v38 =	vor.u32 s19, v2;
	v6 =	vld.idx.msk [tilespmem:v6+s13+$0x0], $0xffff;
	v39 =	vmul.f32 v31, v18;
	[tilespmem:s1+$0xFFFFFF90] =	vst v14  }
0x54f: {  	v40 =	vor.u32 s29, v2;
	v13 =	vld.idx.msk [tilespmem:v41+s13+$0x0], $0xffff  }
0x550: {  	v42 =	vmul.f32 v34, v16;
	[tilespmem:s1+$0x50] =	vst v39;
	v49 =	vld [tilespmem:s9+$0xFFFFFFA0]  }
0x551: {  	v17 =	vmul.f32 v36, v17;
	v43 =	vld.idx.msk [tilespmem:v35+s13+$0x0], $0xffff  }
0x552: {  	[tilespmem:s1+$0xFFFFFFD0] =	vst v42;
	v44 =	vld [tilespmem:s9+$0x60]  }
0x553: {  	[tilespmem:s1+$0x10] =	vst v17;
	v12 =	vld.idx.msk [tilespmem:v38+s13+$0x0], $0xffff  }
0x554: {  	v45 =	vld.idx.msk [tilespmem:v40+s13+$0x0], $0xffff  }
0x555: {  	v54 =	vor.u32 s14, v3;
	v46 =	vld [tilespmem:s9+$0xFFFFFFE0]  }
0x556: {  	v47 =	vor.u32 s28, v3;
	v48 =	vld [tilespmem:s9+$0x20]  }
0x557: {  	v51 =	vld [tilespmem:s30+$0xFFFFFFF0];
	v57 =	vmul.f32 v49, v13  }
0x558: {  	v50 =	vor.u32 s19, v3;
	v53 =	vld [tilespmem:s30+$0x30];
	v16 =	vmul.f32 v44, v43  }
0x559: {  	v52 =	vor.u32 s29, v3;
	v55 =	vld [tilespmem:s30+$0xFFFFFFB0];
	[tilespmem:s1+$0xFFFFFFA0] =	vst v57  }
0x55a: {  	v12 =	vmul.f32 v46, v12;
	[tilespmem:s1+$0x60] =	vst v16;
	v59 =	vld.idx.msk [tilespmem:v54+s13+$0x0], $0xffff  }
0x55b: {  	v14 =	vmul.f32 v48, v45;
	v16 =	vld.idx.msk [tilespmem:v47+s13+$0x0], $0xffff  }
0x55c: {  	[tilespmem:s1+$0xFFFFFFE0] =	vst v12;
	v56 =	vld [tilespmem:s9+$0x70]  }
0x55d: {  	v4 =	vmul.f32 v5, v4;
	[tilespmem:s1+$0x20] =	vst v14;
	v58 =	vld.idx.msk [tilespmem:v50+s13+$0x0], $0xffff  }
0x55e: {  	[tilespmem:s11+$0xFFFFFFF0] =	vst v11;
	v9 =	vmul.f32 v9, v10;
	v5 =	vld.idx.msk [tilespmem:v52+s13+$0x0], $0xffff  }
0x55f: {  	[tilespmem:s11+$0x30] =	vst v4;
	v4 =	vmul.f32 v21, v15;
	v60 =	vld [tilespmem:s9+$0xFFFFFFF0]  }
0x560: {  	[tilespmem:s11+$0xFFFFFFB0] =	vst v9;
	v8 =	vmul.f32 v51, v8;
	v61 =	vld [tilespmem:s9+$0x30]  }
0x561: {  	[tilespmem:s16+$0x70] =	vst v4;
	v4 =	vmul.f32 v53, v7;
	v62 =	vld [tilespmem:s9+$0xFFFFFFB0]  }
0x562: {  	v6 =	vmul.f32 v55, v6;
	[tilespmem:s16+$0xFFFFFFF0] =	vst v8  }
0x563: {  	p0 =	seq.s32 s7, $0x13;
	[tilespmem:s16+$0x30] =	vst v4;
	v4 =	vmul.f32 v56, v16  }
.Ltmp29:
0x564: {  	[tilespmem:s16+$0xFFFFFFB0] =	vst v6;
	v63 =	vmul.f32 v60, v58;
	(pc) =	sbr.rel @p0 .LBB2_47-.Ltmp29, $4  }
0x565: {  	[tilespmem:s1+$0x70] =	vst v4;
	v4 =	vmul.f32 v61, v5  }
0x566: {  	[tilespmem:s1+$0xFFFFFFF0] =	vst v63;
	v5 =	vmul.f32 v62, v59  }
0x567: {  	s5 =	sshll.u32 s8, $0x7;
	[tilespmem:s1+$0x30] =	vst v4  }
0x568: {  	[tilespmem:s1+$0xFFFFFFB0] =	vst v5;
	s1 =	sand.u32 $0x3FFFFF80, s5  }
0x569: {  	s5 =	sshrl.u32 s10, $0x2  }
0x56a: {  	s30 =	sadd.s32 s6, s8;
	s5 =	sadd.s32 $0x14180, s5  }
0x56b: {  	[tilespmem:s12], [sflag:$0x2] =	stream.indirect.gather [spmem:s2], $0x40, s5, s0, $0xb8;
	[tilespmem:$0x1F800] =	vst v63  }
.Ltmp30:
0x56c: {  	s5 =	sshll.u32 s30, $0x8;
	(pc) =	sbr.rel .LBB2_37-.Ltmp30, $4  }
0x56d: {  	s5 =	sadd.s32 s5, s17  }
0x56e: {  	[tilespmem:s13], [sflag:$0x4] =	stream.linear.gather [hbm4b:s5+s4], $0x800, $0x38;
	[tilespmem:$0x1F800] =	vst v63  }
0x56f: {  	s1 =	sadd.s32 $0x15400, s1;
	s7 =	sadd.s32 $0x1, s7  }
0x570: {  	[spmem:s3] =	stream.indirect.scatter.add.f32 [tilespmem:s15], [sflag:$0x6], $0x40, s1, s0, $0xb8;
	[tilespmem:$0x1F800] =	vst v63  }
.LBB2_48:
0x571: {  	[bflag:$0x0] =	sbarrier.arrive $0xFFFF  }
0x572: {  	s14 =	rddreg [dreg:$0x5]  }
0x573: {  	s19 =	rddreg [dreg:$0x8]  }
0x574: {  	s29 =	rddreg [dreg:$0x9]  }
0x575: {  	s6 =	simm.s32 $0x0;
	s9 =	simm.s32 $0x7;
	s31 =	rddreg [dreg:$0xa]  }
.LBB2_49:
0x576: {  	s1 =	sshll.u32 s6, $0x7  }
0x577: {  	s1 =	sadd.s32 s29, s1  }
0x578: {  	s8 =	sshll.u32 s1, $0x6  }
0x579: {  	s1 =	sshll.u32 s1, $0x7;
	s7 =	sadd.s32 s8, s3  }
0x57a: {  	[tilespmem:s11], [sflag:$0x7] =	stream.linear.gather [spmem:s7], $0x2000, $0x38;
	[tilespmem:$0x1F800] =	vst v63  }
0x57b: {  	s1 =	sor.u32 s31, s1;
	_ =	swait.ge [sflag:s9], $0x2000  }
0x57c: {  	s1 =	sshrl.u32 s1, $0x3;
	[sflag:s9] =	ssyncset.done $0x0  }
0x57d: {  	s5 =	simm.s32 $0x40;
	s1 =	sadd.s32 s14, s1;
	[sflag:s9] =	ssyncadd.s32 $0xFFFFE000  }
0x57e: {  	[tilespmem:s20], [sflag:$0x7] =	stream.strided.gather [hbm4b:s1+s5], $0x2000, s0, s5, $0x38;
	[tilespmem:$0x1F800] =	vst v63  }
0x57f: {  	_ =	swait.ge [sflag:s9], $0x2000  }
0x580: {  	[sflag:s9] =	ssyncset.done $0x0  }
0x581: {  	s10 =	simm.s32 $0x16880;
	[sflag:s9] =	ssyncadd.s32 $0xFFFFE000  }
0x582: {  	s24 =	simm.s32 $0x1A880;
	v4 =	vld [tilespmem:s10+$0x40]  }
0x583: {  	v5 =	vld [tilespmem:s24+$0x40]  }
0x584: {  	v6 =	vld [tilespmem:s24+$0xFFFFFF80]  }
0x585: {  	v7 =	vld [tilespmem:s10+$0xFFFFFFC0]  }
0x586: {  	v8 =	vld [tilespmem:s24+$0xFFFFFFC0]  }
0x587: {  	v10 =	vld [tilespmem:s24+$0x0]  }
0x588: {  	v11 =	vld [tilespmem:s10+$0xFFFFFF80];
	v4 =	vmul.f32 $8.500000230e-01, v4;
	v5 =	vmul.f32 $1.500000060e-01, v5  }
0x589: {  	v9 =	vld [tilespmem:s10+$0x0]  }
0x58a: {  	v12 =	vld [tilespmem:s10+$0xFFFFFFD0];
	v4 =	vadd.f32 v5, v4  }
0x58b: {  	v13 =	vld [tilespmem:s10+$0x10];
	v7 =	vmul.f32 $8.500000230e-01, v7;
	v8 =	vmul.f32 $1.500000060e-01, v8  }
0x58c: {  	s16 =	simm.s32 $0x1A980;
	v6 =	vmul.f32 $1.500000060e-01, v6;
	[tilespmem:s10+$0x40] =	vst v4;
	v4 =	vld [tilespmem:s10+$0x50]  }
0x58d: {  	v11 =	vmul.f32 $8.500000230e-01, v11;
	v7 =	vadd.f32 v8, v7;
	v8 =	vmul.f32 $1.500000060e-01, v10;
	v10 =	vld [tilespmem:s24+$0x50]  }
0x58e: {  	v14 =	vld [tilespmem:s16+$0x40];
	v9 =	vmul.f32 $8.500000230e-01, v9  }
0x58f: {  	v15 =	vld [tilespmem:s10+$0x30];
	v6 =	vadd.f32 v6, v11;
	[tilespmem:s10+$0xFFFFFFC0] =	vst v7  }
0x590: {  	v7 =	vadd.f32 v8, v9;
	v8 =	vld [tilespmem:s24+$0xFFFFFFD0]  }
0x591: {  	v17 =	vld [tilespmem:s16+$0xFFFFFF80];
	[tilespmem:s10+$0xFFFFFF80] =	vst v6  }
0x592: {  	v5 =	vld [tilespmem:s10+$0xFFFFFF90];
	[tilespmem:s10+$0x0] =	vst v7;
	v4 =	vmul.f32 $8.500000230e-01, v4;
	v7 =	vmul.f32 $1.500000060e-01, v10  }
0x593: {  	s11 =	simm.s32 $0x16980;
	v10 =	vld [tilespmem:s24+$0xFFFFFF90]  }
0x594: {  	v18 =	vld [tilespmem:s11+$0xFFFFFFC0];
	v4 =	vadd.f32 v7, v4  }
0x595: {  	v19 =	vld [tilespmem:s16+$0xFFFFFFC0];
	v8 =	vmul.f32 $1.500000060e-01, v8;
	v7 =	vmul.f32 $8.500000230e-01, v12  }
0x596: {  	v12 =	vld [tilespmem:s10+$0x60];
	[tilespmem:s10+$0x50] =	vst v4  }
0x597: {  	v7 =	vadd.f32 v8, v7;
	v8 =	vld [tilespmem:s24+$0x60]  }
0x598: {  	v20 =	vld [tilespmem:s11+$0x0];
	v5 =	vmul.f32 $8.500000230e-01, v5;
	v10 =	vmul.f32 $1.500000060e-01, v10  }
0x599: {  	v21 =	vld [tilespmem:s11+$0xFFFFFF80]  }
0x59a: {  	v23 =	vld [tilespmem:s11+$0xFFFFFF90];
	v5 =	vadd.f32 v10, v5  }
0x59b: {  	v24 =	vld [tilespmem:s11+$0xFFFFFFD0]  }
0x59c: {  	v51 =	vld [tilespmem:s11+$0x10];
	[tilespmem:s10+$0xFFFFFF90] =	vst v5;
	v5 =	vmul.f32 $8.500000230e-01, v12;
	v8 =	vmul.f32 $1.500000060e-01, v8  }
0x59d: {  	v52 =	vld [tilespmem:s11+$0xFFFFFFA0]  }
0x59e: {  	v5 =	vadd.f32 v8, v5;
	v8 =	vld [tilespmem:s11+$0x40]  }
0x59f: {  	v57 =	vld [tilespmem:s11+$0x60];
	v18 =	vmul.f32 $8.500000230e-01, v18;
	v19 =	vmul.f32 $1.500000060e-01, v19  }
0x5a0: {  	v6 =	vld [tilespmem:s24+$0x10]  }
0x5a1: {  	v61 =	vld [tilespmem:s11+$0xFFFFFFB0];
	v17 =	vmul.f32 $1.500000060e-01, v17;
	v50 =	vmul.f32 $8.500000230e-01, v21;
	v18 =	vadd.f32 v19, v18  }
0x5a2: {  	v11 =	vld [tilespmem:s10+$0xFFFFFFE0]  }
0x5a3: {  	v14 =	vmul.f32 $1.500000060e-01, v14;
	v17 =	vadd.f32 v17, v50;
	v9 =	vld [tilespmem:s10+$0xFFFFFFA0];
	[tilespmem:s11+$0xFFFFFFC0] =	vst v18;
	v8 =	vmul.f32 $8.500000230e-01, v8  }
0x5a4: {  	v53 =	vld [tilespmem:s16+$0xFFFFFFD0]  }
0x5a5: {  	[tilespmem:s11+$0xFFFFFF80] =	vst v17;
	v6 =	vmul.f32 $1.500000060e-01, v6;
	v4 =	vmul.f32 $8.500000230e-01, v13;
	v8 =	vadd.f32 v14, v8;
	v14 =	vld [tilespmem:s16+$0x0]  }
0x5a6: {  	v56 =	vld [tilespmem:s16+$0xFFFFFF90];
	[tilespmem:s10+$0xFFFFFFD0] =	vst v7  }
0x5a7: {  	v4 =	vadd.f32 v6, v4;
	v6 =	vld [tilespmem:s24+$0xFFFFFFE0]  }
0x5a8: {  	[tilespmem:s11+$0x40] =	vst v8;
	v8 =	vld [tilespmem:s11+$0x50]  }
0x5a9: {  	v22 =	vld [tilespmem:s16+$0x50]  }
0x5aa: {  	v20 =	vmul.f32 $8.500000230e-01, v20;
	v10 =	vld [tilespmem:s24+$0xFFFFFFA0];
	v14 =	vmul.f32 $1.500000060e-01, v14  }
0x5ab: {  	v13 =	vld [tilespmem:s10+$0x20];
	[tilespmem:s10+$0x10] =	vst v4  }
0x5ac: {  	v4 =	vld [tilespmem:s24+$0x20];
	v14 =	vadd.f32 v14, v20  }
0x5ad: {  	v11 =	vmul.f32 $8.500000230e-01, v11;
	v7 =	vld [tilespmem:s10+$0xFFFFFFB0];
	v6 =	vmul.f32 $1.500000060e-01, v6  }
0x5ae: {  	v12 =	vld [tilespmem:s10+$0xFFFFFFF0];
	v8 =	vmul.f32 $8.500000230e-01, v8;
	v54 =	vmul.f32 $1.500000060e-01, v22;
	[tilespmem:s11+$0x0] =	vst v14  }
0x5af: {  	v9 =	vmul.f32 $8.500000230e-01, v9;
	v6 =	vadd.f32 v6, v11;
	v10 =	vmul.f32 $1.500000060e-01, v10;
	v55 =	vld [tilespmem:s16+$0x10]  }
0x5b0: {  	[tilespmem:s10+$0x60] =	vst v5;
	v5 =	vld [tilespmem:s10+$0x70];
	v8 =	vadd.f32 v54, v8  }
0x5b1: {  	v4 =	vmul.f32 $1.500000060e-01, v4;
	v16 =	vld [tilespmem:s24+$0x70];
	[tilespmem:s10+$0xFFFFFFE0] =	vst v6;
	v9 =	vadd.f32 v10, v9;
	v10 =	vmul.f32 $8.500000230e-01, v13  }
0x5b2: {  	v11 =	vmul.f32 $1.500000060e-01, v53;
	v59 =	vld [tilespmem:s24+$0xFFFFFFF0];
	[tilespmem:s11+$0x50] =	vst v8;
	v8 =	vmul.f32 $8.500000230e-01, v24  }
0x5b3: {  	v4 =	vadd.f32 v4, v10;
	[tilespmem:s10+$0xFFFFFFA0] =	vst v9;
	v9 =	vld [tilespmem:s16+$0x60]  }
0x5b4: {  	v6 =	vmul.f32 $8.500000230e-01, v51;
	v10 =	vld [tilespmem:s24+$0xFFFFFFB0];
	v8 =	vadd.f32 v11, v8;
	v11 =	vmul.f32 $1.500000060e-01, v55  }
0x5b5: {  	v58 =	vmul.f32 $1.500000060e-01, v56;
	[tilespmem:s10+$0x20] =	vst v4;
	v4 =	vmul.f32 $8.500000230e-01, v23;
	v14 =	vld [tilespmem:s11+$0xFFFFFFE0]  }
0x5b6: {  	[tilespmem:s11+$0xFFFFFFD0] =	vst v8;
	v6 =	vadd.f32 v11, v6;
	v11 =	vld [tilespmem:s24+$0x30]  }
0x5b7: {  	v5 =	vmul.f32 $8.500000230e-01, v5;
	v4 =	vadd.f32 v58, v4;
	v8 =	vmul.f32 $1.500000060e-01, v16;
	v60 =	vld [tilespmem:s16+$0xFFFFFFE0]  }
0x5b8: {  	v13 =	vld [tilespmem:s11+$0x20];
	v9 =	vmul.f32 $1.500000060e-01, v9;
	[tilespmem:s11+$0x10] =	vst v6;
	v6 =	vmul.f32 $8.500000230e-01, v57  }
0x5b9: {  	v7 =	vmul.f32 $8.500000230e-01, v7;
	[tilespmem:s11+$0xFFFFFF90] =	vst v4;
	v5 =	vadd.f32 v8, v5;
	v8 =	vmul.f32 $1.500000060e-01, v10;
	v62 =	vld [tilespmem:s16+$0x20]  }
0x5ba: {  	v12 =	vmul.f32 $8.500000230e-01, v12;
	v10 =	vld [tilespmem:s16+$0xFFFFFFA0];
	v4 =	vadd.f32 v9, v6;
	v6 =	vmul.f32 $1.500000060e-01, v59  }
0x5bb: {  	v15 =	vmul.f32 $8.500000230e-01, v15;
	[tilespmem:s10+$0x70] =	vst v5;
	v9 =	vadd.f32 v8, v7;
	v8 =	vld [tilespmem:s11+$0xFFFFFFF0];
	v11 =	vmul.f32 $1.500000060e-01, v11  }
0x5bc: {  	v14 =	vmul.f32 $8.500000230e-01, v14;
	v7 =	vld [tilespmem:s11+$0x30];
	v16 =	vmul.f32 $1.500000060e-01, v60;
	v63 =	vadd.f32 v6, v12;
	[tilespmem:s11+$0x60] =	vst v4  }
0x5bd: {  	s30 =	simm.s32 $0x16A80;
	s24 =	simm.s32 $0x1A980;
	v5 =	vmul.f32 $8.500000230e-01, v52;
	v6 =	vmul.f32 $8.500000230e-01, v13;
	[tilespmem:s10+$0xFFFFFFB0] =	vst v9;
	v9 =	vld [tilespmem:s11+$0x70];
	v12 =	vadd.f32 v11, v15  }
0x5be: {  	s28 =	simm.s32 $0x4;
	v4 =	vmul.f32 $8.500000230e-01, v61;
	v13 =	vadd.f32 v16, v14;
	v11 =	vld [tilespmem:s16+$0x70];
	v14 =	vmul.f32 $1.500000060e-01, v62;
	[tilespmem:s10+$0xFFFFFFF0] =	vst v63  }
.LBB2_50:
0x5bf: {  	v15 =	vld [tilespmem:s30+$0x40];
	v10 =	vmul.f32 $1.500000060e-01, v10;
	s16 =	sadd.s32 $0x100, s16;
	[tilespmem:s10+$0x30] =	vst v12;
	s10 =	smov.u32 s11;
	s11 =	smov.u32 s30  }
0x5c0: {  	s28 =	sadd.s32 $0x4, s28;
	v12 =	vld [tilespmem:s16+$0x40];
	[tilespmem:s10+$0xFFFFFFE0] =	vst v13;
	v13 =	vmul.f32 $8.500000230e-01, v8;
	v6 =	vadd.f32 v14, v6  }
0x5c1: {  	p0 =	slt.u32 s28, $0x7C;
	v8 =	vld [tilespmem:s16+$0xFFFFFF80];
	v5 =	vadd.f32 v10, v5;
	v14 =	vmul.f32 $8.500000230e-01, v7  }
0x5c2: {  	v7 =	vld [tilespmem:s30+$0xFFFFFFC0];
	[tilespmem:s10+$0x20] =	vst v6  }
0x5c3: {  	v6 =	vld [tilespmem:s16+$0xFFFFFFC0];
	[tilespmem:s10+$0xFFFFFFA0] =	vst v5;
	v5 =	vmul.f32 $8.500000230e-01, v9;
	v9 =	vmul.f32 $1.500000060e-01, v11  }
0x5c4: {  	v10 =	vld [tilespmem:s30+$0x0]  }
0x5c5: {  	v15 =	vmul.f32 $8.500000230e-01, v15;
	v11 =	vld [tilespmem:s16+$0x0];
	v12 =	vmul.f32 $1.500000060e-01, v12;
	v5 =	vadd.f32 v9, v5  }
0x5c6: {  	v9 =	vld [tilespmem:s30+$0xFFFFFF80];
	v8 =	vmul.f32 $1.500000060e-01, v8  }
0x5c7: {  	v16 =	vld [tilespmem:s30+$0xFFFFFF90];
	v7 =	vmul.f32 $8.500000230e-01, v7;
	v12 =	vadd.f32 v12, v15;
	[tilespmem:s10+$0x70] =	vst v5  }
0x5c8: {  	v5 =	vmul.f32 $1.500000060e-01, v6;
	v6 =	vld [tilespmem:s30+$0xFFFFFFD0]  }
0x5c9: {  	v10 =	vmul.f32 $8.500000230e-01, v10;
	[tilespmem:s30+$0x40] =	vst v12;
	v12 =	vld [tilespmem:s30+$0x50]  }
0x5ca: {  	v5 =	vadd.f32 v5, v7;
	v7 =	vmul.f32 $1.500000060e-01, v11;
	v11 =	vld [tilespmem:s16+$0x50]  }
0x5cb: {  	v9 =	vmul.f32 $8.500000230e-01, v9;
	v15 =	vld [tilespmem:s30+$0x10]  }
0x5cc: {  	v16 =	vmul.f32 $8.500000230e-01, v16;
	v17 =	vld [tilespmem:s30+$0xFFFFFFA0];
	[tilespmem:s30+$0xFFFFFFC0] =	vst v5;
	v5 =	vadd.f32 v7, v10  }
0x5cd: {  	v7 =	vadd.f32 v8, v9;
	v6 =	vmul.f32 $8.500000230e-01, v6;
	v8 =	vld [tilespmem:s16+$0xFFFFFFD0]  }
0x5ce: {  	v9 =	vld [tilespmem:s30+$0xFFFFFFE0];
	[tilespmem:s30+$0x0] =	vst v5  }
0x5cf: {  	v10 =	vmul.f32 $8.500000230e-01, v12;
	[tilespmem:s30+$0xFFFFFF80] =	vst v7;
	v7 =	vld [tilespmem:s16+$0x10];
	v11 =	vmul.f32 $1.500000060e-01, v11  }
0x5d0: {  	v12 =	vld [tilespmem:s16+$0xFFFFFF90];
	v15 =	vmul.f32 $8.500000230e-01, v15  }
0x5d1: {  	v5 =	vmul.f32 $8.500000230e-01, v17;
	v17 =	vld [tilespmem:s30+$0x20];
	v10 =	vadd.f32 v11, v10  }
0x5d2: {  	v8 =	vmul.f32 $1.500000060e-01, v8;
	v11 =	vld [tilespmem:s24+$0xFFFFFFB0]  }
0x5d3: {  	v18 =	vmul.f32 $8.500000230e-01, v9;
	[tilespmem:s30+$0x50] =	vst v10;
	v9 =	vld [tilespmem:s30+$0x60]  }
0x5d4: {  	v6 =	vadd.f32 v8, v6;
	v7 =	vmul.f32 $1.500000060e-01, v7;
	v8 =	vld [tilespmem:s16+$0x60]  }
0x5d5: {  	v10 =	vmul.f32 $1.500000060e-01, v12;
	v12 =	vld [tilespmem:s24+$0xFFFFFFF0]  }
0x5d6: {  	[tilespmem:s30+$0xFFFFFFD0] =	vst v6;
	v7 =	vadd.f32 v7, v15;
	v6 =	vmul.f32 $8.500000230e-01, v17;
	v15 =	vld [tilespmem:s24+$0x30];
	s24 =	smov.u32 s16  }
0x5d7: {  	v10 =	vadd.f32 v10, v16;
	v16 =	vld [tilespmem:s16+$0xFFFFFFE0];
	v11 =	vmul.f32 $1.500000060e-01, v11  }
0x5d8: {  	v17 =	vld [tilespmem:s30+$0xFFFFFFB0];
	[tilespmem:s30+$0x10] =	vst v7  }
0x5d9: {  	v7 =	vmul.f32 $8.500000230e-01, v9;
	[tilespmem:s30+$0xFFFFFF90] =	vst v10;
	v19 =	vld [tilespmem:s16+$0x20];
	v9 =	vmul.f32 $1.500000060e-01, v8;
	v4 =	vadd.f32 v11, v4  }
.Ltmp31:
0x5da: {  	v10 =	vld [tilespmem:s16+$0xFFFFFFA0];
	v11 =	vmul.f32 $1.500000060e-01, v12;
	(pc) =	sbr.rel @p0 .LBB2_50-.Ltmp31, $4  }
0x5db: {  	v8 =	vld [tilespmem:s30+$0xFFFFFFF0];
	v9 =	vadd.f32 v9, v7;
	[tilespmem:s10+$0xFFFFFFB0] =	vst v4;
	v12 =	vmul.f32 $1.500000060e-01, v15  }
0x5dc: {  	v15 =	vmul.f32 $1.500000060e-01, v16;
	v7 =	vld [tilespmem:s30+$0x30];
	v16 =	vadd.f32 v11, v13  }
0x5dd: {  	v4 =	vmul.f32 $8.500000230e-01, v17;
	[tilespmem:s30+$0x60] =	vst v9;
	v9 =	vld [tilespmem:s30+$0x70];
	v12 =	vadd.f32 v12, v14  }
0x5de: {  	s30 =	sadd.s32 $0x100, s30;
	v13 =	vadd.f32 v15, v18;
	v14 =	vmul.f32 $1.500000060e-01, v19;
	v11 =	vld [tilespmem:s16+$0x70];
	[tilespmem:s10+$0xFFFFFFF0] =	vst v16  }
0x5df: {  	v10 =	vmul.f32 $1.500000060e-01, v10;
	_ =	sdelay $0x1  }
0x5e0: {  	v5 =	vadd.f32 v10, v5;
	_ =	sdelay $0x1  }
0x5e1: {  	v6 =	vadd.f32 v14, v6;
	[tilespmem:s11+$0xFFFFFFA0] =	vst v5  }
0x5e2: {  	[tilespmem:s11+$0xFFFFFFE0] =	vst v13;
	v5 =	vld [tilespmem:s24+$0xFFFFFFB0]  }
0x5e3: {  	v62 =	vld [tilespmem:s24+$0xFFFFFFF0];
	[tilespmem:s11+$0x20] =	vst v6  }
0x5e4: {  	v63 =	vld [tilespmem:s24+$0x30];
	_ =	sdelay $0x1  }
0x5e5: {  	v9 =	vmul.f32 $8.500000230e-01, v9;
	v11 =	vmul.f32 $1.500000060e-01, v11  }
0x5e6: {  	v5 =	vmul.f32 $1.500000060e-01, v5  }
0x5e7: {  	v8 =	vmul.f32 $8.500000230e-01, v8;
	v9 =	vadd.f32 v11, v9;
	v6 =	vmul.f32 $1.500000060e-01, v62  }
0x5e8: {  	[tilespmem:s10+$0x30] =	vst v12;
	v7 =	vmul.f32 $8.500000230e-01, v7;
	v4 =	vadd.f32 v5, v4;
	v5 =	vmul.f32 $1.500000060e-01, v63  }
0x5e9: {  	[tilespmem:s11+$0x70] =	vst v9;
	v6 =	vadd.f32 v6, v8  }
0x5ea: {  	[tilespmem:s11+$0xFFFFFFB0] =	vst v4;
	v4 =	vadd.f32 v5, v7  }
0x5eb: {  	[tilespmem:s11+$0xFFFFFFF0] =	vst v6  }
0x5ec: {  	s1 =	sadd.s32 s8, s2;
	s9 =	simm.s32 $0x7;
	[tilespmem:s11+$0x30] =	vst v4;
	s11 =	simm.s32 $0x16800  }
0x5ed: {  	[spmem:s1] =	stream.linear.scatter [tilespmem:s11], [sflag:$0x7], $0x2000, $0x38;
	[tilespmem:$0x1F800] =	vst v63  }
0x5ee: {  	s6 =	sadd.s32 $0x1, s6;
	_ =	swait.ge [sflag:s9], $0x2000  }
0x5ef: {  	s30 =	sshrl.u32 s7, $0x3;
	p0 =	sne.s32 s6, $0x5;
	[sflag:s9] =	ssyncset.done $0x0  }
.Ltmp32:
0x5f0: {  	s5 =	rddreg [dreg:$0xd];
	[sflag:s9] =	ssyncadd.s32 $0xFFFFE000;
	(pc) =	sbr.rel @p0 .LBB2_49-.Ltmp32, $4  }
0x5f1: {  	[spmem:s30], [sflag:s5] =	dma.local [hbm:s19], $0x400  }
0x5f2: {  	_ =	swait.ge [sflag:s9], $0x400  }
0x5f3: {  	[sflag:s9] =	ssyncset.done $0x0  }
0x5f4: {  	[sflag:s9] =	ssyncadd.s32 $0xFFFFFC00  }
0x5f5: {  	[bflag:$0x0] =	sbarrier.arrive $0xFFFF  }
0x5f6: {  	s10 =	rddreg [dreg:$0xd]  }
0x5f7: {  	s1 =	rddreg [dreg:$0x11]  }
0x5f8: {  	s5 =	rddreg [dreg:$0x18]  }
0x5f9: {  	[hbm:s1], [sflag:s10] =	dma.local [spmem:s5], $0x1400  }
0x5fa: {  	_ =	swait.ge [sflag:s9], $0x1400  }
0x5fb: {  	s30 =	rddreg [dreg:$0x17]  }
0x5fc: {  	s31 =	rddreg [dreg:$0x10];
	s5 =	sadd.s32 $0x1, s30  }
0x5fd: {  	p0 =	sne.s32 s5, s31  }
.Ltmp33:
0x5fe: {  	_ = 	snop;
	(pc) =	sbr.rel @p0 .LBB2_1-.Ltmp33, $3  }
0x5ff: {  	_ =	sdelay $0x1  }
0x600: {  	[sflag:s9] =	ssyncset.done $0x0  }
0x601: {  	[sflag:s9] =	ssyncadd.s32 $0xFFFFEC00  }
0x602: {  	_ =	sfence.sel $0x180000  }
0x603: {  	[bflag:$0x0] =	sbarrier.arrive $0xFFFF  }
0x604: {  	_ =	strace $0x9000004D  }
0x605: {  	s0 =	stileid.u32;
	[bflag:$0x2] =	sbarrier.arrive $0xFFFF  }
0x606: {  	p0 =	sne.s32 s0, $0x0;
	s0 =	rddreg [dreg:$0x4]  }
0x607: {  	s0 =	sadd.s32 @!p0 $0x100000, s0  }
0x608: {  	[sflag:s0] =	ssyncadd.tile.s32 @!p0 $0x1;
	_ =	shalt  }
.Lfunc_end2:
_tile_overlayer_lowered:
.L_overlay_start_2:
0x609: {  	(tag) =	ssettag $0x2  }
0x60a: {  	s0 =	rddreg [dreg:$0x0];
	s2 =	stileid.u32  }
0x60b: {  	s1 =	rddreg [dreg:$0x1];
	p0 =	sne.s32 s2, $0x0  }
0x60c: {  	s3 =	rddreg [dreg:$0x2];
	[bflag:$0x3] =	sbarrier.arrive $0xFFFF;
	s2 =	simm.s32 @!p0 $0x1C07  }
0x60d: {  	[timem:s3], [sflag:s2] =	dma.local @!p0 [hbm:s0], s1  }
0x60e: {  	s0 =	simm.s32 @!p0 $0x7  }
0x60f: {  	_ =	swait.ge @!p0 [sflag:s0], s1  }
0x610: {  	s1 =	ssub.s32 @!p0 $0x0, s1;
	[sflag:s0] =	ssyncset.done @!p0 $0x0  }
0x611: {  	[sflag:s0] =	ssyncadd.s32 @!p0 s1  }
0x612: {  	[bflag:$0x3] =	sbarrier.arrive $0xFFFF  }
0x613: {  	_ =	shalt  }

// kernel: kernel.8.cloned.1.call-start
scs
__scs_entry_jumppad:
0x0: {  	(pc) =	sbr.rel $0x88, $3  }
0x1: {  	(tag) =	ssettag $0x0;
	lr =	simm.s32 $0x1  }
0x2: {  	[smem:$0x3F90] =	sst lr;
	_ =	strace $0xD0000000  }
0x3: {  	_ = 	snop  }
0x4: {  	_ = 	snop  }
0x5: {  	_ = 	snop  }
0x6: {  	_ = 	snop  }
0x7: {  	_ = 	snop  }
__scs_overlays_trampoline_lowered:
0x8: {  	[smem:$0x3F9F] =	sst s0  }
0x9: {  	[smem:$0x3FA0] =	sst s1  }
0xa: {  	[smem:$0x3FA1] =	sst s2  }
0xb: {  	[smem:$0x3FA2] =	sst s3  }
0xc: {  	[smem:$0x3FA3] =	sst s4  }
0xd: {  	[smem:$0x3FA4] =	sst s5  }
0xe: {  	[smem:$0x3FA5] =	sst s6  }
0xf: {  	[smem:$0x3FA6] =	sst s7  }
0x10: {  	[smem:$0x3FA7] =	sst s8  }
0x11: {  	[smem:$0x3FA8] =	sst s9;
	s0 =	simm.s32 @!p0 $0x0  }
0x12: {  	s1 =	sld [smem:$0x3F8E];
	s0 =	simm.s32 @p0 $0x1  }
0x13: {  	[smem:$0x3FA9] =	sst s0;
	s0 =	simm.s32 @!p1 $0x0  }
0x14: {  	s2 =	sld [smem:$0x3F8D];
	s0 =	simm.s32 @p1 $0x1  }
0x15: {  	[smem:$0x3FAA] =	sst s0;
	s0 =	simm.s32 @!p2 $0x0  }
0x16: {  	s3 =	sld [smem:$0x3FDB];
	s0 =	simm.s32 @p2 $0x1  }
0x17: {  	s4 =	simm.s32 $0x1BF5;
	[smem:$0x3FAC] =	sst s0  }
0x18: {  	s0 =	sld [smem:$0x3F8F];
	_ =	swait.ge [sflag:s4], $0x0  }
0x19: {  	s7 =	sld [smem:$0x3F90]  }
0x1a: {  	s8 =	sadd.s32 $0xFFFFE003, lr  }
0x1b: {  	s9 =	sadd.s32 $0xFFFFFEF7, lr;
	s5 =	simm.s32 $0xFFFFFFFF;
	p2 =	slt.u32 s8, $0xFFFFF086  }
0x1c: {  	p1 =	slt.u32 s9, $0xF7A;
	s5 =	simm.s32 @!p2 $0x0  }
0x1d: {  	s5 =	simm.s32 @p1 $0x1;
	p0 =	seq.s32 s7, s2  }
0x1e: {  	s7 =	smul.u32 @!p0 $0xF7A, s2;
	p2 =	seq.s32 @!p0 s5, $0x0  }
0x1f: {  	s9 =	smul.u32 $0xF7A, s1;
	s8 =	simm.s32 @!p0 $0x1BF5;
	p2 =	por !p2, p0  }
0x20: {  	[sflag:s8] =	ssyncset.s32 @!p0 $0xFFFFF086;
	s6 =	sadd.s32 @!p0 s3, s7;
	s7 =	simm.s32 @!p0 $0x108  }
0x21: {  	s3 =	sadd.s32 s3, s9;
	s6 =	sadd.s32 @!p0 $0x88, s6;
	s7 =	simm.s32 @p2 $0x1082  }
0x22: {  	[simem:s7], [sflag:s8] =	dma.local @!p0 [hbm:s6], $0xF7A  }
0x23: {  	s9 =	sor.u32 $0xD0000000, s2;
	s6 =	simm.s32 $0x108;
	_ =	swait.ge @!p0 [sflag:s8], $0x0  }
0x24: {  	s3 =	sadd.s32 $0x88, s3;
	s6 =	simm.s32 @!p1 $0x1082;
	[sflag:s4] =	ssyncset.s32 $0xFFFFF086  }
0x25: {  	[simem:s6], [sflag:s4] =	dma.local [hbm:s3], $0xF7A  }
0x26: {  	[smem:$0x3F90] =	sst s1;
	(tag) =	ssettag s2;
	_ =	strace s9  }
0x27: {  	s1 =	sld [smem:$0x3FA0]  }
0x28: {  	s2 =	sld [smem:$0x3FA1]  }
0x29: {  	s4 =	sld [smem:$0x3FA3]  }
0x2a: {  	p0 =	seq.s32 s5, $0x0;
	s5 =	sld [smem:$0x3FA4]  }
0x2b: {  	s6 =	sld [smem:$0x3FA5]  }
0x2c: {  	s7 =	sld [smem:$0x3FA6]  }
0x2d: {  	s3 =	simm.s32 $0x108;
	s8 =	sld [smem:$0x3FA7]  }
0x2e: {  	s3 =	simm.s32 @!p0 $0x1082;
	s9 =	sld [smem:$0x3FA8]  }
0x2f: {  	lr =	sadd.s32 s0, s3;
	s0 =	sld [smem:$0x3F9F]  }
0x30: {  	s3 =	sld [smem:$0x3FA2]  }
0x31: {  	[smem:$0x3FAB] =	sst s10  }
0x32: {  	s10 =	sld [smem:$0x3FA9];
	_ =	sdelay $0x3  }
0x33: {  	p0 =	seq.s32 s10, $0x1;
	s10 =	sld [smem:$0x3FAB];
	_ =	sdelay $0x3  }
0x34: {  	[smem:$0x3FAB] =	sst s10  }
0x35: {  	s10 =	sld [smem:$0x3FAA];
	_ =	sdelay $0x3  }
0x36: {  	p1 =	seq.s32 s10, $0x1;
	s10 =	sld [smem:$0x3FAB];
	_ =	sdelay $0x3  }
0x37: {  	[smem:$0x3FAB] =	sst s10  }
0x38: {  	s10 =	sld [smem:$0x3FAC]  }
0x39: {  	_ = 	snop;
	(pc) =	sbr.ind lr, $3  }
0x3a: {  	_ = 	snop  }
0x3b: {  	_ = 	snop  }
0x3c: {  	p2 =	seq.s32 s10, $0x1;
	s10 =	sld [smem:$0x3FAB]  }
0x3d: {  	_ =	shalt  }
0x3e: {  	_ =	shalt  }
0x3f: {  	_ =	shalt  }
0x40: {  	_ =	shalt  }
0x41: {  	_ =	shalt  }
0x42: {  	_ =	shalt  }
0x43: {  	_ =	shalt  }
0x44: {  	_ =	shalt  }
0x45: {  	_ =	shalt  }
0x46: {  	_ =	shalt  }
0x47: {  	_ =	shalt  }
0x48: {  	_ =	shalt  }
0x49: {  	_ =	shalt  }
0x4a: {  	_ =	shalt  }
0x4b: {  	_ =	shalt  }
0x4c: {  	_ =	shalt  }
0x4d: {  	_ =	shalt  }
0x4e: {  	_ =	shalt  }
0x4f: {  	_ =	shalt  }
0x50: {  	_ =	shalt  }
0x51: {  	_ =	shalt  }
0x52: {  	_ =	shalt  }
0x53: {  	_ =	shalt  }
0x54: {  	_ =	shalt  }
0x55: {  	_ =	shalt  }
0x56: {  	_ =	shalt  }
0x57: {  	_ =	shalt  }
0x58: {  	_ =	shalt  }
0x59: {  	_ =	shalt  }
0x5a: {  	_ =	shalt  }
0x5b: {  	_ =	shalt  }
0x5c: {  	_ =	shalt  }
0x5d: {  	_ =	shalt  }
0x5e: {  	_ =	shalt  }
0x5f: {  	_ =	shalt  }
0x60: {  	_ =	shalt  }
0x61: {  	_ =	shalt  }
0x62: {  	_ =	shalt  }
0x63: {  	_ =	shalt  }
0x64: {  	_ =	shalt  }
0x65: {  	_ =	shalt  }
0x66: {  	_ =	shalt  }
0x67: {  	_ =	shalt  }
0x68: {  	_ =	shalt  }
0x69: {  	_ =	shalt  }
0x6a: {  	_ =	shalt  }
0x6b: {  	_ =	shalt  }
0x6c: {  	_ =	shalt  }
0x6d: {  	_ =	shalt  }
0x6e: {  	_ =	shalt  }
0x6f: {  	_ =	shalt  }
0x70: {  	_ =	shalt  }
0x71: {  	_ =	shalt  }
0x72: {  	_ =	shalt  }
0x73: {  	_ =	shalt  }
0x74: {  	_ =	shalt  }
0x75: {  	_ =	shalt  }
0x76: {  	_ =	shalt  }
0x77: {  	_ =	shalt  }
0x78: {  	_ =	shalt  }
0x79: {  	_ =	shalt  }
0x7a: {  	_ =	shalt  }
0x7b: {  	_ =	shalt  }
0x7c: {  	_ =	shalt  }
0x7d: {  	_ =	shalt  }
0x7e: {  	_ =	shalt  }
0x7f: {  	_ =	shalt  }
0x80: {  	_ =	shalt  }
0x81: {  	_ =	shalt  }
0x82: {  	_ =	shalt  }
0x83: {  	_ =	shalt  }
0x84: {  	_ =	shalt  }
0x85: {  	_ =	shalt  }
0x86: {  	_ =	shalt  }
0x87: {  	_ =	shalt  }
.Lfunc_end0:
.L_simem_size_0:
called_computation_lowered:
.L_overlay_start_0:
0x88: {  	s2 =	sld [smem:$0x3FD9]  }
0x89: {  	s3 =	sld [smem:$0x3FFE];
	_ =	sdelay $0x1  }
0x8a: {  	s1 =	srdreg.scid  }
0x8b: {  	s0 =	sand.u32 $0x1, s1  }
0x8c: {  	s14 =	sshll.u32 s0, $0xA;
	s2 =	sadd.s32 s3, s2  }
0x8d: {  	s2 =	sadd.s32 s2, s14  }
0x8e: {  	[smem:$0x3FB7] =	sst s2  }
0x8f: {  	_ = 	snop  }
0x90: {  	s2 =	sld [smem:$0x3FD0];
	_ =	sdelay $0x2  }
0x91: {  	s15 =	simm.s32 $0xA;
	s4 =	simm.s32 $0x10  }
0x92: {  	[smem:s4], [sflag:s15] =	dma.local [hbm:s2], $0x1  }
0x93: {  	_ =	swait.eq [sflag:s15], $0x1  }
0x94: {  	[sflag:s15] =	ssyncset.done $0x0  }
0x95: {  	s16 =	sld [smem:$0x10];
	[sflag:s15] =	ssyncadd.s32 $0xFFFFFFFF  }
0x96: {  	s17 =	sld [smem:$0x11];
	(tm) =	ssettm $0x1  }
0x97: {  	s18 =	sld [smem:$0x3FFB];
	_ =	sdelay $0x3  }
0x98: {  	_ =	strace s18  }
0x99: {  	s4 =	sld [smem:$0x3FFC];
	_ =	sdelay $0x3  }
0x9a: {  	_ =	strace s4  }
0x9b: {  	s4 =	sld [smem:$0x3FFD];
	_ =	sdelay $0x3  }
0x9c: {  	_ =	strace s4  }
0x9d: {  	_ =	strace $0x8FFFFFFF  }
0x9e: {  	s19 =	sld [smem:$0x3FDB];
	_ =	sdelay $0x1  }
0x9f: {  	s5 =	simm.s32 $_scs_section_size  }
0xa0: {  	s6 =	simm.s32 $_size__tile_overlayer_lowered;
	s7 =	simm.s32 $_tile_overlayer_lowered  }
0xa1: {  	s22 =	simm.s32 $0x1BFF;
	s21 =	sshll.u32 s7, $0x1;
	s4 =	sadd.s32 s5, s19  }
0xa2: {  	s8 =	simm.s32 $0x0;
	s20 =	sshll.u32 s6, $0x1;
	s6 =	sadd.s32 s21, s4  }
0xa3: {  	[timem:s8], [sflag:s22] =	dma.local [hbm:s6], s20  }
0xa4: {  	_ =	swait.ge [sflag:s22], s20  }
0xa5: {  	s5 =	ssub.s32 $0x0, s20;
	[sflag:s22] =	ssyncset.done $0x0  }
0xa6: {  	[sflag:s22] =	ssyncadd.s32 s5;
	_ =	sdelay $0x1  }
0xa7: {  	s23 =	simm.s32 $0x1B8B  }
0xa8: {  	_ =	swait.ge [sflag:s23], $0x1  }
0xa9: {  	[sflag:s23] =	ssyncset.done $0x0  }
0xaa: {  	s25 =	simm.s32 $0x1B8E;
	s24 =	sld [smem:$0x3FFE];
	[sflag:s23] =	ssyncadd.s32 $0xFFFFFFFF  }
0xab: {  	s26 =	simm.s32 $execute0_lowered;
	[smem:$0x3FD2] =	sst s25  }
0xac: {  	s6 =	sshll.u32 s26, $0x1;
	_ =	strace $0x80000046;
	[dreg:$0x1] =	wrdreg $0xFFFFFFFF  }
0xad: {  	s28 =	simm.s32 $_size_execute0_lowered;
	s4 =	sadd.s32 s4, s6;
	[dreg:$0x0] =	wrdreg $0x0  }
0xae: {  	s6 =	sshll.u32 s28, $0x1;
	[dreg:$0x2] =	wrdreg s4  }
0xaf: {  	[dreg:$0x3] =	wrdreg s6  }
0xb0: {  	[dreg:$0x4] =	wrdreg $0xC0  }
0xb1: {  	_ =	task [dreg:s8], $0x5FFFF  }
0xb2: {  	[dreg:$0x1] =	wrdreg $0xFFFFFFFF  }
0xb3: {  	[dreg:$0x0] =	wrdreg $0x60  }
0xb4: {  	[dreg:$0x2] =	wrdreg s24  }
0xb5: {  	[dreg:$0x3] =	wrdreg s17  }
0xb6: {  	[dreg:$0x4] =	wrdreg s16  }
0xb7: {  	[dreg:$0x5] =	wrdreg $0x0  }
0xb8: {  	[dreg:$0x6] =	wrdreg $0x9  }
0xb9: {  	_ =	task.clear_ibuf [dreg:s8], $0x7FFFF;
	_ =	strace $0x90000046  }
0xba: {  	s29 =	simm.s32 $0x9;
	_ =	strace $0x80000048  }
0xbb: {  	_ =	swait.ge [sflag:s29], $0x1  }
0xbc: {  	[sflag:s29] =	ssyncadd.s32 $0xFFFFFFFF  }
0xbd: {  	_ =	strace $0x90000048  }
0xbe: {  	_ =	sfence  }
0xbf: {  	s30 =	sld [smem:$0x0];
	_ =	sdelay $0x2  }
0xc0: {  	s31 =	sshll.u32 s1, $0xD;
	s1 =	sshrl.u32 s1, $0x2  }
0xc1: {  	s3 =	sand.u32 $0x4000, s31;
	s1 =	sadd.s32 s1, s30  }
0xc2: {  	s0 =	sor.u32 s3, s0;
	s1 =	sshll.u32 s1, $0x11  }
0xc3: {  	s0 =	sor.u32 s1, s0  }
0xc4: {  	s0 =	sadd.s32 $0x8F2B, s0  }
0xc5: {  	[sflag:s0] =	ssyncadd.remote.s32 $0x1  }
0xc6: {  	_ =	sfence.sel $0xFFFF  }
0xc7: {  	[dreg:$0x0] =	wrdreg $0xFFFFFFFF;
	(pc) =	sbr.abs _section_cstart, $3  }
0xc8: {  	[dreg:$0x1] =	wrdreg $0xFFFFFFFF  }
0xc9: {  	_ =	task.clear_ibuf [dreg:s8], $0x2FFFF;
	_ =	strace $0x9FFFFFFF  }
0xca: {  	(tm) =	ssettm $0x7FFFFFFF  }
0xcb: {  	_ =	shalt  }
tec
execute0_lowered:
.L_overlay_start_1:
0x0: {  	(tag) =	ssettag $0x1  }
0x1: {  	s0 =	rddreg [dreg:$0x0]  }
0x2: {  	s1 =	rddreg [dreg:$0x1]  }
0x3: {  	s2 =	rddreg [dreg:$0x2]  }
0x4: {  	s4 =	srdreg.scid;
	s15 =	stileid.u32  }
0x5: {  	s3 =	rddreg [dreg:$0x3];
	s28 =	simm.s32 $0xB000;
	s30 =	simm.s32 $0x1  }
0x6: {  	s31 =	simm.s32 $0x3;
	s29 =	simm.s32 $0x2;
	s6 =	sand.u32 $0x1, s4  }
0x7: {  	s5 =	sshll.u32 s15, $0x1;
	s4 =	simm.s32 $0x0;
	s14 =	smul.u32 $0xA000, s15  }
0x8: {  	s7 =	sadd.s32 $0x43A00, s0;
	s25 =	sshll.u32 s15, $0x6;
	s26 =	smul.u32 $0x2800, s15  }
0x9: {  	s8 =	sor.u32 s6, s5;
	[smem:$0x7FF] =	sst s4;
	s5 =	sadd.s32 $0x2A800, s0  }
0xa: {  	s9 =	smul.u32 $0x5000, s6;
	s12 =	ssub.s32 $0x2, s6;
	s6 =	sadd.s32 $0x43800, s0  }
0xb: {  	s10 =	smul.u32 $0x500, s8;
	_ =	strace $0x80000047;
	s13 =	sshrl.u32 s12, $0x1  }
0xc: {  	s24 =	sshrl.u32 s14, $0x2;
	s8 =	smul.u32 $0x50, s8;
	s17 =	sshrl.u32 s26, $0x3  }
0xd: {  	s18 =	sadd.s32 s26, s3;
	s12 =	ssub.s32 s12, s13;
	s14 =	sadd.s32 s24, s3  }
0xe: {  	s26 =	sshrl.u32 s18, $0x3;
	s11 =	sadd.s32 s10, s0;
	s0 =	sadd.s32 s9, s0  }
0xf: {  	s9 =	sor.u32 $0x1C0B, s25;
	s2 =	sadd.s32 s2, s10;
	s19 =	smax.u32 s12, $0x1  }
0x10: {  	s20 =	sadd.s32 $0x800, s14;
	s21 =	sadd.s32 $0x1000, s14;
	[dreg:$0xf] =	wrdreg s26  }
0x11: {  	s22 =	sadd.s32 $0x1800, s14;
	s26 =	simm.s32 $0xD000;
	[dreg:$0x5] =	wrdreg s2  }
0x12: {  	s10 =	simm.s32 $0x4;
	s15 =	sadd.s32 $0x2F800, s11;
	[dreg:$0x8] =	wrdreg s19  }
0x13: {  	v0 =	vimm.s32 $0xFEDCBA98;
	s12 =	simm.s32 $0xD800;
	s16 =	sadd.s32 $0x39800, s11;
	[dreg:$0x6] =	wrdreg s15  }
0x14: {  	v1 =	vimm.s32 $0x76543210;
	v0 =	vunpack.c.l.s4.s8 v0;
	s0 =	sadd.s32 $0xE3A00, s0;
	s11 =	sshrl.u32 s20, $0x3;
	[dreg:$0x7] =	wrdreg s16  }
0x15: {  	v1 =	vunpack.c.l.s4.s8 v1;
	s23 =	sshrl.u32 s21, $0x3;
	s24 =	sshrl.u32 s22, $0x3;
	[dreg:$0xa] =	wrdreg s11  }
0x16: {  	v0 =	vunpack.c.0.s8.s32 v0;
	s2 =	simm.s32 $0x5;
	s16 =	sadd.s32 $0x2000, s14;
	[dreg:$0xb] =	wrdreg s23  }
0x17: {  	v1 =	vunpack.c.0.s8.s32 v1;
	s14 =	sshrl.u32 s14, $0x3;
	s15 =	simm.s32 $0xB;
	[dreg:$0xc] =	wrdreg s24  }
0x18: {  	v0 =	vand.u32 $0xF, v0;
	s0 =	sadd.s32 s17, s0;
	s24 =	simm.s32 $0x80;
	[dreg:$0x9] =	wrdreg s14  }
0x19: {  	v0 =	vcombine.low v0, v1;
	s11 =	simm.s32 $0x6;
	s25 =	sshrl.u32 s16, $0x3;
	[dreg:$0xe] =	wrdreg s0  }
0x1a: {  	s0 =	simm.s32 $0xB800;
	s14 =	simm.s32 $0x0;
	[dreg:$0xd] =	wrdreg s25  }
.LBB2_1:
0x1b: {  	s13 =	rddreg [dreg:$0x9]  }
0x1c: {  	[spmem:s13], [sflag:s9] =	dma.local [hbm:s6], $0x100  }
0x1d: {  	_ =	swait.ge [sflag:s15], $0x100  }
0x1e: {  	[sflag:s15] =	ssyncset.done $0x0  }
0x1f: {  	s17 =	rddreg [dreg:$0xa];
	[sflag:s15] =	ssyncadd.s32 $0xFFFFFF00  }
0x20: {  	[spmem:s17], [sflag:s9] =	dma.local [hbm:s6], $0x100  }
0x21: {  	_ =	swait.ge [sflag:s15], $0x100  }
0x22: {  	[sflag:s15] =	ssyncset.done $0x0  }
0x23: {  	s18 =	rddreg [dreg:$0xb];
	[sflag:s15] =	ssyncadd.s32 $0xFFFFFF00  }
0x24: {  	[spmem:s18], [sflag:s9] =	dma.local [hbm:s6], $0x100  }
0x25: {  	_ =	swait.ge [sflag:s15], $0x100  }
0x26: {  	[sflag:s15] =	ssyncset.done $0x0  }
0x27: {  	s19 =	rddreg [dreg:$0xc];
	[sflag:s15] =	ssyncadd.s32 $0xFFFFFF00  }
0x28: {  	[spmem:s19], [sflag:s9] =	dma.local [hbm:s6], $0x100  }
0x29: {  	_ =	swait.ge [sflag:s15], $0x100  }
0x2a: {  	[sflag:s15] =	ssyncset.done $0x0  }
0x2b: {  	s20 =	rddreg [dreg:$0xd];
	[sflag:s15] =	ssyncadd.s32 $0xFFFFFF00  }
0x2c: {  	[spmem:s20], [sflag:s9] =	dma.local [hbm:s6], $0x100  }
0x2d: {  	_ =	swait.ge [sflag:s15], $0x100  }
0x2e: {  	[sflag:s15] =	ssyncset.done $0x0  }
0x2f: {  	s16 =	simm.s32 $0x2800;
	s21 =	rddreg [dreg:$0x5];
	[sflag:s15] =	ssyncadd.s32 $0xFFFFFF00  }
0x30: {  	[tilespmem:s16], [sflag:$0xB] =	stream.linear.gather [hbm4b:s21+s4], $0x2800, $0x38;
	[tilespmem:$0xE000] =	vst v63  }
0x31: {  	_ =	swait.ge [sflag:s15], $0x2800  }
0x32: {  	[sflag:s15] =	ssyncset.done $0x0  }
0x33: {  	s17 =	simm.s32 $0x5000;
	s22 =	rddreg [dreg:$0x6];
	[sflag:s15] =	ssyncadd.s32 $0xFFFFD800  }
0x34: {  	[tilespmem:s17], [sflag:$0xB] =	stream.linear.gather [hbm4b:s22+s4], $0x2800, $0x38;
	[tilespmem:$0xE000] =	vst v63  }
0x35: {  	_ =	swait.ge [sflag:s15], $0x2800  }
0x36: {  	[sflag:s15] =	ssyncset.done $0x0  }
0x37: {  	s18 =	simm.s32 $0x7800;
	s23 =	rddreg [dreg:$0x7];
	[sflag:s15] =	ssyncadd.s32 $0xFFFFD800  }
0x38: {  	[tilespmem:s18], [sflag:$0xB] =	stream.linear.gather [hbm4b:s23+s4], $0x2800, $0x38;
	[tilespmem:$0xE000] =	vst v63  }
0x39: {  	_ =	swait.ge [sflag:s15], $0x2800  }
0x3a: {  	[sflag:s15] =	ssyncset.done $0x0  }
0x3b: {  	[sflag:s15] =	ssyncadd.s32 $0xFFFFD800  }
0x3c: {  	s25 =	simm.s32 $0xA000;
	[bflag:$0x0] =	sbarrier.arrive $0xFFFF  }
0x3d: {  	[tilespmem:s25], [sflag:$0x1] =	stream.indirect.gather [hbm4b:s5+s24], $0x10, s16, s24, $0xb8;
	[tilespmem:$0xE000] =	vst v63  }
0x3e: {  	_ = 	snop  }
0x3f: {  	[tilespmem:s28], [sflag:$0x3] =	stream.indirect.gather [hbm4b:s5+s24], $0x10, s17, s24, $0xb8;
	[tilespmem:$0xE000] =	vst v63  }
0x40: {  	s19 =	simm.s32 $0xC000  }
0x41: {  	[tilespmem:s19], [sflag:$0x5] =	stream.indirect.gather [hbm4b:s1+s24], $0x10, s18, s24, $0xb8;
	[tilespmem:$0xE000] =	vst v63  }
0x42: {  	s20 =	simm.s32 $0x2880;
	s21 =	simm.s32 $0xA800  }
0x43: {  	[tilespmem:s21], [sflag:$0x2] =	stream.indirect.gather [hbm4b:s5+s24], $0x10, s20, s24, $0xb8;
	[tilespmem:$0xE000] =	vst v63  }
0x44: {  	s22 =	simm.s32 $0x5080  }
0x45: {  	[tilespmem:s0], [sflag:$0x4] =	stream.indirect.gather [hbm4b:s5+s24], $0x10, s22, s24, $0xb8;
	[tilespmem:$0xE000] =	vst v63  }
0x46: {  	s23 =	simm.s32 $0x7880;
	s25 =	simm.s32 $0xC800;
	s16 =	simm.s32 $0x0  }
0x47: {  	[tilespmem:s25], [sflag:$0x6] =	stream.indirect.gather [hbm4b:s1+s24], $0x10, s23, s24, $0xb8;
	[tilespmem:$0xE000] =	vst v63  }
.LBB2_2:
0x48: {  	p1 =	seq.s32 s16, $0x0  }
0x49: {  	s17 =	simm.s32 @!p1 $0x7  }
0x4a: {  	_ =	swait.ge @!p1 [sflag:s17], $0x800  }
0x4b: {  	[sflag:s17] =	ssyncset.done @!p1 $0x0  }
0x4c: {  	[sflag:s17] =	ssyncadd.s32 @!p1 $0xFFFFF800;
	s17 =	simm.s32 @!p1 $0x9  }
0x4d: {  	_ =	swait.ge @!p1 [sflag:s17], $0x800  }
0x4e: {  	[sflag:s17] =	ssyncset.done @!p1 $0x0  }
0x4f: {  	[sflag:s17] =	ssyncadd.s32 @!p1 $0xFFFFF800  }
0x50: {  	_ =	swait.ge [sflag:s30], $0x800  }
0x51: {  	[sflag:s30] =	ssyncset.done $0x0  }
0x52: {  	[sflag:s30] =	ssyncadd.s32 $0xFFFFF800  }
0x53: {  	s18 =	simm.s32 $0x0;
	_ =	swait.ge [sflag:s31], $0x800  }
0x54: {  	s19 =	simm.s32 $0x30;
	v1 =	vor.u32 s18, v0;
	[sflag:s31] =	ssyncset.done $0x0  }
0x55: {  	v2 =	vor.u32 s19, v0;
	[sflag:s31] =	ssyncadd.s32 $0xFFFFF800  }
0x56: {  	s20 =	simm.s32 $0x10;
	_ =	swait.ge [sflag:s2], $0x800  }
0x57: {  	v3 =	vor.u32 s20, v0;
	[sflag:s2] =	ssyncset.done $0x0  }
0x58: {  	s21 =	simm.s32 $0x20;
	[sflag:s2] =	ssyncadd.s32 $0xFFFFF800  }
0x59: {  	v4 =	vor.u32 s21, v0;
	v1 =	vld.idx.msk [tilespmem:v1+s28+$0x0], $0xffff  }
0x5a: {  	s22 =	simm.s32 $0xA020;
	v2 =	vld.idx.msk [tilespmem:v2+s28+$0x0], $0xffff  }
0x5b: {  	v5 =	vld [tilespmem:s22+$0x10]  }
0x5c: {  	s18 =	simm.s32 $0xC020;
	v3 =	vld.idx.msk [tilespmem:v3+s28+$0x0], $0xffff  }
0x5d: {  	v6 =	vld [tilespmem:s18+$0x10]  }
0x5e: {  	s19 =	simm.s32 $0x40;
	v4 =	vld.idx.msk [tilespmem:v4+s28+$0x0], $0xffff  }
0x5f: {  	s25 =	simm.s32 $0x50;
	v8 =	vor.u32 s19, v0;
	v7 =	vld [tilespmem:s22+$0xFFFFFFE0]  }
0x60: {  	v12 =	vor.u32 s25, v0;
	v9 =	vld [tilespmem:s22+$0xFFFFFFF0]  }
0x61: {  	v10 =	vld [tilespmem:s22+$0x0]  }
0x62: {  	v11 =	vld [tilespmem:s18+$0xFFFFFFE0]  }
0x63: {  	s23 =	simm.s32 $0x70;
	v13 =	vld [tilespmem:s18+$0x0]  }
0x64: {  	v8 =	vld.idx.msk [tilespmem:v8+s28+$0x0], $0xffff;
	v2 =	vadd.f32 v5, v2;
	v5 =	vor.u32 s23, v0  }
0x65: {  	v3 =	vadd.f32 v9, v3;
	v9 =	vld.idx.msk [tilespmem:v12+s28+$0x0], $0xffff  }
0x66: {  	v1 =	vadd.f32 v7, v1;
	v2 =	vadd.f32 v6, v2;
	v6 =	vld [tilespmem:s18+$0xFFFFFFF0];
	s18 =	simm.s32 $0xA060  }
0x67: {  	v7 =	vld [tilespmem:s18+$0x10]  }
0x68: {  	s13 =	simm.s32 $0x60;
	s25 =	simm.s32 $0xA0;
	v4 =	vadd.f32 v10, v4;
	v1 =	vadd.f32 v11, v1;
	v12 =	vld [tilespmem:s18+$0xFFFFFFE0]  }
0x69: {  	v14 =	vor.u32 s13, v0;
	v17 =	vor.u32 s25, v0;
	v15 =	vmul.f32 $2.000000030e-01, v2;
	v5 =	vld.idx.msk [tilespmem:v5+s28+$0x0], $0xffff  }
0x6a: {  	s21 =	simm.s32 $0xC060;
	v4 =	vadd.f32 v13, v4;
	vm0 =	vge.f32 v2, $0.0e+00;
	v10 =	vmul.f32 $2.000000030e-01, v1  }
0x6b: {  	s22 =	simm.s32 $0x80;
	v2 =	vsel vm0, v2, v15;
	vm0 =	vge.f32 v1, $0.0e+00;
	v3 =	vadd.f32 v6, v3;
	v6 =	vld [tilespmem:s21+$0x10]  }
0x6c: {  	v16 =	vld [tilespmem:s21+$0xFFFFFFE0];
	v2 =	vmul.f32 $1.442695020e+00, v2;
	v1 =	vsel vm0, v1, v10;
	v10 =	vor.u32 s22, v0  }
0x6d: {  	v13 =	vld [tilespmem:s18+$0xFFFFFFF0];
	vm0 =	vge.f32 v4, $0.0e+00;
	v8 =	vadd.f32 v12, v8;
	v11 =	vmul.f32 $2.000000030e-01, v3  }
0x6e: {  	s23 =	simm.s32 $0xB0;
	v15 =	vld [tilespmem:s18+$0x0];
	vm1 =	vge.f32 v3, $0.0e+00;
	v5 =	vadd.f32 v7, v5;
	v7 =	vmul.f32 $2.000000030e-01, v4  }
0x6f: {  	(erf) = vpow2.f32 v2;
	v2 =	vld.idx.msk [tilespmem:v14+s28+$0x0], $0xffff;
	v14 =	vor.u32 s23, v0;
	v3 =	vsel vm1, v3, v11  }
0x70: {  	s20 =	simm.s32 $0x90;
	v12 =	vld [tilespmem:s21+$0x0];
	v5 =	vadd.f32 v6, v5;
	v4 =	vsel vm0, v4, v7;
	v3 =	vmul.f32 $1.442695020e+00, v3  }
0x71: {  	v18 =	vmul.f32 $1.442695020e+00, v1;
	v11 =	vor.u32 s20, v0;
	v7 =	vld [tilespmem:s21+$0xFFFFFFF0];
	v4 =	vmul.f32 $1.442695020e+00, v4  }
0x72: {  	v1 =	vld.idx.msk [tilespmem:v10+s28+$0x0], $0xffff;
	v10 =	vadd.f32 v16, v8;
	v6 =	vmul.f32 $2.000000030e-01, v5;
	(erf) = vpow2.f32 v3  }
0x73: {  	vm0 =	vge.f32 v5, $0.0e+00;
	v3 =	vadd.f32 v13, v9;
	(erf) = vpow2.f32 v4  }
0x74: {  	s23 =	simm.s32 $0xA0A0;
	v9 =	vadd.f32 v15, v2;
	v4 =	vld.idx.msk [tilespmem:v14+s28+$0x0], $0xffff;
	v5 =	vsel vm0, v5, v6;
	(erf) = vpow2.f32 v18  }
0x75: {  	v6 =	vld [tilespmem:s23+$0x10];
	v13 =	vmul.f32 $1.442695020e+00, v5  }
0x76: {  	s19 =	simm.s32 $0xC0A0;
	v14 =	vmul.f32 $2.000000030e-01, v10;
	v2 =	vld.idx.msk [tilespmem:v11+s28+$0x0], $0xffff;
	v8 =	vadd.f32 v7, v3  }
0x77: {  	vm1 =	vge.f32 v10, $0.0e+00;
	v5 =	vld [tilespmem:s19+$0x10];
	v7 =	vadd.f32 v12, v9;
	(erf) = vpow2.f32 v13  }
0x78: {  	s17 =	simm.s32 $0xD020;
	v3 =	vld.idx.msk [tilespmem:v17+s28+$0x0], $0xffff;
	v10 =	vsel vm1, v10, v14;
	v9 =	vpop (erf);
	v11 =	vmul.f32 $2.000000030e-01, v8  }
0x79: {  	s25 =	simm.s32 $0x10;
	s18 =	sshll.u32 s16, $0x1;
	s20 =	simm.s32 $0xC0;
	vm0 =	vge.f32 v8, $0.0e+00;
	[tilespmem:s17+$0x10] =	vst v9;
	v9 =	vld [tilespmem:s23+$0xFFFFFFE0];
	vm1 =	vge.f32 v7, $0.0e+00;
	v12 =	vmul.f32 $2.000000030e-01, v7  }
.LBB2_3:
0x7a: {  	p0 =	slt.u32 s25, $0x7C;
	v13 =	vor.u32 s20, v0;
	s21 =	sadd.s32 $0x10, s20;
	s13 =	sadd.s32 $0x30, s20;
	v14 =	vld [tilespmem:s23+$0xFFFFFFF0];
	v4 =	vadd.f32 v6, v4;
	v18 =	vsel vm0, v8, v11  }
0x7b: {  	s20 =	sadd.s32 $0x20, s20;
	v8 =	vor.u32 s21, v0;
	v11 =	vor.u32 s13, v0;
	v15 =	vld [tilespmem:s23+$0x0];
	v7 =	vsel vm1, v7, v12;
	v12 =	vpop (erf)  }
0x7c: {  	v16 =	vor.u32 s20, v0;
	v17 =	vld [tilespmem:s19+$0xFFFFFFE0];
	v5 =	vadd.f32 v5, v4;
	v4 =	vmul.f32 $1.442695020e+00, v18;
	[tilespmem:s17+$0xFFFFFFF0] =	vst v12;
	v6 =	vpop (erf)  }
0x7d: {  	v10 =	vmul.f32 $1.442695020e+00, v10;
	v7 =	vmul.f32 $1.442695020e+00, v7;
	v12 =	vld [tilespmem:s19+$0xFFFFFFF0];
	[tilespmem:s17+$0x0] =	vst v6;
	v6 =	vpop (erf)  }
0x7e: {  	v9 =	vadd.f32 v9, v1;
	v18 =	vld [tilespmem:s19+$0x0];
	v19 =	vmul.f32 $2.000000030e-01, v5;
	(erf) = vpow2.f32 v4;
	[tilespmem:s17+$0xFFFFFFE0] =	vst v6  }
0x7f: {  	vm0 =	vge.f32 v5, $0.0e+00;
	v1 =	vld.idx.msk [tilespmem:v13+s28+$0x0], $0xffff;
	v13 =	vadd.f32 v14, v2;
	(erf) = vpow2.f32 v7  }
0x80: {  	s23 =	sadd.s32 $0x40, s23;
	s17 =	sadd.s32 $0x40, s17;
	v4 =	vld.idx.msk [tilespmem:v11+s28+$0x0], $0xffff;
	v3 =	vadd.f32 v15, v3;
	v2 =	vsel vm0, v5, v19;
	(erf) = vpow2.f32 v10;
	v5 =	vpop (erf)  }
.Ltmp0:
0x81: {  	v6 =	vld [tilespmem:s23+$0x10];
	v10 =	vadd.f32 v17, v9;
	v9 =	vmul.f32 $1.442695020e+00, v2;
	[tilespmem:s17+$0x10] =	vst v5;
	(pc) =	sbr.rel @p0 .LBB2_3-.Ltmp0, $4  }
0x82: {  	s19 =	sadd.s32 $0x40, s19;
	v2 =	vld.idx.msk [tilespmem:v8+s28+$0x0], $0xffff;
	v8 =	vadd.f32 v12, v13  }
0x83: {  	v5 =	vld [tilespmem:s19+$0x10];
	v12 =	vmul.f32 $2.000000030e-01, v10;
	v7 =	vadd.f32 v18, v3;
	(erf) = vpow2.f32 v9  }
0x84: {  	vm1 =	vge.f32 v10, $0.0e+00;
	v3 =	vld.idx.msk [tilespmem:v16+s28+$0x0], $0xffff;
	vm0 =	vge.f32 v8, $0.0e+00;
	v11 =	vmul.f32 $2.000000030e-01, v8  }
0x85: {  	s20 =	sshll.u32 s25, $0x4;
	s25 =	sadd.s32 $0x4, s25;
	v9 =	vld [tilespmem:s23+$0xFFFFFFE0];
	v10 =	vsel vm1, v10, v12;
	vm1 =	vge.f32 v7, $0.0e+00;
	v12 =	vmul.f32 $2.000000030e-01, v7  }
0x86: {  	v14 =	vld [tilespmem:s23+$0xFFFFFFF0]  }
0x87: {  	v16 =	vld [tilespmem:s23+$0x0]  }
0x88: {  	v17 =	vld [tilespmem:s19+$0xFFFFFFE0]  }
0x89: {  	v13 =	vor.u32 s20, v0;
	s13 =	sadd.s32 $0x30, s20;
	v19 =	vld [tilespmem:s19+$0xFFFFFFF0];
	v4 =	vadd.f32 v6, v4;
	v8 =	vsel vm0, v8, v11  }
0x8a: {  	s22 =	sadd.s32 $0x10, s20;
	s25 =	sadd.s32 $0x20, s20;
	v6 =	vld [tilespmem:s19+$0x0];
	s20 =	sadd.s32 $0x40, s23;
	v15 =	vor.u32 s13, v0;
	v7 =	vsel vm1, v7, v12;
	v8 =	vmul.f32 $1.442695020e+00, v8  }
0x8b: {  	s21 =	sadd.s32 $0x40, s19;
	v11 =	vld [tilespmem:s20+$0x10];
	v7 =	vmul.f32 $1.442695020e+00, v7  }
0x8c: {  	v18 =	vor.u32 s22, v0;
	v4 =	vadd.f32 v5, v4;
	(erf) = vpow2.f32 v8;
	v8 =	vld [tilespmem:s21+$0x10]  }
0x8d: {  	(erf) = vpow2.f32 v7;
	v7 =	vld [tilespmem:s20+$0xFFFFFFE0]  }
0x8e: {  	v20 =	vor.u32 s25, v0;
	v1 =	vadd.f32 v9, v1;
	v9 =	vmul.f32 $2.000000030e-01, v4;
	v13 =	vld.idx.msk [tilespmem:v13+s28+$0x0], $0xffff  }
0x8f: {  	v10 =	vmul.f32 $1.442695020e+00, v10;
	vm0 =	vge.f32 v4, $0.0e+00;
	v2 =	vadd.f32 v14, v2;
	v5 =	vld.idx.msk [tilespmem:v15+s28+$0x0], $0xffff  }
0x90: {  	v3 =	vadd.f32 v16, v3;
	v14 =	vld [tilespmem:s20+$0x0];
	v4 =	vsel vm0, v4, v9;
	v1 =	vadd.f32 v17, v1  }
0x91: {  	v12 =	vld.idx.msk [tilespmem:v18+s28+$0x0], $0xffff;
	v4 =	vmul.f32 $1.442695020e+00, v4;
	v2 =	vadd.f32 v19, v2  }
0x92: {  	(erf) = vpow2.f32 v10;
	v3 =	vadd.f32 v6, v3;
	v6 =	vld [tilespmem:s20+$0xFFFFFFF0];
	v10 =	vmul.f32 $2.000000030e-01, v1  }
0x93: {  	v9 =	vld.idx.msk [tilespmem:v20+s28+$0x0], $0xffff;
	vm0 =	vge.f32 v1, $0.0e+00;
	(erf) = vpow2.f32 v4;
	v4 =	vmul.f32 $2.000000030e-01, v2  }
0x94: {  	vm1 =	vge.f32 v2, $0.0e+00;
	v15 =	vmul.f32 $2.000000030e-01, v3;
	v5 =	vadd.f32 v11, v5;
	v11 =	vld [tilespmem:s21+$0xFFFFFFF0]  }
0x95: {  	v1 =	vsel vm0, v1, v10;
	vm0 =	vge.f32 v3, $0.0e+00;
	v2 =	vsel vm1, v2, v4;
	v4 =	vld [tilespmem:s21+$0x0]  }
0x96: {  	v10 =	vld [tilespmem:s21+$0xFFFFFFE0];
	v7 =	vadd.f32 v7, v13;
	v3 =	vsel vm0, v3, v15;
	v2 =	vmul.f32 $1.442695020e+00, v2  }
0x97: {  	v3 =	vmul.f32 $1.442695020e+00, v3;
	v6 =	vadd.f32 v6, v12;
	v5 =	vadd.f32 v8, v5  }
0x98: {  	v1 =	vmul.f32 $1.442695020e+00, v1;
	v9 =	vadd.f32 v14, v9;
	(erf) = vpow2.f32 v2  }
0x99: {  	v8 =	vmul.f32 $2.000000030e-01, v5;
	(erf) = vpow2.f32 v3;
	v2 =	vadd.f32 v11, v6  }
0x9a: {  	vm0 =	vge.f32 v5, $0.0e+00;
	v4 =	vadd.f32 v4, v9;
	(erf) = vpow2.f32 v1  }
0x9b: {  	v1 =	vadd.f32 v10, v7;
	v3 =	vsel vm0, v5, v8;
	v5 =	vmul.f32 $2.000000030e-01, v2  }
0x9c: {  	v3 =	vmul.f32 $1.442695020e+00, v3;
	vm0 =	vge.f32 v2, $0.0e+00;
	v6 =	vmul.f32 $2.000000030e-01, v4  }
0x9d: {  	v8 =	vmul.f32 $2.000000030e-01, v1;
	vm1 =	vge.f32 v4, $0.0e+00;
	v2 =	vsel vm0, v2, v5  }
0x9e: {  	v7 =	vpop (erf);
	vm0 =	vge.f32 v1, $0.0e+00;
	v4 =	vsel vm1, v4, v6;
	v2 =	vmul.f32 $1.442695020e+00, v2  }
0x9f: {  	[tilespmem:s17+$0xFFFFFFF0] =	vst v7;
	(erf) = vpow2.f32 v3;
	v1 =	vsel vm0, v1, v8;
	v5 =	vpop (erf)  }
0xa0: {  	v3 =	vmul.f32 $1.442695020e+00, v4;
	v1 =	vmul.f32 $1.442695020e+00, v1;
	[tilespmem:s17+$0x0] =	vst v5;
	v5 =	vpop (erf)  }
0xa1: {  	s22 =	sadd.s32 $0x40, s17;
	(erf) = vpow2.f32 v2;
	[tilespmem:s17+$0xFFFFFFE0] =	vst v5;
	v4 =	vpop (erf)  }
0xa2: {  	(erf) = vpow2.f32 v3;
	[tilespmem:s22+$0x10] =	vst v4;
	v2 =	vpop (erf)  }
0xa3: {  	(erf) = vpow2.f32 v1;
	[tilespmem:s22+$0xFFFFFFF0] =	vst v2;
	v2 =	vpop (erf)  }
0xa4: {  	v1 =	vpop (erf);
	[tilespmem:s22+$0x0] =	vst v2  }
0xa5: {  	s13 =	sadd.s32 $0x40, s22;
	v2 =	vpop (erf);
	[tilespmem:s22+$0xFFFFFFE0] =	vst v1  }
0xa6: {  	v1 =	vpop (erf);
	[tilespmem:s13+$0x10] =	vst v2  }
0xa7: {  	v2 =	vpop (erf);
	[tilespmem:s13+$0xFFFFFFF0] =	vst v1  }
0xa8: {  	[tilespmem:s13+$0x0] =	vst v2;
	v1 =	vpop (erf)  }
0xa9: {  	[tilespmem:s13+$0xFFFFFFE0] =	vst v1;
	v1 =	vpop (erf);
	s13 =	sadd.s32 $0x40, s13  }
0xaa: {  	[tilespmem:s13+$0x10] =	vst v1;
	v1 =	vpop (erf)  }
0xab: {  	p0 =	seq.s32 s16, $0x27;
	[tilespmem:s13+$0xFFFFFFF0] =	vst v1;
	v1 =	vpop (erf)  }
0xac: {  	s17 =	sshll.u32 @!p0 s16, $0x8;
	[tilespmem:s13+$0x0] =	vst v1;
	v1 =	vpop (erf)  }
0xad: {  	s19 =	simm.s32 @!p0 $0x80;
	s20 =	simm.s32 @!p0 $0xA000;
	[tilespmem:s13+$0xFFFFFFE0] =	vst v1;
	s13 =	sadd.s32 @!p0 $0x2900, s17  }
0xae: {  	[tilespmem:s20], [sflag:$0x1] =	stream.indirect.gather @!p0 [hbm4b:s5+s19], $0x10, s13, s19, $0xb8;
	[tilespmem:$0xE000] =	vst v63  }
0xaf: {  	s13 =	sadd.s32 @!p0 $0x5100, s17;
	s20 =	simm.s32 @!p0 $0xB000  }
0xb0: {  	[tilespmem:s20], [sflag:$0x3] =	stream.indirect.gather @!p0 [hbm4b:s5+s19], $0x10, s13, s19, $0xb8;
	[tilespmem:$0xE000] =	vst v63  }
0xb1: {  	s23 =	sshll.u32 s16, $0x8;
	s13 =	sadd.s32 @!p0 $0x7900, s17;
	s20 =	simm.s32 @!p0 $0xC000  }
0xb2: {  	[tilespmem:s20], [sflag:$0x5] =	stream.indirect.gather @!p0 [hbm4b:s1+s19], $0x10, s13, s19, $0xb8;
	[tilespmem:$0xE000] =	vst v63  }
0xb3: {  	s13 =	sand.u32 $0x3FFFFF00, s23  }
0xb4: {  	s25 =	sadd.s32 s8, s18;
	s13 =	sadd.s32 $0x5000, s13  }
0xb5: {  	[spmem:s3] =	stream.indirect.scatter.add.f32 [tilespmem:s26], [sflag:$0x7], $0x10, s13, s24, $0xb8;
	[tilespmem:$0xE000] =	vst v63  }
0xb6: {  	s13 =	sshll.u32 s25, $0x8  }
0xb7: {  	s13 =	sadd.s32 s7, s13  }
0xb8: {  	[hbm4b:s13+s4] =	stream.linear.scatter [tilespmem:s26], [sflag:$0x9], $0x800, $0x38;
	[tilespmem:$0xE000] =	vst v63  }
0xb9: {  	s13 =	simm.s32 @!p1 $0x8  }
0xba: {  	_ =	swait.ge @!p1 [sflag:s13], $0x800  }
0xbb: {  	[sflag:s13] =	ssyncset.done @!p1 $0x0  }
0xbc: {  	[sflag:s13] =	ssyncadd.s32 @!p1 $0xFFFFF800;
	s13 =	simm.s32 @!p1 $0xA  }
0xbd: {  	_ =	swait.ge @!p1 [sflag:s13], $0x800  }
0xbe: {  	[sflag:s13] =	ssyncset.done @!p1 $0x0  }
0xbf: {  	[sflag:s13] =	ssyncadd.s32 @!p1 $0xFFFFF800  }
0xc0: {  	_ =	swait.ge [sflag:s29], $0x800  }
0xc1: {  	[sflag:s29] =	ssyncset.done $0x0  }
0xc2: {  	[sflag:s29] =	ssyncadd.s32 $0xFFFFF800  }
0xc3: {  	s19 =	simm.s32 $0x0;
	_ =	swait.ge [sflag:s10], $0x800  }
0xc4: {  	s20 =	simm.s32 $0x30;
	v1 =	vor.u32 s19, v0;
	[sflag:s10] =	ssyncset.done $0x0  }
0xc5: {  	v2 =	vor.u32 s20, v0;
	[sflag:s10] =	ssyncadd.s32 $0xFFFFF800  }
0xc6: {  	s21 =	simm.s32 $0x10;
	_ =	swait.ge [sflag:s11], $0x800  }
0xc7: {  	v3 =	vor.u32 s21, v0;
	[sflag:s11] =	ssyncset.done $0x0  }
0xc8: {  	s22 =	simm.s32 $0x20;
	[sflag:s11] =	ssyncadd.s32 $0xFFFFF800  }
0xc9: {  	v4 =	vor.u32 s22, v0;
	v1 =	vld.idx.msk [tilespmem:v1+s0+$0x0], $0xffff  }
0xca: {  	s23 =	simm.s32 $0xA820;
	v2 =	vld.idx.msk [tilespmem:v2+s0+$0x0], $0xffff  }
0xcb: {  	v5 =	vld [tilespmem:s23+$0x10]  }
0xcc: {  	s19 =	simm.s32 $0xC820;
	v3 =	vld.idx.msk [tilespmem:v3+s0+$0x0], $0xffff  }
0xcd: {  	v6 =	vld [tilespmem:s19+$0x10]  }
0xce: {  	s25 =	simm.s32 $0x40;
	v4 =	vld.idx.msk [tilespmem:v4+s0+$0x0], $0xffff  }
0xcf: {  	s22 =	simm.s32 $0x50;
	v8 =	vor.u32 s25, v0;
	v7 =	vld [tilespmem:s23+$0xFFFFFFE0]  }
0xd0: {  	v12 =	vor.u32 s22, v0;
	v9 =	vld [tilespmem:s23+$0xFFFFFFF0]  }
0xd1: {  	v10 =	vld [tilespmem:s23+$0x0]  }
0xd2: {  	v11 =	vld [tilespmem:s19+$0xFFFFFFE0]  }
0xd3: {  	v13 =	vld [tilespmem:s19+$0x0]  }
0xd4: {  	s21 =	simm.s32 $0x70;
	v8 =	vld.idx.msk [tilespmem:v8+s0+$0x0], $0xffff  }
0xd5: {  	s25 =	simm.s32 $0xA860;
	v2 =	vadd.f32 v5, v2;
	v5 =	vor.u32 s21, v0;
	v3 =	vadd.f32 v9, v3;
	v9 =	vld.idx.msk [tilespmem:v12+s0+$0x0], $0xffff  }
0xd6: {  	v12 =	vld [tilespmem:s25+$0xFFFFFFE0]  }
0xd7: {  	v1 =	vadd.f32 v7, v1;
	v2 =	vadd.f32 v6, v2;
	v6 =	vld [tilespmem:s19+$0xFFFFFFF0]  }
0xd8: {  	v4 =	vadd.f32 v10, v4  }
0xd9: {  	s23 =	simm.s32 $0x60;
	v7 =	vld [tilespmem:s25+$0x10];
	v1 =	vadd.f32 v11, v1  }
0xda: {  	v14 =	vor.u32 s23, v0;
	v4 =	vadd.f32 v13, v4;
	v15 =	vmul.f32 $2.000000030e-01, v2;
	v5 =	vld.idx.msk [tilespmem:v5+s0+$0x0], $0xffff  }
0xdb: {  	s19 =	simm.s32 $0xC860;
	v13 =	vld [tilespmem:s25+$0xFFFFFFF0];
	vm0 =	vge.f32 v2, $0.0e+00;
	v10 =	vmul.f32 $2.000000030e-01, v1;
	v8 =	vadd.f32 v12, v8  }
0xdc: {  	s22 =	simm.s32 $0x80;
	v2 =	vsel vm0, v2, v15;
	vm0 =	vge.f32 v1, $0.0e+00;
	v3 =	vadd.f32 v6, v3;
	v6 =	vld [tilespmem:s19+$0x10]  }
0xdd: {  	v15 =	vld [tilespmem:s25+$0x0];
	s25 =	simm.s32 $0xA0;
	v2 =	vmul.f32 $1.442695020e+00, v2;
	v1 =	vsel vm0, v1, v10;
	v10 =	vor.u32 s22, v0  }
0xde: {  	v60 =	vld [tilespmem:s19+$0xFFFFFFE0];
	vm0 =	vge.f32 v4, $0.0e+00;
	v62 =	vor.u32 s25, v0;
	v11 =	vmul.f32 $2.000000030e-01, v3  }
0xdf: {  	s23 =	simm.s32 $0xB0;
	vm1 =	vge.f32 v3, $0.0e+00;
	v5 =	vadd.f32 v7, v5;
	v7 =	vmul.f32 $2.000000030e-01, v4  }
0xe0: {  	(erf) = vpow2.f32 v2;
	v2 =	vld.idx.msk [tilespmem:v14+s0+$0x0], $0xffff;
	v14 =	vor.u32 s23, v0;
	v3 =	vsel vm1, v3, v11  }
0xe1: {  	s21 =	simm.s32 $0x90;
	v63 =	vld [tilespmem:s19+$0x0];
	v5 =	vadd.f32 v6, v5;
	v4 =	vsel vm0, v4, v7;
	v3 =	vmul.f32 $1.442695020e+00, v3  }
0xe2: {  	v61 =	vmul.f32 $1.442695020e+00, v1;
	v11 =	vor.u32 s21, v0;
	v7 =	vld [tilespmem:s19+$0xFFFFFFF0];
	v4 =	vmul.f32 $1.442695020e+00, v4  }
0xe3: {  	v1 =	vld.idx.msk [tilespmem:v10+s0+$0x0], $0xffff;
	v10 =	vadd.f32 v60, v8;
	v6 =	vmul.f32 $2.000000030e-01, v5;
	(erf) = vpow2.f32 v3  }
0xe4: {  	vm0 =	vge.f32 v5, $0.0e+00;
	v3 =	vadd.f32 v13, v9;
	(erf) = vpow2.f32 v4  }
0xe5: {  	s25 =	simm.s32 $0xA8A0;
	v9 =	vadd.f32 v15, v2;
	v4 =	vld.idx.msk [tilespmem:v14+s0+$0x0], $0xffff;
	v5 =	vsel vm0, v5, v6;
	(erf) = vpow2.f32 v61  }
0xe6: {  	v6 =	vld [tilespmem:s25+$0x10];
	v12 =	vmul.f32 $1.442695020e+00, v5  }
0xe7: {  	s23 =	simm.s32 $0xC8A0;
	v13 =	vmul.f32 $2.000000030e-01, v10;
	v2 =	vld.idx.msk [tilespmem:v11+s0+$0x0], $0xffff;
	v8 =	vadd.f32 v7, v3  }
0xe8: {  	vm1 =	vge.f32 v10, $0.0e+00;
	v5 =	vld [tilespmem:s23+$0x10];
	v7 =	vadd.f32 v63, v9;
	(erf) = vpow2.f32 v12  }
0xe9: {  	s19 =	simm.s32 $0xD820;
	v10 =	vsel vm1, v10, v13;
	v3 =	vld.idx.msk [tilespmem:v62+s0+$0x0], $0xffff;
	v9 =	vpop (erf);
	v11 =	vmul.f32 $2.000000030e-01, v8  }
0xea: {  	s18 =	sor.u32 $0x1, s18;
	s20 =	simm.s32 $0x10;
	s21 =	simm.s32 $0xC0;
	vm0 =	vge.f32 v8, $0.0e+00;
	[tilespmem:s19+$0x10] =	vst v9;
	v9 =	vld [tilespmem:s25+$0xFFFFFFE0];
	vm1 =	vge.f32 v7, $0.0e+00;
	v12 =	vmul.f32 $2.000000030e-01, v7  }
.LBB2_5:
0xeb: {  	p1 =	slt.u32 s20, $0x7C;
	v13 =	vor.u32 s21, v0;
	s13 =	sadd.s32 $0x10, s21;
	s22 =	sadd.s32 $0x30, s21;
	v14 =	vld [tilespmem:s25+$0xFFFFFFF0];
	v4 =	vadd.f32 v6, v4;
	v18 =	vsel vm0, v8, v11  }
0xec: {  	v8 =	vor.u32 s13, v0;
	s13 =	sadd.s32 $0x20, s21;
	v11 =	vor.u32 s22, v0;
	v15 =	vld [tilespmem:s25+$0x0];
	v7 =	vsel vm1, v7, v12;
	v12 =	vpop (erf)  }
0xed: {  	v16 =	vor.u32 s13, v0;
	v17 =	vld [tilespmem:s23+$0xFFFFFFE0];
	v5 =	vadd.f32 v5, v4;
	v4 =	vmul.f32 $1.442695020e+00, v18;
	[tilespmem:s19+$0xFFFFFFF0] =	vst v12;
	v6 =	vpop (erf)  }
0xee: {  	v10 =	vmul.f32 $1.442695020e+00, v10;
	v7 =	vmul.f32 $1.442695020e+00, v7;
	v12 =	vld [tilespmem:s23+$0xFFFFFFF0];
	[tilespmem:s19+$0x0] =	vst v6;
	v6 =	vpop (erf)  }
0xef: {  	v9 =	vadd.f32 v9, v1;
	v18 =	vld [tilespmem:s23+$0x0];
	v19 =	vmul.f32 $2.000000030e-01, v5;
	(erf) = vpow2.f32 v4;
	[tilespmem:s19+$0xFFFFFFE0] =	vst v6  }
0xf0: {  	vm0 =	vge.f32 v5, $0.0e+00;
	v1 =	vld.idx.msk [tilespmem:v13+s0+$0x0], $0xffff;
	v13 =	vadd.f32 v14, v2;
	(erf) = vpow2.f32 v7  }
0xf1: {  	s25 =	sadd.s32 $0x40, s25;
	s19 =	sadd.s32 $0x40, s19;
	v4 =	vld.idx.msk [tilespmem:v11+s0+$0x0], $0xffff;
	v3 =	vadd.f32 v15, v3;
	v2 =	vsel vm0, v5, v19;
	(erf) = vpow2.f32 v10;
	v5 =	vpop (erf)  }
.Ltmp1:
0xf2: {  	v6 =	vld [tilespmem:s25+$0x10];
	v10 =	vadd.f32 v17, v9;
	v9 =	vmul.f32 $1.442695020e+00, v2;
	[tilespmem:s19+$0x10] =	vst v5;
	(pc) =	sbr.rel @p1 .LBB2_5-.Ltmp1, $4  }
0xf3: {  	s23 =	sadd.s32 $0x40, s23;
	v2 =	vld.idx.msk [tilespmem:v8+s0+$0x0], $0xffff;
	v8 =	vadd.f32 v12, v13  }
0xf4: {  	v5 =	vld [tilespmem:s23+$0x10];
	v12 =	vmul.f32 $2.000000030e-01, v10;
	v7 =	vadd.f32 v18, v3;
	(erf) = vpow2.f32 v9  }
0xf5: {  	vm1 =	vge.f32 v10, $0.0e+00;
	v3 =	vld.idx.msk [tilespmem:v16+s0+$0x0], $0xffff;
	vm0 =	vge.f32 v8, $0.0e+00;
	v11 =	vmul.f32 $2.000000030e-01, v8  }
0xf6: {  	s21 =	sshll.u32 s20, $0x4;
	s20 =	sadd.s32 $0x4, s20;
	v9 =	vld [tilespmem:s25+$0xFFFFFFE0];
	v10 =	vsel vm1, v10, v12;
	vm1 =	vge.f32 v7, $0.0e+00;
	v12 =	vmul.f32 $2.000000030e-01, v7  }
0xf7: {  	v14 =	vld [tilespmem:s25+$0xFFFFFFF0]  }
0xf8: {  	v16 =	vld [tilespmem:s25+$0x0]  }
0xf9: {  	v17 =	vld [tilespmem:s23+$0xFFFFFFE0]  }
0xfa: {  	s13 =	sadd.s32 $0x30, s21;
	v19 =	vld [tilespmem:s23+$0xFFFFFFF0]  }
0xfb: {  	v13 =	vor.u32 s21, v0;
	s22 =	sadd.s32 $0x10, s21;
	s20 =	sadd.s32 $0x20, s21;
	v41 =	vld [tilespmem:s23+$0x0];
	s21 =	sadd.s32 $0x40, s25  }
0xfc: {  	v4 =	vadd.f32 v6, v4;
	v43 =	vld [tilespmem:s21+$0x10]  }
0xfd: {  	v8 =	vsel vm0, v8, v11;
	v15 =	vor.u32 s13, v0;
	v48 =	vld [tilespmem:s21+$0xFFFFFFE0]  }
0xfe: {  	v10 =	vmul.f32 $1.442695020e+00, v10;
	v18 =	vor.u32 s22, v0;
	v50 =	vld [tilespmem:s21+$0xFFFFFFF0];
	v4 =	vadd.f32 v5, v4  }
0xff: {  	v20 =	vor.u32 s20, v0;
	v7 =	vsel vm1, v7, v12;
	v8 =	vmul.f32 $1.442695020e+00, v8;
	s20 =	sadd.s32 $0x40, s23;
	v52 =	vld [tilespmem:s21+$0x0]  }
0x100: {  	v7 =	vmul.f32 $1.442695020e+00, v7;
	v46 =	vld [tilespmem:s20+$0x10];
	v44 =	vmul.f32 $2.000000030e-01, v4  }
0x101: {  	(erf) = vpow2.f32 v8;
	v1 =	vadd.f32 v9, v1;
	vm8 =	vge.f32 v4, $0.0e+00;
	v13 =	vld.idx.msk [tilespmem:v13+s0+$0x0], $0xffff  }
0x102: {  	v2 =	vadd.f32 v14, v2;
	v3 =	vadd.f32 v16, v3;
	v42 =	vld.idx.msk [tilespmem:v15+s0+$0x0], $0xffff;
	v4 =	vsel vm8, v4, v44  }
0x103: {  	(erf) = vpow2.f32 v7;
	v45 =	vld.idx.msk [tilespmem:v18+s0+$0x0], $0xffff;
	v1 =	vadd.f32 v17, v1;
	v4 =	vmul.f32 $1.442695020e+00, v4  }
0x104: {  	(erf) = vpow2.f32 v10;
	v47 =	vld.idx.msk [tilespmem:v20+s0+$0x0], $0xffff;
	v2 =	vadd.f32 v19, v2;
	v3 =	vadd.f32 v41, v3  }
0x105: {  	v54 =	vld [tilespmem:s20+$0xFFFFFFF0];
	v49 =	vmul.f32 $2.000000030e-01, v1;
	vm9 =	vge.f32 v1, $0.0e+00;
	(erf) = vpow2.f32 v4  }
0x106: {  	v55 =	vld [tilespmem:s20+$0x0];
	v51 =	vmul.f32 $2.000000030e-01, v2;
	vm10 =	vge.f32 v2, $0.0e+00;
	v53 =	vmul.f32 $2.000000030e-01, v3  }
0x107: {  	vm11 =	vge.f32 v3, $0.0e+00;
	v1 =	vsel vm9, v1, v49;
	v7 =	vadd.f32 v48, v13  }
0x108: {  	v56 =	vld [tilespmem:s20+$0xFFFFFFE0];
	v5 =	vadd.f32 v43, v42;
	v2 =	vsel vm10, v2, v51;
	v3 =	vsel vm11, v3, v53  }
0x109: {  	v6 =	vadd.f32 v50, v45;
	v9 =	vadd.f32 v52, v47;
	v2 =	vmul.f32 $1.442695020e+00, v2  }
0x10a: {  	v1 =	vmul.f32 $1.442695020e+00, v1;
	v3 =	vmul.f32 $1.442695020e+00, v3;
	v5 =	vadd.f32 v46, v5  }
0x10b: {  	v4 =	vadd.f32 v55, v9;
	(erf) = vpow2.f32 v2;
	v2 =	vadd.f32 v54, v6  }
0x10c: {  	v8 =	vmul.f32 $2.000000030e-01, v5;
	vm12 =	vge.f32 v5, $0.0e+00;
	(erf) = vpow2.f32 v3  }
0x10d: {  	(erf) = vpow2.f32 v1;
	v1 =	vadd.f32 v56, v7;
	v57 =	vmul.f32 $2.000000030e-01, v2  }
0x10e: {  	v58 =	vmul.f32 $2.000000030e-01, v4;
	vm13 =	vge.f32 v2, $0.0e+00;
	v3 =	vsel vm12, v5, v8  }
0x10f: {  	v3 =	vmul.f32 $1.442695020e+00, v3;
	v60 =	vmul.f32 $2.000000030e-01, v1;
	v2 =	vsel vm13, v2, v57  }
0x110: {  	v59 =	vpop (erf);
	vm14 =	vge.f32 v4, $0.0e+00;
	vm15 =	vge.f32 v1, $0.0e+00;
	v2 =	vmul.f32 $1.442695020e+00, v2  }
0x111: {  	v61 =	vpop (erf);
	[tilespmem:s19+$0xFFFFFFF0] =	vst v59;
	v4 =	vsel vm14, v4, v58;
	(erf) = vpow2.f32 v3;
	v1 =	vsel vm15, v1, v60  }
0x112: {  	[tilespmem:s19+$0x0] =	vst v61;
	v62 =	vpop (erf);
	v3 =	vmul.f32 $1.442695020e+00, v4;
	v1 =	vmul.f32 $1.442695020e+00, v1  }
0x113: {  	s22 =	sadd.s32 $0x40, s19;
	[tilespmem:s19+$0xFFFFFFE0] =	vst v62;
	v63 =	vpop (erf);
	(erf) = vpow2.f32 v2  }
0x114: {  	[tilespmem:s22+$0x10] =	vst v63;
	(erf) = vpow2.f32 v3;
	v2 =	vpop (erf)  }
0x115: {  	(erf) = vpow2.f32 v1;
	[tilespmem:s22+$0xFFFFFFF0] =	vst v2;
	v2 =	vpop (erf)  }
0x116: {  	v1 =	vpop (erf);
	[tilespmem:s22+$0x0] =	vst v2  }
0x117: {  	s13 =	sadd.s32 $0x40, s22;
	v2 =	vpop (erf);
	[tilespmem:s22+$0xFFFFFFE0] =	vst v1  }
0x118: {  	v1 =	vpop (erf);
	[tilespmem:s13+$0x10] =	vst v2  }
0x119: {  	v2 =	vpop (erf);
	[tilespmem:s13+$0xFFFFFFF0] =	vst v1  }
0x11a: {  	v1 =	vpop (erf);
	[tilespmem:s13+$0x0] =	vst v2  }
0x11b: {  	[tilespmem:s13+$0xFFFFFFE0] =	vst v1;
	v1 =	vpop (erf);
	s13 =	sadd.s32 $0x40, s13  }
0x11c: {  	[tilespmem:s13+$0x10] =	vst v1;
	v1 =	vpop (erf)  }
0x11d: {  	[tilespmem:s13+$0xFFFFFFF0] =	vst v1;
	v1 =	vpop (erf)  }
0x11e: {  	[tilespmem:s13+$0x0] =	vst v1;
	v1 =	vpop (erf)  }
0x11f: {  	s20 =	simm.s32 @!p0 $0xA800;
	s19 =	simm.s32 @!p0 $0x80;
	[tilespmem:s13+$0xFFFFFFE0] =	vst v1;
	s13 =	sadd.s32 @!p0 $0x2980, s17  }
0x120: {  	[tilespmem:s20], [sflag:$0x2] =	stream.indirect.gather @!p0 [hbm4b:s5+s19], $0x10, s13, s19, $0xb8;
	[tilespmem:$0xE000] =	vst v63  }
0x121: {  	s13 =	sadd.s32 @!p0 $0x5180, s17;
	s20 =	simm.s32 @!p0 $0xB800  }
0x122: {  	[tilespmem:s20], [sflag:$0x4] =	stream.indirect.gather @!p0 [hbm4b:s5+s19], $0x10, s13, s19, $0xb8;
	[tilespmem:$0xE000] =	vst v63  }
0x123: {  	s23 =	sshll.u32 s18, $0x7;
	s13 =	sadd.s32 @!p0 $0x7980, s17;
	s17 =	simm.s32 @!p0 $0xC800  }
0x124: {  	[tilespmem:s17], [sflag:$0x6] =	stream.indirect.gather @!p0 [hbm4b:s1+s19], $0x10, s13, s19, $0xb8;
	[tilespmem:$0xE000] =	vst v63  }
0x125: {  	s16 =	sadd.s32 $0x1, s16;
	s13 =	sand.u32 $0x3FFFFF80, s23  }
0x126: {  	p0 =	sne.s32 s16, $0x28;
	s13 =	sadd.s32 $0x5000, s13  }
0x127: {  	[spmem:s3] =	stream.indirect.scatter.add.f32 [tilespmem:s12], [sflag:$0x8], $0x10, s13, s24, $0xb8;
	[tilespmem:$0xE000] =	vst v63  }
.Ltmp2:
0x128: {  	s25 =	sadd.s32 s8, s18;
	(pc) =	sbr.rel @p0 .LBB2_2-.Ltmp2, $4  }
0x129: {  	s13 =	sshll.u32 s25, $0x8  }
0x12a: {  	s13 =	sand.u32 $0x1FFFFF00, s13  }
0x12b: {  	s13 =	sadd.s32 s7, s13  }
0x12c: {  	[hbm4b:s13+s4] =	stream.linear.scatter [tilespmem:s12], [sflag:$0xA], $0x800, $0x38;
	[tilespmem:$0xE000] =	vst v63  }
0x12d: {  	s13 =	simm.s32 $0x7  }
0x12e: {  	_ =	swait.ge [sflag:s13], $0x800  }
0x12f: {  	[sflag:s13] =	ssyncset.done $0x0  }
0x130: {  	s20 =	simm.s32 $0x9;
	[sflag:s13] =	ssyncadd.s32 $0xFFFFF800  }
0x131: {  	_ =	swait.ge [sflag:s20], $0x800  }
0x132: {  	[sflag:s20] =	ssyncset.done $0x0  }
0x133: {  	s21 =	simm.s32 $0x8;
	[sflag:s20] =	ssyncadd.s32 $0xFFFFF800  }
0x134: {  	_ =	swait.ge [sflag:s21], $0x800  }
0x135: {  	[sflag:s21] =	ssyncset.done $0x0  }
0x136: {  	s22 =	simm.s32 $0xA;
	[sflag:s21] =	ssyncadd.s32 $0xFFFFF800  }
0x137: {  	_ =	swait.ge [sflag:s22], $0x800  }
0x138: {  	[sflag:s22] =	ssyncset.done $0x0  }
0x139: {  	[sflag:s22] =	ssyncadd.s32 $0xFFFFF800  }
0x13a: {  	[bflag:$0x0] =	sbarrier.arrive $0xFFFF  }
0x13b: {  	s23 =	rddreg [dreg:$0xe]  }
0x13c: {  	s16 =	rddreg [dreg:$0xf]  }
0x13d: {  	[hbm:s23], [sflag:s9] =	dma.local [spmem:s16], $0x500  }
0x13e: {  	_ =	swait.ge [sflag:s15], $0x500  }
0x13f: {  	s14 =	sadd.s32 $0x1, s14;
	s25 =	rddreg [dreg:$0x8]  }
0x140: {  	p0 =	sne.s32 s14, s25  }
.Ltmp3:
0x141: {  	_ = 	snop;
	(pc) =	sbr.rel @p0 .LBB2_1-.Ltmp3, $3  }
0x142: {  	_ =	sdelay $0x1  }
0x143: {  	[sflag:s15] =	ssyncset.done $0x0  }
0x144: {  	[sflag:s15] =	ssyncadd.s32 $0xFFFFFB00  }
0x145: {  	_ =	sfence.sel $0x180000  }
0x146: {  	[bflag:$0x0] =	sbarrier.arrive $0xFFFF  }
0x147: {  	_ =	strace $0x90000047  }
0x148: {  	s0 =	stileid.u32;
	[bflag:$0x2] =	sbarrier.arrive $0xFFFF  }
0x149: {  	p0 =	sne.s32 s0, $0x0;
	s0 =	rddreg [dreg:$0x4]  }
0x14a: {  	s0 =	sadd.s32 @!p0 $0x100000, s0  }
0x14b: {  	[sflag:s0] =	ssyncadd.tile.s32 @!p0 $0x1;
	_ =	shalt  }
.Lfunc_end2:
_tile_overlayer_lowered:
.L_overlay_start_2:
0x14c: {  	(tag) =	ssettag $0x2  }
0x14d: {  	s0 =	rddreg [dreg:$0x0];
	s2 =	stileid.u32  }
0x14e: {  	s1 =	rddreg [dreg:$0x1];
	p0 =	sne.s32 s2, $0x0  }
0x14f: {  	s3 =	rddreg [dreg:$0x2];
	[bflag:$0x3] =	sbarrier.arrive $0xFFFF;
	s2 =	simm.s32 @!p0 $0x1C0B  }
0x150: {  	[timem:s3], [sflag:s2] =	dma.local @!p0 [hbm:s0], s1  }
0x151: {  	s0 =	simm.s32 @!p0 $0xB  }
0x152: {  	_ =	swait.ge @!p0 [sflag:s0], s1  }
0x153: {  	s1 =	ssub.s32 @!p0 $0x0, s1;
	[sflag:s0] =	ssyncset.done @!p0 $0x0  }
0x154: {  	[sflag:s0] =	ssyncadd.s32 @!p0 s1  }
0x155: {  	[bflag:$0x3] =	sbarrier.arrive $0xFFFF  }
0x156: {  	_ =	shalt  }

</sc_bundles>
